<compile_context>
chip_gen: v7x
topology: tpu7x:2x2x1
jax: 0.10.2.dev20260603
libtpu: 0.0.44.dev20260713+nightly
codegen_flags: <defaults>
</compile_context>

<pallas_src>
import functools

import jax
import jax.numpy as jnp
from jax import lax
from jax.experimental import pallas as pl
from jax.experimental.pallas import tpu as pltpu
from jax.experimental.pallas import tpu_sc as plsc

H = 512
B = 16384

NC, NS, L = 2, 16, 16
NW = NC * NS
RPW = B // NW
C = 8
NCHUNK = RPW // C
DEPTH = 8
HC = H // L


def _neg_log_sigmoid(x):
    t = jnp.exp(-jnp.abs(x))
    w = t / (2.0 + t)
    w2 = w * w
    p = 2.0 * w * (1.0 + w2 * (1.0 / 3.0 + w2 * (0.2 + w2 * (1.0 / 7.0))))
    return p - jnp.minimum(x, 0.0)


def _sc_partials(user_table, item_table, user, item, neg):
    mesh = plsc.VectorSubcoreMesh(core_axis_name="c", subcore_axis_name="s")

    @functools.partial(
        pl.kernel,
        mesh=mesh,
        out_type=jax.ShapeDtypeStruct((NW * L,), jnp.float32),
        compiler_params=pltpu.CompilerParams(use_tc_tiling_on_sc=True,
                                             needs_layout_passes=False,
                                             disable_bounds_checks=True,
                                             disable_semaphore_checks=True,
                                             skip_device_barrier=True),
        scratch_types=(
            [pltpu.VMEM((RPW,), jnp.int32) for _ in range(3)]
            + [pltpu.VMEM((C, H), jnp.float32) for _ in range(3 * DEPTH)]
            + [pltpu.VMEM((L,), jnp.float32)]
            + [pltpu.SemaphoreType.DMA for _ in range(DEPTH)]
        ),
    )
    def k(ut_hbm, it_hbm, u_hbm, i_hbm, n_hbm, out_hbm, *refs):
        uidx, iidx, nidx = refs[0:3]
        rowbufs = refs[3:3 + 3 * DEPTH]
        lossv = refs[3 + 3 * DEPTH]
        sems = refs[4 + 3 * DEPTH:]
        bufs = tuple((rowbufs[3 * p], rowbufs[3 * p + 1], rowbufs[3 * p + 2],
                      sems[p]) for p in range(DEPTH))

        wid = lax.axis_index("s") * NC + lax.axis_index("c")
        base = wid * RPW
        pltpu.sync_copy(u_hbm.at[pl.ds(base, RPW)], uidx)
        pltpu.sync_copy(i_hbm.at[pl.ds(base, RPW)], iidx)
        pltpu.sync_copy(n_hbm.at[pl.ds(base, RPW)], nidx)

        lane = lax.iota(jnp.int32, L)

        def issue(c, par):
            ub, ib, nb, sem = bufs[par]
            off = pl.multiple_of(c * C, C)
            pltpu.async_copy(ut_hbm.at[uidx.at[pl.ds(off, C)]], ub, sem)
            pltpu.async_copy(it_hbm.at[iidx.at[pl.ds(off, C)]], ib, sem)
            pltpu.async_copy(it_hbm.at[nidx.at[pl.ds(off, C)]], nb, sem)

        def drain(par):
            ub, ib, nb, sem = bufs[par]
            pltpu.make_async_copy(ut_hbm.at[pl.ds(0, C)], ub, sem).wait()
            pltpu.make_async_copy(it_hbm.at[pl.ds(0, C)], ib, sem).wait()
            pltpu.make_async_copy(it_hbm.at[pl.ds(0, C)], nb, sem).wait()

        for p in range(DEPTH - 1):
            issue(p, p)

        def chunk_body(cc, loss):
            for par in range(DEPTH):
                c = cc + par
                ub, ib, nb, _sem = bufs[par]

                @pl.when(c + DEPTH - 1 < NCHUNK)
                def _issue_next():
                    issue(c + DEPTH - 1, (par + DEPTH - 1) % DEPTH)

                drain(par)

                def step(t, accs):
                    hs = pl.multiple_of(t * L, L)
                    out = []
                    for r in range(C):
                        uu = ub[r, pl.ds(hs, L)]
                        ii = ib[r, pl.ds(hs, L)]
                        nn = nb[r, pl.ds(hs, L)]
                        out.append(accs[r] + uu * (ii - nn))
                    return tuple(out)

                accs = lax.fori_loop(
                    0, HC, step,
                    tuple(jnp.zeros((L,), jnp.float32) for _ in range(C)))
                res = jnp.zeros((L,), jnp.float32)
                for r in range(C):
                    res = jnp.where(lane == r, jnp.sum(accs[r]), res)
                nls = _neg_log_sigmoid(res)
                if C < L:
                    nls = jnp.where(lane < C, nls, 0.0)
                loss = loss + nls
            return loss

        loss = lax.fori_loop(0, NCHUNK // DEPTH,
                             lambda i, x: chunk_body(i * DEPTH, x),
                             jnp.zeros((L,), jnp.float32))
        lossv[...] = loss
        pltpu.sync_copy(lossv, out_hbm.at[pl.ds(wid * L, L)])

    return k(user_table, item_table, user, item, neg)


def _tc_sum(partials):
    def body(p_ref, o_ref):
        o_ref[0, 0] = jnp.sum(p_ref[...])

    out = pl.pallas_call(
        body,
        out_shape=jax.ShapeDtypeStruct((1, 1), jnp.float32),
        out_specs=pl.BlockSpec(memory_space=pltpu.SMEM),
    )(partials)
    return out[0, 0]


def kernel(user_table, item_table, user, item, neg):
    partials = _sc_partials(user_table, item_table,
                            user.astype(jnp.int32), item.astype(jnp.int32),
                            neg.astype(jnp.int32))
    return _tc_sum(partials)

# --- scband reference (transcript-rebuilt; emitter-appended) ---
"""Pipeline reference for scband-bpr-mf-63282048139382 (READ-ONLY COPY).

The authoritative reference and input builder live on the scoring server;
editing this copy changes nothing except your own understanding.
"""

import jax, jax.numpy as jnp
import numpy as np

USER_DIM = 100000
ITEM_DIM = 100000
HIDDEN = 512
BATCH = 16384

def setup_inputs(seed: int = 0) -> dict:
    key = jax.random.key(seed)
    k1, k2, k3, k4, k5 = jax.random.split(key, 5)
    user_table = jax.random.normal(k1, (USER_DIM, HIDDEN), dtype=jnp.float32) * (1.0 / np.sqrt(HIDDEN))
    item_table = jax.random.normal(k2, (ITEM_DIM, HIDDEN), dtype=jnp.float32) * (1.0 / np.sqrt(HIDDEN))
    user = jax.random.randint(k3, (BATCH,), 0, USER_DIM, dtype=jnp.int64 if jax.config.jax_enable_x64 else jnp.int32)
    item = jax.random.randint(k4, (BATCH,), 0, ITEM_DIM, dtype=jnp.int64 if jax.config.jax_enable_x64 else jnp.int32)
    neg = jax.random.randint(k5, (BATCH,), 0, ITEM_DIM, dtype=jnp.int64 if jax.config.jax_enable_x64 else jnp.int32)
    return {"user_table": user_table, "item_table": item_table, "user": user, "item": item, "neg": neg}

def reference(user_table, item_table, user, item, neg):
    # BPR_MF forward with val=False (training loss path)
    user_latent = jnp.take(user_table, user, axis=0)        # [B, H]
    item_latent = jnp.take(item_table, item, axis=0)        # [B, H]
    # bmm(u[:,1,H], i[:,H,1]) -> per-row dot product
    score_1 = jnp.sum(user_latent * item_latent, axis=-1)   # [B]
    item_latent_2 = jnp.take(item_table, neg, axis=0)       # [B, H]
    score_2 = jnp.sum(user_latent * item_latent_2, axis=-1) # [B]
    log_prob = jnp.sum(jax.nn.log_sigmoid(score_1 - score_2))
    return -log_prob

if __name__ == "__main__":
    import jax
    _d = setup_inputs()
    print(jax.jit(kernel)(*tuple(_d.values())))

</pallas_src>

<mosaic_0001>
#map = affine_map<(d0, d1) -> (0, 0)>
#map1 = affine_map<(d0, d1) -> (0)>
module attributes {stable_mosaic.version = 14 : i64} {
  func.func @k(%arg0: i32, %arg1: i32, %arg2: memref<100000x512xf32, #tpu.memory_space<hbm>>, %arg3: memref<100000x512xf32, #tpu.memory_space<hbm>>, %arg4: memref<16384xi32, #tpu.memory_space<hbm>>, %arg5: memref<16384xi32, #tpu.memory_space<hbm>>, %arg6: memref<16384xi32, #tpu.memory_space<hbm>>, %arg7: memref<512xf32, #tpu.memory_space<hbm>>, %arg8: memref<512xi32, #tpu.memory_space<vmem>>, %arg9: memref<512xi32, #tpu.memory_space<vmem>>, %arg10: memref<512xi32, #tpu.memory_space<vmem>>, %arg11: memref<8x512xf32, #tpu.memory_space<vmem>>, %arg12: memref<8x512xf32, #tpu.memory_space<vmem>>, %arg13: memref<8x512xf32, #tpu.memory_space<vmem>>, %arg14: memref<8x512xf32, #tpu.memory_space<vmem>>, %arg15: memref<8x512xf32, #tpu.memory_space<vmem>>, %arg16: memref<8x512xf32, #tpu.memory_space<vmem>>, %arg17: memref<8x512xf32, #tpu.memory_space<vmem>>, %arg18: memref<8x512xf32, #tpu.memory_space<vmem>>, %arg19: memref<8x512xf32, #tpu.memory_space<vmem>>, %arg20: memref<8x512xf32, #tpu.memory_space<vmem>>, %arg21: memref<8x512xf32, #tpu.memory_space<vmem>>, %arg22: memref<8x512xf32, #tpu.memory_space<vmem>>, %arg23: memref<8x512xf32, #tpu.memory_space<vmem>>, %arg24: memref<8x512xf32, #tpu.memory_space<vmem>>, %arg25: memref<8x512xf32, #tpu.memory_space<vmem>>, %arg26: memref<8x512xf32, #tpu.memory_space<vmem>>, %arg27: memref<8x512xf32, #tpu.memory_space<vmem>>, %arg28: memref<8x512xf32, #tpu.memory_space<vmem>>, %arg29: memref<8x512xf32, #tpu.memory_space<vmem>>, %arg30: memref<8x512xf32, #tpu.memory_space<vmem>>, %arg31: memref<8x512xf32, #tpu.memory_space<vmem>>, %arg32: memref<8x512xf32, #tpu.memory_space<vmem>>, %arg33: memref<8x512xf32, #tpu.memory_space<vmem>>, %arg34: memref<8x512xf32, #tpu.memory_space<vmem>>, %arg35: memref<16xf32, #tpu.memory_space<vmem>>, %arg36: memref<!tpu.dma_semaphore, #tpu.memory_space<semaphore_mem>>, %arg37: memref<!tpu.dma_semaphore, #tpu.memory_space<semaphore_mem>>, %arg38: memref<!tpu.dma_semaphore, #tpu.memory_space<semaphore_mem>>, %arg39: memref<!tpu.dma_semaphore, #tpu.memory_space<semaphore_mem>>, %arg40: memref<!tpu.dma_semaphore, #tpu.memory_space<semaphore_mem>>, %arg41: memref<!tpu.dma_semaphore, #tpu.memory_space<semaphore_mem>>, %arg42: memref<!tpu.dma_semaphore, #tpu.memory_space<semaphore_mem>>, %arg43: memref<!tpu.dma_semaphore, #tpu.memory_space<semaphore_mem>>) attributes {dimension_semantics = [#tpu.dimension_semantics<core_parallel>, #tpu.dimension_semantics<subcore_parallel>], iteration_bounds = array<i64: 2, 16>, scalar_prefetch = 0 : i64, scratch_operands = 36 : i64, tpu.core_type = #tpu.core_type<sc_vector_subcore>, window_params = [{transform_indices = #map}, {transform_indices = #map}, {transform_indices = #map1}, {transform_indices = #map1}, {transform_indices = #map1}, {transform_indices = #map1}]} {
    %mul3A = arith.constant 2 : i32
    %mul3A_0 = arith.muli %arg1, %mul3A : i32
    %add3A = arith.addi %mul3A_0, %arg0 : i32
    %mul3A_1 = arith.constant 512 : i32
    %mul3A_2 = arith.muli %add3A, %mul3A_1 : i32
    "tpu.region"() ({
      %run_scoped3A = tpu.sem_alloc : memref<!tpu.dma_semaphore, #tpu.memory_space<semaphore_mem>>
      %dma_start3A_108 = tpu.memref_slice %arg4[%mul3A_2] : memref<16384xi32, #tpu.memory_space<hbm>> -> memref<512xi32, #tpu.memory_space<hbm>>
      %dma_start3A_109 = tpu.memref_slice %arg4[%mul3A_2] : memref<16384xi32, #tpu.memory_space<hbm>> -> memref<512xi32, #tpu.memory_space<hbm>>
      tpu.enqueue_dma source(%dma_start3A_109 : memref<512xi32, #tpu.memory_space<hbm>>) target(%arg8 : memref<512xi32, #tpu.memory_space<vmem>>) target_semaphore(%run_scoped3A : memref<!tpu.dma_semaphore, #tpu.memory_space<semaphore_mem>>)
      %dma_wait3A = tpu.memref_slice %arg4[%mul3A_2] : memref<16384xi32, #tpu.memory_space<hbm>> -> memref<512xi32, #tpu.memory_space<hbm>>
      %dma_wait3A_110 = tpu.memref_slice %arg4[%mul3A_2] : memref<16384xi32, #tpu.memory_space<hbm>> -> memref<512xi32, #tpu.memory_space<hbm>>
      tpu.wait_dma2 semaphore(%run_scoped3A : memref<!tpu.dma_semaphore, #tpu.memory_space<semaphore_mem>>) src(%dma_wait3A_110 : memref<512xi32, #tpu.memory_space<hbm>>) dst(%arg8 : memref<512xi32, #tpu.memory_space<vmem>>)
      tpu.yield
    }) : () -> ()
    "tpu.region"() ({
      %run_scoped3A = tpu.sem_alloc : memref<!tpu.dma_semaphore, #tpu.memory_space<semaphore_mem>>
      %dma_start3A_108 = tpu.memref_slice %arg5[%mul3A_2] : memref<16384xi32, #tpu.memory_space<hbm>> -> memref<512xi32, #tpu.memory_space<hbm>>
      %dma_start3A_109 = tpu.memref_slice %arg5[%mul3A_2] : memref<16384xi32, #tpu.memory_space<hbm>> -> memref<512xi32, #tpu.memory_space<hbm>>
      tpu.enqueue_dma source(%dma_start3A_109 : memref<512xi32, #tpu.memory_space<hbm>>) target(%arg9 : memref<512xi32, #tpu.memory_space<vmem>>) target_semaphore(%run_scoped3A : memref<!tpu.dma_semaphore, #tpu.memory_space<semaphore_mem>>)
      %dma_wait3A = tpu.memref_slice %arg5[%mul3A_2] : memref<16384xi32, #tpu.memory_space<hbm>> -> memref<512xi32, #tpu.memory_space<hbm>>
      %dma_wait3A_110 = tpu.memref_slice %arg5[%mul3A_2] : memref<16384xi32, #tpu.memory_space<hbm>> -> memref<512xi32, #tpu.memory_space<hbm>>
      tpu.wait_dma2 semaphore(%run_scoped3A : memref<!tpu.dma_semaphore, #tpu.memory_space<semaphore_mem>>) src(%dma_wait3A_110 : memref<512xi32, #tpu.memory_space<hbm>>) dst(%arg9 : memref<512xi32, #tpu.memory_space<vmem>>)
      tpu.yield
    }) : () -> ()
    "tpu.region"() ({
      %run_scoped3A = tpu.sem_alloc : memref<!tpu.dma_semaphore, #tpu.memory_space<semaphore_mem>>
      %dma_start3A_108 = tpu.memref_slice %arg6[%mul3A_2] : memref<16384xi32, #tpu.memory_space<hbm>> -> memref<512xi32, #tpu.memory_space<hbm>>
      %dma_start3A_109 = tpu.memref_slice %arg6[%mul3A_2] : memref<16384xi32, #tpu.memory_space<hbm>> -> memref<512xi32, #tpu.memory_space<hbm>>
      tpu.enqueue_dma source(%dma_start3A_109 : memref<512xi32, #tpu.memory_space<hbm>>) target(%arg10 : memref<512xi32, #tpu.memory_space<vmem>>) target_semaphore(%run_scoped3A : memref<!tpu.dma_semaphore, #tpu.memory_space<semaphore_mem>>)
      %dma_wait3A = tpu.memref_slice %arg6[%mul3A_2] : memref<16384xi32, #tpu.memory_space<hbm>> -> memref<512xi32, #tpu.memory_space<hbm>>
      %dma_wait3A_110 = tpu.memref_slice %arg6[%mul3A_2] : memref<16384xi32, #tpu.memory_space<hbm>> -> memref<512xi32, #tpu.memory_space<hbm>>
      tpu.wait_dma2 semaphore(%run_scoped3A : memref<!tpu.dma_semaphore, #tpu.memory_space<semaphore_mem>>) src(%dma_wait3A_110 : memref<512xi32, #tpu.memory_space<hbm>>) dst(%arg10 : memref<512xi32, #tpu.memory_space<vmem>>)
      tpu.yield
    }) : () -> ()
    %iota3A = tpu.iota {dimensions = array<i32: 0>} : vector<16xi32>
    %multiple_of3A = arith.constant 0 : i32
    %multiple_of3A_3 = tpu.assume_multiple %multiple_of3A, 8 : i32
    %dma_start3A = tpu.memref_slice %arg8[%multiple_of3A_3] : memref<512xi32, #tpu.memory_space<vmem>> -> memref<8xi32, #tpu.memory_space<vmem>>
    %dma_start3A_4 = arith.constant 0 : i32
    %dma_start3A_5 = arith.constant 0 : i32
    %dma_start3A_6 = tpu.memref_slice %arg2[%dma_start3A_4, %dma_start3A_5] : memref<100000x512xf32, #tpu.memory_space<hbm>> -> memref<100000x512xf32, #tpu.memory_space<hbm>>
    tpu.enqueue_indirect_dma source(%dma_start3A_6 : memref<100000x512xf32, #tpu.memory_space<hbm>>) target(%arg11 : memref<8x512xf32, #tpu.memory_space<vmem>>) offsets(%dma_start3A : memref<8xi32, #tpu.memory_space<vmem>>) semaphore(%arg36 : memref<!tpu.dma_semaphore, #tpu.memory_space<semaphore_mem>>)
    %dma_start3A_7 = tpu.memref_slice %arg9[%multiple_of3A_3] : memref<512xi32, #tpu.memory_space<vmem>> -> memref<8xi32, #tpu.memory_space<vmem>>
    %dma_start3A_8 = arith.constant 0 : i32
    %dma_start3A_9 = arith.constant 0 : i32
    %dma_start3A_10 = tpu.memref_slice %arg3[%dma_start3A_8, %dma_start3A_9] : memref<100000x512xf32, #tpu.memory_space<hbm>> -> memref<100000x512xf32, #tpu.memory_space<hbm>>
    tpu.enqueue_indirect_dma source(%dma_start3A_10 : memref<100000x512xf32, #tpu.memory_space<hbm>>) target(%arg12 : memref<8x512xf32, #tpu.memory_space<vmem>>) offsets(%dma_start3A_7 : memref<8xi32, #tpu.memory_space<vmem>>) semaphore(%arg36 : memref<!tpu.dma_semaphore, #tpu.memory_space<semaphore_mem>>)
    %dma_start3A_11 = tpu.memref_slice %arg10[%multiple_of3A_3] : memref<512xi32, #tpu.memory_space<vmem>> -> memref<8xi32, #tpu.memory_space<vmem>>
    %dma_start3A_12 = arith.constant 0 : i32
    %dma_start3A_13 = arith.constant 0 : i32
    %dma_start3A_14 = tpu.memref_slice %arg3[%dma_start3A_12, %dma_start3A_13] : memref<100000x512xf32, #tpu.memory_space<hbm>> -> memref<100000x512xf32, #tpu.memory_space<hbm>>
    tpu.enqueue_indirect_dma source(%dma_start3A_14 : memref<100000x512xf32, #tpu.memory_space<hbm>>) target(%arg13 : memref<8x512xf32, #tpu.memory_space<vmem>>) offsets(%dma_start3A_11 : memref<8xi32, #tpu.memory_space<vmem>>) semaphore(%arg36 : memref<!tpu.dma_semaphore, #tpu.memory_space<semaphore_mem>>)
    %multiple_of3A_15 = arith.constant 8 : i32
    %multiple_of3A_16 = tpu.assume_multiple %multiple_of3A_15, 8 : i32
    %dma_start3A_17 = tpu.memref_slice %arg8[%multiple_of3A_16] : memref<512xi32, #tpu.memory_space<vmem>> -> memref<8xi32, #tpu.memory_space<vmem>>
    %dma_start3A_18 = arith.constant 0 : i32
    %dma_start3A_19 = arith.constant 0 : i32
    %dma_start3A_20 = tpu.memref_slice %arg2[%dma_start3A_18, %dma_start3A_19] : memref<100000x512xf32, #tpu.memory_space<hbm>> -> memref<100000x512xf32, #tpu.memory_space<hbm>>
    tpu.enqueue_indirect_dma source(%dma_start3A_20 : memref<100000x512xf32, #tpu.memory_space<hbm>>) target(%arg14 : memref<8x512xf32, #tpu.memory_space<vmem>>) offsets(%dma_start3A_17 : memref<8xi32, #tpu.memory_space<vmem>>) semaphore(%arg37 : memref<!tpu.dma_semaphore, #tpu.memory_space<semaphore_mem>>)
    %dma_start3A_21 = tpu.memref_slice %arg9[%multiple_of3A_16] : memref<512xi32, #tpu.memory_space<vmem>> -> memref<8xi32, #tpu.memory_space<vmem>>
    %dma_start3A_22 = arith.constant 0 : i32
    %dma_start3A_23 = arith.constant 0 : i32
    %dma_start3A_24 = tpu.memref_slice %arg3[%dma_start3A_22, %dma_start3A_23] : memref<100000x512xf32, #tpu.memory_space<hbm>> -> memref<100000x512xf32, #tpu.memory_space<hbm>>
    tpu.enqueue_indirect_dma source(%dma_start3A_24 : memref<100000x512xf32, #tpu.memory_space<hbm>>) target(%arg15 : memref<8x512xf32, #tpu.memory_space<vmem>>) offsets(%dma_start3A_21 : memref<8xi32, #tpu.memory_space<vmem>>) semaphore(%arg37 : memref<!tpu.dma_semaphore, #tpu.memory_space<semaphore_mem>>)
    %dma_start3A_25 = tpu.memref_slice %arg10[%multiple_of3A_16] : memref<512xi32, #tpu.memory_space<vmem>> -> memref<8xi32, #tpu.memory_space<vmem>>
    %dma_start3A_26 = arith.constant 0 : i32
    %dma_start3A_27 = arith.constant 0 : i32
    %dma_start3A_28 = tpu.memref_slice %arg3[%dma_start3A_26, %dma_start3A_27] : memref<100000x512xf32, #tpu.memory_space<hbm>> -> memref<100000x512xf32, #tpu.memory_space<hbm>>
    tpu.enqueue_indirect_dma source(%dma_start3A_28 : memref<100000x512xf32, #tpu.memory_space<hbm>>) target(%arg16 : memref<8x512xf32, #tpu.memory_space<vmem>>) offsets(%dma_start3A_25 : memref<8xi32, #tpu.memory_space<vmem>>) semaphore(%arg37 : memref<!tpu.dma_semaphore, #tpu.memory_space<semaphore_mem>>)
    %multiple_of3A_29 = arith.constant 16 : i32
    %multiple_of3A_30 = tpu.assume_multiple %multiple_of3A_29, 8 : i32
    %dma_start3A_31 = tpu.memref_slice %arg8[%multiple_of3A_30] : memref<512xi32, #tpu.memory_space<vmem>> -> memref<8xi32, #tpu.memory_space<vmem>>
    %dma_start3A_32 = arith.constant 0 : i32
    %dma_start3A_33 = arith.constant 0 : i32
    %dma_start3A_34 = tpu.memref_slice %arg2[%dma_start3A_32, %dma_start3A_33] : memref<100000x512xf32, #tpu.memory_space<hbm>> -> memref<100000x512xf32, #tpu.memory_space<hbm>>
    tpu.enqueue_indirect_dma source(%dma_start3A_34 : memref<100000x512xf32, #tpu.memory_space<hbm>>) target(%arg17 : memref<8x512xf32, #tpu.memory_space<vmem>>) offsets(%dma_start3A_31 : memref<8xi32, #tpu.memory_space<vmem>>) semaphore(%arg38 : memref<!tpu.dma_semaphore, #tpu.memory_space<semaphore_mem>>)
    %dma_start3A_35 = tpu.memref_slice %arg9[%multiple_of3A_30] : memref<512xi32, #tpu.memory_space<vmem>> -> memref<8xi32, #tpu.memory_space<vmem>>
    %dma_start3A_36 = arith.constant 0 : i32
    %dma_start3A_37 = arith.constant 0 : i32
    %dma_start3A_38 = tpu.memref_slice %arg3[%dma_start3A_36, %dma_start3A_37] : memref<100000x512xf32, #tpu.memory_space<hbm>> -> memref<100000x512xf32, #tpu.memory_space<hbm>>
    tpu.enqueue_indirect_dma source(%dma_start3A_38 : memref<100000x512xf32, #tpu.memory_space<hbm>>) target(%arg18 : memref<8x512xf32, #tpu.memory_space<vmem>>) offsets(%dma_start3A_35 : memref<8xi32, #tpu.memory_space<vmem>>) semaphore(%arg38 : memref<!tpu.dma_semaphore, #tpu.memory_space<semaphore_mem>>)
    %dma_start3A_39 = tpu.memref_slice %arg10[%multiple_of3A_30] : memref<512xi32, #tpu.memory_space<vmem>> -> memref<8xi32, #tpu.memory_space<vmem>>
    %dma_start3A_40 = arith.constant 0 : i32
    %dma_start3A_41 = arith.constant 0 : i32
    %dma_start3A_42 = tpu.memref_slice %arg3[%dma_start3A_40, %dma_start3A_41] : memref<100000x512xf32, #tpu.memory_space<hbm>> -> memref<100000x512xf32, #tpu.memory_space<hbm>>
    tpu.enqueue_indirect_dma source(%dma_start3A_42 : memref<100000x512xf32, #tpu.memory_space<hbm>>) target(%arg19 : memref<8x512xf32, #tpu.memory_space<vmem>>) offsets(%dma_start3A_39 : memref<8xi32, #tpu.memory_space<vmem>>) semaphore(%arg38 : memref<!tpu.dma_semaphore, #tpu.memory_space<semaphore_mem>>)
    %multiple_of3A_43 = arith.constant 24 : i32
    %multiple_of3A_44 = tpu.assume_multiple %multiple_of3A_43, 8 : i32
    %dma_start3A_45 = tpu.memref_slice %arg8[%multiple_of3A_44] : memref<512xi32, #tpu.memory_space<vmem>> -> memref<8xi32, #tpu.memory_space<vmem>>
    %dma_start3A_46 = arith.constant 0 : i32
    %dma_start3A_47 = arith.constant 0 : i32
    %dma_start3A_48 = tpu.memref_slice %arg2[%dma_start3A_46, %dma_start3A_47] : memref<100000x512xf32, #tpu.memory_space<hbm>> -> memref<100000x512xf32, #tpu.memory_space<hbm>>
    tpu.enqueue_indirect_dma source(%dma_start3A_48 : memref<100000x512xf32, #tpu.memory_space<hbm>>) target(%arg20 : memref<8x512xf32, #tpu.memory_space<vmem>>) offsets(%dma_start3A_45 : memref<8xi32, #tpu.memory_space<vmem>>) semaphore(%arg39 : memref<!tpu.dma_semaphore, #tpu.memory_space<semaphore_mem>>)
    %dma_start3A_49 = tpu.memref_slice %arg9[%multiple_of3A_44] : memref<512xi32, #tpu.memory_space<vmem>> -> memref<8xi32, #tpu.memory_space<vmem>>
    %dma_start3A_50 = arith.constant 0 : i32
    %dma_start3A_51 = arith.constant 0 : i32
    %dma_start3A_52 = tpu.memref_slice %arg3[%dma_start3A_50, %dma_start3A_51] : memref<100000x512xf32, #tpu.memory_space<hbm>> -> memref<100000x512xf32, #tpu.memory_space<hbm>>
    tpu.enqueue_indirect_dma source(%dma_start3A_52 : memref<100000x512xf32, #tpu.memory_space<hbm>>) target(%arg21 : memref<8x512xf32, #tpu.memory_space<vmem>>) offsets(%dma_start3A_49 : memref<8xi32, #tpu.memory_space<vmem>>) semaphore(%arg39 : memref<!tpu.dma_semaphore, #tpu.memory_space<semaphore_mem>>)
    %dma_start3A_53 = tpu.memref_slice %arg10[%multiple_of3A_44] : memref<512xi32, #tpu.memory_space<vmem>> -> memref<8xi32, #tpu.memory_space<vmem>>
    %dma_start3A_54 = arith.constant 0 : i32
    %dma_start3A_55 = arith.constant 0 : i32
    %dma_start3A_56 = tpu.memref_slice %arg3[%dma_start3A_54, %dma_start3A_55] : memref<100000x512xf32, #tpu.memory_space<hbm>> -> memref<100000x512xf32, #tpu.memory_space<hbm>>
    tpu.enqueue_indirect_dma source(%dma_start3A_56 : memref<100000x512xf32, #tpu.memory_space<hbm>>) target(%arg22 : memref<8x512xf32, #tpu.memory_space<vmem>>) offsets(%dma_start3A_53 : memref<8xi32, #tpu.memory_space<vmem>>) semaphore(%arg39 : memref<!tpu.dma_semaphore, #tpu.memory_space<semaphore_mem>>)
    %multiple_of3A_57 = arith.constant 32 : i32
    %multiple_of3A_58 = tpu.assume_multiple %multiple_of3A_57, 8 : i32
    %dma_start3A_59 = tpu.memref_slice %arg8[%multiple_of3A_58] : memref<512xi32, #tpu.memory_space<vmem>> -> memref<8xi32, #tpu.memory_space<vmem>>
    %dma_start3A_60 = arith.constant 0 : i32
    %dma_start3A_61 = arith.constant 0 : i32
    %dma_start3A_62 = tpu.memref_slice %arg2[%dma_start3A_60, %dma_start3A_61] : memref<100000x512xf32, #tpu.memory_space<hbm>> -> memref<100000x512xf32, #tpu.memory_space<hbm>>
    tpu.enqueue_indirect_dma source(%dma_start3A_62 : memref<100000x512xf32, #tpu.memory_space<hbm>>) target(%arg23 : memref<8x512xf32, #tpu.memory_space<vmem>>) offsets(%dma_start3A_59 : memref<8xi32, #tpu.memory_space<vmem>>) semaphore(%arg40 : memref<!tpu.dma_semaphore, #tpu.memory_space<semaphore_mem>>)
    %dma_start3A_63 = tpu.memref_slice %arg9[%multiple_of3A_58] : memref<512xi32, #tpu.memory_space<vmem>> -> memref<8xi32, #tpu.memory_space<vmem>>
    %dma_start3A_64 = arith.constant 0 : i32
    %dma_start3A_65 = arith.constant 0 : i32
    %dma_start3A_66 = tpu.memref_slice %arg3[%dma_start3A_64, %dma_start3A_65] : memref<100000x512xf32, #tpu.memory_space<hbm>> -> memref<100000x512xf32, #tpu.memory_space<hbm>>
    tpu.enqueue_indirect_dma source(%dma_start3A_66 : memref<100000x512xf32, #tpu.memory_space<hbm>>) target(%arg24 : memref<8x512xf32, #tpu.memory_space<vmem>>) offsets(%dma_start3A_63 : memref<8xi32, #tpu.memory_space<vmem>>) semaphore(%arg40 : memref<!tpu.dma_semaphore, #tpu.memory_space<semaphore_mem>>)
    %dma_start3A_67 = tpu.memref_slice %arg10[%multiple_of3A_58] : memref<512xi32, #tpu.memory_space<vmem>> -> memref<8xi32, #tpu.memory_space<vmem>>
    %dma_start3A_68 = arith.constant 0 : i32
    %dma_start3A_69 = arith.constant 0 : i32
    %dma_start3A_70 = tpu.memref_slice %arg3[%dma_start3A_68, %dma_start3A_69] : memref<100000x512xf32, #tpu.memory_space<hbm>> -> memref<100000x512xf32, #tpu.memory_space<hbm>>
    tpu.enqueue_indirect_dma source(%dma_start3A_70 : memref<100000x512xf32, #tpu.memory_space<hbm>>) target(%arg25 : memref<8x512xf32, #tpu.memory_space<vmem>>) offsets(%dma_start3A_67 : memref<8xi32, #tpu.memory_space<vmem>>) semaphore(%arg40 : memref<!tpu.dma_semaphore, #tpu.memory_space<semaphore_mem>>)
    %multiple_of3A_71 = arith.constant 40 : i32
    %multiple_of3A_72 = tpu.assume_multiple %multiple_of3A_71, 8 : i32
    %dma_start3A_73 = tpu.memref_slice %arg8[%multiple_of3A_72] : memref<512xi32, #tpu.memory_space<vmem>> -> memref<8xi32, #tpu.memory_space<vmem>>
    %dma_start3A_74 = arith.constant 0 : i32
    %dma_start3A_75 = arith.constant 0 : i32
    %dma_start3A_76 = tpu.memref_slice %arg2[%dma_start3A_74, %dma_start3A_75] : memref<100000x512xf32, #tpu.memory_space<hbm>> -> memref<100000x512xf32, #tpu.memory_space<hbm>>
    tpu.enqueue_indirect_dma source(%dma_start3A_76 : memref<100000x512xf32, #tpu.memory_space<hbm>>) target(%arg26 : memref<8x512xf32, #tpu.memory_space<vmem>>) offsets(%dma_start3A_73 : memref<8xi32, #tpu.memory_space<vmem>>) semaphore(%arg41 : memref<!tpu.dma_semaphore, #tpu.memory_space<semaphore_mem>>)
    %dma_start3A_77 = tpu.memref_slice %arg9[%multiple_of3A_72] : memref<512xi32, #tpu.memory_space<vmem>> -> memref<8xi32, #tpu.memory_space<vmem>>
    %dma_start3A_78 = arith.constant 0 : i32
    %dma_start3A_79 = arith.constant 0 : i32
    %dma_start3A_80 = tpu.memref_slice %arg3[%dma_start3A_78, %dma_start3A_79] : memref<100000x512xf32, #tpu.memory_space<hbm>> -> memref<100000x512xf32, #tpu.memory_space<hbm>>
    tpu.enqueue_indirect_dma source(%dma_start3A_80 : memref<100000x512xf32, #tpu.memory_space<hbm>>) target(%arg27 : memref<8x512xf32, #tpu.memory_space<vmem>>) offsets(%dma_start3A_77 : memref<8xi32, #tpu.memory_space<vmem>>) semaphore(%arg41 : memref<!tpu.dma_semaphore, #tpu.memory_space<semaphore_mem>>)
    %dma_start3A_81 = tpu.memref_slice %arg10[%multiple_of3A_72] : memref<512xi32, #tpu.memory_space<vmem>> -> memref<8xi32, #tpu.memory_space<vmem>>
    %dma_start3A_82 = arith.constant 0 : i32
    %dma_start3A_83 = arith.constant 0 : i32
    %dma_start3A_84 = tpu.memref_slice %arg3[%dma_start3A_82, %dma_start3A_83] : memref<100000x512xf32, #tpu.memory_space<hbm>> -> memref<100000x512xf32, #tpu.memory_space<hbm>>
    tpu.enqueue_indirect_dma source(%dma_start3A_84 : memref<100000x512xf32, #tpu.memory_space<hbm>>) target(%arg28 : memref<8x512xf32, #tpu.memory_space<vmem>>) offsets(%dma_start3A_81 : memref<8xi32, #tpu.memory_space<vmem>>) semaphore(%arg41 : memref<!tpu.dma_semaphore, #tpu.memory_space<semaphore_mem>>)
    %multiple_of3A_85 = arith.constant 48 : i32
    %multiple_of3A_86 = tpu.assume_multiple %multiple_of3A_85, 8 : i32
    %dma_start3A_87 = tpu.memref_slice %arg8[%multiple_of3A_86] : memref<512xi32, #tpu.memory_space<vmem>> -> memref<8xi32, #tpu.memory_space<vmem>>
    %dma_start3A_88 = arith.constant 0 : i32
    %dma_start3A_89 = arith.constant 0 : i32
    %dma_start3A_90 = tpu.memref_slice %arg2[%dma_start3A_88, %dma_start3A_89] : memref<100000x512xf32, #tpu.memory_space<hbm>> -> memref<100000x512xf32, #tpu.memory_space<hbm>>
    tpu.enqueue_indirect_dma source(%dma_start3A_90 : memref<100000x512xf32, #tpu.memory_space<hbm>>) target(%arg29 : memref<8x512xf32, #tpu.memory_space<vmem>>) offsets(%dma_start3A_87 : memref<8xi32, #tpu.memory_space<vmem>>) semaphore(%arg42 : memref<!tpu.dma_semaphore, #tpu.memory_space<semaphore_mem>>)
    %dma_start3A_91 = tpu.memref_slice %arg9[%multiple_of3A_86] : memref<512xi32, #tpu.memory_space<vmem>> -> memref<8xi32, #tpu.memory_space<vmem>>
    %dma_start3A_92 = arith.constant 0 : i32
    %dma_start3A_93 = arith.constant 0 : i32
    %dma_start3A_94 = tpu.memref_slice %arg3[%dma_start3A_92, %dma_start3A_93] : memref<100000x512xf32, #tpu.memory_space<hbm>> -> memref<100000x512xf32, #tpu.memory_space<hbm>>
    tpu.enqueue_indirect_dma source(%dma_start3A_94 : memref<100000x512xf32, #tpu.memory_space<hbm>>) target(%arg30 : memref<8x512xf32, #tpu.memory_space<vmem>>) offsets(%dma_start3A_91 : memref<8xi32, #tpu.memory_space<vmem>>) semaphore(%arg42 : memref<!tpu.dma_semaphore, #tpu.memory_space<semaphore_mem>>)
    %dma_start3A_95 = tpu.memref_slice %arg10[%multiple_of3A_86] : memref<512xi32, #tpu.memory_space<vmem>> -> memref<8xi32, #tpu.memory_space<vmem>>
    %dma_start3A_96 = arith.constant 0 : i32
    %dma_start3A_97 = arith.constant 0 : i32
    %dma_start3A_98 = tpu.memref_slice %arg3[%dma_start3A_96, %dma_start3A_97] : memref<100000x512xf32, #tpu.memory_space<hbm>> -> memref<100000x512xf32, #tpu.memory_space<hbm>>
    tpu.enqueue_indirect_dma source(%dma_start3A_98 : memref<100000x512xf32, #tpu.memory_space<hbm>>) target(%arg31 : memref<8x512xf32, #tpu.memory_space<vmem>>) offsets(%dma_start3A_95 : memref<8xi32, #tpu.memory_space<vmem>>) semaphore(%arg42 : memref<!tpu.dma_semaphore, #tpu.memory_space<semaphore_mem>>)
    %broadcast_in_dim3A = arith.constant 0.000000e+00 : f32
    %broadcast_in_dim3A_99 = vector.broadcast %broadcast_in_dim3A : f32 to vector<16xf32>
    %scan3A = arith.constant 0 : i32
    %scan3A_100 = arith.constant 8 : i32
    %scan3A_101 = arith.addi %scan3A, %scan3A_100 : i32
    %scan3A_102 = arith.constant 1 : i32
    %scan3A_103 = scf.for %scan3A_108 = %scan3A to %scan3A_101 step %scan3A_102 iter_args(%scan3A_109 = %broadcast_in_dim3A_99) -> (vector<16xf32>)  : i32 {
      %mul3A_110 = arith.constant 8 : i32
      %mul3A_111 = arith.muli %scan3A_108, %mul3A_110 : i32
      %add3A_112 = arith.constant 0 : i32
      %add3A_113 = arith.addi %mul3A_111, %add3A_112 : i32
      %add3A_114 = arith.constant 8 : i32
      %add3A_115 = arith.addi %add3A_113, %add3A_114 : i32
      %sub3A = arith.constant 1 : i32
      %sub3A_116 = arith.subi %add3A_115, %sub3A : i32
      %lt3A = arith.constant 64 : i32
      %lt3A_117 = arith.cmpi slt, %sub3A_116, %lt3A : i32
      %convert_element_type3A = arith.extui %lt3A_117 : i1 to i32
      %cond3A = arith.constant 0 : i32
      %cond3A_118 = arith.cmpi ne, %convert_element_type3A, %cond3A : i32
      scf.if %cond3A_118 {
        %add3A_1410 = arith.constant 8 : i32
        %add3A_1411 = arith.addi %add3A_113, %add3A_1410 : i32
        %sub3A_1412 = arith.constant 1 : i32
        %sub3A_1413 = arith.subi %add3A_1411, %sub3A_1412 : i32
        %mul3A_1414 = arith.constant 8 : i32
        %mul3A_1415 = arith.muli %sub3A_1413, %mul3A_1414 : i32
        %multiple_of3A_1416 = tpu.assume_multiple %mul3A_1415, 8 : i32
        %dma_start3A_1417 = tpu.memref_slice %arg8[%multiple_of3A_1416] : memref<512xi32, #tpu.memory_space<vmem>> -> memref<8xi32, #tpu.memory_space<vmem>>
        %dma_start3A_1418 = arith.constant 0 : i32
        %dma_start3A_1419 = arith.constant 0 : i32
        %dma_start3A_1420 = tpu.memref_slice %arg2[%dma_start3A_1418, %dma_start3A_1419] : memref<100000x512xf32, #tpu.memory_space<hbm>> -> memref<100000x512xf32, #tpu.memory_space<hbm>>
        tpu.enqueue_indirect_dma source(%dma_start3A_1420 : memref<100000x512xf32, #tpu.memory_space<hbm>>) target(%arg32 : memref<8x512xf32, #tpu.memory_space<vmem>>) offsets(%dma_start3A_1417 : memref<8xi32, #tpu.memory_space<vmem>>) semaphore(%arg43 : memref<!tpu.dma_semaphore, #tpu.memory_space<semaphore_mem>>)
        %dma_start3A_1421 = tpu.memref_slice %arg9[%multiple_of3A_1416] : memref<512xi32, #tpu.memory_space<vmem>> -> memref<8xi32, #tpu.memory_space<vmem>>
        %dma_start3A_1422 = arith.constant 0 : i32
        %dma_start3A_1423 = arith.constant 0 : i32
        %dma_start3A_1424 = tpu.memref_slice %arg3[%dma_start3A_1422, %dma_start3A_1423] : memref<100000x512xf32, #tpu.memory_space<hbm>> -> memref<100000x512xf32, #tpu.memory_space<hbm>>
        tpu.enqueue_indirect_dma source(%dma_start3A_1424 : memref<100000x512xf32, #tpu.memory_space<hbm>>) target(%arg33 : memref<8x512xf32, #tpu.memory_space<vmem>>) offsets(%dma_start3A_1421 : memref<8xi32, #tpu.memory_space<vmem>>) semaphore(%arg43 : memref<!tpu.dma_semaphore, #tpu.memory_space<semaphore_mem>>)
        %dma_start3A_1425 = tpu.memref_slice %arg10[%multiple_of3A_1416] : memref<512xi32, #tpu.memory_space<vmem>> -> memref<8xi32, #tpu.memory_space<vmem>>
        %dma_start3A_1426 = arith.constant 0 : i32
        %dma_start3A_1427 = arith.constant 0 : i32
        %dma_start3A_1428 = tpu.memref_slice %arg3[%dma_start3A_1426, %dma_start3A_1427] : memref<100000x512xf32, #tpu.memory_space<hbm>> -> memref<100000x512xf32, #tpu.memory_space<hbm>>
        tpu.enqueue_indirect_dma source(%dma_start3A_1428 : memref<100000x512xf32, #tpu.memory_space<hbm>>) target(%arg34 : memref<8x512xf32, #tpu.memory_space<vmem>>) offsets(%dma_start3A_1425 : memref<8xi32, #tpu.memory_space<vmem>>) semaphore(%arg43 : memref<!tpu.dma_semaphore, #tpu.memory_space<semaphore_mem>>)
      } else {
      }
      %dma_wait3A = arith.constant 0 : i32
      %dma_wait3A_119 = arith.constant 0 : i32
      %dma_wait3A_120 = tpu.memref_slice %arg2[%dma_wait3A, %dma_wait3A_119] : memref<100000x512xf32, #tpu.memory_space<hbm>> -> memref<8x512xf32, #tpu.memory_space<hbm>>
      %dma_wait3A_121 = arith.constant 0 : i32
      %dma_wait3A_122 = arith.constant 0 : i32
      %dma_wait3A_123 = tpu.memref_slice %arg2[%dma_wait3A_121, %dma_wait3A_122] : memref<100000x512xf32, #tpu.memory_space<hbm>> -> memref<8x512xf32, #tpu.memory_space<hbm>>
      tpu.wait_dma2 semaphore(%arg36 : memref<!tpu.dma_semaphore, #tpu.memory_space<semaphore_mem>>) src(%dma_wait3A_123 : memref<8x512xf32, #tpu.memory_space<hbm>>) dst(%arg11 : memref<8x512xf32, #tpu.memory_space<vmem>>)
      %dma_wait3A_124 = arith.constant 0 : i32
      %dma_wait3A_125 = arith.constant 0 : i32
      %dma_wait3A_126 = tpu.memref_slice %arg3[%dma_wait3A_124, %dma_wait3A_125] : memref<100000x512xf32, #tpu.memory_space<hbm>> -> memref<8x512xf32, #tpu.memory_space<hbm>>
      %dma_wait3A_127 = arith.constant 0 : i32
      %dma_wait3A_128 = arith.constant 0 : i32
      %dma_wait3A_129 = tpu.memref_slice %arg3[%dma_wait3A_127, %dma_wait3A_128] : memref<100000x512xf32, #tpu.memory_space<hbm>> -> memref<8x512xf32, #tpu.memory_space<hbm>>
      tpu.wait_dma2 semaphore(%arg36 : memref<!tpu.dma_semaphore, #tpu.memory_space<semaphore_mem>>) src(%dma_wait3A_129 : memref<8x512xf32, #tpu.memory_space<hbm>>) dst(%arg12 : memref<8x512xf32, #tpu.memory_space<vmem>>)
      %dma_wait3A_130 = arith.constant 0 : i32
      %dma_wait3A_131 = arith.constant 0 : i32
      %dma_wait3A_132 = tpu.memref_slice %arg3[%dma_wait3A_130, %dma_wait3A_131] : memref<100000x512xf32, #tpu.memory_space<hbm>> -> memref<8x512xf32, #tpu.memory_space<hbm>>
      %dma_wait3A_133 = arith.constant 0 : i32
      %dma_wait3A_134 = arith.constant 0 : i32
      %dma_wait3A_135 = tpu.memref_slice %arg3[%dma_wait3A_133, %dma_wait3A_134] : memref<100000x512xf32, #tpu.memory_space<hbm>> -> memref<8x512xf32, #tpu.memory_space<hbm>>
      tpu.wait_dma2 semaphore(%arg36 : memref<!tpu.dma_semaphore, #tpu.memory_space<semaphore_mem>>) src(%dma_wait3A_135 : memref<8x512xf32, #tpu.memory_space<hbm>>) dst(%arg13 : memref<8x512xf32, #tpu.memory_space<vmem>>)
      %broadcast_in_dim3A_136 = arith.constant 0.000000e+00 : f32
      %broadcast_in_dim3A_137 = vector.broadcast %broadcast_in_dim3A_136 : f32 to vector<16xf32>
      %broadcast_in_dim3A_138 = arith.constant 0.000000e+00 : f32
      %broadcast_in_dim3A_139 = vector.broadcast %broadcast_in_dim3A_138 : f32 to vector<16xf32>
      %broadcast_in_dim3A_140 = arith.constant 0.000000e+00 : f32
      %broadcast_in_dim3A_141 = vector.broadcast %broadcast_in_dim3A_140 : f32 to vector<16xf32>
      %broadcast_in_dim3A_142 = arith.constant 0.000000e+00 : f32
      %broadcast_in_dim3A_143 = vector.broadcast %broadcast_in_dim3A_142 : f32 to vector<16xf32>
      %broadcast_in_dim3A_144 = arith.constant 0.000000e+00 : f32
      %broadcast_in_dim3A_145 = vector.broadcast %broadcast_in_dim3A_144 : f32 to vector<16xf32>
      %broadcast_in_dim3A_146 = arith.constant 0.000000e+00 : f32
      %broadcast_in_dim3A_147 = vector.broadcast %broadcast_in_dim3A_146 : f32 to vector<16xf32>
      %broadcast_in_dim3A_148 = arith.constant 0.000000e+00 : f32
      %broadcast_in_dim3A_149 = vector.broadcast %broadcast_in_dim3A_148 : f32 to vector<16xf32>
      %broadcast_in_dim3A_150 = arith.constant 0.000000e+00 : f32
      %broadcast_in_dim3A_151 = vector.broadcast %broadcast_in_dim3A_150 : f32 to vector<16xf32>
      %scan3A_152 = arith.constant 0 : i32
      %scan3A_153 = arith.constant 32 : i32
      %scan3A_154 = arith.addi %scan3A_152, %scan3A_153 : i32
      %scan3A_155 = arith.constant 1 : i32
      %scan3A_156:8 = scf.for %scan3A_1410 = %scan3A_152 to %scan3A_154 step %scan3A_155 iter_args(%scan3A_1411 = %broadcast_in_dim3A_137, %scan3A_1412 = %broadcast_in_dim3A_139, %scan3A_1413 = %broadcast_in_dim3A_141, %scan3A_1414 = %broadcast_in_dim3A_143, %scan3A_1415 = %broadcast_in_dim3A_145, %scan3A_1416 = %broadcast_in_dim3A_147, %scan3A_1417 = %broadcast_in_dim3A_149, %scan3A_1418 = %broadcast_in_dim3A_151) -> (vector<16xf32>, vector<16xf32>, vector<16xf32>, vector<16xf32>, vector<16xf32>, vector<16xf32>, vector<16xf32>, vector<16xf32>)  : i32 {
        %mul3A_1419 = arith.constant 16 : i32
        %mul3A_1420 = arith.muli %scan3A_1410, %mul3A_1419 : i32
        %multiple_of3A_1421 = tpu.assume_multiple %mul3A_1420, 16 : i32
        %get3A = arith.constant 0 : i32
        %get3A_1422 = arith.index_cast %get3A : i32 to index
        %get3A_1423 = arith.index_cast %multiple_of3A_1421 : i32 to index
        %get3A_1424 = tpu.vector_load %arg11[%get3A_1422, %get3A_1423] {strides = array<i32>} : memref<8x512xf32, #tpu.memory_space<vmem>>, vector<16xf32>,
        %get3A_1425 = arith.constant 0 : i32
        %get3A_1426 = arith.index_cast %get3A_1425 : i32 to index
        %get3A_1427 = arith.index_cast %multiple_of3A_1421 : i32 to index
        %get3A_1428 = tpu.vector_load %arg12[%get3A_1426, %get3A_1427] {strides = array<i32>} : memref<8x512xf32, #tpu.memory_space<vmem>>, vector<16xf32>,
        %get3A_1429 = arith.constant 0 : i32
        %get3A_1430 = arith.index_cast %get3A_1429 : i32 to index
        %get3A_1431 = arith.index_cast %multiple_of3A_1421 : i32 to index
        %get3A_1432 = tpu.vector_load %arg13[%get3A_1430, %get3A_1431] {strides = array<i32>} : memref<8x512xf32, #tpu.memory_space<vmem>>, vector<16xf32>,
        %sub3A_1433 = arith.subf %get3A_1428, %get3A_1432 : vector<16xf32>
        %mul3A_1434 = arith.mulf %get3A_1424, %sub3A_1433 : vector<16xf32>
        %add3A_1435 = arith.addf %scan3A_1411, %mul3A_1434 : vector<16xf32>
        %get3A_1436 = arith.constant 1 : i32
        %get3A_1437 = arith.index_cast %get3A_1436 : i32 to index
        %get3A_1438 = arith.index_cast %multiple_of3A_1421 : i32 to index
        %get3A_1439 = tpu.vector_load %arg11[%get3A_1437, %get3A_1438] {strides = array<i32>} : memref<8x512xf32, #tpu.memory_space<vmem>>, vector<16xf32>,
        %get3A_1440 = arith.constant 1 : i32
        %get3A_1441 = arith.index_cast %get3A_1440 : i32 to index
        %get3A_1442 = arith.index_cast %multiple_of3A_1421 : i32 to index
        %get3A_1443 = tpu.vector_load %arg12[%get3A_1441, %get3A_1442] {strides = array<i32>} : memref<8x512xf32, #tpu.memory_space<vmem>>, vector<16xf32>,
        %get3A_1444 = arith.constant 1 : i32
        %get3A_1445 = arith.index_cast %get3A_1444 : i32 to index
        %get3A_1446 = arith.index_cast %multiple_of3A_1421 : i32 to index
        %get3A_1447 = tpu.vector_load %arg13[%get3A_1445, %get3A_1446] {strides = array<i32>} : memref<8x512xf32, #tpu.memory_space<vmem>>, vector<16xf32>,
        %sub3A_1448 = arith.subf %get3A_1443, %get3A_1447 : vector<16xf32>
        %mul3A_1449 = arith.mulf %get3A_1439, %sub3A_1448 : vector<16xf32>
        %add3A_1450 = arith.addf %scan3A_1412, %mul3A_1449 : vector<16xf32>
        %get3A_1451 = arith.constant 2 : i32
        %get3A_1452 = arith.index_cast %get3A_1451 : i32 to index
        %get3A_1453 = arith.index_cast %multiple_of3A_1421 : i32 to index
        %get3A_1454 = tpu.vector_load %arg11[%get3A_1452, %get3A_1453] {strides = array<i32>} : memref<8x512xf32, #tpu.memory_space<vmem>>, vector<16xf32>,
        %get3A_1455 = arith.constant 2 : i32
        %get3A_1456 = arith.index_cast %get3A_1455 : i32 to index
        %get3A_1457 = arith.index_cast %multiple_of3A_1421 : i32 to index
        %get3A_1458 = tpu.vector_load %arg12[%get3A_1456, %get3A_1457] {strides = array<i32>} : memref<8x512xf32, #tpu.memory_space<vmem>>, vector<16xf32>,
        %get3A_1459 = arith.constant 2 : i32
        %get3A_1460 = arith.index_cast %get3A_1459 : i32 to index
        %get3A_1461 = arith.index_cast %multiple_of3A_1421 : i32 to index
        %get3A_1462 = tpu.vector_load %arg13[%get3A_1460, %get3A_1461] {strides = array<i32>} : memref<8x512xf32, #tpu.memory_space<vmem>>, vector<16xf32>,
        %sub3A_1463 = arith.subf %get3A_1458, %get3A_1462 : vector<16xf32>
        %mul3A_1464 = arith.mulf %get3A_1454, %sub3A_1463 : vector<16xf32>
        %add3A_1465 = arith.addf %scan3A_1413, %mul3A_1464 : vector<16xf32>
        %get3A_1466 = arith.constant 3 : i32
        %get3A_1467 = arith.index_cast %get3A_1466 : i32 to index
        %get3A_1468 = arith.index_cast %multiple_of3A_1421 : i32 to index
        %get3A_1469 = tpu.vector_load %arg11[%get3A_1467, %get3A_1468] {strides = array<i32>} : memref<8x512xf32, #tpu.memory_space<vmem>>, vector<16xf32>,
        %get3A_1470 = arith.constant 3 : i32
        %get3A_1471 = arith.index_cast %get3A_1470 : i32 to index
        %get3A_1472 = arith.index_cast %multiple_of3A_1421 : i32 to index
        %get3A_1473 = tpu.vector_load %arg12[%get3A_1471, %get3A_1472] {strides = array<i32>} : memref<8x512xf32, #tpu.memory_space<vmem>>, vector<16xf32>,
        %get3A_1474 = arith.constant 3 : i32
        %get3A_1475 = arith.index_cast %get3A_1474 : i32 to index
        %get3A_1476 = arith.index_cast %multiple_of3A_1421 : i32 to index
        %get3A_1477 = tpu.vector_load %arg13[%get3A_1475, %get3A_1476] {strides = array<i32>} : memref<8x512xf32, #tpu.memory_space<vmem>>, vector<16xf32>,
        %sub3A_1478 = arith.subf %get3A_1473, %get3A_1477 : vector<16xf32>
        %mul3A_1479 = arith.mulf %get3A_1469, %sub3A_1478 : vector<16xf32>
        %add3A_1480 = arith.addf %scan3A_1414, %mul3A_1479 : vector<16xf32>
        %get3A_1481 = arith.constant 4 : i32
        %get3A_1482 = arith.index_cast %get3A_1481 : i32 to index
        %get3A_1483 = arith.index_cast %multiple_of3A_1421 : i32 to index
        %get3A_1484 = tpu.vector_load %arg11[%get3A_1482, %get3A_1483] {strides = array<i32>} : memref<8x512xf32, #tpu.memory_space<vmem>>, vector<16xf32>,
        %get3A_1485 = arith.constant 4 : i32
        %get3A_1486 = arith.index_cast %get3A_1485 : i32 to index
        %get3A_1487 = arith.index_cast %multiple_of3A_1421 : i32 to index
        %get3A_1488 = tpu.vector_load %arg12[%get3A_1486, %get3A_1487] {strides = array<i32>} : memref<8x512xf32, #tpu.memory_space<vmem>>, vector<16xf32>,
        %get3A_1489 = arith.constant 4 : i32
        %get3A_1490 = arith.index_cast %get3A_1489 : i32 to index
        %get3A_1491 = arith.index_cast %multiple_of3A_1421 : i32 to index
        %get3A_1492 = tpu.vector_load %arg13[%get3A_1490, %get3A_1491] {strides = array<i32>} : memref<8x512xf32, #tpu.memory_space<vmem>>, vector<16xf32>,
        %sub3A_1493 = arith.subf %get3A_1488, %get3A_1492 : vector<16xf32>
        %mul3A_1494 = arith.mulf %get3A_1484, %sub3A_1493 : vector<16xf32>
        %add3A_1495 = arith.addf %scan3A_1415, %mul3A_1494 : vector<16xf32>
        %get3A_1496 = arith.constant 5 : i32
        %get3A_1497 = arith.index_cast %get3A_1496 : i32 to index
        %get3A_1498 = arith.index_cast %multiple_of3A_1421 : i32 to index
        %get3A_1499 = tpu.vector_load %arg11[%get3A_1497, %get3A_1498] {strides = array<i32>} : memref<8x512xf32, #tpu.memory_space<vmem>>, vector<16xf32>,
        %get3A_1500 = arith.constant 5 : i32
        %get3A_1501 = arith.index_cast %get3A_1500 : i32 to index
        %get3A_1502 = arith.index_cast %multiple_of3A_1421 : i32 to index
        %get3A_1503 = tpu.vector_load %arg12[%get3A_1501, %get3A_1502] {strides = array<i32>} : memref<8x512xf32, #tpu.memory_space<vmem>>, vector<16xf32>,
        %get3A_1504 = arith.constant 5 : i32
        %get3A_1505 = arith.index_cast %get3A_1504 : i32 to index
        %get3A_1506 = arith.index_cast %multiple_of3A_1421 : i32 to index
        %get3A_1507 = tpu.vector_load %arg13[%get3A_1505, %get3A_1506] {strides = array<i32>} : memref<8x512xf32, #tpu.memory_space<vmem>>, vector<16xf32>,
        %sub3A_1508 = arith.subf %get3A_1503, %get3A_1507 : vector<16xf32>
        %mul3A_1509 = arith.mulf %get3A_1499, %sub3A_1508 : vector<16xf32>
        %add3A_1510 = arith.addf %scan3A_1416, %mul3A_1509 : vector<16xf32>
        %get3A_1511 = arith.constant 6 : i32
        %get3A_1512 = arith.index_cast %get3A_1511 : i32 to index
        %get3A_1513 = arith.index_cast %multiple_of3A_1421 : i32 to index
        %get3A_1514 = tpu.vector_load %arg11[%get3A_1512, %get3A_1513] {strides = array<i32>} : memref<8x512xf32, #tpu.memory_space<vmem>>, vector<16xf32>,
        %get3A_1515 = arith.constant 6 : i32
        %get3A_1516 = arith.index_cast %get3A_1515 : i32 to index
        %get3A_1517 = arith.index_cast %multiple_of3A_1421 : i32 to index
        %get3A_1518 = tpu.vector_load %arg12[%get3A_1516, %get3A_1517] {strides = array<i32>} : memref<8x512xf32, #tpu.memory_space<vmem>>, vector<16xf32>,
        %get3A_1519 = arith.constant 6 : i32
        %get3A_1520 = arith.index_cast %get3A_1519 : i32 to index
        %get3A_1521 = arith.index_cast %multiple_of3A_1421 : i32 to index
        %get3A_1522 = tpu.vector_load %arg13[%get3A_1520, %get3A_1521] {strides = array<i32>} : memref<8x512xf32, #tpu.memory_space<vmem>>, vector<16xf32>,
        %sub3A_1523 = arith.subf %get3A_1518, %get3A_1522 : vector<16xf32>
        %mul3A_1524 = arith.mulf %get3A_1514, %sub3A_1523 : vector<16xf32>
        %add3A_1525 = arith.addf %scan3A_1417, %mul3A_1524 : vector<16xf32>
        %get3A_1526 = arith.constant 7 : i32
        %get3A_1527 = arith.index_cast %get3A_1526 : i32 to index
        %get3A_1528 = arith.index_cast %multiple_of3A_1421 : i32 to index
        %get3A_1529 = tpu.vector_load %arg11[%get3A_1527, %get3A_1528] {strides = array<i32>} : memref<8x512xf32, #tpu.memory_space<vmem>>, vector<16xf32>,
        %get3A_1530 = arith.constant 7 : i32
        %get3A_1531 = arith.index_cast %get3A_1530 : i32 to index
        %get3A_1532 = arith.index_cast %multiple_of3A_1421 : i32 to index
        %get3A_1533 = tpu.vector_load %arg12[%get3A_1531, %get3A_1532] {strides = array<i32>} : memref<8x512xf32, #tpu.memory_space<vmem>>, vector<16xf32>,
        %get3A_1534 = arith.constant 7 : i32
        %get3A_1535 = arith.index_cast %get3A_1534 : i32 to index
        %get3A_1536 = arith.index_cast %multiple_of3A_1421 : i32 to index
        %get3A_1537 = tpu.vector_load %arg13[%get3A_1535, %get3A_1536] {strides = array<i32>} : memref<8x512xf32, #tpu.memory_space<vmem>>, vector<16xf32>,
        %sub3A_1538 = arith.subf %get3A_1533, %get3A_1537 : vector<16xf32>
        %mul3A_1539 = arith.mulf %get3A_1529, %sub3A_1538 : vector<16xf32>
        %add3A_1540 = arith.addf %scan3A_1418, %mul3A_1539 : vector<16xf32>
        scf.yield %add3A_1435, %add3A_1450, %add3A_1465, %add3A_1480, %add3A_1495, %add3A_1510, %add3A_1525, %add3A_1540 : vector<16xf32>, vector<16xf32>, vector<16xf32>, vector<16xf32>, vector<16xf32>, vector<16xf32>, vector<16xf32>, vector<16xf32>
      }
      %scan3A_157 = arith.constant 32 : i32
      %broadcast_in_dim3A_158 = arith.constant 0.000000e+00 : f32
      %broadcast_in_dim3A_159 = vector.broadcast %broadcast_in_dim3A_158 : f32 to vector<16xf32>
      %eq3A = arith.constant 0 : i32
      %eq3A_160 = vector.broadcast %eq3A : i32 to vector<16xi32>
      %eq3A_161 = arith.cmpi eq, %iota3A, %eq3A_160 : vector<16xi32>
      %reduce_sum3A = arith.constant true
      %reduce_sum3A_162 = vector.broadcast %reduce_sum3A : i1 to vector<16xi1>
      %reduce_sum3A_163 = tpu.scan <sum>, %scan3A_156#0 masked %reduce_sum3A_162 : vector<16xf32>, vector<16xi1> -> vector<16xf32>
      %reduce_sum3A_164 = vector.extract %reduce_sum3A_163[15] : f32 from vector<16xf32>
      %broadcast_in_dim3A_165 = vector.broadcast %reduce_sum3A_164 : f32 to vector<16xf32>
      %select_n3A = arith.select %eq3A_161, %broadcast_in_dim3A_165, %broadcast_in_dim3A_159 : vector<16xi1>, vector<16xf32>
      %eq3A_166 = arith.constant 1 : i32
      %eq3A_167 = vector.broadcast %eq3A_166 : i32 to vector<16xi32>
      %eq3A_168 = arith.cmpi eq, %iota3A, %eq3A_167 : vector<16xi32>
      %reduce_sum3A_169 = arith.constant true
      %reduce_sum3A_170 = vector.broadcast %reduce_sum3A_169 : i1 to vector<16xi1>
      %reduce_sum3A_171 = tpu.scan <sum>, %scan3A_156#1 masked %reduce_sum3A_170 : vector<16xf32>, vector<16xi1> -> vector<16xf32>
      %reduce_sum3A_172 = vector.extract %reduce_sum3A_171[15] : f32 from vector<16xf32>
      %broadcast_in_dim3A_173 = vector.broadcast %reduce_sum3A_172 : f32 to vector<16xf32>
      %select_n3A_174 = arith.select %eq3A_168, %broadcast_in_dim3A_173, %select_n3A : vector<16xi1>, vector<16xf32>
      %eq3A_175 = arith.constant 2 : i32
      %eq3A_176 = vector.broadcast %eq3A_175 : i32 to vector<16xi32>
      %eq3A_177 = arith.cmpi eq, %iota3A, %eq3A_176 : vector<16xi32>
      %reduce_sum3A_178 = arith.constant true
      %reduce_sum3A_179 = vector.broadcast %reduce_sum3A_178 : i1 to vector<16xi1>
      %reduce_sum3A_180 = tpu.scan <sum>, %scan3A_156#2 masked %reduce_sum3A_179 : vector<16xf32>, vector<16xi1> -> vector<16xf32>
      %reduce_sum3A_181 = vector.extract %reduce_sum3A_180[15] : f32 from vector<16xf32>
      %broadcast_in_dim3A_182 = vector.broadcast %reduce_sum3A_181 : f32 to vector<16xf32>
      %select_n3A_183 = arith.select %eq3A_177, %broadcast_in_dim3A_182, %select_n3A_174 : vector<16xi1>, vector<16xf32>
      %eq3A_184 = arith.constant 3 : i32
      %eq3A_185 = vector.broadcast %eq3A_184 : i32 to vector<16xi32>
      %eq3A_186 = arith.cmpi eq, %iota3A, %eq3A_185 : vector<16xi32>
      %reduce_sum3A_187 = arith.constant true
      %reduce_sum3A_188 = vector.broadcast %reduce_sum3A_187 : i1 to vector<16xi1>
      %reduce_sum3A_189 = tpu.scan <sum>, %scan3A_156#3 masked %reduce_sum3A_188 : vector<16xf32>, vector<16xi1> -> vector<16xf32>
      %reduce_sum3A_190 = vector.extract %reduce_sum3A_189[15] : f32 from vector<16xf32>
      %broadcast_in_dim3A_191 = vector.broadcast %reduce_sum3A_190 : f32 to vector<16xf32>
      %select_n3A_192 = arith.select %eq3A_186, %broadcast_in_dim3A_191, %select_n3A_183 : vector<16xi1>, vector<16xf32>
      %eq3A_193 = arith.constant 4 : i32
      %eq3A_194 = vector.broadcast %eq3A_193 : i32 to vector<16xi32>
      %eq3A_195 = arith.cmpi eq, %iota3A, %eq3A_194 : vector<16xi32>
      %reduce_sum3A_196 = arith.constant true
      %reduce_sum3A_197 = vector.broadcast %reduce_sum3A_196 : i1 to vector<16xi1>
      %reduce_sum3A_198 = tpu.scan <sum>, %scan3A_156#4 masked %reduce_sum3A_197 : vector<16xf32>, vector<16xi1> -> vector<16xf32>
      %reduce_sum3A_199 = vector.extract %reduce_sum3A_198[15] : f32 from vector<16xf32>
      %broadcast_in_dim3A_200 = vector.broadcast %reduce_sum3A_199 : f32 to vector<16xf32>
      %select_n3A_201 = arith.select %eq3A_195, %broadcast_in_dim3A_200, %select_n3A_192 : vector<16xi1>, vector<16xf32>
      %eq3A_202 = arith.constant 5 : i32
      %eq3A_203 = vector.broadcast %eq3A_202 : i32 to vector<16xi32>
      %eq3A_204 = arith.cmpi eq, %iota3A, %eq3A_203 : vector<16xi32>
      %reduce_sum3A_205 = arith.constant true
      %reduce_sum3A_206 = vector.broadcast %reduce_sum3A_205 : i1 to vector<16xi1>
      %reduce_sum3A_207 = tpu.scan <sum>, %scan3A_156#5 masked %reduce_sum3A_206 : vector<16xf32>, vector<16xi1> -> vector<16xf32>
      %reduce_sum3A_208 = vector.extract %reduce_sum3A_207[15] : f32 from vector<16xf32>
      %broadcast_in_dim3A_209 = vector.broadcast %reduce_sum3A_208 : f32 to vector<16xf32>
      %select_n3A_210 = arith.select %eq3A_204, %broadcast_in_dim3A_209, %select_n3A_201 : vector<16xi1>, vector<16xf32>
      %eq3A_211 = arith.constant 6 : i32
      %eq3A_212 = vector.broadcast %eq3A_211 : i32 to vector<16xi32>
      %eq3A_213 = arith.cmpi eq, %iota3A, %eq3A_212 : vector<16xi32>
      %reduce_sum3A_214 = arith.constant true
      %reduce_sum3A_215 = vector.broadcast %reduce_sum3A_214 : i1 to vector<16xi1>
      %reduce_sum3A_216 = tpu.scan <sum>, %scan3A_156#6 masked %reduce_sum3A_215 : vector<16xf32>, vector<16xi1> -> vector<16xf32>
      %reduce_sum3A_217 = vector.extract %reduce_sum3A_216[15] : f32 from vector<16xf32>
      %broadcast_in_dim3A_218 = vector.broadcast %reduce_sum3A_217 : f32 to vector<16xf32>
      %select_n3A_219 = arith.select %eq3A_213, %broadcast_in_dim3A_218, %select_n3A_210 : vector<16xi1>, vector<16xf32>
      %eq3A_220 = arith.constant 7 : i32
      %eq3A_221 = vector.broadcast %eq3A_220 : i32 to vector<16xi32>
      %eq3A_222 = arith.cmpi eq, %iota3A, %eq3A_221 : vector<16xi32>
      %reduce_sum3A_223 = arith.constant true
      %reduce_sum3A_224 = vector.broadcast %reduce_sum3A_223 : i1 to vector<16xi1>
      %reduce_sum3A_225 = tpu.scan <sum>, %scan3A_156#7 masked %reduce_sum3A_224 : vector<16xf32>, vector<16xi1> -> vector<16xf32>
      %reduce_sum3A_226 = vector.extract %reduce_sum3A_225[15] : f32 from vector<16xf32>
      %broadcast_in_dim3A_227 = vector.broadcast %reduce_sum3A_226 : f32 to vector<16xf32>
      %select_n3A_228 = arith.select %eq3A_222, %broadcast_in_dim3A_227, %select_n3A_219 : vector<16xi1>, vector<16xf32>
      %abs3A = math.absf %select_n3A_228 : vector<16xf32>
      %neg3A = arith.constant 0.000000e+00 : f32
      %neg3A_229 = vector.broadcast %neg3A : f32 to vector<16xf32>
      %neg3A_230 = arith.subf %neg3A_229, %abs3A : vector<16xf32>
      %exp3A = math.exp %neg3A_230 : vector<16xf32>
      %add3A_231 = arith.constant 2.000000e+00 : f32
      %add3A_232 = vector.broadcast %add3A_231 : f32 to vector<16xf32>
      %add3A_233 = arith.addf %add3A_232, %exp3A : vector<16xf32>
      %div3A = arith.divf %exp3A, %add3A_233 : vector<16xf32>
      %mul3A_234 = arith.mulf %div3A, %div3A : vector<16xf32>
      %mul3A_235 = arith.constant 2.000000e+00 : f32
      %mul3A_236 = vector.broadcast %mul3A_235 : f32 to vector<16xf32>
      %mul3A_237 = arith.mulf %mul3A_236, %div3A : vector<16xf32>
      %mul3A_238 = arith.constant 0.142857149 : f32
      %mul3A_239 = vector.broadcast %mul3A_238 : f32 to vector<16xf32>
      %mul3A_240 = arith.mulf %mul3A_234, %mul3A_239 : vector<16xf32>
      %add3A_241 = arith.constant 2.000000e-01 : f32
      %add3A_242 = vector.broadcast %add3A_241 : f32 to vector<16xf32>
      %add3A_243 = arith.addf %add3A_242, %mul3A_240 : vector<16xf32>
      %mul3A_244 = arith.mulf %mul3A_234, %add3A_243 : vector<16xf32>
      %add3A_245 = arith.constant 0.333333343 : f32
      %add3A_246 = vector.broadcast %add3A_245 : f32 to vector<16xf32>
      %add3A_247 = arith.addf %add3A_246, %mul3A_244 : vector<16xf32>
      %mul3A_248 = arith.mulf %mul3A_234, %add3A_247 : vector<16xf32>
      %add3A_249 = arith.constant 1.000000e+00 : f32
      %add3A_250 = vector.broadcast %add3A_249 : f32 to vector<16xf32>
      %add3A_251 = arith.addf %add3A_250, %mul3A_248 : vector<16xf32>
      %mul3A_252 = arith.mulf %mul3A_237, %add3A_251 : vector<16xf32>
      %min3A = arith.constant 0.000000e+00 : f32
      %min3A_253 = vector.broadcast %min3A : f32 to vector<16xf32>
      %min3A_254 = arith.minimumf %select_n3A_228, %min3A_253 : vector<16xf32>
      %sub3A_255 = arith.subf %mul3A_252, %min3A_254 : vector<16xf32>
      %lt3A_256 = arith.constant 8 : i32
      %lt3A_257 = vector.broadcast %lt3A_256 : i32 to vector<16xi32>
      %lt3A_258 = arith.cmpi slt, %iota3A, %lt3A_257 : vector<16xi32>
      %jit3A = arith.constant 0.000000e+00 : f32
      %broadcast_in_dim3A_259 = vector.broadcast %jit3A : f32 to vector<16xf32>
      %select_n3A_260 = arith.select %lt3A_258, %sub3A_255, %broadcast_in_dim3A_259 : vector<16xi1>, vector<16xf32>
      %add3A_261 = arith.addf %scan3A_109, %select_n3A_260 : vector<16xf32>
      %add3A_262 = arith.constant 1 : i32
      %add3A_263 = arith.addi %mul3A_111, %add3A_262 : i32
      %add3A_264 = arith.constant 8 : i32
      %add3A_265 = arith.addi %add3A_263, %add3A_264 : i32
      %sub3A_266 = arith.constant 1 : i32
      %sub3A_267 = arith.subi %add3A_265, %sub3A_266 : i32
      %lt3A_268 = arith.constant 64 : i32
      %lt3A_269 = arith.cmpi slt, %sub3A_267, %lt3A_268 : i32
      %convert_element_type3A_270 = arith.extui %lt3A_269 : i1 to i32
      %cond3A_271 = arith.constant 0 : i32
      %cond3A_272 = arith.cmpi ne, %convert_element_type3A_270, %cond3A_271 : i32
      scf.if %cond3A_272 {
        %add3A_1410 = arith.constant 8 : i32
        %add3A_1411 = arith.addi %add3A_263, %add3A_1410 : i32
        %sub3A_1412 = arith.constant 1 : i32
        %sub3A_1413 = arith.subi %add3A_1411, %sub3A_1412 : i32
        %mul3A_1414 = arith.constant 8 : i32
        %mul3A_1415 = arith.muli %sub3A_1413, %mul3A_1414 : i32
        %multiple_of3A_1416 = tpu.assume_multiple %mul3A_1415, 8 : i32
        %dma_start3A_1417 = tpu.memref_slice %arg8[%multiple_of3A_1416] : memref<512xi32, #tpu.memory_space<vmem>> -> memref<8xi32, #tpu.memory_space<vmem>>
        %dma_start3A_1418 = arith.constant 0 : i32
        %dma_start3A_1419 = arith.constant 0 : i32
        %dma_start3A_1420 = tpu.memref_slice %arg2[%dma_start3A_1418, %dma_start3A_1419] : memref<100000x512xf32, #tpu.memory_space<hbm>> -> memref<100000x512xf32, #tpu.memory_space<hbm>>
        tpu.enqueue_indirect_dma source(%dma_start3A_1420 : memref<100000x512xf32, #tpu.memory_space<hbm>>) target(%arg11 : memref<8x512xf32, #tpu.memory_space<vmem>>) offsets(%dma_start3A_1417 : memref<8xi32, #tpu.memory_space<vmem>>) semaphore(%arg36 : memref<!tpu.dma_semaphore, #tpu.memory_space<semaphore_mem>>)
        %dma_start3A_1421 = tpu.memref_slice %arg9[%multiple_of3A_1416] : memref<512xi32, #tpu.memory_space<vmem>> -> memref<8xi32, #tpu.memory_space<vmem>>
        %dma_start3A_1422 = arith.constant 0 : i32
        %dma_start3A_1423 = arith.constant 0 : i32
        %dma_start3A_1424 = tpu.memref_slice %arg3[%dma_start3A_1422, %dma_start3A_1423] : memref<100000x512xf32, #tpu.memory_space<hbm>> -> memref<100000x512xf32, #tpu.memory_space<hbm>>
        tpu.enqueue_indirect_dma source(%dma_start3A_1424 : memref<100000x512xf32, #tpu.memory_space<hbm>>) target(%arg12 : memref<8x512xf32, #tpu.memory_space<vmem>>) offsets(%dma_start3A_1421 : memref<8xi32, #tpu.memory_space<vmem>>) semaphore(%arg36 : memref<!tpu.dma_semaphore, #tpu.memory_space<semaphore_mem>>)
        %dma_start3A_1425 = tpu.memref_slice %arg10[%multiple_of3A_1416] : memref<512xi32, #tpu.memory_space<vmem>> -> memref<8xi32, #tpu.memory_space<vmem>>
        %dma_start3A_1426 = arith.constant 0 : i32
        %dma_start3A_1427 = arith.constant 0 : i32
        %dma_start3A_1428 = tpu.memref_slice %arg3[%dma_start3A_1426, %dma_start3A_1427] : memref<100000x512xf32, #tpu.memory_space<hbm>> -> memref<100000x512xf32, #tpu.memory_space<hbm>>
        tpu.enqueue_indirect_dma source(%dma_start3A_1428 : memref<100000x512xf32, #tpu.memory_space<hbm>>) target(%arg13 : memref<8x512xf32, #tpu.memory_space<vmem>>) offsets(%dma_start3A_1425 : memref<8xi32, #tpu.memory_space<vmem>>) semaphore(%arg36 : memref<!tpu.dma_semaphore, #tpu.memory_space<semaphore_mem>>)
      } else {
      }
      %dma_wait3A_273 = arith.constant 0 : i32
      %dma_wait3A_274 = arith.constant 0 : i32
      %dma_wait3A_275 = tpu.memref_slice %arg2[%dma_wait3A_273, %dma_wait3A_274] : memref<100000x512xf32, #tpu.memory_space<hbm>> -> memref<8x512xf32, #tpu.memory_space<hbm>>
      %dma_wait3A_276 = arith.constant 0 : i32
      %dma_wait3A_277 = arith.constant 0 : i32
      %dma_wait3A_278 = tpu.memref_slice %arg2[%dma_wait3A_276, %dma_wait3A_277] : memref<100000x512xf32, #tpu.memory_space<hbm>> -> memref<8x512xf32, #tpu.memory_space<hbm>>
      tpu.wait_dma2 semaphore(%arg37 : memref<!tpu.dma_semaphore, #tpu.memory_space<semaphore_mem>>) src(%dma_wait3A_278 : memref<8x512xf32, #tpu.memory_space<hbm>>) dst(%arg14 : memref<8x512xf32, #tpu.memory_space<vmem>>)
      %dma_wait3A_279 = arith.constant 0 : i32
      %dma_wait3A_280 = arith.constant 0 : i32
      %dma_wait3A_281 = tpu.memref_slice %arg3[%dma_wait3A_279, %dma_wait3A_280] : memref<100000x512xf32, #tpu.memory_space<hbm>> -> memref<8x512xf32, #tpu.memory_space<hbm>>
      %dma_wait3A_282 = arith.constant 0 : i32
      %dma_wait3A_283 = arith.constant 0 : i32
      %dma_wait3A_284 = tpu.memref_slice %arg3[%dma_wait3A_282, %dma_wait3A_283] : memref<100000x512xf32, #tpu.memory_space<hbm>> -> memref<8x512xf32, #tpu.memory_space<hbm>>
      tpu.wait_dma2 semaphore(%arg37 : memref<!tpu.dma_semaphore, #tpu.memory_space<semaphore_mem>>) src(%dma_wait3A_284 : memref<8x512xf32, #tpu.memory_space<hbm>>) dst(%arg15 : memref<8x512xf32, #tpu.memory_space<vmem>>)
      %dma_wait3A_285 = arith.constant 0 : i32
      %dma_wait3A_286 = arith.constant 0 : i32
      %dma_wait3A_287 = tpu.memref_slice %arg3[%dma_wait3A_285, %dma_wait3A_286] : memref<100000x512xf32, #tpu.memory_space<hbm>> -> memref<8x512xf32, #tpu.memory_space<hbm>>
      %dma_wait3A_288 = arith.constant 0 : i32
      %dma_wait3A_289 = arith.constant 0 : i32
      %dma_wait3A_290 = tpu.memref_slice %arg3[%dma_wait3A_288, %dma_wait3A_289] : memref<100000x512xf32, #tpu.memory_space<hbm>> -> memref<8x512xf32, #tpu.memory_space<hbm>>
      tpu.wait_dma2 semaphore(%arg37 : memref<!tpu.dma_semaphore, #tpu.memory_space<semaphore_mem>>) src(%dma_wait3A_290 : memref<8x512xf32, #tpu.memory_space<hbm>>) dst(%arg16 : memref<8x512xf32, #tpu.memory_space<vmem>>)
      %broadcast_in_dim3A_291 = arith.constant 0.000000e+00 : f32
      %broadcast_in_dim3A_292 = vector.broadcast %broadcast_in_dim3A_291 : f32 to vector<16xf32>
      %broadcast_in_dim3A_293 = arith.constant 0.000000e+00 : f32
      %broadcast_in_dim3A_294 = vector.broadcast %broadcast_in_dim3A_293 : f32 to vector<16xf32>
      %broadcast_in_dim3A_295 = arith.constant 0.000000e+00 : f32
      %broadcast_in_dim3A_296 = vector.broadcast %broadcast_in_dim3A_295 : f32 to vector<16xf32>
      %broadcast_in_dim3A_297 = arith.constant 0.000000e+00 : f32
      %broadcast_in_dim3A_298 = vector.broadcast %broadcast_in_dim3A_297 : f32 to vector<16xf32>
      %broadcast_in_dim3A_299 = arith.constant 0.000000e+00 : f32
      %broadcast_in_dim3A_300 = vector.broadcast %broadcast_in_dim3A_299 : f32 to vector<16xf32>
      %broadcast_in_dim3A_301 = arith.constant 0.000000e+00 : f32
      %broadcast_in_dim3A_302 = vector.broadcast %broadcast_in_dim3A_301 : f32 to vector<16xf32>
      %broadcast_in_dim3A_303 = arith.constant 0.000000e+00 : f32
      %broadcast_in_dim3A_304 = vector.broadcast %broadcast_in_dim3A_303 : f32 to vector<16xf32>
      %broadcast_in_dim3A_305 = arith.constant 0.000000e+00 : f32
      %broadcast_in_dim3A_306 = vector.broadcast %broadcast_in_dim3A_305 : f32 to vector<16xf32>
      %scan3A_307 = arith.constant 0 : i32
      %scan3A_308 = arith.constant 32 : i32
      %scan3A_309 = arith.addi %scan3A_307, %scan3A_308 : i32
      %scan3A_310 = arith.constant 1 : i32
      %scan3A_311:8 = scf.for %scan3A_1410 = %scan3A_307 to %scan3A_309 step %scan3A_310 iter_args(%scan3A_1411 = %broadcast_in_dim3A_292, %scan3A_1412 = %broadcast_in_dim3A_294, %scan3A_1413 = %broadcast_in_dim3A_296, %scan3A_1414 = %broadcast_in_dim3A_298, %scan3A_1415 = %broadcast_in_dim3A_300, %scan3A_1416 = %broadcast_in_dim3A_302, %scan3A_1417 = %broadcast_in_dim3A_304, %scan3A_1418 = %broadcast_in_dim3A_306) -> (vector<16xf32>, vector<16xf32>, vector<16xf32>, vector<16xf32>, vector<16xf32>, vector<16xf32>, vector<16xf32>, vector<16xf32>)  : i32 {
        %mul3A_1419 = arith.constant 16 : i32
        %mul3A_1420 = arith.muli %scan3A_1410, %mul3A_1419 : i32
        %multiple_of3A_1421 = tpu.assume_multiple %mul3A_1420, 16 : i32
        %get3A = arith.constant 0 : i32
        %get3A_1422 = arith.index_cast %get3A : i32 to index
        %get3A_1423 = arith.index_cast %multiple_of3A_1421 : i32 to index
        %get3A_1424 = tpu.vector_load %arg14[%get3A_1422, %get3A_1423] {strides = array<i32>} : memref<8x512xf32, #tpu.memory_space<vmem>>, vector<16xf32>,
        %get3A_1425 = arith.constant 0 : i32
        %get3A_1426 = arith.index_cast %get3A_1425 : i32 to index
        %get3A_1427 = arith.index_cast %multiple_of3A_1421 : i32 to index
        %get3A_1428 = tpu.vector_load %arg15[%get3A_1426, %get3A_1427] {strides = array<i32>} : memref<8x512xf32, #tpu.memory_space<vmem>>, vector<16xf32>,
        %get3A_1429 = arith.constant 0 : i32
        %get3A_1430 = arith.index_cast %get3A_1429 : i32 to index
        %get3A_1431 = arith.index_cast %multiple_of3A_1421 : i32 to index
        %get3A_1432 = tpu.vector_load %arg16[%get3A_1430, %get3A_1431] {strides = array<i32>} : memref<8x512xf32, #tpu.memory_space<vmem>>, vector<16xf32>,
        %sub3A_1433 = arith.subf %get3A_1428, %get3A_1432 : vector<16xf32>
        %mul3A_1434 = arith.mulf %get3A_1424, %sub3A_1433 : vector<16xf32>
        %add3A_1435 = arith.addf %scan3A_1411, %mul3A_1434 : vector<16xf32>
        %get3A_1436 = arith.constant 1 : i32
        %get3A_1437 = arith.index_cast %get3A_1436 : i32 to index
        %get3A_1438 = arith.index_cast %multiple_of3A_1421 : i32 to index
        %get3A_1439 = tpu.vector_load %arg14[%get3A_1437, %get3A_1438] {strides = array<i32>} : memref<8x512xf32, #tpu.memory_space<vmem>>, vector<16xf32>,
        %get3A_1440 = arith.constant 1 : i32
        %get3A_1441 = arith.index_cast %get3A_1440 : i32 to index
        %get3A_1442 = arith.index_cast %multiple_of3A_1421 : i32 to index
        %get3A_1443 = tpu.vector_load %arg15[%get3A_1441, %get3A_1442] {strides = array<i32>} : memref<8x512xf32, #tpu.memory_space<vmem>>, vector<16xf32>,
        %get3A_1444 = arith.constant 1 : i32
        %get3A_1445 = arith.index_cast %get3A_1444 : i32 to index
        %get3A_1446 = arith.index_cast %multiple_of3A_1421 : i32 to index
        %get3A_1447 = tpu.vector_load %arg16[%get3A_1445, %get3A_1446] {strides = array<i32>} : memref<8x512xf32, #tpu.memory_space<vmem>>, vector<16xf32>,
        %sub3A_1448 = arith.subf %get3A_1443, %get3A_1447 : vector<16xf32>
        %mul3A_1449 = arith.mulf %get3A_1439, %sub3A_1448 : vector<16xf32>
        %add3A_1450 = arith.addf %scan3A_1412, %mul3A_1449 : vector<16xf32>
        %get3A_1451 = arith.constant 2 : i32
        %get3A_1452 = arith.index_cast %get3A_1451 : i32 to index
        %get3A_1453 = arith.index_cast %multiple_of3A_1421 : i32 to index
        %get3A_1454 = tpu.vector_load %arg14[%get3A_1452, %get3A_1453] {strides = array<i32>} : memref<8x512xf32, #tpu.memory_space<vmem>>, vector<16xf32>,
        %get3A_1455 = arith.constant 2 : i32
        %get3A_1456 = arith.index_cast %get3A_1455 : i32 to index
        %get3A_1457 = arith.index_cast %multiple_of3A_1421 : i32 to index
        %get3A_1458 = tpu.vector_load %arg15[%get3A_1456, %get3A_1457] {strides = array<i32>} : memref<8x512xf32, #tpu.memory_space<vmem>>, vector<16xf32>,
        %get3A_1459 = arith.constant 2 : i32
        %get3A_1460 = arith.index_cast %get3A_1459 : i32 to index
        %get3A_1461 = arith.index_cast %multiple_of3A_1421 : i32 to index
        %get3A_1462 = tpu.vector_load %arg16[%get3A_1460, %get3A_1461] {strides = array<i32>} : memref<8x512xf32, #tpu.memory_space<vmem>>, vector<16xf32>,
        %sub3A_1463 = arith.subf %get3A_1458, %get3A_1462 : vector<16xf32>
        %mul3A_1464 = arith.mulf %get3A_1454, %sub3A_1463 : vector<16xf32>
        %add3A_1465 = arith.addf %scan3A_1413, %mul3A_1464 : vector<16xf32>
        %get3A_1466 = arith.constant 3 : i32
        %get3A_1467 = arith.index_cast %get3A_1466 : i32 to index
        %get3A_1468 = arith.index_cast %multiple_of3A_1421 : i32 to index
        %get3A_1469 = tpu.vector_load %arg14[%get3A_1467, %get3A_1468] {strides = array<i32>} : memref<8x512xf32, #tpu.memory_space<vmem>>, vector<16xf32>,
        %get3A_1470 = arith.constant 3 : i32
        %get3A_1471 = arith.index_cast %get3A_1470 : i32 to index
        %get3A_1472 = arith.index_cast %multiple_of3A_1421 : i32 to index
        %get3A_1473 = tpu.vector_load %arg15[%get3A_1471, %get3A_1472] {strides = array<i32>} : memref<8x512xf32, #tpu.memory_space<vmem>>, vector<16xf32>,
        %get3A_1474 = arith.constant 3 : i32
        %get3A_1475 = arith.index_cast %get3A_1474 : i32 to index
        %get3A_1476 = arith.index_cast %multiple_of3A_1421 : i32 to index
        %get3A_1477 = tpu.vector_load %arg16[%get3A_1475, %get3A_1476] {strides = array<i32>} : memref<8x512xf32, #tpu.memory_space<vmem>>, vector<16xf32>,
        %sub3A_1478 = arith.subf %get3A_1473, %get3A_1477 : vector<16xf32>
        %mul3A_1479 = arith.mulf %get3A_1469, %sub3A_1478 : vector<16xf32>
        %add3A_1480 = arith.addf %scan3A_1414, %mul3A_1479 : vector<16xf32>
        %get3A_1481 = arith.constant 4 : i32
        %get3A_1482 = arith.index_cast %get3A_1481 : i32 to index
        %get3A_1483 = arith.index_cast %multiple_of3A_1421 : i32 to index
        %get3A_1484 = tpu.vector_load %arg14[%get3A_1482, %get3A_1483] {strides = array<i32>} : memref<8x512xf32, #tpu.memory_space<vmem>>, vector<16xf32>,
        %get3A_1485 = arith.constant 4 : i32
        %get3A_1486 = arith.index_cast %get3A_1485 : i32 to index
        %get3A_1487 = arith.index_cast %multiple_of3A_1421 : i32 to index
        %get3A_1488 = tpu.vector_load %arg15[%get3A_1486, %get3A_1487] {strides = array<i32>} : memref<8x512xf32, #tpu.memory_space<vmem>>, vector<16xf32>,
        %get3A_1489 = arith.constant 4 : i32
        %get3A_1490 = arith.index_cast %get3A_1489 : i32 to index
        %get3A_1491 = arith.index_cast %multiple_of3A_1421 : i32 to index
        %get3A_1492 = tpu.vector_load %arg16[%get3A_1490, %get3A_1491] {strides = array<i32>} : memref<8x512xf32, #tpu.memory_space<vmem>>, vector<16xf32>,
        %sub3A_1493 = arith.subf %get3A_1488, %get3A_1492 : vector<16xf32>
        %mul3A_1494 = arith.mulf %get3A_1484, %sub3A_1493 : vector<16xf32>
        %add3A_1495 = arith.addf %scan3A_1415, %mul3A_1494 : vector<16xf32>
        %get3A_1496 = arith.constant 5 : i32
        %get3A_1497 = arith.index_cast %get3A_1496 : i32 to index
        %get3A_1498 = arith.index_cast %multiple_of3A_1421 : i32 to index
        %get3A_1499 = tpu.vector_load %arg14[%get3A_1497, %get3A_1498] {strides = array<i32>} : memref<8x512xf32, #tpu.memory_space<vmem>>, vector<16xf32>,
        %get3A_1500 = arith.constant 5 : i32
        %get3A_1501 = arith.index_cast %get3A_1500 : i32 to index
        %get3A_1502 = arith.index_cast %multiple_of3A_1421 : i32 to index
        %get3A_1503 = tpu.vector_load %arg15[%get3A_1501, %get3A_1502] {strides = array<i32>} : memref<8x512xf32, #tpu.memory_space<vmem>>, vector<16xf32>,
        %get3A_1504 = arith.constant 5 : i32
        %get3A_1505 = arith.index_cast %get3A_1504 : i32 to index
        %get3A_1506 = arith.index_cast %multiple_of3A_1421 : i32 to index
        %get3A_1507 = tpu.vector_load %arg16[%get3A_1505, %get3A_1506] {strides = array<i32>} : memref<8x512xf32, #tpu.memory_space<vmem>>, vector<16xf32>,
        %sub3A_1508 = arith.subf %get3A_1503, %get3A_1507 : vector<16xf32>
        %mul3A_1509 = arith.mulf %get3A_1499, %sub3A_1508 : vector<16xf32>
        %add3A_1510 = arith.addf %scan3A_1416, %mul3A_1509 : vector<16xf32>
        %get3A_1511 = arith.constant 6 : i32
        %get3A_1512 = arith.index_cast %get3A_1511 : i32 to index
        %get3A_1513 = arith.index_cast %multiple_of3A_1421 : i32 to index
        %get3A_1514 = tpu.vector_load %arg14[%get3A_1512, %get3A_1513] {strides = array<i32>} : memref<8x512xf32, #tpu.memory_space<vmem>>, vector<16xf32>,
        %get3A_1515 = arith.constant 6 : i32
        %get3A_1516 = arith.index_cast %get3A_1515 : i32 to index
        %get3A_1517 = arith.index_cast %multiple_of3A_1421 : i32 to index
        %get3A_1518 = tpu.vector_load %arg15[%get3A_1516, %get3A_1517] {strides = array<i32>} : memref<8x512xf32, #tpu.memory_space<vmem>>, vector<16xf32>,
        %get3A_1519 = arith.constant 6 : i32
        %get3A_1520 = arith.index_cast %get3A_1519 : i32 to index
        %get3A_1521 = arith.index_cast %multiple_of3A_1421 : i32 to index
        %get3A_1522 = tpu.vector_load %arg16[%get3A_1520, %get3A_1521] {strides = array<i32>} : memref<8x512xf32, #tpu.memory_space<vmem>>, vector<16xf32>,
        %sub3A_1523 = arith.subf %get3A_1518, %get3A_1522 : vector<16xf32>
        %mul3A_1524 = arith.mulf %get3A_1514, %sub3A_1523 : vector<16xf32>
        %add3A_1525 = arith.addf %scan3A_1417, %mul3A_1524 : vector<16xf32>
        %get3A_1526 = arith.constant 7 : i32
        %get3A_1527 = arith.index_cast %get3A_1526 : i32 to index
        %get3A_1528 = arith.index_cast %multiple_of3A_1421 : i32 to index
        %get3A_1529 = tpu.vector_load %arg14[%get3A_1527, %get3A_1528] {strides = array<i32>} : memref<8x512xf32, #tpu.memory_space<vmem>>, vector<16xf32>,
        %get3A_1530 = arith.constant 7 : i32
        %get3A_1531 = arith.index_cast %get3A_1530 : i32 to index
        %get3A_1532 = arith.index_cast %multiple_of3A_1421 : i32 to index
        %get3A_1533 = tpu.vector_load %arg15[%get3A_1531, %get3A_1532] {strides = array<i32>} : memref<8x512xf32, #tpu.memory_space<vmem>>, vector<16xf32>,
        %get3A_1534 = arith.constant 7 : i32
        %get3A_1535 = arith.index_cast %get3A_1534 : i32 to index
        %get3A_1536 = arith.index_cast %multiple_of3A_1421 : i32 to index
        %get3A_1537 = tpu.vector_load %arg16[%get3A_1535, %get3A_1536] {strides = array<i32>} : memref<8x512xf32, #tpu.memory_space<vmem>>, vector<16xf32>,
        %sub3A_1538 = arith.subf %get3A_1533, %get3A_1537 : vector<16xf32>
        %mul3A_1539 = arith.mulf %get3A_1529, %sub3A_1538 : vector<16xf32>
        %add3A_1540 = arith.addf %scan3A_1418, %mul3A_1539 : vector<16xf32>
        scf.yield %add3A_1435, %add3A_1450, %add3A_1465, %add3A_1480, %add3A_1495, %add3A_1510, %add3A_1525, %add3A_1540 : vector<16xf32>, vector<16xf32>, vector<16xf32>, vector<16xf32>, vector<16xf32>, vector<16xf32>, vector<16xf32>, vector<16xf32>
      }
      %scan3A_312 = arith.constant 32 : i32
      %broadcast_in_dim3A_313 = arith.constant 0.000000e+00 : f32
      %broadcast_in_dim3A_314 = vector.broadcast %broadcast_in_dim3A_313 : f32 to vector<16xf32>
      %eq3A_315 = arith.constant 0 : i32
      %eq3A_316 = vector.broadcast %eq3A_315 : i32 to vector<16xi32>
      %eq3A_317 = arith.cmpi eq, %iota3A, %eq3A_316 : vector<16xi32>
      %reduce_sum3A_318 = arith.constant true
      %reduce_sum3A_319 = vector.broadcast %reduce_sum3A_318 : i1 to vector<16xi1>
      %reduce_sum3A_320 = tpu.scan <sum>, %scan3A_311#0 masked %reduce_sum3A_319 : vector<16xf32>, vector<16xi1> -> vector<16xf32>
      %reduce_sum3A_321 = vector.extract %reduce_sum3A_320[15] : f32 from vector<16xf32>
      %broadcast_in_dim3A_322 = vector.broadcast %reduce_sum3A_321 : f32 to vector<16xf32>
      %select_n3A_323 = arith.select %eq3A_317, %broadcast_in_dim3A_322, %broadcast_in_dim3A_314 : vector<16xi1>, vector<16xf32>
      %eq3A_324 = arith.constant 1 : i32
      %eq3A_325 = vector.broadcast %eq3A_324 : i32 to vector<16xi32>
      %eq3A_326 = arith.cmpi eq, %iota3A, %eq3A_325 : vector<16xi32>
      %reduce_sum3A_327 = arith.constant true
      %reduce_sum3A_328 = vector.broadcast %reduce_sum3A_327 : i1 to vector<16xi1>
      %reduce_sum3A_329 = tpu.scan <sum>, %scan3A_311#1 masked %reduce_sum3A_328 : vector<16xf32>, vector<16xi1> -> vector<16xf32>
      %reduce_sum3A_330 = vector.extract %reduce_sum3A_329[15] : f32 from vector<16xf32>
      %broadcast_in_dim3A_331 = vector.broadcast %reduce_sum3A_330 : f32 to vector<16xf32>
      %select_n3A_332 = arith.select %eq3A_326, %broadcast_in_dim3A_331, %select_n3A_323 : vector<16xi1>, vector<16xf32>
      %eq3A_333 = arith.constant 2 : i32
      %eq3A_334 = vector.broadcast %eq3A_333 : i32 to vector<16xi32>
      %eq3A_335 = arith.cmpi eq, %iota3A, %eq3A_334 : vector<16xi32>
      %reduce_sum3A_336 = arith.constant true
      %reduce_sum3A_337 = vector.broadcast %reduce_sum3A_336 : i1 to vector<16xi1>
      %reduce_sum3A_338 = tpu.scan <sum>, %scan3A_311#2 masked %reduce_sum3A_337 : vector<16xf32>, vector<16xi1> -> vector<16xf32>
      %reduce_sum3A_339 = vector.extract %reduce_sum3A_338[15] : f32 from vector<16xf32>
      %broadcast_in_dim3A_340 = vector.broadcast %reduce_sum3A_339 : f32 to vector<16xf32>
      %select_n3A_341 = arith.select %eq3A_335, %broadcast_in_dim3A_340, %select_n3A_332 : vector<16xi1>, vector<16xf32>
      %eq3A_342 = arith.constant 3 : i32
      %eq3A_343 = vector.broadcast %eq3A_342 : i32 to vector<16xi32>
      %eq3A_344 = arith.cmpi eq, %iota3A, %eq3A_343 : vector<16xi32>
      %reduce_sum3A_345 = arith.constant true
      %reduce_sum3A_346 = vector.broadcast %reduce_sum3A_345 : i1 to vector<16xi1>
      %reduce_sum3A_347 = tpu.scan <sum>, %scan3A_311#3 masked %reduce_sum3A_346 : vector<16xf32>, vector<16xi1> -> vector<16xf32>
      %reduce_sum3A_348 = vector.extract %reduce_sum3A_347[15] : f32 from vector<16xf32>
      %broadcast_in_dim3A_349 = vector.broadcast %reduce_sum3A_348 : f32 to vector<16xf32>
      %select_n3A_350 = arith.select %eq3A_344, %broadcast_in_dim3A_349, %select_n3A_341 : vector<16xi1>, vector<16xf32>
      %eq3A_351 = arith.constant 4 : i32
      %eq3A_352 = vector.broadcast %eq3A_351 : i32 to vector<16xi32>
      %eq3A_353 = arith.cmpi eq, %iota3A, %eq3A_352 : vector<16xi32>
      %reduce_sum3A_354 = arith.constant true
      %reduce_sum3A_355 = vector.broadcast %reduce_sum3A_354 : i1 to vector<16xi1>
      %reduce_sum3A_356 = tpu.scan <sum>, %scan3A_311#4 masked %reduce_sum3A_355 : vector<16xf32>, vector<16xi1> -> vector<16xf32>
      %reduce_sum3A_357 = vector.extract %reduce_sum3A_356[15] : f32 from vector<16xf32>
      %broadcast_in_dim3A_358 = vector.broadcast %reduce_sum3A_357 : f32 to vector<16xf32>
      %select_n3A_359 = arith.select %eq3A_353, %broadcast_in_dim3A_358, %select_n3A_350 : vector<16xi1>, vector<16xf32>
      %eq3A_360 = arith.constant 5 : i32
      %eq3A_361 = vector.broadcast %eq3A_360 : i32 to vector<16xi32>
      %eq3A_362 = arith.cmpi eq, %iota3A, %eq3A_361 : vector<16xi32>
      %reduce_sum3A_363 = arith.constant true
      %reduce_sum3A_364 = vector.broadcast %reduce_sum3A_363 : i1 to vector<16xi1>
      %reduce_sum3A_365 = tpu.scan <sum>, %scan3A_311#5 masked %reduce_sum3A_364 : vector<16xf32>, vector<16xi1> -> vector<16xf32>
      %reduce_sum3A_366 = vector.extract %reduce_sum3A_365[15] : f32 from vector<16xf32>
      %broadcast_in_dim3A_367 = vector.broadcast %reduce_sum3A_366 : f32 to vector<16xf32>
      %select_n3A_368 = arith.select %eq3A_362, %broadcast_in_dim3A_367, %select_n3A_359 : vector<16xi1>, vector<16xf32>
      %eq3A_369 = arith.constant 6 : i32
      %eq3A_370 = vector.broadcast %eq3A_369 : i32 to vector<16xi32>
      %eq3A_371 = arith.cmpi eq, %iota3A, %eq3A_370 : vector<16xi32>
      %reduce_sum3A_372 = arith.constant true
      %reduce_sum3A_373 = vector.broadcast %reduce_sum3A_372 : i1 to vector<16xi1>
      %reduce_sum3A_374 = tpu.scan <sum>, %scan3A_311#6 masked %reduce_sum3A_373 : vector<16xf32>, vector<16xi1> -> vector<16xf32>
      %reduce_sum3A_375 = vector.extract %reduce_sum3A_374[15] : f32 from vector<16xf32>
      %broadcast_in_dim3A_376 = vector.broadcast %reduce_sum3A_375 : f32 to vector<16xf32>
      %select_n3A_377 = arith.select %eq3A_371, %broadcast_in_dim3A_376, %select_n3A_368 : vector<16xi1>, vector<16xf32>
      %eq3A_378 = arith.constant 7 : i32
      %eq3A_379 = vector.broadcast %eq3A_378 : i32 to vector<16xi32>
      %eq3A_380 = arith.cmpi eq, %iota3A, %eq3A_379 : vector<16xi32>
      %reduce_sum3A_381 = arith.constant true
      %reduce_sum3A_382 = vector.broadcast %reduce_sum3A_381 : i1 to vector<16xi1>
      %reduce_sum3A_383 = tpu.scan <sum>, %scan3A_311#7 masked %reduce_sum3A_382 : vector<16xf32>, vector<16xi1> -> vector<16xf32>
      %reduce_sum3A_384 = vector.extract %reduce_sum3A_383[15] : f32 from vector<16xf32>
      %broadcast_in_dim3A_385 = vector.broadcast %reduce_sum3A_384 : f32 to vector<16xf32>
      %select_n3A_386 = arith.select %eq3A_380, %broadcast_in_dim3A_385, %select_n3A_377 : vector<16xi1>, vector<16xf32>
      %abs3A_387 = math.absf %select_n3A_386 : vector<16xf32>
      %neg3A_388 = arith.constant 0.000000e+00 : f32
      %neg3A_389 = vector.broadcast %neg3A_388 : f32 to vector<16xf32>
      %neg3A_390 = arith.subf %neg3A_389, %abs3A_387 : vector<16xf32>
      %exp3A_391 = math.exp %neg3A_390 : vector<16xf32>
      %add3A_392 = arith.constant 2.000000e+00 : f32
      %add3A_393 = vector.broadcast %add3A_392 : f32 to vector<16xf32>
      %add3A_394 = arith.addf %add3A_393, %exp3A_391 : vector<16xf32>
      %div3A_395 = arith.divf %exp3A_391, %add3A_394 : vector<16xf32>
      %mul3A_396 = arith.mulf %div3A_395, %div3A_395 : vector<16xf32>
      %mul3A_397 = arith.constant 2.000000e+00 : f32
      %mul3A_398 = vector.broadcast %mul3A_397 : f32 to vector<16xf32>
      %mul3A_399 = arith.mulf %mul3A_398, %div3A_395 : vector<16xf32>
      %mul3A_400 = arith.constant 0.142857149 : f32
      %mul3A_401 = vector.broadcast %mul3A_400 : f32 to vector<16xf32>
      %mul3A_402 = arith.mulf %mul3A_396, %mul3A_401 : vector<16xf32>
      %add3A_403 = arith.constant 2.000000e-01 : f32
      %add3A_404 = vector.broadcast %add3A_403 : f32 to vector<16xf32>
      %add3A_405 = arith.addf %add3A_404, %mul3A_402 : vector<16xf32>
      %mul3A_406 = arith.mulf %mul3A_396, %add3A_405 : vector<16xf32>
      %add3A_407 = arith.constant 0.333333343 : f32
      %add3A_408 = vector.broadcast %add3A_407 : f32 to vector<16xf32>
      %add3A_409 = arith.addf %add3A_408, %mul3A_406 : vector<16xf32>
      %mul3A_410 = arith.mulf %mul3A_396, %add3A_409 : vector<16xf32>
      %add3A_411 = arith.constant 1.000000e+00 : f32
      %add3A_412 = vector.broadcast %add3A_411 : f32 to vector<16xf32>
      %add3A_413 = arith.addf %add3A_412, %mul3A_410 : vector<16xf32>
      %mul3A_414 = arith.mulf %mul3A_399, %add3A_413 : vector<16xf32>
      %min3A_415 = arith.constant 0.000000e+00 : f32
      %min3A_416 = vector.broadcast %min3A_415 : f32 to vector<16xf32>
      %min3A_417 = arith.minimumf %select_n3A_386, %min3A_416 : vector<16xf32>
      %sub3A_418 = arith.subf %mul3A_414, %min3A_417 : vector<16xf32>
      %lt3A_419 = arith.constant 8 : i32
      %lt3A_420 = vector.broadcast %lt3A_419 : i32 to vector<16xi32>
      %lt3A_421 = arith.cmpi slt, %iota3A, %lt3A_420 : vector<16xi32>
      %jit3A_422 = arith.constant 0.000000e+00 : f32
      %broadcast_in_dim3A_423 = vector.broadcast %jit3A_422 : f32 to vector<16xf32>
      %select_n3A_424 = arith.select %lt3A_421, %sub3A_418, %broadcast_in_dim3A_423 : vector<16xi1>, vector<16xf32>
      %add3A_425 = arith.addf %add3A_261, %select_n3A_424 : vector<16xf32>
      %add3A_426 = arith.constant 2 : i32
      %add3A_427 = arith.addi %mul3A_111, %add3A_426 : i32
      %add3A_428 = arith.constant 8 : i32
      %add3A_429 = arith.addi %add3A_427, %add3A_428 : i32
      %sub3A_430 = arith.constant 1 : i32
      %sub3A_431 = arith.subi %add3A_429, %sub3A_430 : i32
      %lt3A_432 = arith.constant 64 : i32
      %lt3A_433 = arith.cmpi slt, %sub3A_431, %lt3A_432 : i32
      %convert_element_type3A_434 = arith.extui %lt3A_433 : i1 to i32
      %cond3A_435 = arith.constant 0 : i32
      %cond3A_436 = arith.cmpi ne, %convert_element_type3A_434, %cond3A_435 : i32
      scf.if %cond3A_436 {
        %add3A_1410 = arith.constant 8 : i32
        %add3A_1411 = arith.addi %add3A_427, %add3A_1410 : i32
        %sub3A_1412 = arith.constant 1 : i32
        %sub3A_1413 = arith.subi %add3A_1411, %sub3A_1412 : i32
        %mul3A_1414 = arith.constant 8 : i32
        %mul3A_1415 = arith.muli %sub3A_1413, %mul3A_1414 : i32
        %multiple_of3A_1416 = tpu.assume_multiple %mul3A_1415, 8 : i32
        %dma_start3A_1417 = tpu.memref_slice %arg8[%multiple_of3A_1416] : memref<512xi32, #tpu.memory_space<vmem>> -> memref<8xi32, #tpu.memory_space<vmem>>
        %dma_start3A_1418 = arith.constant 0 : i32
        %dma_start3A_1419 = arith.constant 0 : i32
        %dma_start3A_1420 = tpu.memref_slice %arg2[%dma_start3A_1418, %dma_start3A_1419] : memref<100000x512xf32, #tpu.memory_space<hbm>> -> memref<100000x512xf32, #tpu.memory_space<hbm>>
        tpu.enqueue_indirect_dma source(%dma_start3A_1420 : memref<100000x512xf32, #tpu.memory_space<hbm>>) target(%arg14 : memref<8x512xf32, #tpu.memory_space<vmem>>) offsets(%dma_start3A_1417 : memref<8xi32, #tpu.memory_space<vmem>>) semaphore(%arg37 : memref<!tpu.dma_semaphore, #tpu.memory_space<semaphore_mem>>)
        %dma_start3A_1421 = tpu.memref_slice %arg9[%multiple_of3A_1416] : memref<512xi32, #tpu.memory_space<vmem>> -> memref<8xi32, #tpu.memory_space<vmem>>
        %dma_start3A_1422 = arith.constant 0 : i32
        %dma_start3A_1423 = arith.constant 0 : i32
        %dma_start3A_1424 = tpu.memref_slice %arg3[%dma_start3A_1422, %dma_start3A_1423] : memref<100000x512xf32, #tpu.memory_space<hbm>> -> memref<100000x512xf32, #tpu.memory_space<hbm>>
        tpu.enqueue_indirect_dma source(%dma_start3A_1424 : memref<100000x512xf32, #tpu.memory_space<hbm>>) target(%arg15 : memref<8x512xf32, #tpu.memory_space<vmem>>) offsets(%dma_start3A_1421 : memref<8xi32, #tpu.memory_space<vmem>>) semaphore(%arg37 : memref<!tpu.dma_semaphore, #tpu.memory_space<semaphore_mem>>)
        %dma_start3A_1425 = tpu.memref_slice %arg10[%multiple_of3A_1416] : memref<512xi32, #tpu.memory_space<vmem>> -> memref<8xi32, #tpu.memory_space<vmem>>
        %dma_start3A_1426 = arith.constant 0 : i32
        %dma_start3A_1427 = arith.constant 0 : i32
        %dma_start3A_1428 = tpu.memref_slice %arg3[%dma_start3A_1426, %dma_start3A_1427] : memref<100000x512xf32, #tpu.memory_space<hbm>> -> memref<100000x512xf32, #tpu.memory_space<hbm>>
        tpu.enqueue_indirect_dma source(%dma_start3A_1428 : memref<100000x512xf32, #tpu.memory_space<hbm>>) target(%arg16 : memref<8x512xf32, #tpu.memory_space<vmem>>) offsets(%dma_start3A_1425 : memref<8xi32, #tpu.memory_space<vmem>>) semaphore(%arg37 : memref<!tpu.dma_semaphore, #tpu.memory_space<semaphore_mem>>)
      } else {
      }
      %dma_wait3A_437 = arith.constant 0 : i32
      %dma_wait3A_438 = arith.constant 0 : i32
      %dma_wait3A_439 = tpu.memref_slice %arg2[%dma_wait3A_437, %dma_wait3A_438] : memref<100000x512xf32, #tpu.memory_space<hbm>> -> memref<8x512xf32, #tpu.memory_space<hbm>>
      %dma_wait3A_440 = arith.constant 0 : i32
      %dma_wait3A_441 = arith.constant 0 : i32
      %dma_wait3A_442 = tpu.memref_slice %arg2[%dma_wait3A_440, %dma_wait3A_441] : memref<100000x512xf32, #tpu.memory_space<hbm>> -> memref<8x512xf32, #tpu.memory_space<hbm>>
      tpu.wait_dma2 semaphore(%arg38 : memref<!tpu.dma_semaphore, #tpu.memory_space<semaphore_mem>>) src(%dma_wait3A_442 : memref<8x512xf32, #tpu.memory_space<hbm>>) dst(%arg17 : memref<8x512xf32, #tpu.memory_space<vmem>>)
      %dma_wait3A_443 = arith.constant 0 : i32
      %dma_wait3A_444 = arith.constant 0 : i32
      %dma_wait3A_445 = tpu.memref_slice %arg3[%dma_wait3A_443, %dma_wait3A_444] : memref<100000x512xf32, #tpu.memory_space<hbm>> -> memref<8x512xf32, #tpu.memory_space<hbm>>
      %dma_wait3A_446 = arith.constant 0 : i32
      %dma_wait3A_447 = arith.constant 0 : i32
      %dma_wait3A_448 = tpu.memref_slice %arg3[%dma_wait3A_446, %dma_wait3A_447] : memref<100000x512xf32, #tpu.memory_space<hbm>> -> memref<8x512xf32, #tpu.memory_space<hbm>>
      tpu.wait_dma2 semaphore(%arg38 : memref<!tpu.dma_semaphore, #tpu.memory_space<semaphore_mem>>) src(%dma_wait3A_448 : memref<8x512xf32, #tpu.memory_space<hbm>>) dst(%arg18 : memref<8x512xf32, #tpu.memory_space<vmem>>)
      %dma_wait3A_449 = arith.constant 0 : i32
      %dma_wait3A_450 = arith.constant 0 : i32
      %dma_wait3A_451 = tpu.memref_slice %arg3[%dma_wait3A_449, %dma_wait3A_450] : memref<100000x512xf32, #tpu.memory_space<hbm>> -> memref<8x512xf32, #tpu.memory_space<hbm>>
      %dma_wait3A_452 = arith.constant 0 : i32
      %dma_wait3A_453 = arith.constant 0 : i32
      %dma_wait3A_454 = tpu.memref_slice %arg3[%dma_wait3A_452, %dma_wait3A_453] : memref<100000x512xf32, #tpu.memory_space<hbm>> -> memref<8x512xf32, #tpu.memory_space<hbm>>
      tpu.wait_dma2 semaphore(%arg38 : memref<!tpu.dma_semaphore, #tpu.memory_space<semaphore_mem>>) src(%dma_wait3A_454 : memref<8x512xf32, #tpu.memory_space<hbm>>) dst(%arg19 : memref<8x512xf32, #tpu.memory_space<vmem>>)
      %broadcast_in_dim3A_455 = arith.constant 0.000000e+00 : f32
      %broadcast_in_dim3A_456 = vector.broadcast %broadcast_in_dim3A_455 : f32 to vector<16xf32>
      %broadcast_in_dim3A_457 = arith.constant 0.000000e+00 : f32
      %broadcast_in_dim3A_458 = vector.broadcast %broadcast_in_dim3A_457 : f32 to vector<16xf32>
      %broadcast_in_dim3A_459 = arith.constant 0.000000e+00 : f32
      %broadcast_in_dim3A_460 = vector.broadcast %broadcast_in_dim3A_459 : f32 to vector<16xf32>
      %broadcast_in_dim3A_461 = arith.constant 0.000000e+00 : f32
      %broadcast_in_dim3A_462 = vector.broadcast %broadcast_in_dim3A_461 : f32 to vector<16xf32>
      %broadcast_in_dim3A_463 = arith.constant 0.000000e+00 : f32
      %broadcast_in_dim3A_464 = vector.broadcast %broadcast_in_dim3A_463 : f32 to vector<16xf32>
      %broadcast_in_dim3A_465 = arith.constant 0.000000e+00 : f32
      %broadcast_in_dim3A_466 = vector.broadcast %broadcast_in_dim3A_465 : f32 to vector<16xf32>
      %broadcast_in_dim3A_467 = arith.constant 0.000000e+00 : f32
      %broadcast_in_dim3A_468 = vector.broadcast %broadcast_in_dim3A_467 : f32 to vector<16xf32>
      %broadcast_in_dim3A_469 = arith.constant 0.000000e+00 : f32
      %broadcast_in_dim3A_470 = vector.broadcast %broadcast_in_dim3A_469 : f32 to vector<16xf32>
      %scan3A_471 = arith.constant 0 : i32
      %scan3A_472 = arith.constant 32 : i32
      %scan3A_473 = arith.addi %scan3A_471, %scan3A_472 : i32
      %scan3A_474 = arith.constant 1 : i32
      %scan3A_475:8 = scf.for %scan3A_1410 = %scan3A_471 to %scan3A_473 step %scan3A_474 iter_args(%scan3A_1411 = %broadcast_in_dim3A_456, %scan3A_1412 = %broadcast_in_dim3A_458, %scan3A_1413 = %broadcast_in_dim3A_460, %scan3A_1414 = %broadcast_in_dim3A_462, %scan3A_1415 = %broadcast_in_dim3A_464, %scan3A_1416 = %broadcast_in_dim3A_466, %scan3A_1417 = %broadcast_in_dim3A_468, %scan3A_1418 = %broadcast_in_dim3A_470) -> (vector<16xf32>, vector<16xf32>, vector<16xf32>, vector<16xf32>, vector<16xf32>, vector<16xf32>, vector<16xf32>, vector<16xf32>)  : i32 {
        %mul3A_1419 = arith.constant 16 : i32
        %mul3A_1420 = arith.muli %scan3A_1410, %mul3A_1419 : i32
        %multiple_of3A_1421 = tpu.assume_multiple %mul3A_1420, 16 : i32
        %get3A = arith.constant 0 : i32
        %get3A_1422 = arith.index_cast %get3A : i32 to index
        %get3A_1423 = arith.index_cast %multiple_of3A_1421 : i32 to index
        %get3A_1424 = tpu.vector_load %arg17[%get3A_1422, %get3A_1423] {strides = array<i32>} : memref<8x512xf32, #tpu.memory_space<vmem>>, vector<16xf32>,
        %get3A_1425 = arith.constant 0 : i32
        %get3A_1426 = arith.index_cast %get3A_1425 : i32 to index
        %get3A_1427 = arith.index_cast %multiple_of3A_1421 : i32 to index
        %get3A_1428 = tpu.vector_load %arg18[%get3A_1426, %get3A_1427] {strides = array<i32>} : memref<8x512xf32, #tpu.memory_space<vmem>>, vector<16xf32>,
        %get3A_1429 = arith.constant 0 : i32
        %get3A_1430 = arith.index_cast %get3A_1429 : i32 to index
        %get3A_1431 = arith.index_cast %multiple_of3A_1421 : i32 to index
        %get3A_1432 = tpu.vector_load %arg19[%get3A_1430, %get3A_1431] {strides = array<i32>} : memref<8x512xf32, #tpu.memory_space<vmem>>, vector<16xf32>,
        %sub3A_1433 = arith.subf %get3A_1428, %get3A_1432 : vector<16xf32>
        %mul3A_1434 = arith.mulf %get3A_1424, %sub3A_1433 : vector<16xf32>
        %add3A_1435 = arith.addf %scan3A_1411, %mul3A_1434 : vector<16xf32>
        %get3A_1436 = arith.constant 1 : i32
        %get3A_1437 = arith.index_cast %get3A_1436 : i32 to index
        %get3A_1438 = arith.index_cast %multiple_of3A_1421 : i32 to index
        %get3A_1439 = tpu.vector_load %arg17[%get3A_1437, %get3A_1438] {strides = array<i32>} : memref<8x512xf32, #tpu.memory_space<vmem>>, vector<16xf32>,
        %get3A_1440 = arith.constant 1 : i32
        %get3A_1441 = arith.index_cast %get3A_1440 : i32 to index
        %get3A_1442 = arith.index_cast %multiple_of3A_1421 : i32 to index
        %get3A_1443 = tpu.vector_load %arg18[%get3A_1441, %get3A_1442] {strides = array<i32>} : memref<8x512xf32, #tpu.memory_space<vmem>>, vector<16xf32>,
        %get3A_1444 = arith.constant 1 : i32
        %get3A_1445 = arith.index_cast %get3A_1444 : i32 to index
        %get3A_1446 = arith.index_cast %multiple_of3A_1421 : i32 to index
        %get3A_1447 = tpu.vector_load %arg19[%get3A_1445, %get3A_1446] {strides = array<i32>} : memref<8x512xf32, #tpu.memory_space<vmem>>, vector<16xf32>,
        %sub3A_1448 = arith.subf %get3A_1443, %get3A_1447 : vector<16xf32>
        %mul3A_1449 = arith.mulf %get3A_1439, %sub3A_1448 : vector<16xf32>
        %add3A_1450 = arith.addf %scan3A_1412, %mul3A_1449 : vector<16xf32>
        %get3A_1451 = arith.constant 2 : i32
        %get3A_1452 = arith.index_cast %get3A_1451 : i32 to index
        %get3A_1453 = arith.index_cast %multiple_of3A_1421 : i32 to index
        %get3A_1454 = tpu.vector_load %arg17[%get3A_1452, %get3A_1453] {strides = array<i32>} : memref<8x512xf32, #tpu.memory_space<vmem>>, vector<16xf32>,
        %get3A_1455 = arith.constant 2 : i32
        %get3A_1456 = arith.index_cast %get3A_1455 : i32 to index
        %get3A_1457 = arith.index_cast %multiple_of3A_1421 : i32 to index
        %get3A_1458 = tpu.vector_load %arg18[%get3A_1456, %get3A_1457] {strides = array<i32>} : memref<8x512xf32, #tpu.memory_space<vmem>>, vector<16xf32>,
        %get3A_1459 = arith.constant 2 : i32
        %get3A_1460 = arith.index_cast %get3A_1459 : i32 to index
        %get3A_1461 = arith.index_cast %multiple_of3A_1421 : i32 to index
        %get3A_1462 = tpu.vector_load %arg19[%get3A_1460, %get3A_1461] {strides = array<i32>} : memref<8x512xf32, #tpu.memory_space<vmem>>, vector<16xf32>,
        %sub3A_1463 = arith.subf %get3A_1458, %get3A_1462 : vector<16xf32>
        %mul3A_1464 = arith.mulf %get3A_1454, %sub3A_1463 : vector<16xf32>
        %add3A_1465 = arith.addf %scan3A_1413, %mul3A_1464 : vector<16xf32>
        %get3A_1466 = arith.constant 3 : i32
        %get3A_1467 = arith.index_cast %get3A_1466 : i32 to index
        %get3A_1468 = arith.index_cast %multiple_of3A_1421 : i32 to index
        %get3A_1469 = tpu.vector_load %arg17[%get3A_1467, %get3A_1468] {strides = array<i32>} : memref<8x512xf32, #tpu.memory_space<vmem>>, vector<16xf32>,
        %get3A_1470 = arith.constant 3 : i32
        %get3A_1471 = arith.index_cast %get3A_1470 : i32 to index
        %get3A_1472 = arith.index_cast %multiple_of3A_1421 : i32 to index
        %get3A_1473 = tpu.vector_load %arg18[%get3A_1471, %get3A_1472] {strides = array<i32>} : memref<8x512xf32, #tpu.memory_space<vmem>>, vector<16xf32>,
        %get3A_1474 = arith.constant 3 : i32
        %get3A_1475 = arith.index_cast %get3A_1474 : i32 to index
        %get3A_1476 = arith.index_cast %multiple_of3A_1421 : i32 to index
        %get3A_1477 = tpu.vector_load %arg19[%get3A_1475, %get3A_1476] {strides = array<i32>} : memref<8x512xf32, #tpu.memory_space<vmem>>, vector<16xf32>,
        %sub3A_1478 = arith.subf %get3A_1473, %get3A_1477 : vector<16xf32>
        %mul3A_1479 = arith.mulf %get3A_1469, %sub3A_1478 : vector<16xf32>
        %add3A_1480 = arith.addf %scan3A_1414, %mul3A_1479 : vector<16xf32>
        %get3A_1481 = arith.constant 4 : i32
        %get3A_1482 = arith.index_cast %get3A_1481 : i32 to index
        %get3A_1483 = arith.index_cast %multiple_of3A_1421 : i32 to index
        %get3A_1484 = tpu.vector_load %arg17[%get3A_1482, %get3A_1483] {strides = array<i32>} : memref<8x512xf32, #tpu.memory_space<vmem>>, vector<16xf32>,
        %get3A_1485 = arith.constant 4 : i32
        %get3A_1486 = arith.index_cast %get3A_1485 : i32 to index
        %get3A_1487 = arith.index_cast %multiple_of3A_1421 : i32 to index
        %get3A_1488 = tpu.vector_load %arg18[%get3A_1486, %get3A_1487] {strides = array<i32>} : memref<8x512xf32, #tpu.memory_space<vmem>>, vector<16xf32>,
        %get3A_1489 = arith.constant 4 : i32
        %get3A_1490 = arith.index_cast %get3A_1489 : i32 to index
        %get3A_1491 = arith.index_cast %multiple_of3A_1421 : i32 to index
        %get3A_1492 = tpu.vector_load %arg19[%get3A_1490, %get3A_1491] {strides = array<i32>} : memref<8x512xf32, #tpu.memory_space<vmem>>, vector<16xf32>,
        %sub3A_1493 = arith.subf %get3A_1488, %get3A_1492 : vector<16xf32>
        %mul3A_1494 = arith.mulf %get3A_1484, %sub3A_1493 : vector<16xf32>
        %add3A_1495 = arith.addf %scan3A_1415, %mul3A_1494 : vector<16xf32>
        %get3A_1496 = arith.constant 5 : i32
        %get3A_1497 = arith.index_cast %get3A_1496 : i32 to index
        %get3A_1498 = arith.index_cast %multiple_of3A_1421 : i32 to index
        %get3A_1499 = tpu.vector_load %arg17[%get3A_1497, %get3A_1498] {strides = array<i32>} : memref<8x512xf32, #tpu.memory_space<vmem>>, vector<16xf32>,
        %get3A_1500 = arith.constant 5 : i32
        %get3A_1501 = arith.index_cast %get3A_1500 : i32 to index
        %get3A_1502 = arith.index_cast %multiple_of3A_1421 : i32 to index
        %get3A_1503 = tpu.vector_load %arg18[%get3A_1501, %get3A_1502] {strides = array<i32>} : memref<8x512xf32, #tpu.memory_space<vmem>>, vector<16xf32>,
        %get3A_1504 = arith.constant 5 : i32
        %get3A_1505 = arith.index_cast %get3A_1504 : i32 to index
        %get3A_1506 = arith.index_cast %multiple_of3A_1421 : i32 to index
        %get3A_1507 = tpu.vector_load %arg19[%get3A_1505, %get3A_1506] {strides = array<i32>} : memref<8x512xf32, #tpu.memory_space<vmem>>, vector<16xf32>,
        %sub3A_1508 = arith.subf %get3A_1503, %get3A_1507 : vector<16xf32>
        %mul3A_1509 = arith.mulf %get3A_1499, %sub3A_1508 : vector<16xf32>
        %add3A_1510 = arith.addf %scan3A_1416, %mul3A_1509 : vector<16xf32>
        %get3A_1511 = arith.constant 6 : i32
        %get3A_1512 = arith.index_cast %get3A_1511 : i32 to index
        %get3A_1513 = arith.index_cast %multiple_of3A_1421 : i32 to index
        %get3A_1514 = tpu.vector_load %arg17[%get3A_1512, %get3A_1513] {strides = array<i32>} : memref<8x512xf32, #tpu.memory_space<vmem>>, vector<16xf32>,
        %get3A_1515 = arith.constant 6 : i32
        %get3A_1516 = arith.index_cast %get3A_1515 : i32 to index
        %get3A_1517 = arith.index_cast %multiple_of3A_1421 : i32 to index
        %get3A_1518 = tpu.vector_load %arg18[%get3A_1516, %get3A_1517] {strides = array<i32>} : memref<8x512xf32, #tpu.memory_space<vmem>>, vector<16xf32>,
        %get3A_1519 = arith.constant 6 : i32
        %get3A_1520 = arith.index_cast %get3A_1519 : i32 to index
        %get3A_1521 = arith.index_cast %multiple_of3A_1421 : i32 to index
        %get3A_1522 = tpu.vector_load %arg19[%get3A_1520, %get3A_1521] {strides = array<i32>} : memref<8x512xf32, #tpu.memory_space<vmem>>, vector<16xf32>,
        %sub3A_1523 = arith.subf %get3A_1518, %get3A_1522 : vector<16xf32>
        %mul3A_1524 = arith.mulf %get3A_1514, %sub3A_1523 : vector<16xf32>
        %add3A_1525 = arith.addf %scan3A_1417, %mul3A_1524 : vector<16xf32>
        %get3A_1526 = arith.constant 7 : i32
        %get3A_1527 = arith.index_cast %get3A_1526 : i32 to index
        %get3A_1528 = arith.index_cast %multiple_of3A_1421 : i32 to index
        %get3A_1529 = tpu.vector_load %arg17[%get3A_1527, %get3A_1528] {strides = array<i32>} : memref<8x512xf32, #tpu.memory_space<vmem>>, vector<16xf32>,
        %get3A_1530 = arith.constant 7 : i32
        %get3A_1531 = arith.index_cast %get3A_1530 : i32 to index
        %get3A_1532 = arith.index_cast %multiple_of3A_1421 : i32 to index
        %get3A_1533 = tpu.vector_load %arg18[%get3A_1531, %get3A_1532] {strides = array<i32>} : memref<8x512xf32, #tpu.memory_space<vmem>>, vector<16xf32>,
        %get3A_1534 = arith.constant 7 : i32
        %get3A_1535 = arith.index_cast %get3A_1534 : i32 to index
        %get3A_1536 = arith.index_cast %multiple_of3A_1421 : i32 to index
        %get3A_1537 = tpu.vector_load %arg19[%get3A_1535, %get3A_1536] {strides = array<i32>} : memref<8x512xf32, #tpu.memory_space<vmem>>, vector<16xf32>,
        %sub3A_1538 = arith.subf %get3A_1533, %get3A_1537 : vector<16xf32>
        %mul3A_1539 = arith.mulf %get3A_1529, %sub3A_1538 : vector<16xf32>
        %add3A_1540 = arith.addf %scan3A_1418, %mul3A_1539 : vector<16xf32>
        scf.yield %add3A_1435, %add3A_1450, %add3A_1465, %add3A_1480, %add3A_1495, %add3A_1510, %add3A_1525, %add3A_1540 : vector<16xf32>, vector<16xf32>, vector<16xf32>, vector<16xf32>, vector<16xf32>, vector<16xf32>, vector<16xf32>, vector<16xf32>
      }
      %scan3A_476 = arith.constant 32 : i32
      %broadcast_in_dim3A_477 = arith.constant 0.000000e+00 : f32
      %broadcast_in_dim3A_478 = vector.broadcast %broadcast_in_dim3A_477 : f32 to vector<16xf32>
      %eq3A_479 = arith.constant 0 : i32
      %eq3A_480 = vector.broadcast %eq3A_479 : i32 to vector<16xi32>
      %eq3A_481 = arith.cmpi eq, %iota3A, %eq3A_480 : vector<16xi32>
      %reduce_sum3A_482 = arith.constant true
      %reduce_sum3A_483 = vector.broadcast %reduce_sum3A_482 : i1 to vector<16xi1>
      %reduce_sum3A_484 = tpu.scan <sum>, %scan3A_475#0 masked %reduce_sum3A_483 : vector<16xf32>, vector<16xi1> -> vector<16xf32>
      %reduce_sum3A_485 = vector.extract %reduce_sum3A_484[15] : f32 from vector<16xf32>
      %broadcast_in_dim3A_486 = vector.broadcast %reduce_sum3A_485 : f32 to vector<16xf32>
      %select_n3A_487 = arith.select %eq3A_481, %broadcast_in_dim3A_486, %broadcast_in_dim3A_478 : vector<16xi1>, vector<16xf32>
      %eq3A_488 = arith.constant 1 : i32
      %eq3A_489 = vector.broadcast %eq3A_488 : i32 to vector<16xi32>
      %eq3A_490 = arith.cmpi eq, %iota3A, %eq3A_489 : vector<16xi32>
      %reduce_sum3A_491 = arith.constant true
      %reduce_sum3A_492 = vector.broadcast %reduce_sum3A_491 : i1 to vector<16xi1>
      %reduce_sum3A_493 = tpu.scan <sum>, %scan3A_475#1 masked %reduce_sum3A_492 : vector<16xf32>, vector<16xi1> -> vector<16xf32>
      %reduce_sum3A_494 = vector.extract %reduce_sum3A_493[15] : f32 from vector<16xf32>
      %broadcast_in_dim3A_495 = vector.broadcast %reduce_sum3A_494 : f32 to vector<16xf32>
      %select_n3A_496 = arith.select %eq3A_490, %broadcast_in_dim3A_495, %select_n3A_487 : vector<16xi1>, vector<16xf32>
      %eq3A_497 = arith.constant 2 : i32
      %eq3A_498 = vector.broadcast %eq3A_497 : i32 to vector<16xi32>
      %eq3A_499 = arith.cmpi eq, %iota3A, %eq3A_498 : vector<16xi32>
      %reduce_sum3A_500 = arith.constant true
      %reduce_sum3A_501 = vector.broadcast %reduce_sum3A_500 : i1 to vector<16xi1>
      %reduce_sum3A_502 = tpu.scan <sum>, %scan3A_475#2 masked %reduce_sum3A_501 : vector<16xf32>, vector<16xi1> -> vector<16xf32>
      %reduce_sum3A_503 = vector.extract %reduce_sum3A_502[15] : f32 from vector<16xf32>
      %broadcast_in_dim3A_504 = vector.broadcast %reduce_sum3A_503 : f32 to vector<16xf32>
      %select_n3A_505 = arith.select %eq3A_499, %broadcast_in_dim3A_504, %select_n3A_496 : vector<16xi1>, vector<16xf32>
      %eq3A_506 = arith.constant 3 : i32
      %eq3A_507 = vector.broadcast %eq3A_506 : i32 to vector<16xi32>
      %eq3A_508 = arith.cmpi eq, %iota3A, %eq3A_507 : vector<16xi32>
      %reduce_sum3A_509 = arith.constant true
      %reduce_sum3A_510 = vector.broadcast %reduce_sum3A_509 : i1 to vector<16xi1>
      %reduce_sum3A_511 = tpu.scan <sum>, %scan3A_475#3 masked %reduce_sum3A_510 : vector<16xf32>, vector<16xi1> -> vector<16xf32>
      %reduce_sum3A_512 = vector.extract %reduce_sum3A_511[15] : f32 from vector<16xf32>
      %broadcast_in_dim3A_513 = vector.broadcast %reduce_sum3A_512 : f32 to vector<16xf32>
      %select_n3A_514 = arith.select %eq3A_508, %broadcast_in_dim3A_513, %select_n3A_505 : vector<16xi1>, vector<16xf32>
      %eq3A_515 = arith.constant 4 : i32
      %eq3A_516 = vector.broadcast %eq3A_515 : i32 to vector<16xi32>
      %eq3A_517 = arith.cmpi eq, %iota3A, %eq3A_516 : vector<16xi32>
      %reduce_sum3A_518 = arith.constant true
      %reduce_sum3A_519 = vector.broadcast %reduce_sum3A_518 : i1 to vector<16xi1>
      %reduce_sum3A_520 = tpu.scan <sum>, %scan3A_475#4 masked %reduce_sum3A_519 : vector<16xf32>, vector<16xi1> -> vector<16xf32>
      %reduce_sum3A_521 = vector.extract %reduce_sum3A_520[15] : f32 from vector<16xf32>
      %broadcast_in_dim3A_522 = vector.broadcast %reduce_sum3A_521 : f32 to vector<16xf32>
      %select_n3A_523 = arith.select %eq3A_517, %broadcast_in_dim3A_522, %select_n3A_514 : vector<16xi1>, vector<16xf32>
      %eq3A_524 = arith.constant 5 : i32
      %eq3A_525 = vector.broadcast %eq3A_524 : i32 to vector<16xi32>
      %eq3A_526 = arith.cmpi eq, %iota3A, %eq3A_525 : vector<16xi32>
      %reduce_sum3A_527 = arith.constant true
      %reduce_sum3A_528 = vector.broadcast %reduce_sum3A_527 : i1 to vector<16xi1>
      %reduce_sum3A_529 = tpu.scan <sum>, %scan3A_475#5 masked %reduce_sum3A_528 : vector<16xf32>, vector<16xi1> -> vector<16xf32>
      %reduce_sum3A_530 = vector.extract %reduce_sum3A_529[15] : f32 from vector<16xf32>
      %broadcast_in_dim3A_531 = vector.broadcast %reduce_sum3A_530 : f32 to vector<16xf32>
      %select_n3A_532 = arith.select %eq3A_526, %broadcast_in_dim3A_531, %select_n3A_523 : vector<16xi1>, vector<16xf32>
      %eq3A_533 = arith.constant 6 : i32
      %eq3A_534 = vector.broadcast %eq3A_533 : i32 to vector<16xi32>
      %eq3A_535 = arith.cmpi eq, %iota3A, %eq3A_534 : vector<16xi32>
      %reduce_sum3A_536 = arith.constant true
      %reduce_sum3A_537 = vector.broadcast %reduce_sum3A_536 : i1 to vector<16xi1>
      %reduce_sum3A_538 = tpu.scan <sum>, %scan3A_475#6 masked %reduce_sum3A_537 : vector<16xf32>, vector<16xi1> -> vector<16xf32>
      %reduce_sum3A_539 = vector.extract %reduce_sum3A_538[15] : f32 from vector<16xf32>
      %broadcast_in_dim3A_540 = vector.broadcast %reduce_sum3A_539 : f32 to vector<16xf32>
      %select_n3A_541 = arith.select %eq3A_535, %broadcast_in_dim3A_540, %select_n3A_532 : vector<16xi1>, vector<16xf32>
      %eq3A_542 = arith.constant 7 : i32
      %eq3A_543 = vector.broadcast %eq3A_542 : i32 to vector<16xi32>
      %eq3A_544 = arith.cmpi eq, %iota3A, %eq3A_543 : vector<16xi32>
      %reduce_sum3A_545 = arith.constant true
      %reduce_sum3A_546 = vector.broadcast %reduce_sum3A_545 : i1 to vector<16xi1>
      %reduce_sum3A_547 = tpu.scan <sum>, %scan3A_475#7 masked %reduce_sum3A_546 : vector<16xf32>, vector<16xi1> -> vector<16xf32>
      %reduce_sum3A_548 = vector.extract %reduce_sum3A_547[15] : f32 from vector<16xf32>
      %broadcast_in_dim3A_549 = vector.broadcast %reduce_sum3A_548 : f32 to vector<16xf32>
      %select_n3A_550 = arith.select %eq3A_544, %broadcast_in_dim3A_549, %select_n3A_541 : vector<16xi1>, vector<16xf32>
      %abs3A_551 = math.absf %select_n3A_550 : vector<16xf32>
      %neg3A_552 = arith.constant 0.000000e+00 : f32
      %neg3A_553 = vector.broadcast %neg3A_552 : f32 to vector<16xf32>
      %neg3A_554 = arith.subf %neg3A_553, %abs3A_551 : vector<16xf32>
      %exp3A_555 = math.exp %neg3A_554 : vector<16xf32>
      %add3A_556 = arith.constant 2.000000e+00 : f32
      %add3A_557 = vector.broadcast %add3A_556 : f32 to vector<16xf32>
      %add3A_558 = arith.addf %add3A_557, %exp3A_555 : vector<16xf32>
      %div3A_559 = arith.divf %exp3A_555, %add3A_558 : vector<16xf32>
      %mul3A_560 = arith.mulf %div3A_559, %div3A_559 : vector<16xf32>
      %mul3A_561 = arith.constant 2.000000e+00 : f32
      %mul3A_562 = vector.broadcast %mul3A_561 : f32 to vector<16xf32>
      %mul3A_563 = arith.mulf %mul3A_562, %div3A_559 : vector<16xf32>
      %mul3A_564 = arith.constant 0.142857149 : f32
      %mul3A_565 = vector.broadcast %mul3A_564 : f32 to vector<16xf32>
      %mul3A_566 = arith.mulf %mul3A_560, %mul3A_565 : vector<16xf32>
      %add3A_567 = arith.constant 2.000000e-01 : f32
      %add3A_568 = vector.broadcast %add3A_567 : f32 to vector<16xf32>
      %add3A_569 = arith.addf %add3A_568, %mul3A_566 : vector<16xf32>
      %mul3A_570 = arith.mulf %mul3A_560, %add3A_569 : vector<16xf32>
      %add3A_571 = arith.constant 0.333333343 : f32
      %add3A_572 = vector.broadcast %add3A_571 : f32 to vector<16xf32>
      %add3A_573 = arith.addf %add3A_572, %mul3A_570 : vector<16xf32>
      %mul3A_574 = arith.mulf %mul3A_560, %add3A_573 : vector<16xf32>
      %add3A_575 = arith.constant 1.000000e+00 : f32
      %add3A_576 = vector.broadcast %add3A_575 : f32 to vector<16xf32>
      %add3A_577 = arith.addf %add3A_576, %mul3A_574 : vector<16xf32>
      %mul3A_578 = arith.mulf %mul3A_563, %add3A_577 : vector<16xf32>
      %min3A_579 = arith.constant 0.000000e+00 : f32
      %min3A_580 = vector.broadcast %min3A_579 : f32 to vector<16xf32>
      %min3A_581 = arith.minimumf %select_n3A_550, %min3A_580 : vector<16xf32>
      %sub3A_582 = arith.subf %mul3A_578, %min3A_581 : vector<16xf32>
      %lt3A_583 = arith.constant 8 : i32
      %lt3A_584 = vector.broadcast %lt3A_583 : i32 to vector<16xi32>
      %lt3A_585 = arith.cmpi slt, %iota3A, %lt3A_584 : vector<16xi32>
      %jit3A_586 = arith.constant 0.000000e+00 : f32
      %broadcast_in_dim3A_587 = vector.broadcast %jit3A_586 : f32 to vector<16xf32>
      %select_n3A_588 = arith.select %lt3A_585, %sub3A_582, %broadcast_in_dim3A_587 : vector<16xi1>, vector<16xf32>
      %add3A_589 = arith.addf %add3A_425, %select_n3A_588 : vector<16xf32>
      %add3A_590 = arith.constant 3 : i32
      %add3A_591 = arith.addi %mul3A_111, %add3A_590 : i32
      %add3A_592 = arith.constant 8 : i32
      %add3A_593 = arith.addi %add3A_591, %add3A_592 : i32
      %sub3A_594 = arith.constant 1 : i32
      %sub3A_595 = arith.subi %add3A_593, %sub3A_594 : i32
      %lt3A_596 = arith.constant 64 : i32
      %lt3A_597 = arith.cmpi slt, %sub3A_595, %lt3A_596 : i32
      %convert_element_type3A_598 = arith.extui %lt3A_597 : i1 to i32
      %cond3A_599 = arith.constant 0 : i32
      %cond3A_600 = arith.cmpi ne, %convert_element_type3A_598, %cond3A_599 : i32
      scf.if %cond3A_600 {
        %add3A_1410 = arith.constant 8 : i32
        %add3A_1411 = arith.addi %add3A_591, %add3A_1410 : i32
        %sub3A_1412 = arith.constant 1 : i32
        %sub3A_1413 = arith.subi %add3A_1411, %sub3A_1412 : i32
        %mul3A_1414 = arith.constant 8 : i32
        %mul3A_1415 = arith.muli %sub3A_1413, %mul3A_1414 : i32
        %multiple_of3A_1416 = tpu.assume_multiple %mul3A_1415, 8 : i32
        %dma_start3A_1417 = tpu.memref_slice %arg8[%multiple_of3A_1416] : memref<512xi32, #tpu.memory_space<vmem>> -> memref<8xi32, #tpu.memory_space<vmem>>
        %dma_start3A_1418 = arith.constant 0 : i32
        %dma_start3A_1419 = arith.constant 0 : i32
        %dma_start3A_1420 = tpu.memref_slice %arg2[%dma_start3A_1418, %dma_start3A_1419] : memref<100000x512xf32, #tpu.memory_space<hbm>> -> memref<100000x512xf32, #tpu.memory_space<hbm>>
        tpu.enqueue_indirect_dma source(%dma_start3A_1420 : memref<100000x512xf32, #tpu.memory_space<hbm>>) target(%arg17 : memref<8x512xf32, #tpu.memory_space<vmem>>) offsets(%dma_start3A_1417 : memref<8xi32, #tpu.memory_space<vmem>>) semaphore(%arg38 : memref<!tpu.dma_semaphore, #tpu.memory_space<semaphore_mem>>)
        %dma_start3A_1421 = tpu.memref_slice %arg9[%multiple_of3A_1416] : memref<512xi32, #tpu.memory_space<vmem>> -> memref<8xi32, #tpu.memory_space<vmem>>
        %dma_start3A_1422 = arith.constant 0 : i32
        %dma_start3A_1423 = arith.constant 0 : i32
        %dma_start3A_1424 = tpu.memref_slice %arg3[%dma_start3A_1422, %dma_start3A_1423] : memref<100000x512xf32, #tpu.memory_space<hbm>> -> memref<100000x512xf32, #tpu.memory_space<hbm>>
        tpu.enqueue_indirect_dma source(%dma_start3A_1424 : memref<100000x512xf32, #tpu.memory_space<hbm>>) target(%arg18 : memref<8x512xf32, #tpu.memory_space<vmem>>) offsets(%dma_start3A_1421 : memref<8xi32, #tpu.memory_space<vmem>>) semaphore(%arg38 : memref<!tpu.dma_semaphore, #tpu.memory_space<semaphore_mem>>)
        %dma_start3A_1425 = tpu.memref_slice %arg10[%multiple_of3A_1416] : memref<512xi32, #tpu.memory_space<vmem>> -> memref<8xi32, #tpu.memory_space<vmem>>
        %dma_start3A_1426 = arith.constant 0 : i32
        %dma_start3A_1427 = arith.constant 0 : i32
        %dma_start3A_1428 = tpu.memref_slice %arg3[%dma_start3A_1426, %dma_start3A_1427] : memref<100000x512xf32, #tpu.memory_space<hbm>> -> memref<100000x512xf32, #tpu.memory_space<hbm>>
        tpu.enqueue_indirect_dma source(%dma_start3A_1428 : memref<100000x512xf32, #tpu.memory_space<hbm>>) target(%arg19 : memref<8x512xf32, #tpu.memory_space<vmem>>) offsets(%dma_start3A_1425 : memref<8xi32, #tpu.memory_space<vmem>>) semaphore(%arg38 : memref<!tpu.dma_semaphore, #tpu.memory_space<semaphore_mem>>)
      } else {
      }
      %dma_wait3A_601 = arith.constant 0 : i32
      %dma_wait3A_602 = arith.constant 0 : i32
      %dma_wait3A_603 = tpu.memref_slice %arg2[%dma_wait3A_601, %dma_wait3A_602] : memref<100000x512xf32, #tpu.memory_space<hbm>> -> memref<8x512xf32, #tpu.memory_space<hbm>>
      %dma_wait3A_604 = arith.constant 0 : i32
      %dma_wait3A_605 = arith.constant 0 : i32
      %dma_wait3A_606 = tpu.memref_slice %arg2[%dma_wait3A_604, %dma_wait3A_605] : memref<100000x512xf32, #tpu.memory_space<hbm>> -> memref<8x512xf32, #tpu.memory_space<hbm>>
      tpu.wait_dma2 semaphore(%arg39 : memref<!tpu.dma_semaphore, #tpu.memory_space<semaphore_mem>>) src(%dma_wait3A_606 : memref<8x512xf32, #tpu.memory_space<hbm>>) dst(%arg20 : memref<8x512xf32, #tpu.memory_space<vmem>>)
      %dma_wait3A_607 = arith.constant 0 : i32
      %dma_wait3A_608 = arith.constant 0 : i32
      %dma_wait3A_609 = tpu.memref_slice %arg3[%dma_wait3A_607, %dma_wait3A_608] : memref<100000x512xf32, #tpu.memory_space<hbm>> -> memref<8x512xf32, #tpu.memory_space<hbm>>
      %dma_wait3A_610 = arith.constant 0 : i32
      %dma_wait3A_611 = arith.constant 0 : i32
      %dma_wait3A_612 = tpu.memref_slice %arg3[%dma_wait3A_610, %dma_wait3A_611] : memref<100000x512xf32, #tpu.memory_space<hbm>> -> memref<8x512xf32, #tpu.memory_space<hbm>>
      tpu.wait_dma2 semaphore(%arg39 : memref<!tpu.dma_semaphore, #tpu.memory_space<semaphore_mem>>) src(%dma_wait3A_612 : memref<8x512xf32, #tpu.memory_space<hbm>>) dst(%arg21 : memref<8x512xf32, #tpu.memory_space<vmem>>)
      %dma_wait3A_613 = arith.constant 0 : i32
      %dma_wait3A_614 = arith.constant 0 : i32
      %dma_wait3A_615 = tpu.memref_slice %arg3[%dma_wait3A_613, %dma_wait3A_614] : memref<100000x512xf32, #tpu.memory_space<hbm>> -> memref<8x512xf32, #tpu.memory_space<hbm>>
      %dma_wait3A_616 = arith.constant 0 : i32
      %dma_wait3A_617 = arith.constant 0 : i32
      %dma_wait3A_618 = tpu.memref_slice %arg3[%dma_wait3A_616, %dma_wait3A_617] : memref<100000x512xf32, #tpu.memory_space<hbm>> -> memref<8x512xf32, #tpu.memory_space<hbm>>
      tpu.wait_dma2 semaphore(%arg39 : memref<!tpu.dma_semaphore, #tpu.memory_space<semaphore_mem>>) src(%dma_wait3A_618 : memref<8x512xf32, #tpu.memory_space<hbm>>) dst(%arg22 : memref<8x512xf32, #tpu.memory_space<vmem>>)
      %broadcast_in_dim3A_619 = arith.constant 0.000000e+00 : f32
      %broadcast_in_dim3A_620 = vector.broadcast %broadcast_in_dim3A_619 : f32 to vector<16xf32>
      %broadcast_in_dim3A_621 = arith.constant 0.000000e+00 : f32
      %broadcast_in_dim3A_622 = vector.broadcast %broadcast_in_dim3A_621 : f32 to vector<16xf32>
      %broadcast_in_dim3A_623 = arith.constant 0.000000e+00 : f32
      %broadcast_in_dim3A_624 = vector.broadcast %broadcast_in_dim3A_623 : f32 to vector<16xf32>
      %broadcast_in_dim3A_625 = arith.constant 0.000000e+00 : f32
      %broadcast_in_dim3A_626 = vector.broadcast %broadcast_in_dim3A_625 : f32 to vector<16xf32>
      %broadcast_in_dim3A_627 = arith.constant 0.000000e+00 : f32
      %broadcast_in_dim3A_628 = vector.broadcast %broadcast_in_dim3A_627 : f32 to vector<16xf32>
      %broadcast_in_dim3A_629 = arith.constant 0.000000e+00 : f32
      %broadcast_in_dim3A_630 = vector.broadcast %broadcast_in_dim3A_629 : f32 to vector<16xf32>
      %broadcast_in_dim3A_631 = arith.constant 0.000000e+00 : f32
      %broadcast_in_dim3A_632 = vector.broadcast %broadcast_in_dim3A_631 : f32 to vector<16xf32>
      %broadcast_in_dim3A_633 = arith.constant 0.000000e+00 : f32
      %broadcast_in_dim3A_634 = vector.broadcast %broadcast_in_dim3A_633 : f32 to vector<16xf32>
      %scan3A_635 = arith.constant 0 : i32
      %scan3A_636 = arith.constant 32 : i32
      %scan3A_637 = arith.addi %scan3A_635, %scan3A_636 : i32
      %scan3A_638 = arith.constant 1 : i32
      %scan3A_639:8 = scf.for %scan3A_1410 = %scan3A_635 to %scan3A_637 step %scan3A_638 iter_args(%scan3A_1411 = %broadcast_in_dim3A_620, %scan3A_1412 = %broadcast_in_dim3A_622, %scan3A_1413 = %broadcast_in_dim3A_624, %scan3A_1414 = %broadcast_in_dim3A_626, %scan3A_1415 = %broadcast_in_dim3A_628, %scan3A_1416 = %broadcast_in_dim3A_630, %scan3A_1417 = %broadcast_in_dim3A_632, %scan3A_1418 = %broadcast_in_dim3A_634) -> (vector<16xf32>, vector<16xf32>, vector<16xf32>, vector<16xf32>, vector<16xf32>, vector<16xf32>, vector<16xf32>, vector<16xf32>)  : i32 {
        %mul3A_1419 = arith.constant 16 : i32
        %mul3A_1420 = arith.muli %scan3A_1410, %mul3A_1419 : i32
        %multiple_of3A_1421 = tpu.assume_multiple %mul3A_1420, 16 : i32
        %get3A = arith.constant 0 : i32
        %get3A_1422 = arith.index_cast %get3A : i32 to index
        %get3A_1423 = arith.index_cast %multiple_of3A_1421 : i32 to index
        %get3A_1424 = tpu.vector_load %arg20[%get3A_1422, %get3A_1423] {strides = array<i32>} : memref<8x512xf32, #tpu.memory_space<vmem>>, vector<16xf32>,
        %get3A_1425 = arith.constant 0 : i32
        %get3A_1426 = arith.index_cast %get3A_1425 : i32 to index
        %get3A_1427 = arith.index_cast %multiple_of3A_1421 : i32 to index
        %get3A_1428 = tpu.vector_load %arg21[%get3A_1426, %get3A_1427] {strides = array<i32>} : memref<8x512xf32, #tpu.memory_space<vmem>>, vector<16xf32>,
        %get3A_1429 = arith.constant 0 : i32
        %get3A_1430 = arith.index_cast %get3A_1429 : i32 to index
        %get3A_1431 = arith.index_cast %multiple_of3A_1421 : i32 to index
        %get3A_1432 = tpu.vector_load %arg22[%get3A_1430, %get3A_1431] {strides = array<i32>} : memref<8x512xf32, #tpu.memory_space<vmem>>, vector<16xf32>,
        %sub3A_1433 = arith.subf %get3A_1428, %get3A_1432 : vector<16xf32>
        %mul3A_1434 = arith.mulf %get3A_1424, %sub3A_1433 : vector<16xf32>
        %add3A_1435 = arith.addf %scan3A_1411, %mul3A_1434 : vector<16xf32>
        %get3A_1436 = arith.constant 1 : i32
        %get3A_1437 = arith.index_cast %get3A_1436 : i32 to index
        %get3A_1438 = arith.index_cast %multiple_of3A_1421 : i32 to index
        %get3A_1439 = tpu.vector_load %arg20[%get3A_1437, %get3A_1438] {strides = array<i32>} : memref<8x512xf32, #tpu.memory_space<vmem>>, vector<16xf32>,
        %get3A_1440 = arith.constant 1 : i32
        %get3A_1441 = arith.index_cast %get3A_1440 : i32 to index
        %get3A_1442 = arith.index_cast %multiple_of3A_1421 : i32 to index
        %get3A_1443 = tpu.vector_load %arg21[%get3A_1441, %get3A_1442] {strides = array<i32>} : memref<8x512xf32, #tpu.memory_space<vmem>>, vector<16xf32>,
        %get3A_1444 = arith.constant 1 : i32
        %get3A_1445 = arith.index_cast %get3A_1444 : i32 to index
        %get3A_1446 = arith.index_cast %multiple_of3A_1421 : i32 to index
        %get3A_1447 = tpu.vector_load %arg22[%get3A_1445, %get3A_1446] {strides = array<i32>} : memref<8x512xf32, #tpu.memory_space<vmem>>, vector<16xf32>,
        %sub3A_1448 = arith.subf %get3A_1443, %get3A_1447 : vector<16xf32>
        %mul3A_1449 = arith.mulf %get3A_1439, %sub3A_1448 : vector<16xf32>
        %add3A_1450 = arith.addf %scan3A_1412, %mul3A_1449 : vector<16xf32>
        %get3A_1451 = arith.constant 2 : i32
        %get3A_1452 = arith.index_cast %get3A_1451 : i32 to index
        %get3A_1453 = arith.index_cast %multiple_of3A_1421 : i32 to index
        %get3A_1454 = tpu.vector_load %arg20[%get3A_1452, %get3A_1453] {strides = array<i32>} : memref<8x512xf32, #tpu.memory_space<vmem>>, vector<16xf32>,
        %get3A_1455 = arith.constant 2 : i32
        %get3A_1456 = arith.index_cast %get3A_1455 : i32 to index
        %get3A_1457 = arith.index_cast %multiple_of3A_1421 : i32 to index
        %get3A_1458 = tpu.vector_load %arg21[%get3A_1456, %get3A_1457] {strides = array<i32>} : memref<8x512xf32, #tpu.memory_space<vmem>>, vector<16xf32>,
        %get3A_1459 = arith.constant 2 : i32
        %get3A_1460 = arith.index_cast %get3A_1459 : i32 to index
        %get3A_1461 = arith.index_cast %multiple_of3A_1421 : i32 to index
        %get3A_1462 = tpu.vector_load %arg22[%get3A_1460, %get3A_1461] {strides = array<i32>} : memref<8x512xf32, #tpu.memory_space<vmem>>, vector<16xf32>,
        %sub3A_1463 = arith.subf %get3A_1458, %get3A_1462 : vector<16xf32>
        %mul3A_1464 = arith.mulf %get3A_1454, %sub3A_1463 : vector<16xf32>
        %add3A_1465 = arith.addf %scan3A_1413, %mul3A_1464 : vector<16xf32>
        %get3A_1466 = arith.constant 3 : i32
        %get3A_1467 = arith.index_cast %get3A_1466 : i32 to index
        %get3A_1468 = arith.index_cast %multiple_of3A_1421 : i32 to index
        %get3A_1469 = tpu.vector_load %arg20[%get3A_1467, %get3A_1468] {strides = array<i32>} : memref<8x512xf32, #tpu.memory_space<vmem>>, vector<16xf32>,
        %get3A_1470 = arith.constant 3 : i32
        %get3A_1471 = arith.index_cast %get3A_1470 : i32 to index
        %get3A_1472 = arith.index_cast %multiple_of3A_1421 : i32 to index
        %get3A_1473 = tpu.vector_load %arg21[%get3A_1471, %get3A_1472] {strides = array<i32>} : memref<8x512xf32, #tpu.memory_space<vmem>>, vector<16xf32>,
        %get3A_1474 = arith.constant 3 : i32
        %get3A_1475 = arith.index_cast %get3A_1474 : i32 to index
        %get3A_1476 = arith.index_cast %multiple_of3A_1421 : i32 to index
        %get3A_1477 = tpu.vector_load %arg22[%get3A_1475, %get3A_1476] {strides = array<i32>} : memref<8x512xf32, #tpu.memory_space<vmem>>, vector<16xf32>,
        %sub3A_1478 = arith.subf %get3A_1473, %get3A_1477 : vector<16xf32>
        %mul3A_1479 = arith.mulf %get3A_1469, %sub3A_1478 : vector<16xf32>
        %add3A_1480 = arith.addf %scan3A_1414, %mul3A_1479 : vector<16xf32>
        %get3A_1481 = arith.constant 4 : i32
        %get3A_1482 = arith.index_cast %get3A_1481 : i32 to index
        %get3A_1483 = arith.index_cast %multiple_of3A_1421 : i32 to index
        %get3A_1484 = tpu.vector_load %arg20[%get3A_1482, %get3A_1483] {strides = array<i32>} : memref<8x512xf32, #tpu.memory_space<vmem>>, vector<16xf32>,
        %get3A_1485 = arith.constant 4 : i32
        %get3A_1486 = arith.index_cast %get3A_1485 : i32 to index
        %get3A_1487 = arith.index_cast %multiple_of3A_1421 : i32 to index
        %get3A_1488 = tpu.vector_load %arg21[%get3A_1486, %get3A_1487] {strides = array<i32>} : memref<8x512xf32, #tpu.memory_space<vmem>>, vector<16xf32>,
        %get3A_1489 = arith.constant 4 : i32
        %get3A_1490 = arith.index_cast %get3A_1489 : i32 to index
        %get3A_1491 = arith.index_cast %multiple_of3A_1421 : i32 to index
        %get3A_1492 = tpu.vector_load %arg22[%get3A_1490, %get3A_1491] {strides = array<i32>} : memref<8x512xf32, #tpu.memory_space<vmem>>, vector<16xf32>,
        %sub3A_1493 = arith.subf %get3A_1488, %get3A_1492 : vector<16xf32>
        %mul3A_1494 = arith.mulf %get3A_1484, %sub3A_1493 : vector<16xf32>
        %add3A_1495 = arith.addf %scan3A_1415, %mul3A_1494 : vector<16xf32>
        %get3A_1496 = arith.constant 5 : i32
        %get3A_1497 = arith.index_cast %get3A_1496 : i32 to index
        %get3A_1498 = arith.index_cast %multiple_of3A_1421 : i32 to index
        %get3A_1499 = tpu.vector_load %arg20[%get3A_1497, %get3A_1498] {strides = array<i32>} : memref<8x512xf32, #tpu.memory_space<vmem>>, vector<16xf32>,
        %get3A_1500 = arith.constant 5 : i32
        %get3A_1501 = arith.index_cast %get3A_1500 : i32 to index
        %get3A_1502 = arith.index_cast %multiple_of3A_1421 : i32 to index
        %get3A_1503 = tpu.vector_load %arg21[%get3A_1501, %get3A_1502] {strides = array<i32>} : memref<8x512xf32, #tpu.memory_space<vmem>>, vector<16xf32>,
        %get3A_1504 = arith.constant 5 : i32
        %get3A_1505 = arith.index_cast %get3A_1504 : i32 to index
        %get3A_1506 = arith.index_cast %multiple_of3A_1421 : i32 to index
        %get3A_1507 = tpu.vector_load %arg22[%get3A_1505, %get3A_1506] {strides = array<i32>} : memref<8x512xf32, #tpu.memory_space<vmem>>, vector<16xf32>,
        %sub3A_1508 = arith.subf %get3A_1503, %get3A_1507 : vector<16xf32>
        %mul3A_1509 = arith.mulf %get3A_1499, %sub3A_1508 : vector<16xf32>
        %add3A_1510 = arith.addf %scan3A_1416, %mul3A_1509 : vector<16xf32>
        %get3A_1511 = arith.constant 6 : i32
        %get3A_1512 = arith.index_cast %get3A_1511 : i32 to index
        %get3A_1513 = arith.index_cast %multiple_of3A_1421 : i32 to index
        %get3A_1514 = tpu.vector_load %arg20[%get3A_1512, %get3A_1513] {strides = array<i32>} : memref<8x512xf32, #tpu.memory_space<vmem>>, vector<16xf32>,
        %get3A_1515 = arith.constant 6 : i32
        %get3A_1516 = arith.index_cast %get3A_1515 : i32 to index
        %get3A_1517 = arith.index_cast %multiple_of3A_1421 : i32 to index
        %get3A_1518 = tpu.vector_load %arg21[%get3A_1516, %get3A_1517] {strides = array<i32>} : memref<8x512xf32, #tpu.memory_space<vmem>>, vector<16xf32>,
        %get3A_1519 = arith.constant 6 : i32
        %get3A_1520 = arith.index_cast %get3A_1519 : i32 to index
        %get3A_1521 = arith.index_cast %multiple_of3A_1421 : i32 to index
        %get3A_1522 = tpu.vector_load %arg22[%get3A_1520, %get3A_1521] {strides = array<i32>} : memref<8x512xf32, #tpu.memory_space<vmem>>, vector<16xf32>,
        %sub3A_1523 = arith.subf %get3A_1518, %get3A_1522 : vector<16xf32>
        %mul3A_1524 = arith.mulf %get3A_1514, %sub3A_1523 : vector<16xf32>
        %add3A_1525 = arith.addf %scan3A_1417, %mul3A_1524 : vector<16xf32>
        %get3A_1526 = arith.constant 7 : i32
        %get3A_1527 = arith.index_cast %get3A_1526 : i32 to index
        %get3A_1528 = arith.index_cast %multiple_of3A_1421 : i32 to index
        %get3A_1529 = tpu.vector_load %arg20[%get3A_1527, %get3A_1528] {strides = array<i32>} : memref<8x512xf32, #tpu.memory_space<vmem>>, vector<16xf32>,
        %get3A_1530 = arith.constant 7 : i32
        %get3A_1531 = arith.index_cast %get3A_1530 : i32 to index
        %get3A_1532 = arith.index_cast %multiple_of3A_1421 : i32 to index
        %get3A_1533 = tpu.vector_load %arg21[%get3A_1531, %get3A_1532] {strides = array<i32>} : memref<8x512xf32, #tpu.memory_space<vmem>>, vector<16xf32>,
        %get3A_1534 = arith.constant 7 : i32
        %get3A_1535 = arith.index_cast %get3A_1534 : i32 to index
        %get3A_1536 = arith.index_cast %multiple_of3A_1421 : i32 to index
        %get3A_1537 = tpu.vector_load %arg22[%get3A_1535, %get3A_1536] {strides = array<i32>} : memref<8x512xf32, #tpu.memory_space<vmem>>, vector<16xf32>,
        %sub3A_1538 = arith.subf %get3A_1533, %get3A_1537 : vector<16xf32>
        %mul3A_1539 = arith.mulf %get3A_1529, %sub3A_1538 : vector<16xf32>
        %add3A_1540 = arith.addf %scan3A_1418, %mul3A_1539 : vector<16xf32>
        scf.yield %add3A_1435, %add3A_1450, %add3A_1465, %add3A_1480, %add3A_1495, %add3A_1510, %add3A_1525, %add3A_1540 : vector<16xf32>, vector<16xf32>, vector<16xf32>, vector<16xf32>, vector<16xf32>, vector<16xf32>, vector<16xf32>, vector<16xf32>
      }
      %scan3A_640 = arith.constant 32 : i32
      %broadcast_in_dim3A_641 = arith.constant 0.000000e+00 : f32
      %broadcast_in_dim3A_642 = vector.broadcast %broadcast_in_dim3A_641 : f32 to vector<16xf32>
      %eq3A_643 = arith.constant 0 : i32
      %eq3A_644 = vector.broadcast %eq3A_643 : i32 to vector<16xi32>
      %eq3A_645 = arith.cmpi eq, %iota3A, %eq3A_644 : vector<16xi32>
      %reduce_sum3A_646 = arith.constant true
      %reduce_sum3A_647 = vector.broadcast %reduce_sum3A_646 : i1 to vector<16xi1>
      %reduce_sum3A_648 = tpu.scan <sum>, %scan3A_639#0 masked %reduce_sum3A_647 : vector<16xf32>, vector<16xi1> -> vector<16xf32>
      %reduce_sum3A_649 = vector.extract %reduce_sum3A_648[15] : f32 from vector<16xf32>
      %broadcast_in_dim3A_650 = vector.broadcast %reduce_sum3A_649 : f32 to vector<16xf32>
      %select_n3A_651 = arith.select %eq3A_645, %broadcast_in_dim3A_650, %broadcast_in_dim3A_642 : vector<16xi1>, vector<16xf32>
      %eq3A_652 = arith.constant 1 : i32
      %eq3A_653 = vector.broadcast %eq3A_652 : i32 to vector<16xi32>
      %eq3A_654 = arith.cmpi eq, %iota3A, %eq3A_653 : vector<16xi32>
      %reduce_sum3A_655 = arith.constant true
      %reduce_sum3A_656 = vector.broadcast %reduce_sum3A_655 : i1 to vector<16xi1>
      %reduce_sum3A_657 = tpu.scan <sum>, %scan3A_639#1 masked %reduce_sum3A_656 : vector<16xf32>, vector<16xi1> -> vector<16xf32>
      %reduce_sum3A_658 = vector.extract %reduce_sum3A_657[15] : f32 from vector<16xf32>
      %broadcast_in_dim3A_659 = vector.broadcast %reduce_sum3A_658 : f32 to vector<16xf32>
      %select_n3A_660 = arith.select %eq3A_654, %broadcast_in_dim3A_659, %select_n3A_651 : vector<16xi1>, vector<16xf32>
      %eq3A_661 = arith.constant 2 : i32
      %eq3A_662 = vector.broadcast %eq3A_661 : i32 to vector<16xi32>
      %eq3A_663 = arith.cmpi eq, %iota3A, %eq3A_662 : vector<16xi32>
      %reduce_sum3A_664 = arith.constant true
      %reduce_sum3A_665 = vector.broadcast %reduce_sum3A_664 : i1 to vector<16xi1>
      %reduce_sum3A_666 = tpu.scan <sum>, %scan3A_639#2 masked %reduce_sum3A_665 : vector<16xf32>, vector<16xi1> -> vector<16xf32>
      %reduce_sum3A_667 = vector.extract %reduce_sum3A_666[15] : f32 from vector<16xf32>
      %broadcast_in_dim3A_668 = vector.broadcast %reduce_sum3A_667 : f32 to vector<16xf32>
      %select_n3A_669 = arith.select %eq3A_663, %broadcast_in_dim3A_668, %select_n3A_660 : vector<16xi1>, vector<16xf32>
      %eq3A_670 = arith.constant 3 : i32
      %eq3A_671 = vector.broadcast %eq3A_670 : i32 to vector<16xi32>
      %eq3A_672 = arith.cmpi eq, %iota3A, %eq3A_671 : vector<16xi32>
      %reduce_sum3A_673 = arith.constant true
      %reduce_sum3A_674 = vector.broadcast %reduce_sum3A_673 : i1 to vector<16xi1>
      %reduce_sum3A_675 = tpu.scan <sum>, %scan3A_639#3 masked %reduce_sum3A_674 : vector<16xf32>, vector<16xi1> -> vector<16xf32>
      %reduce_sum3A_676 = vector.extract %reduce_sum3A_675[15] : f32 from vector<16xf32>
      %broadcast_in_dim3A_677 = vector.broadcast %reduce_sum3A_676 : f32 to vector<16xf32>
      %select_n3A_678 = arith.select %eq3A_672, %broadcast_in_dim3A_677, %select_n3A_669 : vector<16xi1>, vector<16xf32>
      %eq3A_679 = arith.constant 4 : i32
      %eq3A_680 = vector.broadcast %eq3A_679 : i32 to vector<16xi32>
      %eq3A_681 = arith.cmpi eq, %iota3A, %eq3A_680 : vector<16xi32>
      %reduce_sum3A_682 = arith.constant true
      %reduce_sum3A_683 = vector.broadcast %reduce_sum3A_682 : i1 to vector<16xi1>
      %reduce_sum3A_684 = tpu.scan <sum>, %scan3A_639#4 masked %reduce_sum3A_683 : vector<16xf32>, vector<16xi1> -> vector<16xf32>
      %reduce_sum3A_685 = vector.extract %reduce_sum3A_684[15] : f32 from vector<16xf32>
      %broadcast_in_dim3A_686 = vector.broadcast %reduce_sum3A_685 : f32 to vector<16xf32>
      %select_n3A_687 = arith.select %eq3A_681, %broadcast_in_dim3A_686, %select_n3A_678 : vector<16xi1>, vector<16xf32>
      %eq3A_688 = arith.constant 5 : i32
      %eq3A_689 = vector.broadcast %eq3A_688 : i32 to vector<16xi32>
      %eq3A_690 = arith.cmpi eq, %iota3A, %eq3A_689 : vector<16xi32>
      %reduce_sum3A_691 = arith.constant true
      %reduce_sum3A_692 = vector.broadcast %reduce_sum3A_691 : i1 to vector<16xi1>
      %reduce_sum3A_693 = tpu.scan <sum>, %scan3A_639#5 masked %reduce_sum3A_692 : vector<16xf32>, vector<16xi1> -> vector<16xf32>
      %reduce_sum3A_694 = vector.extract %reduce_sum3A_693[15] : f32 from vector<16xf32>
      %broadcast_in_dim3A_695 = vector.broadcast %reduce_sum3A_694 : f32 to vector<16xf32>
      %select_n3A_696 = arith.select %eq3A_690, %broadcast_in_dim3A_695, %select_n3A_687 : vector<16xi1>, vector<16xf32>
      %eq3A_697 = arith.constant 6 : i32
      %eq3A_698 = vector.broadcast %eq3A_697 : i32 to vector<16xi32>
      %eq3A_699 = arith.cmpi eq, %iota3A, %eq3A_698 : vector<16xi32>
      %reduce_sum3A_700 = arith.constant true
      %reduce_sum3A_701 = vector.broadcast %reduce_sum3A_700 : i1 to vector<16xi1>
      %reduce_sum3A_702 = tpu.scan <sum>, %scan3A_639#6 masked %reduce_sum3A_701 : vector<16xf32>, vector<16xi1> -> vector<16xf32>
      %reduce_sum3A_703 = vector.extract %reduce_sum3A_702[15] : f32 from vector<16xf32>
      %broadcast_in_dim3A_704 = vector.broadcast %reduce_sum3A_703 : f32 to vector<16xf32>
      %select_n3A_705 = arith.select %eq3A_699, %broadcast_in_dim3A_704, %select_n3A_696 : vector<16xi1>, vector<16xf32>
      %eq3A_706 = arith.constant 7 : i32
      %eq3A_707 = vector.broadcast %eq3A_706 : i32 to vector<16xi32>
      %eq3A_708 = arith.cmpi eq, %iota3A, %eq3A_707 : vector<16xi32>
      %reduce_sum3A_709 = arith.constant true
      %reduce_sum3A_710 = vector.broadcast %reduce_sum3A_709 : i1 to vector<16xi1>
      %reduce_sum3A_711 = tpu.scan <sum>, %scan3A_639#7 masked %reduce_sum3A_710 : vector<16xf32>, vector<16xi1> -> vector<16xf32>
      %reduce_sum3A_712 = vector.extract %reduce_sum3A_711[15] : f32 from vector<16xf32>
      %broadcast_in_dim3A_713 = vector.broadcast %reduce_sum3A_712 : f32 to vector<16xf32>
      %select_n3A_714 = arith.select %eq3A_708, %broadcast_in_dim3A_713, %select_n3A_705 : vector<16xi1>, vector<16xf32>
      %abs3A_715 = math.absf %select_n3A_714 : vector<16xf32>
      %neg3A_716 = arith.constant 0.000000e+00 : f32
      %neg3A_717 = vector.broadcast %neg3A_716 : f32 to vector<16xf32>
      %neg3A_718 = arith.subf %neg3A_717, %abs3A_715 : vector<16xf32>
      %exp3A_719 = math.exp %neg3A_718 : vector<16xf32>
      %add3A_720 = arith.constant 2.000000e+00 : f32
      %add3A_721 = vector.broadcast %add3A_720 : f32 to vector<16xf32>
      %add3A_722 = arith.addf %add3A_721, %exp3A_719 : vector<16xf32>
      %div3A_723 = arith.divf %exp3A_719, %add3A_722 : vector<16xf32>
      %mul3A_724 = arith.mulf %div3A_723, %div3A_723 : vector<16xf32>
      %mul3A_725 = arith.constant 2.000000e+00 : f32
      %mul3A_726 = vector.broadcast %mul3A_725 : f32 to vector<16xf32>
      %mul3A_727 = arith.mulf %mul3A_726, %div3A_723 : vector<16xf32>
      %mul3A_728 = arith.constant 0.142857149 : f32
      %mul3A_729 = vector.broadcast %mul3A_728 : f32 to vector<16xf32>
      %mul3A_730 = arith.mulf %mul3A_724, %mul3A_729 : vector<16xf32>
      %add3A_731 = arith.constant 2.000000e-01 : f32
      %add3A_732 = vector.broadcast %add3A_731 : f32 to vector<16xf32>
      %add3A_733 = arith.addf %add3A_732, %mul3A_730 : vector<16xf32>
      %mul3A_734 = arith.mulf %mul3A_724, %add3A_733 : vector<16xf32>
      %add3A_735 = arith.constant 0.333333343 : f32
      %add3A_736 = vector.broadcast %add3A_735 : f32 to vector<16xf32>
      %add3A_737 = arith.addf %add3A_736, %mul3A_734 : vector<16xf32>
      %mul3A_738 = arith.mulf %mul3A_724, %add3A_737 : vector<16xf32>
      %add3A_739 = arith.constant 1.000000e+00 : f32
      %add3A_740 = vector.broadcast %add3A_739 : f32 to vector<16xf32>
      %add3A_741 = arith.addf %add3A_740, %mul3A_738 : vector<16xf32>
      %mul3A_742 = arith.mulf %mul3A_727, %add3A_741 : vector<16xf32>
      %min3A_743 = arith.constant 0.000000e+00 : f32
      %min3A_744 = vector.broadcast %min3A_743 : f32 to vector<16xf32>
      %min3A_745 = arith.minimumf %select_n3A_714, %min3A_744 : vector<16xf32>
      %sub3A_746 = arith.subf %mul3A_742, %min3A_745 : vector<16xf32>
      %lt3A_747 = arith.constant 8 : i32
      %lt3A_748 = vector.broadcast %lt3A_747 : i32 to vector<16xi32>
      %lt3A_749 = arith.cmpi slt, %iota3A, %lt3A_748 : vector<16xi32>
      %jit3A_750 = arith.constant 0.000000e+00 : f32
      %broadcast_in_dim3A_751 = vector.broadcast %jit3A_750 : f32 to vector<16xf32>
      %select_n3A_752 = arith.select %lt3A_749, %sub3A_746, %broadcast_in_dim3A_751 : vector<16xi1>, vector<16xf32>
      %add3A_753 = arith.addf %add3A_589, %select_n3A_752 : vector<16xf32>
      %add3A_754 = arith.constant 4 : i32
      %add3A_755 = arith.addi %mul3A_111, %add3A_754 : i32
      %add3A_756 = arith.constant 8 : i32
      %add3A_757 = arith.addi %add3A_755, %add3A_756 : i32
      %sub3A_758 = arith.constant 1 : i32
      %sub3A_759 = arith.subi %add3A_757, %sub3A_758 : i32
      %lt3A_760 = arith.constant 64 : i32
      %lt3A_761 = arith.cmpi slt, %sub3A_759, %lt3A_760 : i32
      %convert_element_type3A_762 = arith.extui %lt3A_761 : i1 to i32
      %cond3A_763 = arith.constant 0 : i32
      %cond3A_764 = arith.cmpi ne, %convert_element_type3A_762, %cond3A_763 : i32
      scf.if %cond3A_764 {
        %add3A_1410 = arith.constant 8 : i32
        %add3A_1411 = arith.addi %add3A_755, %add3A_1410 : i32
        %sub3A_1412 = arith.constant 1 : i32
        %sub3A_1413 = arith.subi %add3A_1411, %sub3A_1412 : i32
        %mul3A_1414 = arith.constant 8 : i32
        %mul3A_1415 = arith.muli %sub3A_1413, %mul3A_1414 : i32
        %multiple_of3A_1416 = tpu.assume_multiple %mul3A_1415, 8 : i32
        %dma_start3A_1417 = tpu.memref_slice %arg8[%multiple_of3A_1416] : memref<512xi32, #tpu.memory_space<vmem>> -> memref<8xi32, #tpu.memory_space<vmem>>
        %dma_start3A_1418 = arith.constant 0 : i32
        %dma_start3A_1419 = arith.constant 0 : i32
        %dma_start3A_1420 = tpu.memref_slice %arg2[%dma_start3A_1418, %dma_start3A_1419] : memref<100000x512xf32, #tpu.memory_space<hbm>> -> memref<100000x512xf32, #tpu.memory_space<hbm>>
        tpu.enqueue_indirect_dma source(%dma_start3A_1420 : memref<100000x512xf32, #tpu.memory_space<hbm>>) target(%arg20 : memref<8x512xf32, #tpu.memory_space<vmem>>) offsets(%dma_start3A_1417 : memref<8xi32, #tpu.memory_space<vmem>>) semaphore(%arg39 : memref<!tpu.dma_semaphore, #tpu.memory_space<semaphore_mem>>)
        %dma_start3A_1421 = tpu.memref_slice %arg9[%multiple_of3A_1416] : memref<512xi32, #tpu.memory_space<vmem>> -> memref<8xi32, #tpu.memory_space<vmem>>
        %dma_start3A_1422 = arith.constant 0 : i32
        %dma_start3A_1423 = arith.constant 0 : i32
        %dma_start3A_1424 = tpu.memref_slice %arg3[%dma_start3A_1422, %dma_start3A_1423] : memref<100000x512xf32, #tpu.memory_space<hbm>> -> memref<100000x512xf32, #tpu.memory_space<hbm>>
        tpu.enqueue_indirect_dma source(%dma_start3A_1424 : memref<100000x512xf32, #tpu.memory_space<hbm>>) target(%arg21 : memref<8x512xf32, #tpu.memory_space<vmem>>) offsets(%dma_start3A_1421 : memref<8xi32, #tpu.memory_space<vmem>>) semaphore(%arg39 : memref<!tpu.dma_semaphore, #tpu.memory_space<semaphore_mem>>)
        %dma_start3A_1425 = tpu.memref_slice %arg10[%multiple_of3A_1416] : memref<512xi32, #tpu.memory_space<vmem>> -> memref<8xi32, #tpu.memory_space<vmem>>
        %dma_start3A_1426 = arith.constant 0 : i32
        %dma_start3A_1427 = arith.constant 0 : i32
        %dma_start3A_1428 = tpu.memref_slice %arg3[%dma_start3A_1426, %dma_start3A_1427] : memref<100000x512xf32, #tpu.memory_space<hbm>> -> memref<100000x512xf32, #tpu.memory_space<hbm>>
        tpu.enqueue_indirect_dma source(%dma_start3A_1428 : memref<100000x512xf32, #tpu.memory_space<hbm>>) target(%arg22 : memref<8x512xf32, #tpu.memory_space<vmem>>) offsets(%dma_start3A_1425 : memref<8xi32, #tpu.memory_space<vmem>>) semaphore(%arg39 : memref<!tpu.dma_semaphore, #tpu.memory_space<semaphore_mem>>)
      } else {
      }
      %dma_wait3A_765 = arith.constant 0 : i32
      %dma_wait3A_766 = arith.constant 0 : i32
      %dma_wait3A_767 = tpu.memref_slice %arg2[%dma_wait3A_765, %dma_wait3A_766] : memref<100000x512xf32, #tpu.memory_space<hbm>> -> memref<8x512xf32, #tpu.memory_space<hbm>>
      %dma_wait3A_768 = arith.constant 0 : i32
      %dma_wait3A_769 = arith.constant 0 : i32
      %dma_wait3A_770 = tpu.memref_slice %arg2[%dma_wait3A_768, %dma_wait3A_769] : memref<100000x512xf32, #tpu.memory_space<hbm>> -> memref<8x512xf32, #tpu.memory_space<hbm>>
      tpu.wait_dma2 semaphore(%arg40 : memref<!tpu.dma_semaphore, #tpu.memory_space<semaphore_mem>>) src(%dma_wait3A_770 : memref<8x512xf32, #tpu.memory_space<hbm>>) dst(%arg23 : memref<8x512xf32, #tpu.memory_space<vmem>>)
      %dma_wait3A_771 = arith.constant 0 : i32
      %dma_wait3A_772 = arith.constant 0 : i32
      %dma_wait3A_773 = tpu.memref_slice %arg3[%dma_wait3A_771, %dma_wait3A_772] : memref<100000x512xf32, #tpu.memory_space<hbm>> -> memref<8x512xf32, #tpu.memory_space<hbm>>
      %dma_wait3A_774 = arith.constant 0 : i32
      %dma_wait3A_775 = arith.constant 0 : i32
      %dma_wait3A_776 = tpu.memref_slice %arg3[%dma_wait3A_774, %dma_wait3A_775] : memref<100000x512xf32, #tpu.memory_space<hbm>> -> memref<8x512xf32, #tpu.memory_space<hbm>>
      tpu.wait_dma2 semaphore(%arg40 : memref<!tpu.dma_semaphore, #tpu.memory_space<semaphore_mem>>) src(%dma_wait3A_776 : memref<8x512xf32, #tpu.memory_space<hbm>>) dst(%arg24 : memref<8x512xf32, #tpu.memory_space<vmem>>)
      %dma_wait3A_777 = arith.constant 0 : i32
      %dma_wait3A_778 = arith.constant 0 : i32
      %dma_wait3A_779 = tpu.memref_slice %arg3[%dma_wait3A_777, %dma_wait3A_778] : memref<100000x512xf32, #tpu.memory_space<hbm>> -> memref<8x512xf32, #tpu.memory_space<hbm>>
      %dma_wait3A_780 = arith.constant 0 : i32
      %dma_wait3A_781 = arith.constant 0 : i32
      %dma_wait3A_782 = tpu.memref_slice %arg3[%dma_wait3A_780, %dma_wait3A_781] : memref<100000x512xf32, #tpu.memory_space<hbm>> -> memref<8x512xf32, #tpu.memory_space<hbm>>
      tpu.wait_dma2 semaphore(%arg40 : memref<!tpu.dma_semaphore, #tpu.memory_space<semaphore_mem>>) src(%dma_wait3A_782 : memref<8x512xf32, #tpu.memory_space<hbm>>) dst(%arg25 : memref<8x512xf32, #tpu.memory_space<vmem>>)
      %broadcast_in_dim3A_783 = arith.constant 0.000000e+00 : f32
      %broadcast_in_dim3A_784 = vector.broadcast %broadcast_in_dim3A_783 : f32 to vector<16xf32>
      %broadcast_in_dim3A_785 = arith.constant 0.000000e+00 : f32
      %broadcast_in_dim3A_786 = vector.broadcast %broadcast_in_dim3A_785 : f32 to vector<16xf32>
      %broadcast_in_dim3A_787 = arith.constant 0.000000e+00 : f32
      %broadcast_in_dim3A_788 = vector.broadcast %broadcast_in_dim3A_787 : f32 to vector<16xf32>
      %broadcast_in_dim3A_789 = arith.constant 0.000000e+00 : f32
      %broadcast_in_dim3A_790 = vector.broadcast %broadcast_in_dim3A_789 : f32 to vector<16xf32>
      %broadcast_in_dim3A_791 = arith.constant 0.000000e+00 : f32
      %broadcast_in_dim3A_792 = vector.broadcast %broadcast_in_dim3A_791 : f32 to vector<16xf32>
      %broadcast_in_dim3A_793 = arith.constant 0.000000e+00 : f32
      %broadcast_in_dim3A_794 = vector.broadcast %broadcast_in_dim3A_793 : f32 to vector<16xf32>
      %broadcast_in_dim3A_795 = arith.constant 0.000000e+00 : f32
      %broadcast_in_dim3A_796 = vector.broadcast %broadcast_in_dim3A_795 : f32 to vector<16xf32>
      %broadcast_in_dim3A_797 = arith.constant 0.000000e+00 : f32
      %broadcast_in_dim3A_798 = vector.broadcast %broadcast_in_dim3A_797 : f32 to vector<16xf32>
      %scan3A_799 = arith.constant 0 : i32
      %scan3A_800 = arith.constant 32 : i32
      %scan3A_801 = arith.addi %scan3A_799, %scan3A_800 : i32
      %scan3A_802 = arith.constant 1 : i32
      %scan3A_803:8 = scf.for %scan3A_1410 = %scan3A_799 to %scan3A_801 step %scan3A_802 iter_args(%scan3A_1411 = %broadcast_in_dim3A_784, %scan3A_1412 = %broadcast_in_dim3A_786, %scan3A_1413 = %broadcast_in_dim3A_788, %scan3A_1414 = %broadcast_in_dim3A_790, %scan3A_1415 = %broadcast_in_dim3A_792, %scan3A_1416 = %broadcast_in_dim3A_794, %scan3A_1417 = %broadcast_in_dim3A_796, %scan3A_1418 = %broadcast_in_dim3A_798) -> (vector<16xf32>, vector<16xf32>, vector<16xf32>, vector<16xf32>, vector<16xf32>, vector<16xf32>, vector<16xf32>, vector<16xf32>)  : i32 {
        %mul3A_1419 = arith.constant 16 : i32
        %mul3A_1420 = arith.muli %scan3A_1410, %mul3A_1419 : i32
        %multiple_of3A_1421 = tpu.assume_multiple %mul3A_1420, 16 : i32
        %get3A = arith.constant 0 : i32
        %get3A_1422 = arith.index_cast %get3A : i32 to index
        %get3A_1423 = arith.index_cast %multiple_of3A_1421 : i32 to index
        %get3A_1424 = tpu.vector_load %arg23[%get3A_1422, %get3A_1423] {strides = array<i32>} : memref<8x512xf32, #tpu.memory_space<vmem>>, vector<16xf32>,
        %get3A_1425 = arith.constant 0 : i32
        %get3A_1426 = arith.index_cast %get3A_1425 : i32 to index
        %get3A_1427 = arith.index_cast %multiple_of3A_1421 : i32 to index
        %get3A_1428 = tpu.vector_load %arg24[%get3A_1426, %get3A_1427] {strides = array<i32>} : memref<8x512xf32, #tpu.memory_space<vmem>>, vector<16xf32>,
        %get3A_1429 = arith.constant 0 : i32
        %get3A_1430 = arith.index_cast %get3A_1429 : i32 to index
        %get3A_1431 = arith.index_cast %multiple_of3A_1421 : i32 to index
        %get3A_1432 = tpu.vector_load %arg25[%get3A_1430, %get3A_1431] {strides = array<i32>} : memref<8x512xf32, #tpu.memory_space<vmem>>, vector<16xf32>,
        %sub3A_1433 = arith.subf %get3A_1428, %get3A_1432 : vector<16xf32>
        %mul3A_1434 = arith.mulf %get3A_1424, %sub3A_1433 : vector<16xf32>
        %add3A_1435 = arith.addf %scan3A_1411, %mul3A_1434 : vector<16xf32>
        %get3A_1436 = arith.constant 1 : i32
        %get3A_1437 = arith.index_cast %get3A_1436 : i32 to index
        %get3A_1438 = arith.index_cast %multiple_of3A_1421 : i32 to index
        %get3A_1439 = tpu.vector_load %arg23[%get3A_1437, %get3A_1438] {strides = array<i32>} : memref<8x512xf32, #tpu.memory_space<vmem>>, vector<16xf32>,
        %get3A_1440 = arith.constant 1 : i32
        %get3A_1441 = arith.index_cast %get3A_1440 : i32 to index
        %get3A_1442 = arith.index_cast %multiple_of3A_1421 : i32 to index
        %get3A_1443 = tpu.vector_load %arg24[%get3A_1441, %get3A_1442] {strides = array<i32>} : memref<8x512xf32, #tpu.memory_space<vmem>>, vector<16xf32>,
        %get3A_1444 = arith.constant 1 : i32
        %get3A_1445 = arith.index_cast %get3A_1444 : i32 to index
        %get3A_1446 = arith.index_cast %multiple_of3A_1421 : i32 to index
        %get3A_1447 = tpu.vector_load %arg25[%get3A_1445, %get3A_1446] {strides = array<i32>} : memref<8x512xf32, #tpu.memory_space<vmem>>, vector<16xf32>,
        %sub3A_1448 = arith.subf %get3A_1443, %get3A_1447 : vector<16xf32>
        %mul3A_1449 = arith.mulf %get3A_1439, %sub3A_1448 : vector<16xf32>
        %add3A_1450 = arith.addf %scan3A_1412, %mul3A_1449 : vector<16xf32>
        %get3A_1451 = arith.constant 2 : i32
        %get3A_1452 = arith.index_cast %get3A_1451 : i32 to index
        %get3A_1453 = arith.index_cast %multiple_of3A_1421 : i32 to index
        %get3A_1454 = tpu.vector_load %arg23[%get3A_1452, %get3A_1453] {strides = array<i32>} : memref<8x512xf32, #tpu.memory_space<vmem>>, vector<16xf32>,
        %get3A_1455 = arith.constant 2 : i32
        %get3A_1456 = arith.index_cast %get3A_1455 : i32 to index
        %get3A_1457 = arith.index_cast %multiple_of3A_1421 : i32 to index
        %get3A_1458 = tpu.vector_load %arg24[%get3A_1456, %get3A_1457] {strides = array<i32>} : memref<8x512xf32, #tpu.memory_space<vmem>>, vector<16xf32>,
        %get3A_1459 = arith.constant 2 : i32
        %get3A_1460 = arith.index_cast %get3A_1459 : i32 to index
        %get3A_1461 = arith.index_cast %multiple_of3A_1421 : i32 to index
        %get3A_1462 = tpu.vector_load %arg25[%get3A_1460, %get3A_1461] {strides = array<i32>} : memref<8x512xf32, #tpu.memory_space<vmem>>, vector<16xf32>,
        %sub3A_1463 = arith.subf %get3A_1458, %get3A_1462 : vector<16xf32>
        %mul3A_1464 = arith.mulf %get3A_1454, %sub3A_1463 : vector<16xf32>
        %add3A_1465 = arith.addf %scan3A_1413, %mul3A_1464 : vector<16xf32>
        %get3A_1466 = arith.constant 3 : i32
        %get3A_1467 = arith.index_cast %get3A_1466 : i32 to index
        %get3A_1468 = arith.index_cast %multiple_of3A_1421 : i32 to index
        %get3A_1469 = tpu.vector_load %arg23[%get3A_1467, %get3A_1468] {strides = array<i32>} : memref<8x512xf32, #tpu.memory_space<vmem>>, vector<16xf32>,
        %get3A_1470 = arith.constant 3 : i32
        %get3A_1471 = arith.index_cast %get3A_1470 : i32 to index
        %get3A_1472 = arith.index_cast %multiple_of3A_1421 : i32 to index
        %get3A_1473 = tpu.vector_load %arg24[%get3A_1471, %get3A_1472] {strides = array<i32>} : memref<8x512xf32, #tpu.memory_space<vmem>>, vector<16xf32>,
        %get3A_1474 = arith.constant 3 : i32
        %get3A_1475 = arith.index_cast %get3A_1474 : i32 to index
        %get3A_1476 = arith.index_cast %multiple_of3A_1421 : i32 to index
        %get3A_1477 = tpu.vector_load %arg25[%get3A_1475, %get3A_1476] {strides = array<i32>} : memref<8x512xf32, #tpu.memory_space<vmem>>, vector<16xf32>,
        %sub3A_1478 = arith.subf %get3A_1473, %get3A_1477 : vector<16xf32>
        %mul3A_1479 = arith.mulf %get3A_1469, %sub3A_1478 : vector<16xf32>
        %add3A_1480 = arith.addf %scan3A_1414, %mul3A_1479 : vector<16xf32>
        %get3A_1481 = arith.constant 4 : i32
        %get3A_1482 = arith.index_cast %get3A_1481 : i32 to index
        %get3A_1483 = arith.index_cast %multiple_of3A_1421 : i32 to index
        %get3A_1484 = tpu.vector_load %arg23[%get3A_1482, %get3A_1483] {strides = array<i32>} : memref<8x512xf32, #tpu.memory_space<vmem>>, vector<16xf32>,
        %get3A_1485 = arith.constant 4 : i32
        %get3A_1486 = arith.index_cast %get3A_1485 : i32 to index
        %get3A_1487 = arith.index_cast %multiple_of3A_1421 : i32 to index
        %get3A_1488 = tpu.vector_load %arg24[%get3A_1486, %get3A_1487] {strides = array<i32>} : memref<8x512xf32, #tpu.memory_space<vmem>>, vector<16xf32>,
        %get3A_1489 = arith.constant 4 : i32
        %get3A_1490 = arith.index_cast %get3A_1489 : i32 to index
        %get3A_1491 = arith.index_cast %multiple_of3A_1421 : i32 to index
        %get3A_1492 = tpu.vector_load %arg25[%get3A_1490, %get3A_1491] {strides = array<i32>} : memref<8x512xf32, #tpu.memory_space<vmem>>, vector<16xf32>,
        %sub3A_1493 = arith.subf %get3A_1488, %get3A_1492 : vector<16xf32>
        %mul3A_1494 = arith.mulf %get3A_1484, %sub3A_1493 : vector<16xf32>
        %add3A_1495 = arith.addf %scan3A_1415, %mul3A_1494 : vector<16xf32>
        %get3A_1496 = arith.constant 5 : i32
        %get3A_1497 = arith.index_cast %get3A_1496 : i32 to index
        %get3A_1498 = arith.index_cast %multiple_of3A_1421 : i32 to index
        %get3A_1499 = tpu.vector_load %arg23[%get3A_1497, %get3A_1498] {strides = array<i32>} : memref<8x512xf32, #tpu.memory_space<vmem>>, vector<16xf32>,
        %get3A_1500 = arith.constant 5 : i32
        %get3A_1501 = arith.index_cast %get3A_1500 : i32 to index
        %get3A_1502 = arith.index_cast %multiple_of3A_1421 : i32 to index
        %get3A_1503 = tpu.vector_load %arg24[%get3A_1501, %get3A_1502] {strides = array<i32>} : memref<8x512xf32, #tpu.memory_space<vmem>>, vector<16xf32>,
        %get3A_1504 = arith.constant 5 : i32
        %get3A_1505 = arith.index_cast %get3A_1504 : i32 to index
        %get3A_1506 = arith.index_cast %multiple_of3A_1421 : i32 to index
        %get3A_1507 = tpu.vector_load %arg25[%get3A_1505, %get3A_1506] {strides = array<i32>} : memref<8x512xf32, #tpu.memory_space<vmem>>, vector<16xf32>,
        %sub3A_1508 = arith.subf %get3A_1503, %get3A_1507 : vector<16xf32>
        %mul3A_1509 = arith.mulf %get3A_1499, %sub3A_1508 : vector<16xf32>
        %add3A_1510 = arith.addf %scan3A_1416, %mul3A_1509 : vector<16xf32>
        %get3A_1511 = arith.constant 6 : i32
        %get3A_1512 = arith.index_cast %get3A_1511 : i32 to index
        %get3A_1513 = arith.index_cast %multiple_of3A_1421 : i32 to index
        %get3A_1514 = tpu.vector_load %arg23[%get3A_1512, %get3A_1513] {strides = array<i32>} : memref<8x512xf32, #tpu.memory_space<vmem>>, vector<16xf32>,
        %get3A_1515 = arith.constant 6 : i32
        %get3A_1516 = arith.index_cast %get3A_1515 : i32 to index
        %get3A_1517 = arith.index_cast %multiple_of3A_1421 : i32 to index
        %get3A_1518 = tpu.vector_load %arg24[%get3A_1516, %get3A_1517] {strides = array<i32>} : memref<8x512xf32, #tpu.memory_space<vmem>>, vector<16xf32>,
        %get3A_1519 = arith.constant 6 : i32
        %get3A_1520 = arith.index_cast %get3A_1519 : i32 to index
        %get3A_1521 = arith.index_cast %multiple_of3A_1421 : i32 to index
        %get3A_1522 = tpu.vector_load %arg25[%get3A_1520, %get3A_1521] {strides = array<i32>} : memref<8x512xf32, #tpu.memory_space<vmem>>, vector<16xf32>,
        %sub3A_1523 = arith.subf %get3A_1518, %get3A_1522 : vector<16xf32>
        %mul3A_1524 = arith.mulf %get3A_1514, %sub3A_1523 : vector<16xf32>
        %add3A_1525 = arith.addf %scan3A_1417, %mul3A_1524 : vector<16xf32>
        %get3A_1526 = arith.constant 7 : i32
        %get3A_1527 = arith.index_cast %get3A_1526 : i32 to index
        %get3A_1528 = arith.index_cast %multiple_of3A_1421 : i32 to index
        %get3A_1529 = tpu.vector_load %arg23[%get3A_1527, %get3A_1528] {strides = array<i32>} : memref<8x512xf32, #tpu.memory_space<vmem>>, vector<16xf32>,
        %get3A_1530 = arith.constant 7 : i32
        %get3A_1531 = arith.index_cast %get3A_1530 : i32 to index
        %get3A_1532 = arith.index_cast %multiple_of3A_1421 : i32 to index
        %get3A_1533 = tpu.vector_load %arg24[%get3A_1531, %get3A_1532] {strides = array<i32>} : memref<8x512xf32, #tpu.memory_space<vmem>>, vector<16xf32>,
        %get3A_1534 = arith.constant 7 : i32
        %get3A_1535 = arith.index_cast %get3A_1534 : i32 to index
        %get3A_1536 = arith.index_cast %multiple_of3A_1421 : i32 to index
        %get3A_1537 = tpu.vector_load %arg25[%get3A_1535, %get3A_1536] {strides = array<i32>} : memref<8x512xf32, #tpu.memory_space<vmem>>, vector<16xf32>,
        %sub3A_1538 = arith.subf %get3A_1533, %get3A_1537 : vector<16xf32>
        %mul3A_1539 = arith.mulf %get3A_1529, %sub3A_1538 : vector<16xf32>
        %add3A_1540 = arith.addf %scan3A_1418, %mul3A_1539 : vector<16xf32>
        scf.yield %add3A_1435, %add3A_1450, %add3A_1465, %add3A_1480, %add3A_1495, %add3A_1510, %add3A_1525, %add3A_1540 : vector<16xf32>, vector<16xf32>, vector<16xf32>, vector<16xf32>, vector<16xf32>, vector<16xf32>, vector<16xf32>, vector<16xf32>
      }
      %scan3A_804 = arith.constant 32 : i32
      %broadcast_in_dim3A_805 = arith.constant 0.000000e+00 : f32
      %broadcast_in_dim3A_806 = vector.broadcast %broadcast_in_dim3A_805 : f32 to vector<16xf32>
      %eq3A_807 = arith.constant 0 : i32
      %eq3A_808 = vector.broadcast %eq3A_807 : i32 to vector<16xi32>
      %eq3A_809 = arith.cmpi eq, %iota3A, %eq3A_808 : vector<16xi32>
      %reduce_sum3A_810 = arith.constant true
      %reduce_sum3A_811 = vector.broadcast %reduce_sum3A_810 : i1 to vector<16xi1>
      %reduce_sum3A_812 = tpu.scan <sum>, %scan3A_803#0 masked %reduce_sum3A_811 : vector<16xf32>, vector<16xi1> -> vector<16xf32>
      %reduce_sum3A_813 = vector.extract %reduce_sum3A_812[15] : f32 from vector<16xf32>
      %broadcast_in_dim3A_814 = vector.broadcast %reduce_sum3A_813 : f32 to vector<16xf32>
      %select_n3A_815 = arith.select %eq3A_809, %broadcast_in_dim3A_814, %broadcast_in_dim3A_806 : vector<16xi1>, vector<16xf32>
      %eq3A_816 = arith.constant 1 : i32
      %eq3A_817 = vector.broadcast %eq3A_816 : i32 to vector<16xi32>
      %eq3A_818 = arith.cmpi eq, %iota3A, %eq3A_817 : vector<16xi32>
      %reduce_sum3A_819 = arith.constant true
      %reduce_sum3A_820 = vector.broadcast %reduce_sum3A_819 : i1 to vector<16xi1>
      %reduce_sum3A_821 = tpu.scan <sum>, %scan3A_803#1 masked %reduce_sum3A_820 : vector<16xf32>, vector<16xi1> -> vector<16xf32>
      %reduce_sum3A_822 = vector.extract %reduce_sum3A_821[15] : f32 from vector<16xf32>
      %broadcast_in_dim3A_823 = vector.broadcast %reduce_sum3A_822 : f32 to vector<16xf32>
      %select_n3A_824 = arith.select %eq3A_818, %broadcast_in_dim3A_823, %select_n3A_815 : vector<16xi1>, vector<16xf32>
      %eq3A_825 = arith.constant 2 : i32
      %eq3A_826 = vector.broadcast %eq3A_825 : i32 to vector<16xi32>
      %eq3A_827 = arith.cmpi eq, %iota3A, %eq3A_826 : vector<16xi32>
      %reduce_sum3A_828 = arith.constant true
      %reduce_sum3A_829 = vector.broadcast %reduce_sum3A_828 : i1 to vector<16xi1>
      %reduce_sum3A_830 = tpu.scan <sum>, %scan3A_803#2 masked %reduce_sum3A_829 : vector<16xf32>, vector<16xi1> -> vector<16xf32>
      %reduce_sum3A_831 = vector.extract %reduce_sum3A_830[15] : f32 from vector<16xf32>
      %broadcast_in_dim3A_832 = vector.broadcast %reduce_sum3A_831 : f32 to vector<16xf32>
      %select_n3A_833 = arith.select %eq3A_827, %broadcast_in_dim3A_832, %select_n3A_824 : vector<16xi1>, vector<16xf32>
      %eq3A_834 = arith.constant 3 : i32
      %eq3A_835 = vector.broadcast %eq3A_834 : i32 to vector<16xi32>
      %eq3A_836 = arith.cmpi eq, %iota3A, %eq3A_835 : vector<16xi32>
      %reduce_sum3A_837 = arith.constant true
      %reduce_sum3A_838 = vector.broadcast %reduce_sum3A_837 : i1 to vector<16xi1>
      %reduce_sum3A_839 = tpu.scan <sum>, %scan3A_803#3 masked %reduce_sum3A_838 : vector<16xf32>, vector<16xi1> -> vector<16xf32>
      %reduce_sum3A_840 = vector.extract %reduce_sum3A_839[15] : f32 from vector<16xf32>
      %broadcast_in_dim3A_841 = vector.broadcast %reduce_sum3A_840 : f32 to vector<16xf32>
      %select_n3A_842 = arith.select %eq3A_836, %broadcast_in_dim3A_841, %select_n3A_833 : vector<16xi1>, vector<16xf32>
      %eq3A_843 = arith.constant 4 : i32
      %eq3A_844 = vector.broadcast %eq3A_843 : i32 to vector<16xi32>
      %eq3A_845 = arith.cmpi eq, %iota3A, %eq3A_844 : vector<16xi32>
      %reduce_sum3A_846 = arith.constant true
      %reduce_sum3A_847 = vector.broadcast %reduce_sum3A_846 : i1 to vector<16xi1>
      %reduce_sum3A_848 = tpu.scan <sum>, %scan3A_803#4 masked %reduce_sum3A_847 : vector<16xf32>, vector<16xi1> -> vector<16xf32>
      %reduce_sum3A_849 = vector.extract %reduce_sum3A_848[15] : f32 from vector<16xf32>
      %broadcast_in_dim3A_850 = vector.broadcast %reduce_sum3A_849 : f32 to vector<16xf32>
      %select_n3A_851 = arith.select %eq3A_845, %broadcast_in_dim3A_850, %select_n3A_842 : vector<16xi1>, vector<16xf32>
      %eq3A_852 = arith.constant 5 : i32
      %eq3A_853 = vector.broadcast %eq3A_852 : i32 to vector<16xi32>
      %eq3A_854 = arith.cmpi eq, %iota3A, %eq3A_853 : vector<16xi32>
      %reduce_sum3A_855 = arith.constant true
      %reduce_sum3A_856 = vector.broadcast %reduce_sum3A_855 : i1 to vector<16xi1>
      %reduce_sum3A_857 = tpu.scan <sum>, %scan3A_803#5 masked %reduce_sum3A_856 : vector<16xf32>, vector<16xi1> -> vector<16xf32>
      %reduce_sum3A_858 = vector.extract %reduce_sum3A_857[15] : f32 from vector<16xf32>
      %broadcast_in_dim3A_859 = vector.broadcast %reduce_sum3A_858 : f32 to vector<16xf32>
      %select_n3A_860 = arith.select %eq3A_854, %broadcast_in_dim3A_859, %select_n3A_851 : vector<16xi1>, vector<16xf32>
      %eq3A_861 = arith.constant 6 : i32
      %eq3A_862 = vector.broadcast %eq3A_861 : i32 to vector<16xi32>
      %eq3A_863 = arith.cmpi eq, %iota3A, %eq3A_862 : vector<16xi32>
      %reduce_sum3A_864 = arith.constant true
      %reduce_sum3A_865 = vector.broadcast %reduce_sum3A_864 : i1 to vector<16xi1>
      %reduce_sum3A_866 = tpu.scan <sum>, %scan3A_803#6 masked %reduce_sum3A_865 : vector<16xf32>, vector<16xi1> -> vector<16xf32>
      %reduce_sum3A_867 = vector.extract %reduce_sum3A_866[15] : f32 from vector<16xf32>
      %broadcast_in_dim3A_868 = vector.broadcast %reduce_sum3A_867 : f32 to vector<16xf32>
      %select_n3A_869 = arith.select %eq3A_863, %broadcast_in_dim3A_868, %select_n3A_860 : vector<16xi1>, vector<16xf32>
      %eq3A_870 = arith.constant 7 : i32
      %eq3A_871 = vector.broadcast %eq3A_870 : i32 to vector<16xi32>
      %eq3A_872 = arith.cmpi eq, %iota3A, %eq3A_871 : vector<16xi32>
      %reduce_sum3A_873 = arith.constant true
      %reduce_sum3A_874 = vector.broadcast %reduce_sum3A_873 : i1 to vector<16xi1>
      %reduce_sum3A_875 = tpu.scan <sum>, %scan3A_803#7 masked %reduce_sum3A_874 : vector<16xf32>, vector<16xi1> -> vector<16xf32>
      %reduce_sum3A_876 = vector.extract %reduce_sum3A_875[15] : f32 from vector<16xf32>
      %broadcast_in_dim3A_877 = vector.broadcast %reduce_sum3A_876 : f32 to vector<16xf32>
      %select_n3A_878 = arith.select %eq3A_872, %broadcast_in_dim3A_877, %select_n3A_869 : vector<16xi1>, vector<16xf32>
      %abs3A_879 = math.absf %select_n3A_878 : vector<16xf32>
      %neg3A_880 = arith.constant 0.000000e+00 : f32
      %neg3A_881 = vector.broadcast %neg3A_880 : f32 to vector<16xf32>
      %neg3A_882 = arith.subf %neg3A_881, %abs3A_879 : vector<16xf32>
      %exp3A_883 = math.exp %neg3A_882 : vector<16xf32>
      %add3A_884 = arith.constant 2.000000e+00 : f32
      %add3A_885 = vector.broadcast %add3A_884 : f32 to vector<16xf32>
      %add3A_886 = arith.addf %add3A_885, %exp3A_883 : vector<16xf32>
      %div3A_887 = arith.divf %exp3A_883, %add3A_886 : vector<16xf32>
      %mul3A_888 = arith.mulf %div3A_887, %div3A_887 : vector<16xf32>
      %mul3A_889 = arith.constant 2.000000e+00 : f32
      %mul3A_890 = vector.broadcast %mul3A_889 : f32 to vector<16xf32>
      %mul3A_891 = arith.mulf %mul3A_890, %div3A_887 : vector<16xf32>
      %mul3A_892 = arith.constant 0.142857149 : f32
      %mul3A_893 = vector.broadcast %mul3A_892 : f32 to vector<16xf32>
      %mul3A_894 = arith.mulf %mul3A_888, %mul3A_893 : vector<16xf32>
      %add3A_895 = arith.constant 2.000000e-01 : f32
      %add3A_896 = vector.broadcast %add3A_895 : f32 to vector<16xf32>
      %add3A_897 = arith.addf %add3A_896, %mul3A_894 : vector<16xf32>
      %mul3A_898 = arith.mulf %mul3A_888, %add3A_897 : vector<16xf32>
      %add3A_899 = arith.constant 0.333333343 : f32
      %add3A_900 = vector.broadcast %add3A_899 : f32 to vector<16xf32>
      %add3A_901 = arith.addf %add3A_900, %mul3A_898 : vector<16xf32>
      %mul3A_902 = arith.mulf %mul3A_888, %add3A_901 : vector<16xf32>
      %add3A_903 = arith.constant 1.000000e+00 : f32
      %add3A_904 = vector.broadcast %add3A_903 : f32 to vector<16xf32>
      %add3A_905 = arith.addf %add3A_904, %mul3A_902 : vector<16xf32>
      %mul3A_906 = arith.mulf %mul3A_891, %add3A_905 : vector<16xf32>
      %min3A_907 = arith.constant 0.000000e+00 : f32
      %min3A_908 = vector.broadcast %min3A_907 : f32 to vector<16xf32>
      %min3A_909 = arith.minimumf %select_n3A_878, %min3A_908 : vector<16xf32>
      %sub3A_910 = arith.subf %mul3A_906, %min3A_909 : vector<16xf32>
      %lt3A_911 = arith.constant 8 : i32
      %lt3A_912 = vector.broadcast %lt3A_911 : i32 to vector<16xi32>
      %lt3A_913 = arith.cmpi slt, %iota3A, %lt3A_912 : vector<16xi32>
      %jit3A_914 = arith.constant 0.000000e+00 : f32
      %broadcast_in_dim3A_915 = vector.broadcast %jit3A_914 : f32 to vector<16xf32>
      %select_n3A_916 = arith.select %lt3A_913, %sub3A_910, %broadcast_in_dim3A_915 : vector<16xi1>, vector<16xf32>
      %add3A_917 = arith.addf %add3A_753, %select_n3A_916 : vector<16xf32>
      %add3A_918 = arith.constant 5 : i32
      %add3A_919 = arith.addi %mul3A_111, %add3A_918 : i32
      %add3A_920 = arith.constant 8 : i32
      %add3A_921 = arith.addi %add3A_919, %add3A_920 : i32
      %sub3A_922 = arith.constant 1 : i32
      %sub3A_923 = arith.subi %add3A_921, %sub3A_922 : i32
      %lt3A_924 = arith.constant 64 : i32
      %lt3A_925 = arith.cmpi slt, %sub3A_923, %lt3A_924 : i32
      %convert_element_type3A_926 = arith.extui %lt3A_925 : i1 to i32
      %cond3A_927 = arith.constant 0 : i32
      %cond3A_928 = arith.cmpi ne, %convert_element_type3A_926, %cond3A_927 : i32
      scf.if %cond3A_928 {
        %add3A_1410 = arith.constant 8 : i32
        %add3A_1411 = arith.addi %add3A_919, %add3A_1410 : i32
        %sub3A_1412 = arith.constant 1 : i32
        %sub3A_1413 = arith.subi %add3A_1411, %sub3A_1412 : i32
        %mul3A_1414 = arith.constant 8 : i32
        %mul3A_1415 = arith.muli %sub3A_1413, %mul3A_1414 : i32
        %multiple_of3A_1416 = tpu.assume_multiple %mul3A_1415, 8 : i32
        %dma_start3A_1417 = tpu.memref_slice %arg8[%multiple_of3A_1416] : memref<512xi32, #tpu.memory_space<vmem>> -> memref<8xi32, #tpu.memory_space<vmem>>
        %dma_start3A_1418 = arith.constant 0 : i32
        %dma_start3A_1419 = arith.constant 0 : i32
        %dma_start3A_1420 = tpu.memref_slice %arg2[%dma_start3A_1418, %dma_start3A_1419] : memref<100000x512xf32, #tpu.memory_space<hbm>> -> memref<100000x512xf32, #tpu.memory_space<hbm>>
        tpu.enqueue_indirect_dma source(%dma_start3A_1420 : memref<100000x512xf32, #tpu.memory_space<hbm>>) target(%arg23 : memref<8x512xf32, #tpu.memory_space<vmem>>) offsets(%dma_start3A_1417 : memref<8xi32, #tpu.memory_space<vmem>>) semaphore(%arg40 : memref<!tpu.dma_semaphore, #tpu.memory_space<semaphore_mem>>)
        %dma_start3A_1421 = tpu.memref_slice %arg9[%multiple_of3A_1416] : memref<512xi32, #tpu.memory_space<vmem>> -> memref<8xi32, #tpu.memory_space<vmem>>
        %dma_start3A_1422 = arith.constant 0 : i32
        %dma_start3A_1423 = arith.constant 0 : i32
        %dma_start3A_1424 = tpu.memref_slice %arg3[%dma_start3A_1422, %dma_start3A_1423] : memref<100000x512xf32, #tpu.memory_space<hbm>> -> memref<100000x512xf32, #tpu.memory_space<hbm>>
        tpu.enqueue_indirect_dma source(%dma_start3A_1424 : memref<100000x512xf32, #tpu.memory_space<hbm>>) target(%arg24 : memref<8x512xf32, #tpu.memory_space<vmem>>) offsets(%dma_start3A_1421 : memref<8xi32, #tpu.memory_space<vmem>>) semaphore(%arg40 : memref<!tpu.dma_semaphore, #tpu.memory_space<semaphore_mem>>)
        %dma_start3A_1425 = tpu.memref_slice %arg10[%multiple_of3A_1416] : memref<512xi32, #tpu.memory_space<vmem>> -> memref<8xi32, #tpu.memory_space<vmem>>
        %dma_start3A_1426 = arith.constant 0 : i32
        %dma_start3A_1427 = arith.constant 0 : i32
        %dma_start3A_1428 = tpu.memref_slice %arg3[%dma_start3A_1426, %dma_start3A_1427] : memref<100000x512xf32, #tpu.memory_space<hbm>> -> memref<100000x512xf32, #tpu.memory_space<hbm>>
        tpu.enqueue_indirect_dma source(%dma_start3A_1428 : memref<100000x512xf32, #tpu.memory_space<hbm>>) target(%arg25 : memref<8x512xf32, #tpu.memory_space<vmem>>) offsets(%dma_start3A_1425 : memref<8xi32, #tpu.memory_space<vmem>>) semaphore(%arg40 : memref<!tpu.dma_semaphore, #tpu.memory_space<semaphore_mem>>)
      } else {
      }
      %dma_wait3A_929 = arith.constant 0 : i32
      %dma_wait3A_930 = arith.constant 0 : i32
      %dma_wait3A_931 = tpu.memref_slice %arg2[%dma_wait3A_929, %dma_wait3A_930] : memref<100000x512xf32, #tpu.memory_space<hbm>> -> memref<8x512xf32, #tpu.memory_space<hbm>>
      %dma_wait3A_932 = arith.constant 0 : i32
      %dma_wait3A_933 = arith.constant 0 : i32
      %dma_wait3A_934 = tpu.memref_slice %arg2[%dma_wait3A_932, %dma_wait3A_933] : memref<100000x512xf32, #tpu.memory_space<hbm>> -> memref<8x512xf32, #tpu.memory_space<hbm>>
      tpu.wait_dma2 semaphore(%arg41 : memref<!tpu.dma_semaphore, #tpu.memory_space<semaphore_mem>>) src(%dma_wait3A_934 : memref<8x512xf32, #tpu.memory_space<hbm>>) dst(%arg26 : memref<8x512xf32, #tpu.memory_space<vmem>>)
      %dma_wait3A_935 = arith.constant 0 : i32
      %dma_wait3A_936 = arith.constant 0 : i32
      %dma_wait3A_937 = tpu.memref_slice %arg3[%dma_wait3A_935, %dma_wait3A_936] : memref<100000x512xf32, #tpu.memory_space<hbm>> -> memref<8x512xf32, #tpu.memory_space<hbm>>
      %dma_wait3A_938 = arith.constant 0 : i32
      %dma_wait3A_939 = arith.constant 0 : i32
      %dma_wait3A_940 = tpu.memref_slice %arg3[%dma_wait3A_938, %dma_wait3A_939] : memref<100000x512xf32, #tpu.memory_space<hbm>> -> memref<8x512xf32, #tpu.memory_space<hbm>>
      tpu.wait_dma2 semaphore(%arg41 : memref<!tpu.dma_semaphore, #tpu.memory_space<semaphore_mem>>) src(%dma_wait3A_940 : memref<8x512xf32, #tpu.memory_space<hbm>>) dst(%arg27 : memref<8x512xf32, #tpu.memory_space<vmem>>)
      %dma_wait3A_941 = arith.constant 0 : i32
      %dma_wait3A_942 = arith.constant 0 : i32
      %dma_wait3A_943 = tpu.memref_slice %arg3[%dma_wait3A_941, %dma_wait3A_942] : memref<100000x512xf32, #tpu.memory_space<hbm>> -> memref<8x512xf32, #tpu.memory_space<hbm>>
      %dma_wait3A_944 = arith.constant 0 : i32
      %dma_wait3A_945 = arith.constant 0 : i32
      %dma_wait3A_946 = tpu.memref_slice %arg3[%dma_wait3A_944, %dma_wait3A_945] : memref<100000x512xf32, #tpu.memory_space<hbm>> -> memref<8x512xf32, #tpu.memory_space<hbm>>
      tpu.wait_dma2 semaphore(%arg41 : memref<!tpu.dma_semaphore, #tpu.memory_space<semaphore_mem>>) src(%dma_wait3A_946 : memref<8x512xf32, #tpu.memory_space<hbm>>) dst(%arg28 : memref<8x512xf32, #tpu.memory_space<vmem>>)
      %broadcast_in_dim3A_947 = arith.constant 0.000000e+00 : f32
      %broadcast_in_dim3A_948 = vector.broadcast %broadcast_in_dim3A_947 : f32 to vector<16xf32>
      %broadcast_in_dim3A_949 = arith.constant 0.000000e+00 : f32
      %broadcast_in_dim3A_950 = vector.broadcast %broadcast_in_dim3A_949 : f32 to vector<16xf32>
      %broadcast_in_dim3A_951 = arith.constant 0.000000e+00 : f32
      %broadcast_in_dim3A_952 = vector.broadcast %broadcast_in_dim3A_951 : f32 to vector<16xf32>
      %broadcast_in_dim3A_953 = arith.constant 0.000000e+00 : f32
      %broadcast_in_dim3A_954 = vector.broadcast %broadcast_in_dim3A_953 : f32 to vector<16xf32>
      %broadcast_in_dim3A_955 = arith.constant 0.000000e+00 : f32
      %broadcast_in_dim3A_956 = vector.broadcast %broadcast_in_dim3A_955 : f32 to vector<16xf32>
      %broadcast_in_dim3A_957 = arith.constant 0.000000e+00 : f32
      %broadcast_in_dim3A_958 = vector.broadcast %broadcast_in_dim3A_957 : f32 to vector<16xf32>
      %broadcast_in_dim3A_959 = arith.constant 0.000000e+00 : f32
      %broadcast_in_dim3A_960 = vector.broadcast %broadcast_in_dim3A_959 : f32 to vector<16xf32>
      %broadcast_in_dim3A_961 = arith.constant 0.000000e+00 : f32
      %broadcast_in_dim3A_962 = vector.broadcast %broadcast_in_dim3A_961 : f32 to vector<16xf32>
      %scan3A_963 = arith.constant 0 : i32
      %scan3A_964 = arith.constant 32 : i32
      %scan3A_965 = arith.addi %scan3A_963, %scan3A_964 : i32
      %scan3A_966 = arith.constant 1 : i32
      %scan3A_967:8 = scf.for %scan3A_1410 = %scan3A_963 to %scan3A_965 step %scan3A_966 iter_args(%scan3A_1411 = %broadcast_in_dim3A_948, %scan3A_1412 = %broadcast_in_dim3A_950, %scan3A_1413 = %broadcast_in_dim3A_952, %scan3A_1414 = %broadcast_in_dim3A_954, %scan3A_1415 = %broadcast_in_dim3A_956, %scan3A_1416 = %broadcast_in_dim3A_958, %scan3A_1417 = %broadcast_in_dim3A_960, %scan3A_1418 = %broadcast_in_dim3A_962) -> (vector<16xf32>, vector<16xf32>, vector<16xf32>, vector<16xf32>, vector<16xf32>, vector<16xf32>, vector<16xf32>, vector<16xf32>)  : i32 {
        %mul3A_1419 = arith.constant 16 : i32
        %mul3A_1420 = arith.muli %scan3A_1410, %mul3A_1419 : i32
        %multiple_of3A_1421 = tpu.assume_multiple %mul3A_1420, 16 : i32
        %get3A = arith.constant 0 : i32
        %get3A_1422 = arith.index_cast %get3A : i32 to index
        %get3A_1423 = arith.index_cast %multiple_of3A_1421 : i32 to index
        %get3A_1424 = tpu.vector_load %arg26[%get3A_1422, %get3A_1423] {strides = array<i32>} : memref<8x512xf32, #tpu.memory_space<vmem>>, vector<16xf32>,
        %get3A_1425 = arith.constant 0 : i32
        %get3A_1426 = arith.index_cast %get3A_1425 : i32 to index
        %get3A_1427 = arith.index_cast %multiple_of3A_1421 : i32 to index
        %get3A_1428 = tpu.vector_load %arg27[%get3A_1426, %get3A_1427] {strides = array<i32>} : memref<8x512xf32, #tpu.memory_space<vmem>>, vector<16xf32>,
        %get3A_1429 = arith.constant 0 : i32
        %get3A_1430 = arith.index_cast %get3A_1429 : i32 to index
        %get3A_1431 = arith.index_cast %multiple_of3A_1421 : i32 to index
        %get3A_1432 = tpu.vector_load %arg28[%get3A_1430, %get3A_1431] {strides = array<i32>} : memref<8x512xf32, #tpu.memory_space<vmem>>, vector<16xf32>,
        %sub3A_1433 = arith.subf %get3A_1428, %get3A_1432 : vector<16xf32>
        %mul3A_1434 = arith.mulf %get3A_1424, %sub3A_1433 : vector<16xf32>
        %add3A_1435 = arith.addf %scan3A_1411, %mul3A_1434 : vector<16xf32>
        %get3A_1436 = arith.constant 1 : i32
        %get3A_1437 = arith.index_cast %get3A_1436 : i32 to index
        %get3A_1438 = arith.index_cast %multiple_of3A_1421 : i32 to index
        %get3A_1439 = tpu.vector_load %arg26[%get3A_1437, %get3A_1438] {strides = array<i32>} : memref<8x512xf32, #tpu.memory_space<vmem>>, vector<16xf32>,
        %get3A_1440 = arith.constant 1 : i32
        %get3A_1441 = arith.index_cast %get3A_1440 : i32 to index
        %get3A_1442 = arith.index_cast %multiple_of3A_1421 : i32 to index
        %get3A_1443 = tpu.vector_load %arg27[%get3A_1441, %get3A_1442] {strides = array<i32>} : memref<8x512xf32, #tpu.memory_space<vmem>>, vector<16xf32>,
        %get3A_1444 = arith.constant 1 : i32
        %get3A_1445 = arith.index_cast %get3A_1444 : i32 to index
        %get3A_1446 = arith.index_cast %multiple_of3A_1421 : i32 to index
        %get3A_1447 = tpu.vector_load %arg28[%get3A_1445, %get3A_1446] {strides = array<i32>} : memref<8x512xf32, #tpu.memory_space<vmem>>, vector<16xf32>,
        %sub3A_1448 = arith.subf %get3A_1443, %get3A_1447 : vector<16xf32>
        %mul3A_1449 = arith.mulf %get3A_1439, %sub3A_1448 : vector<16xf32>
        %add3A_1450 = arith.addf %scan3A_1412, %mul3A_1449 : vector<16xf32>
        %get3A_1451 = arith.constant 2 : i32
        %get3A_1452 = arith.index_cast %get3A_1451 : i32 to index
        %get3A_1453 = arith.index_cast %multiple_of3A_1421 : i32 to index
        %get3A_1454 = tpu.vector_load %arg26[%get3A_1452, %get3A_1453] {strides = array<i32>} : memref<8x512xf32, #tpu.memory_space<vmem>>, vector<16xf32>,
        %get3A_1455 = arith.constant 2 : i32
        %get3A_1456 = arith.index_cast %get3A_1455 : i32 to index
        %get3A_1457 = arith.index_cast %multiple_of3A_1421 : i32 to index
        %get3A_1458 = tpu.vector_load %arg27[%get3A_1456, %get3A_1457] {strides = array<i32>} : memref<8x512xf32, #tpu.memory_space<vmem>>, vector<16xf32>,
        %get3A_1459 = arith.constant 2 : i32
        %get3A_1460 = arith.index_cast %get3A_1459 : i32 to index
        %get3A_1461 = arith.index_cast %multiple_of3A_1421 : i32 to index
        %get3A_1462 = tpu.vector_load %arg28[%get3A_1460, %get3A_1461] {strides = array<i32>} : memref<8x512xf32, #tpu.memory_space<vmem>>, vector<16xf32>,
        %sub3A_1463 = arith.subf %get3A_1458, %get3A_1462 : vector<16xf32>
        %mul3A_1464 = arith.mulf %get3A_1454, %sub3A_1463 : vector<16xf32>
        %add3A_1465 = arith.addf %scan3A_1413, %mul3A_1464 : vector<16xf32>
        %get3A_1466 = arith.constant 3 : i32
        %get3A_1467 = arith.index_cast %get3A_1466 : i32 to index
        %get3A_1468 = arith.index_cast %multiple_of3A_1421 : i32 to index
        %get3A_1469 = tpu.vector_load %arg26[%get3A_1467, %get3A_1468] {strides = array<i32>} : memref<8x512xf32, #tpu.memory_space<vmem>>, vector<16xf32>,
        %get3A_1470 = arith.constant 3 : i32
        %get3A_1471 = arith.index_cast %get3A_1470 : i32 to index
        %get3A_1472 = arith.index_cast %multiple_of3A_1421 : i32 to index
        %get3A_1473 = tpu.vector_load %arg27[%get3A_1471, %get3A_1472] {strides = array<i32>} : memref<8x512xf32, #tpu.memory_space<vmem>>, vector<16xf32>,
        %get3A_1474 = arith.constant 3 : i32
        %get3A_1475 = arith.index_cast %get3A_1474 : i32 to index
        %get3A_1476 = arith.index_cast %multiple_of3A_1421 : i32 to index
        %get3A_1477 = tpu.vector_load %arg28[%get3A_1475, %get3A_1476] {strides = array<i32>} : memref<8x512xf32, #tpu.memory_space<vmem>>, vector<16xf32>,
        %sub3A_1478 = arith.subf %get3A_1473, %get3A_1477 : vector<16xf32>
        %mul3A_1479 = arith.mulf %get3A_1469, %sub3A_1478 : vector<16xf32>
        %add3A_1480 = arith.addf %scan3A_1414, %mul3A_1479 : vector<16xf32>
        %get3A_1481 = arith.constant 4 : i32
        %get3A_1482 = arith.index_cast %get3A_1481 : i32 to index
        %get3A_1483 = arith.index_cast %multiple_of3A_1421 : i32 to index
        %get3A_1484 = tpu.vector_load %arg26[%get3A_1482, %get3A_1483] {strides = array<i32>} : memref<8x512xf32, #tpu.memory_space<vmem>>, vector<16xf32>,
        %get3A_1485 = arith.constant 4 : i32
        %get3A_1486 = arith.index_cast %get3A_1485 : i32 to index
        %get3A_1487 = arith.index_cast %multiple_of3A_1421 : i32 to index
        %get3A_1488 = tpu.vector_load %arg27[%get3A_1486, %get3A_1487] {strides = array<i32>} : memref<8x512xf32, #tpu.memory_space<vmem>>, vector<16xf32>,
        %get3A_1489 = arith.constant 4 : i32
        %get3A_1490 = arith.index_cast %get3A_1489 : i32 to index
        %get3A_1491 = arith.index_cast %multiple_of3A_1421 : i32 to index
        %get3A_1492 = tpu.vector_load %arg28[%get3A_1490, %get3A_1491] {strides = array<i32>} : memref<8x512xf32, #tpu.memory_space<vmem>>, vector<16xf32>,
        %sub3A_1493 = arith.subf %get3A_1488, %get3A_1492 : vector<16xf32>
        %mul3A_1494 = arith.mulf %get3A_1484, %sub3A_1493 : vector<16xf32>
        %add3A_1495 = arith.addf %scan3A_1415, %mul3A_1494 : vector<16xf32>
        %get3A_1496 = arith.constant 5 : i32
        %get3A_1497 = arith.index_cast %get3A_1496 : i32 to index
        %get3A_1498 = arith.index_cast %multiple_of3A_1421 : i32 to index
        %get3A_1499 = tpu.vector_load %arg26[%get3A_1497, %get3A_1498] {strides = array<i32>} : memref<8x512xf32, #tpu.memory_space<vmem>>, vector<16xf32>,
        %get3A_1500 = arith.constant 5 : i32
        %get3A_1501 = arith.index_cast %get3A_1500 : i32 to index
        %get3A_1502 = arith.index_cast %multiple_of3A_1421 : i32 to index
        %get3A_1503 = tpu.vector_load %arg27[%get3A_1501, %get3A_1502] {strides = array<i32>} : memref<8x512xf32, #tpu.memory_space<vmem>>, vector<16xf32>,
        %get3A_1504 = arith.constant 5 : i32
        %get3A_1505 = arith.index_cast %get3A_1504 : i32 to index
        %get3A_1506 = arith.index_cast %multiple_of3A_1421 : i32 to index
        %get3A_1507 = tpu.vector_load %arg28[%get3A_1505, %get3A_1506] {strides = array<i32>} : memref<8x512xf32, #tpu.memory_space<vmem>>, vector<16xf32>,
        %sub3A_1508 = arith.subf %get3A_1503, %get3A_1507 : vector<16xf32>
        %mul3A_1509 = arith.mulf %get3A_1499, %sub3A_1508 : vector<16xf32>
        %add3A_1510 = arith.addf %scan3A_1416, %mul3A_1509 : vector<16xf32>
        %get3A_1511 = arith.constant 6 : i32
        %get3A_1512 = arith.index_cast %get3A_1511 : i32 to index
        %get3A_1513 = arith.index_cast %multiple_of3A_1421 : i32 to index
        %get3A_1514 = tpu.vector_load %arg26[%get3A_1512, %get3A_1513] {strides = array<i32>} : memref<8x512xf32, #tpu.memory_space<vmem>>, vector<16xf32>,
        %get3A_1515 = arith.constant 6 : i32
        %get3A_1516 = arith.index_cast %get3A_1515 : i32 to index
        %get3A_1517 = arith.index_cast %multiple_of3A_1421 : i32 to index
        %get3A_1518 = tpu.vector_load %arg27[%get3A_1516, %get3A_1517] {strides = array<i32>} : memref<8x512xf32, #tpu.memory_space<vmem>>, vector<16xf32>,
        %get3A_1519 = arith.constant 6 : i32
        %get3A_1520 = arith.index_cast %get3A_1519 : i32 to index
        %get3A_1521 = arith.index_cast %multiple_of3A_1421 : i32 to index
        %get3A_1522 = tpu.vector_load %arg28[%get3A_1520, %get3A_1521] {strides = array<i32>} : memref<8x512xf32, #tpu.memory_space<vmem>>, vector<16xf32>,
        %sub3A_1523 = arith.subf %get3A_1518, %get3A_1522 : vector<16xf32>
        %mul3A_1524 = arith.mulf %get3A_1514, %sub3A_1523 : vector<16xf32>
        %add3A_1525 = arith.addf %scan3A_1417, %mul3A_1524 : vector<16xf32>
        %get3A_1526 = arith.constant 7 : i32
        %get3A_1527 = arith.index_cast %get3A_1526 : i32 to index
        %get3A_1528 = arith.index_cast %multiple_of3A_1421 : i32 to index
        %get3A_1529 = tpu.vector_load %arg26[%get3A_1527, %get3A_1528] {strides = array<i32>} : memref<8x512xf32, #tpu.memory_space<vmem>>, vector<16xf32>,
        %get3A_1530 = arith.constant 7 : i32
        %get3A_1531 = arith.index_cast %get3A_1530 : i32 to index
        %get3A_1532 = arith.index_cast %multiple_of3A_1421 : i32 to index
        %get3A_1533 = tpu.vector_load %arg27[%get3A_1531, %get3A_1532] {strides = array<i32>} : memref<8x512xf32, #tpu.memory_space<vmem>>, vector<16xf32>,
        %get3A_1534 = arith.constant 7 : i32
        %get3A_1535 = arith.index_cast %get3A_1534 : i32 to index
        %get3A_1536 = arith.index_cast %multiple_of3A_1421 : i32 to index
        %get3A_1537 = tpu.vector_load %arg28[%get3A_1535, %get3A_1536] {strides = array<i32>} : memref<8x512xf32, #tpu.memory_space<vmem>>, vector<16xf32>,
        %sub3A_1538 = arith.subf %get3A_1533, %get3A_1537 : vector<16xf32>
        %mul3A_1539 = arith.mulf %get3A_1529, %sub3A_1538 : vector<16xf32>
        %add3A_1540 = arith.addf %scan3A_1418, %mul3A_1539 : vector<16xf32>
        scf.yield %add3A_1435, %add3A_1450, %add3A_1465, %add3A_1480, %add3A_1495, %add3A_1510, %add3A_1525, %add3A_1540 : vector<16xf32>, vector<16xf32>, vector<16xf32>, vector<16xf32>, vector<16xf32>, vector<16xf32>, vector<16xf32>, vector<16xf32>
      }
      %scan3A_968 = arith.constant 32 : i32
      %broadcast_in_dim3A_969 = arith.constant 0.000000e+00 : f32
      %broadcast_in_dim3A_970 = vector.broadcast %broadcast_in_dim3A_969 : f32 to vector<16xf32>
      %eq3A_971 = arith.constant 0 : i32
      %eq3A_972 = vector.broadcast %eq3A_971 : i32 to vector<16xi32>
      %eq3A_973 = arith.cmpi eq, %iota3A, %eq3A_972 : vector<16xi32>
      %reduce_sum3A_974 = arith.constant true
      %reduce_sum3A_975 = vector.broadcast %reduce_sum3A_974 : i1 to vector<16xi1>
      %reduce_sum3A_976 = tpu.scan <sum>, %scan3A_967#0 masked %reduce_sum3A_975 : vector<16xf32>, vector<16xi1> -> vector<16xf32>
      %reduce_sum3A_977 = vector.extract %reduce_sum3A_976[15] : f32 from vector<16xf32>
      %broadcast_in_dim3A_978 = vector.broadcast %reduce_sum3A_977 : f32 to vector<16xf32>
      %select_n3A_979 = arith.select %eq3A_973, %broadcast_in_dim3A_978, %broadcast_in_dim3A_970 : vector<16xi1>, vector<16xf32>
      %eq3A_980 = arith.constant 1 : i32
      %eq3A_981 = vector.broadcast %eq3A_980 : i32 to vector<16xi32>
      %eq3A_982 = arith.cmpi eq, %iota3A, %eq3A_981 : vector<16xi32>
      %reduce_sum3A_983 = arith.constant true
      %reduce_sum3A_984 = vector.broadcast %reduce_sum3A_983 : i1 to vector<16xi1>
      %reduce_sum3A_985 = tpu.scan <sum>, %scan3A_967#1 masked %reduce_sum3A_984 : vector<16xf32>, vector<16xi1> -> vector<16xf32>
      %reduce_sum3A_986 = vector.extract %reduce_sum3A_985[15] : f32 from vector<16xf32>
      %broadcast_in_dim3A_987 = vector.broadcast %reduce_sum3A_986 : f32 to vector<16xf32>
      %select_n3A_988 = arith.select %eq3A_982, %broadcast_in_dim3A_987, %select_n3A_979 : vector<16xi1>, vector<16xf32>
      %eq3A_989 = arith.constant 2 : i32
      %eq3A_990 = vector.broadcast %eq3A_989 : i32 to vector<16xi32>
      %eq3A_991 = arith.cmpi eq, %iota3A, %eq3A_990 : vector<16xi32>
      %reduce_sum3A_992 = arith.constant true
      %reduce_sum3A_993 = vector.broadcast %reduce_sum3A_992 : i1 to vector<16xi1>
      %reduce_sum3A_994 = tpu.scan <sum>, %scan3A_967#2 masked %reduce_sum3A_993 : vector<16xf32>, vector<16xi1> -> vector<16xf32>
      %reduce_sum3A_995 = vector.extract %reduce_sum3A_994[15] : f32 from vector<16xf32>
      %broadcast_in_dim3A_996 = vector.broadcast %reduce_sum3A_995 : f32 to vector<16xf32>
      %select_n3A_997 = arith.select %eq3A_991, %broadcast_in_dim3A_996, %select_n3A_988 : vector<16xi1>, vector<16xf32>
      %eq3A_998 = arith.constant 3 : i32
      %eq3A_999 = vector.broadcast %eq3A_998 : i32 to vector<16xi32>
      %eq3A_1000 = arith.cmpi eq, %iota3A, %eq3A_999 : vector<16xi32>
      %reduce_sum3A_1001 = arith.constant true
      %reduce_sum3A_1002 = vector.broadcast %reduce_sum3A_1001 : i1 to vector<16xi1>
      %reduce_sum3A_1003 = tpu.scan <sum>, %scan3A_967#3 masked %reduce_sum3A_1002 : vector<16xf32>, vector<16xi1> -> vector<16xf32>
      %reduce_sum3A_1004 = vector.extract %reduce_sum3A_1003[15] : f32 from vector<16xf32>
      %broadcast_in_dim3A_1005 = vector.broadcast %reduce_sum3A_1004 : f32 to vector<16xf32>
      %select_n3A_1006 = arith.select %eq3A_1000, %broadcast_in_dim3A_1005, %select_n3A_997 : vector<16xi1>, vector<16xf32>
      %eq3A_1007 = arith.constant 4 : i32
      %eq3A_1008 = vector.broadcast %eq3A_1007 : i32 to vector<16xi32>
      %eq3A_1009 = arith.cmpi eq, %iota3A, %eq3A_1008 : vector<16xi32>
      %reduce_sum3A_1010 = arith.constant true
      %reduce_sum3A_1011 = vector.broadcast %reduce_sum3A_1010 : i1 to vector<16xi1>
      %reduce_sum3A_1012 = tpu.scan <sum>, %scan3A_967#4 masked %reduce_sum3A_1011 : vector<16xf32>, vector<16xi1> -> vector<16xf32>
      %reduce_sum3A_1013 = vector.extract %reduce_sum3A_1012[15] : f32 from vector<16xf32>
      %broadcast_in_dim3A_1014 = vector.broadcast %reduce_sum3A_1013 : f32 to vector<16xf32>
      %select_n3A_1015 = arith.select %eq3A_1009, %broadcast_in_dim3A_1014, %select_n3A_1006 : vector<16xi1>, vector<16xf32>
      %eq3A_1016 = arith.constant 5 : i32
      %eq3A_1017 = vector.broadcast %eq3A_1016 : i32 to vector<16xi32>
      %eq3A_1018 = arith.cmpi eq, %iota3A, %eq3A_1017 : vector<16xi32>
      %reduce_sum3A_1019 = arith.constant true
      %reduce_sum3A_1020 = vector.broadcast %reduce_sum3A_1019 : i1 to vector<16xi1>
      %reduce_sum3A_1021 = tpu.scan <sum>, %scan3A_967#5 masked %reduce_sum3A_1020 : vector<16xf32>, vector<16xi1> -> vector<16xf32>
      %reduce_sum3A_1022 = vector.extract %reduce_sum3A_1021[15] : f32 from vector<16xf32>
      %broadcast_in_dim3A_1023 = vector.broadcast %reduce_sum3A_1022 : f32 to vector<16xf32>
      %select_n3A_1024 = arith.select %eq3A_1018, %broadcast_in_dim3A_1023, %select_n3A_1015 : vector<16xi1>, vector<16xf32>
      %eq3A_1025 = arith.constant 6 : i32
      %eq3A_1026 = vector.broadcast %eq3A_1025 : i32 to vector<16xi32>
      %eq3A_1027 = arith.cmpi eq, %iota3A, %eq3A_1026 : vector<16xi32>
      %reduce_sum3A_1028 = arith.constant true
      %reduce_sum3A_1029 = vector.broadcast %reduce_sum3A_1028 : i1 to vector<16xi1>
      %reduce_sum3A_1030 = tpu.scan <sum>, %scan3A_967#6 masked %reduce_sum3A_1029 : vector<16xf32>, vector<16xi1> -> vector<16xf32>
      %reduce_sum3A_1031 = vector.extract %reduce_sum3A_1030[15] : f32 from vector<16xf32>
      %broadcast_in_dim3A_1032 = vector.broadcast %reduce_sum3A_1031 : f32 to vector<16xf32>
      %select_n3A_1033 = arith.select %eq3A_1027, %broadcast_in_dim3A_1032, %select_n3A_1024 : vector<16xi1>, vector<16xf32>
      %eq3A_1034 = arith.constant 7 : i32
      %eq3A_1035 = vector.broadcast %eq3A_1034 : i32 to vector<16xi32>
      %eq3A_1036 = arith.cmpi eq, %iota3A, %eq3A_1035 : vector<16xi32>
      %reduce_sum3A_1037 = arith.constant true
      %reduce_sum3A_1038 = vector.broadcast %reduce_sum3A_1037 : i1 to vector<16xi1>
      %reduce_sum3A_1039 = tpu.scan <sum>, %scan3A_967#7 masked %reduce_sum3A_1038 : vector<16xf32>, vector<16xi1> -> vector<16xf32>
      %reduce_sum3A_1040 = vector.extract %reduce_sum3A_1039[15] : f32 from vector<16xf32>
      %broadcast_in_dim3A_1041 = vector.broadcast %reduce_sum3A_1040 : f32 to vector<16xf32>
      %select_n3A_1042 = arith.select %eq3A_1036, %broadcast_in_dim3A_1041, %select_n3A_1033 : vector<16xi1>, vector<16xf32>
      %abs3A_1043 = math.absf %select_n3A_1042 : vector<16xf32>
      %neg3A_1044 = arith.constant 0.000000e+00 : f32
      %neg3A_1045 = vector.broadcast %neg3A_1044 : f32 to vector<16xf32>
      %neg3A_1046 = arith.subf %neg3A_1045, %abs3A_1043 : vector<16xf32>
      %exp3A_1047 = math.exp %neg3A_1046 : vector<16xf32>
      %add3A_1048 = arith.constant 2.000000e+00 : f32
      %add3A_1049 = vector.broadcast %add3A_1048 : f32 to vector<16xf32>
      %add3A_1050 = arith.addf %add3A_1049, %exp3A_1047 : vector<16xf32>
      %div3A_1051 = arith.divf %exp3A_1047, %add3A_1050 : vector<16xf32>
      %mul3A_1052 = arith.mulf %div3A_1051, %div3A_1051 : vector<16xf32>
      %mul3A_1053 = arith.constant 2.000000e+00 : f32
      %mul3A_1054 = vector.broadcast %mul3A_1053 : f32 to vector<16xf32>
      %mul3A_1055 = arith.mulf %mul3A_1054, %div3A_1051 : vector<16xf32>
      %mul3A_1056 = arith.constant 0.142857149 : f32
      %mul3A_1057 = vector.broadcast %mul3A_1056 : f32 to vector<16xf32>
      %mul3A_1058 = arith.mulf %mul3A_1052, %mul3A_1057 : vector<16xf32>
      %add3A_1059 = arith.constant 2.000000e-01 : f32
      %add3A_1060 = vector.broadcast %add3A_1059 : f32 to vector<16xf32>
      %add3A_1061 = arith.addf %add3A_1060, %mul3A_1058 : vector<16xf32>
      %mul3A_1062 = arith.mulf %mul3A_1052, %add3A_1061 : vector<16xf32>
      %add3A_1063 = arith.constant 0.333333343 : f32
      %add3A_1064 = vector.broadcast %add3A_1063 : f32 to vector<16xf32>
      %add3A_1065 = arith.addf %add3A_1064, %mul3A_1062 : vector<16xf32>
      %mul3A_1066 = arith.mulf %mul3A_1052, %add3A_1065 : vector<16xf32>
      %add3A_1067 = arith.constant 1.000000e+00 : f32
      %add3A_1068 = vector.broadcast %add3A_1067 : f32 to vector<16xf32>
      %add3A_1069 = arith.addf %add3A_1068, %mul3A_1066 : vector<16xf32>
      %mul3A_1070 = arith.mulf %mul3A_1055, %add3A_1069 : vector<16xf32>
      %min3A_1071 = arith.constant 0.000000e+00 : f32
      %min3A_1072 = vector.broadcast %min3A_1071 : f32 to vector<16xf32>
      %min3A_1073 = arith.minimumf %select_n3A_1042, %min3A_1072 : vector<16xf32>
      %sub3A_1074 = arith.subf %mul3A_1070, %min3A_1073 : vector<16xf32>
      %lt3A_1075 = arith.constant 8 : i32
      %lt3A_1076 = vector.broadcast %lt3A_1075 : i32 to vector<16xi32>
      %lt3A_1077 = arith.cmpi slt, %iota3A, %lt3A_1076 : vector<16xi32>
      %jit3A_1078 = arith.constant 0.000000e+00 : f32
      %broadcast_in_dim3A_1079 = vector.broadcast %jit3A_1078 : f32 to vector<16xf32>
      %select_n3A_1080 = arith.select %lt3A_1077, %sub3A_1074, %broadcast_in_dim3A_1079 : vector<16xi1>, vector<16xf32>
      %add3A_1081 = arith.addf %add3A_917, %select_n3A_1080 : vector<16xf32>
      %add3A_1082 = arith.constant 6 : i32
      %add3A_1083 = arith.addi %mul3A_111, %add3A_1082 : i32
      %add3A_1084 = arith.constant 8 : i32
      %add3A_1085 = arith.addi %add3A_1083, %add3A_1084 : i32
      %sub3A_1086 = arith.constant 1 : i32
      %sub3A_1087 = arith.subi %add3A_1085, %sub3A_1086 : i32
      %lt3A_1088 = arith.constant 64 : i32
      %lt3A_1089 = arith.cmpi slt, %sub3A_1087, %lt3A_1088 : i32
      %convert_element_type3A_1090 = arith.extui %lt3A_1089 : i1 to i32
      %cond3A_1091 = arith.constant 0 : i32
      %cond3A_1092 = arith.cmpi ne, %convert_element_type3A_1090, %cond3A_1091 : i32
      scf.if %cond3A_1092 {
        %add3A_1410 = arith.constant 8 : i32
        %add3A_1411 = arith.addi %add3A_1083, %add3A_1410 : i32
        %sub3A_1412 = arith.constant 1 : i32
        %sub3A_1413 = arith.subi %add3A_1411, %sub3A_1412 : i32
        %mul3A_1414 = arith.constant 8 : i32
        %mul3A_1415 = arith.muli %sub3A_1413, %mul3A_1414 : i32
        %multiple_of3A_1416 = tpu.assume_multiple %mul3A_1415, 8 : i32
        %dma_start3A_1417 = tpu.memref_slice %arg8[%multiple_of3A_1416] : memref<512xi32, #tpu.memory_space<vmem>> -> memref<8xi32, #tpu.memory_space<vmem>>
        %dma_start3A_1418 = arith.constant 0 : i32
        %dma_start3A_1419 = arith.constant 0 : i32
        %dma_start3A_1420 = tpu.memref_slice %arg2[%dma_start3A_1418, %dma_start3A_1419] : memref<100000x512xf32, #tpu.memory_space<hbm>> -> memref<100000x512xf32, #tpu.memory_space<hbm>>
        tpu.enqueue_indirect_dma source(%dma_start3A_1420 : memref<100000x512xf32, #tpu.memory_space<hbm>>) target(%arg26 : memref<8x512xf32, #tpu.memory_space<vmem>>) offsets(%dma_start3A_1417 : memref<8xi32, #tpu.memory_space<vmem>>) semaphore(%arg41 : memref<!tpu.dma_semaphore, #tpu.memory_space<semaphore_mem>>)
        %dma_start3A_1421 = tpu.memref_slice %arg9[%multiple_of3A_1416] : memref<512xi32, #tpu.memory_space<vmem>> -> memref<8xi32, #tpu.memory_space<vmem>>
        %dma_start3A_1422 = arith.constant 0 : i32
        %dma_start3A_1423 = arith.constant 0 : i32
        %dma_start3A_1424 = tpu.memref_slice %arg3[%dma_start3A_1422, %dma_start3A_1423] : memref<100000x512xf32, #tpu.memory_space<hbm>> -> memref<100000x512xf32, #tpu.memory_space<hbm>>
        tpu.enqueue_indirect_dma source(%dma_start3A_1424 : memref<100000x512xf32, #tpu.memory_space<hbm>>) target(%arg27 : memref<8x512xf32, #tpu.memory_space<vmem>>) offsets(%dma_start3A_1421 : memref<8xi32, #tpu.memory_space<vmem>>) semaphore(%arg41 : memref<!tpu.dma_semaphore, #tpu.memory_space<semaphore_mem>>)
        %dma_start3A_1425 = tpu.memref_slice %arg10[%multiple_of3A_1416] : memref<512xi32, #tpu.memory_space<vmem>> -> memref<8xi32, #tpu.memory_space<vmem>>
        %dma_start3A_1426 = arith.constant 0 : i32
        %dma_start3A_1427 = arith.constant 0 : i32
        %dma_start3A_1428 = tpu.memref_slice %arg3[%dma_start3A_1426, %dma_start3A_1427] : memref<100000x512xf32, #tpu.memory_space<hbm>> -> memref<100000x512xf32, #tpu.memory_space<hbm>>
        tpu.enqueue_indirect_dma source(%dma_start3A_1428 : memref<100000x512xf32, #tpu.memory_space<hbm>>) target(%arg28 : memref<8x512xf32, #tpu.memory_space<vmem>>) offsets(%dma_start3A_1425 : memref<8xi32, #tpu.memory_space<vmem>>) semaphore(%arg41 : memref<!tpu.dma_semaphore, #tpu.memory_space<semaphore_mem>>)
      } else {
      }
      %dma_wait3A_1093 = arith.constant 0 : i32
      %dma_wait3A_1094 = arith.constant 0 : i32
      %dma_wait3A_1095 = tpu.memref_slice %arg2[%dma_wait3A_1093, %dma_wait3A_1094] : memref<100000x512xf32, #tpu.memory_space<hbm>> -> memref<8x512xf32, #tpu.memory_space<hbm>>
      %dma_wait3A_1096 = arith.constant 0 : i32
      %dma_wait3A_1097 = arith.constant 0 : i32
      %dma_wait3A_1098 = tpu.memref_slice %arg2[%dma_wait3A_1096, %dma_wait3A_1097] : memref<100000x512xf32, #tpu.memory_space<hbm>> -> memref<8x512xf32, #tpu.memory_space<hbm>>
      tpu.wait_dma2 semaphore(%arg42 : memref<!tpu.dma_semaphore, #tpu.memory_space<semaphore_mem>>) src(%dma_wait3A_1098 : memref<8x512xf32, #tpu.memory_space<hbm>>) dst(%arg29 : memref<8x512xf32, #tpu.memory_space<vmem>>)
      %dma_wait3A_1099 = arith.constant 0 : i32
      %dma_wait3A_1100 = arith.constant 0 : i32
      %dma_wait3A_1101 = tpu.memref_slice %arg3[%dma_wait3A_1099, %dma_wait3A_1100] : memref<100000x512xf32, #tpu.memory_space<hbm>> -> memref<8x512xf32, #tpu.memory_space<hbm>>
      %dma_wait3A_1102 = arith.constant 0 : i32
      %dma_wait3A_1103 = arith.constant 0 : i32
      %dma_wait3A_1104 = tpu.memref_slice %arg3[%dma_wait3A_1102, %dma_wait3A_1103] : memref<100000x512xf32, #tpu.memory_space<hbm>> -> memref<8x512xf32, #tpu.memory_space<hbm>>
      tpu.wait_dma2 semaphore(%arg42 : memref<!tpu.dma_semaphore, #tpu.memory_space<semaphore_mem>>) src(%dma_wait3A_1104 : memref<8x512xf32, #tpu.memory_space<hbm>>) dst(%arg30 : memref<8x512xf32, #tpu.memory_space<vmem>>)
      %dma_wait3A_1105 = arith.constant 0 : i32
      %dma_wait3A_1106 = arith.constant 0 : i32
      %dma_wait3A_1107 = tpu.memref_slice %arg3[%dma_wait3A_1105, %dma_wait3A_1106] : memref<100000x512xf32, #tpu.memory_space<hbm>> -> memref<8x512xf32, #tpu.memory_space<hbm>>
      %dma_wait3A_1108 = arith.constant 0 : i32
      %dma_wait3A_1109 = arith.constant 0 : i32
      %dma_wait3A_1110 = tpu.memref_slice %arg3[%dma_wait3A_1108, %dma_wait3A_1109] : memref<100000x512xf32, #tpu.memory_space<hbm>> -> memref<8x512xf32, #tpu.memory_space<hbm>>
      tpu.wait_dma2 semaphore(%arg42 : memref<!tpu.dma_semaphore, #tpu.memory_space<semaphore_mem>>) src(%dma_wait3A_1110 : memref<8x512xf32, #tpu.memory_space<hbm>>) dst(%arg31 : memref<8x512xf32, #tpu.memory_space<vmem>>)
      %broadcast_in_dim3A_1111 = arith.constant 0.000000e+00 : f32
      %broadcast_in_dim3A_1112 = vector.broadcast %broadcast_in_dim3A_1111 : f32 to vector<16xf32>
      %broadcast_in_dim3A_1113 = arith.constant 0.000000e+00 : f32
      %broadcast_in_dim3A_1114 = vector.broadcast %broadcast_in_dim3A_1113 : f32 to vector<16xf32>
      %broadcast_in_dim3A_1115 = arith.constant 0.000000e+00 : f32
      %broadcast_in_dim3A_1116 = vector.broadcast %broadcast_in_dim3A_1115 : f32 to vector<16xf32>
      %broadcast_in_dim3A_1117 = arith.constant 0.000000e+00 : f32
      %broadcast_in_dim3A_1118 = vector.broadcast %broadcast_in_dim3A_1117 : f32 to vector<16xf32>
      %broadcast_in_dim3A_1119 = arith.constant 0.000000e+00 : f32
      %broadcast_in_dim3A_1120 = vector.broadcast %broadcast_in_dim3A_1119 : f32 to vector<16xf32>
      %broadcast_in_dim3A_1121 = arith.constant 0.000000e+00 : f32
      %broadcast_in_dim3A_1122 = vector.broadcast %broadcast_in_dim3A_1121 : f32 to vector<16xf32>
      %broadcast_in_dim3A_1123 = arith.constant 0.000000e+00 : f32
      %broadcast_in_dim3A_1124 = vector.broadcast %broadcast_in_dim3A_1123 : f32 to vector<16xf32>
      %broadcast_in_dim3A_1125 = arith.constant 0.000000e+00 : f32
      %broadcast_in_dim3A_1126 = vector.broadcast %broadcast_in_dim3A_1125 : f32 to vector<16xf32>
      %scan3A_1127 = arith.constant 0 : i32
      %scan3A_1128 = arith.constant 32 : i32
      %scan3A_1129 = arith.addi %scan3A_1127, %scan3A_1128 : i32
      %scan3A_1130 = arith.constant 1 : i32
      %scan3A_1131:8 = scf.for %scan3A_1410 = %scan3A_1127 to %scan3A_1129 step %scan3A_1130 iter_args(%scan3A_1411 = %broadcast_in_dim3A_1112, %scan3A_1412 = %broadcast_in_dim3A_1114, %scan3A_1413 = %broadcast_in_dim3A_1116, %scan3A_1414 = %broadcast_in_dim3A_1118, %scan3A_1415 = %broadcast_in_dim3A_1120, %scan3A_1416 = %broadcast_in_dim3A_1122, %scan3A_1417 = %broadcast_in_dim3A_1124, %scan3A_1418 = %broadcast_in_dim3A_1126) -> (vector<16xf32>, vector<16xf32>, vector<16xf32>, vector<16xf32>, vector<16xf32>, vector<16xf32>, vector<16xf32>, vector<16xf32>)  : i32 {
        %mul3A_1419 = arith.constant 16 : i32
        %mul3A_1420 = arith.muli %scan3A_1410, %mul3A_1419 : i32
        %multiple_of3A_1421 = tpu.assume_multiple %mul3A_1420, 16 : i32
        %get3A = arith.constant 0 : i32
        %get3A_1422 = arith.index_cast %get3A : i32 to index
        %get3A_1423 = arith.index_cast %multiple_of3A_1421 : i32 to index
        %get3A_1424 = tpu.vector_load %arg29[%get3A_1422, %get3A_1423] {strides = array<i32>} : memref<8x512xf32, #tpu.memory_space<vmem>>, vector<16xf32>,
        %get3A_1425 = arith.constant 0 : i32
        %get3A_1426 = arith.index_cast %get3A_1425 : i32 to index
        %get3A_1427 = arith.index_cast %multiple_of3A_1421 : i32 to index
        %get3A_1428 = tpu.vector_load %arg30[%get3A_1426, %get3A_1427] {strides = array<i32>} : memref<8x512xf32, #tpu.memory_space<vmem>>, vector<16xf32>,
        %get3A_1429 = arith.constant 0 : i32
        %get3A_1430 = arith.index_cast %get3A_1429 : i32 to index
        %get3A_1431 = arith.index_cast %multiple_of3A_1421 : i32 to index
        %get3A_1432 = tpu.vector_load %arg31[%get3A_1430, %get3A_1431] {strides = array<i32>} : memref<8x512xf32, #tpu.memory_space<vmem>>, vector<16xf32>,
        %sub3A_1433 = arith.subf %get3A_1428, %get3A_1432 : vector<16xf32>
        %mul3A_1434 = arith.mulf %get3A_1424, %sub3A_1433 : vector<16xf32>
        %add3A_1435 = arith.addf %scan3A_1411, %mul3A_1434 : vector<16xf32>
        %get3A_1436 = arith.constant 1 : i32
        %get3A_1437 = arith.index_cast %get3A_1436 : i32 to index
        %get3A_1438 = arith.index_cast %multiple_of3A_1421 : i32 to index
        %get3A_1439 = tpu.vector_load %arg29[%get3A_1437, %get3A_1438] {strides = array<i32>} : memref<8x512xf32, #tpu.memory_space<vmem>>, vector<16xf32>,
        %get3A_1440 = arith.constant 1 : i32
        %get3A_1441 = arith.index_cast %get3A_1440 : i32 to index
        %get3A_1442 = arith.index_cast %multiple_of3A_1421 : i32 to index
        %get3A_1443 = tpu.vector_load %arg30[%get3A_1441, %get3A_1442] {strides = array<i32>} : memref<8x512xf32, #tpu.memory_space<vmem>>, vector<16xf32>,
        %get3A_1444 = arith.constant 1 : i32
        %get3A_1445 = arith.index_cast %get3A_1444 : i32 to index
        %get3A_1446 = arith.index_cast %multiple_of3A_1421 : i32 to index
        %get3A_1447 = tpu.vector_load %arg31[%get3A_1445, %get3A_1446] {strides = array<i32>} : memref<8x512xf32, #tpu.memory_space<vmem>>, vector<16xf32>,
        %sub3A_1448 = arith.subf %get3A_1443, %get3A_1447 : vector<16xf32>
        %mul3A_1449 = arith.mulf %get3A_1439, %sub3A_1448 : vector<16xf32>
        %add3A_1450 = arith.addf %scan3A_1412, %mul3A_1449 : vector<16xf32>
        %get3A_1451 = arith.constant 2 : i32
        %get3A_1452 = arith.index_cast %get3A_1451 : i32 to index
        %get3A_1453 = arith.index_cast %multiple_of3A_1421 : i32 to index
        %get3A_1454 = tpu.vector_load %arg29[%get3A_1452, %get3A_1453] {strides = array<i32>} : memref<8x512xf32, #tpu.memory_space<vmem>>, vector<16xf32>,
        %get3A_1455 = arith.constant 2 : i32
        %get3A_1456 = arith.index_cast %get3A_1455 : i32 to index
        %get3A_1457 = arith.index_cast %multiple_of3A_1421 : i32 to index
        %get3A_1458 = tpu.vector_load %arg30[%get3A_1456, %get3A_1457] {strides = array<i32>} : memref<8x512xf32, #tpu.memory_space<vmem>>, vector<16xf32>,
        %get3A_1459 = arith.constant 2 : i32
        %get3A_1460 = arith.index_cast %get3A_1459 : i32 to index
        %get3A_1461 = arith.index_cast %multiple_of3A_1421 : i32 to index
        %get3A_1462 = tpu.vector_load %arg31[%get3A_1460, %get3A_1461] {strides = array<i32>} : memref<8x512xf32, #tpu.memory_space<vmem>>, vector<16xf32>,
        %sub3A_1463 = arith.subf %get3A_1458, %get3A_1462 : vector<16xf32>
        %mul3A_1464 = arith.mulf %get3A_1454, %sub3A_1463 : vector<16xf32>
        %add3A_1465 = arith.addf %scan3A_1413, %mul3A_1464 : vector<16xf32>
        %get3A_1466 = arith.constant 3 : i32
        %get3A_1467 = arith.index_cast %get3A_1466 : i32 to index
        %get3A_1468 = arith.index_cast %multiple_of3A_1421 : i32 to index
        %get3A_1469 = tpu.vector_load %arg29[%get3A_1467, %get3A_1468] {strides = array<i32>} : memref<8x512xf32, #tpu.memory_space<vmem>>, vector<16xf32>,
        %get3A_1470 = arith.constant 3 : i32
        %get3A_1471 = arith.index_cast %get3A_1470 : i32 to index
        %get3A_1472 = arith.index_cast %multiple_of3A_1421 : i32 to index
        %get3A_1473 = tpu.vector_load %arg30[%get3A_1471, %get3A_1472] {strides = array<i32>} : memref<8x512xf32, #tpu.memory_space<vmem>>, vector<16xf32>,
        %get3A_1474 = arith.constant 3 : i32
        %get3A_1475 = arith.index_cast %get3A_1474 : i32 to index
        %get3A_1476 = arith.index_cast %multiple_of3A_1421 : i32 to index
        %get3A_1477 = tpu.vector_load %arg31[%get3A_1475, %get3A_1476] {strides = array<i32>} : memref<8x512xf32, #tpu.memory_space<vmem>>, vector<16xf32>,
        %sub3A_1478 = arith.subf %get3A_1473, %get3A_1477 : vector<16xf32>
        %mul3A_1479 = arith.mulf %get3A_1469, %sub3A_1478 : vector<16xf32>
        %add3A_1480 = arith.addf %scan3A_1414, %mul3A_1479 : vector<16xf32>
        %get3A_1481 = arith.constant 4 : i32
        %get3A_1482 = arith.index_cast %get3A_1481 : i32 to index
        %get3A_1483 = arith.index_cast %multiple_of3A_1421 : i32 to index
        %get3A_1484 = tpu.vector_load %arg29[%get3A_1482, %get3A_1483] {strides = array<i32>} : memref<8x512xf32, #tpu.memory_space<vmem>>, vector<16xf32>,
        %get3A_1485 = arith.constant 4 : i32
        %get3A_1486 = arith.index_cast %get3A_1485 : i32 to index
        %get3A_1487 = arith.index_cast %multiple_of3A_1421 : i32 to index
        %get3A_1488 = tpu.vector_load %arg30[%get3A_1486, %get3A_1487] {strides = array<i32>} : memref<8x512xf32, #tpu.memory_space<vmem>>, vector<16xf32>,
        %get3A_1489 = arith.constant 4 : i32
        %get3A_1490 = arith.index_cast %get3A_1489 : i32 to index
        %get3A_1491 = arith.index_cast %multiple_of3A_1421 : i32 to index
        %get3A_1492 = tpu.vector_load %arg31[%get3A_1490, %get3A_1491] {strides = array<i32>} : memref<8x512xf32, #tpu.memory_space<vmem>>, vector<16xf32>,
        %sub3A_1493 = arith.subf %get3A_1488, %get3A_1492 : vector<16xf32>
        %mul3A_1494 = arith.mulf %get3A_1484, %sub3A_1493 : vector<16xf32>
        %add3A_1495 = arith.addf %scan3A_1415, %mul3A_1494 : vector<16xf32>
        %get3A_1496 = arith.constant 5 : i32
        %get3A_1497 = arith.index_cast %get3A_1496 : i32 to index
        %get3A_1498 = arith.index_cast %multiple_of3A_1421 : i32 to index
        %get3A_1499 = tpu.vector_load %arg29[%get3A_1497, %get3A_1498] {strides = array<i32>} : memref<8x512xf32, #tpu.memory_space<vmem>>, vector<16xf32>,
        %get3A_1500 = arith.constant 5 : i32
        %get3A_1501 = arith.index_cast %get3A_1500 : i32 to index
        %get3A_1502 = arith.index_cast %multiple_of3A_1421 : i32 to index
        %get3A_1503 = tpu.vector_load %arg30[%get3A_1501, %get3A_1502] {strides = array<i32>} : memref<8x512xf32, #tpu.memory_space<vmem>>, vector<16xf32>,
        %get3A_1504 = arith.constant 5 : i32
        %get3A_1505 = arith.index_cast %get3A_1504 : i32 to index
        %get3A_1506 = arith.index_cast %multiple_of3A_1421 : i32 to index
        %get3A_1507 = tpu.vector_load %arg31[%get3A_1505, %get3A_1506] {strides = array<i32>} : memref<8x512xf32, #tpu.memory_space<vmem>>, vector<16xf32>,
        %sub3A_1508 = arith.subf %get3A_1503, %get3A_1507 : vector<16xf32>
        %mul3A_1509 = arith.mulf %get3A_1499, %sub3A_1508 : vector<16xf32>
        %add3A_1510 = arith.addf %scan3A_1416, %mul3A_1509 : vector<16xf32>
        %get3A_1511 = arith.constant 6 : i32
        %get3A_1512 = arith.index_cast %get3A_1511 : i32 to index
        %get3A_1513 = arith.index_cast %multiple_of3A_1421 : i32 to index
        %get3A_1514 = tpu.vector_load %arg29[%get3A_1512, %get3A_1513] {strides = array<i32>} : memref<8x512xf32, #tpu.memory_space<vmem>>, vector<16xf32>,
        %get3A_1515 = arith.constant 6 : i32
        %get3A_1516 = arith.index_cast %get3A_1515 : i32 to index
        %get3A_1517 = arith.index_cast %multiple_of3A_1421 : i32 to index
        %get3A_1518 = tpu.vector_load %arg30[%get3A_1516, %get3A_1517] {strides = array<i32>} : memref<8x512xf32, #tpu.memory_space<vmem>>, vector<16xf32>,
        %get3A_1519 = arith.constant 6 : i32
        %get3A_1520 = arith.index_cast %get3A_1519 : i32 to index
        %get3A_1521 = arith.index_cast %multiple_of3A_1421 : i32 to index
        %get3A_1522 = tpu.vector_load %arg31[%get3A_1520, %get3A_1521] {strides = array<i32>} : memref<8x512xf32, #tpu.memory_space<vmem>>, vector<16xf32>,
        %sub3A_1523 = arith.subf %get3A_1518, %get3A_1522 : vector<16xf32>
        %mul3A_1524 = arith.mulf %get3A_1514, %sub3A_1523 : vector<16xf32>
        %add3A_1525 = arith.addf %scan3A_1417, %mul3A_1524 : vector<16xf32>
        %get3A_1526 = arith.constant 7 : i32
        %get3A_1527 = arith.index_cast %get3A_1526 : i32 to index
        %get3A_1528 = arith.index_cast %multiple_of3A_1421 : i32 to index
        %get3A_1529 = tpu.vector_load %arg29[%get3A_1527, %get3A_1528] {strides = array<i32>} : memref<8x512xf32, #tpu.memory_space<vmem>>, vector<16xf32>,
        %get3A_1530 = arith.constant 7 : i32
        %get3A_1531 = arith.index_cast %get3A_1530 : i32 to index
        %get3A_1532 = arith.index_cast %multiple_of3A_1421 : i32 to index
        %get3A_1533 = tpu.vector_load %arg30[%get3A_1531, %get3A_1532] {strides = array<i32>} : memref<8x512xf32, #tpu.memory_space<vmem>>, vector<16xf32>,
        %get3A_1534 = arith.constant 7 : i32
        %get3A_1535 = arith.index_cast %get3A_1534 : i32 to index
        %get3A_1536 = arith.index_cast %multiple_of3A_1421 : i32 to index
        %get3A_1537 = tpu.vector_load %arg31[%get3A_1535, %get3A_1536] {strides = array<i32>} : memref<8x512xf32, #tpu.memory_space<vmem>>, vector<16xf32>,
        %sub3A_1538 = arith.subf %get3A_1533, %get3A_1537 : vector<16xf32>
        %mul3A_1539 = arith.mulf %get3A_1529, %sub3A_1538 : vector<16xf32>
        %add3A_1540 = arith.addf %scan3A_1418, %mul3A_1539 : vector<16xf32>
        scf.yield %add3A_1435, %add3A_1450, %add3A_1465, %add3A_1480, %add3A_1495, %add3A_1510, %add3A_1525, %add3A_1540 : vector<16xf32>, vector<16xf32>, vector<16xf32>, vector<16xf32>, vector<16xf32>, vector<16xf32>, vector<16xf32>, vector<16xf32>
      }
      %scan3A_1132 = arith.constant 32 : i32
      %broadcast_in_dim3A_1133 = arith.constant 0.000000e+00 : f32
      %broadcast_in_dim3A_1134 = vector.broadcast %broadcast_in_dim3A_1133 : f32 to vector<16xf32>
      %eq3A_1135 = arith.constant 0 : i32
      %eq3A_1136 = vector.broadcast %eq3A_1135 : i32 to vector<16xi32>
      %eq3A_1137 = arith.cmpi eq, %iota3A, %eq3A_1136 : vector<16xi32>
      %reduce_sum3A_1138 = arith.constant true
      %reduce_sum3A_1139 = vector.broadcast %reduce_sum3A_1138 : i1 to vector<16xi1>
      %reduce_sum3A_1140 = tpu.scan <sum>, %scan3A_1131#0 masked %reduce_sum3A_1139 : vector<16xf32>, vector<16xi1> -> vector<16xf32>
      %reduce_sum3A_1141 = vector.extract %reduce_sum3A_1140[15] : f32 from vector<16xf32>
      %broadcast_in_dim3A_1142 = vector.broadcast %reduce_sum3A_1141 : f32 to vector<16xf32>
      %select_n3A_1143 = arith.select %eq3A_1137, %broadcast_in_dim3A_1142, %broadcast_in_dim3A_1134 : vector<16xi1>, vector<16xf32>
      %eq3A_1144 = arith.constant 1 : i32
      %eq3A_1145 = vector.broadcast %eq3A_1144 : i32 to vector<16xi32>
      %eq3A_1146 = arith.cmpi eq, %iota3A, %eq3A_1145 : vector<16xi32>
      %reduce_sum3A_1147 = arith.constant true
      %reduce_sum3A_1148 = vector.broadcast %reduce_sum3A_1147 : i1 to vector<16xi1>
      %reduce_sum3A_1149 = tpu.scan <sum>, %scan3A_1131#1 masked %reduce_sum3A_1148 : vector<16xf32>, vector<16xi1> -> vector<16xf32>
      %reduce_sum3A_1150 = vector.extract %reduce_sum3A_1149[15] : f32 from vector<16xf32>
      %broadcast_in_dim3A_1151 = vector.broadcast %reduce_sum3A_1150 : f32 to vector<16xf32>
      %select_n3A_1152 = arith.select %eq3A_1146, %broadcast_in_dim3A_1151, %select_n3A_1143 : vector<16xi1>, vector<16xf32>
      %eq3A_1153 = arith.constant 2 : i32
      %eq3A_1154 = vector.broadcast %eq3A_1153 : i32 to vector<16xi32>
      %eq3A_1155 = arith.cmpi eq, %iota3A, %eq3A_1154 : vector<16xi32>
      %reduce_sum3A_1156 = arith.constant true
      %reduce_sum3A_1157 = vector.broadcast %reduce_sum3A_1156 : i1 to vector<16xi1>
      %reduce_sum3A_1158 = tpu.scan <sum>, %scan3A_1131#2 masked %reduce_sum3A_1157 : vector<16xf32>, vector<16xi1> -> vector<16xf32>
      %reduce_sum3A_1159 = vector.extract %reduce_sum3A_1158[15] : f32 from vector<16xf32>
      %broadcast_in_dim3A_1160 = vector.broadcast %reduce_sum3A_1159 : f32 to vector<16xf32>
      %select_n3A_1161 = arith.select %eq3A_1155, %broadcast_in_dim3A_1160, %select_n3A_1152 : vector<16xi1>, vector<16xf32>
      %eq3A_1162 = arith.constant 3 : i32
      %eq3A_1163 = vector.broadcast %eq3A_1162 : i32 to vector<16xi32>
      %eq3A_1164 = arith.cmpi eq, %iota3A, %eq3A_1163 : vector<16xi32>
      %reduce_sum3A_1165 = arith.constant true
      %reduce_sum3A_1166 = vector.broadcast %reduce_sum3A_1165 : i1 to vector<16xi1>
      %reduce_sum3A_1167 = tpu.scan <sum>, %scan3A_1131#3 masked %reduce_sum3A_1166 : vector<16xf32>, vector<16xi1> -> vector<16xf32>
      %reduce_sum3A_1168 = vector.extract %reduce_sum3A_1167[15] : f32 from vector<16xf32>
      %broadcast_in_dim3A_1169 = vector.broadcast %reduce_sum3A_1168 : f32 to vector<16xf32>
      %select_n3A_1170 = arith.select %eq3A_1164, %broadcast_in_dim3A_1169, %select_n3A_1161 : vector<16xi1>, vector<16xf32>
      %eq3A_1171 = arith.constant 4 : i32
      %eq3A_1172 = vector.broadcast %eq3A_1171 : i32 to vector<16xi32>
      %eq3A_1173 = arith.cmpi eq, %iota3A, %eq3A_1172 : vector<16xi32>
      %reduce_sum3A_1174 = arith.constant true
      %reduce_sum3A_1175 = vector.broadcast %reduce_sum3A_1174 : i1 to vector<16xi1>
      %reduce_sum3A_1176 = tpu.scan <sum>, %scan3A_1131#4 masked %reduce_sum3A_1175 : vector<16xf32>, vector<16xi1> -> vector<16xf32>
      %reduce_sum3A_1177 = vector.extract %reduce_sum3A_1176[15] : f32 from vector<16xf32>
      %broadcast_in_dim3A_1178 = vector.broadcast %reduce_sum3A_1177 : f32 to vector<16xf32>
      %select_n3A_1179 = arith.select %eq3A_1173, %broadcast_in_dim3A_1178, %select_n3A_1170 : vector<16xi1>, vector<16xf32>
      %eq3A_1180 = arith.constant 5 : i32
      %eq3A_1181 = vector.broadcast %eq3A_1180 : i32 to vector<16xi32>
      %eq3A_1182 = arith.cmpi eq, %iota3A, %eq3A_1181 : vector<16xi32>
      %reduce_sum3A_1183 = arith.constant true
      %reduce_sum3A_1184 = vector.broadcast %reduce_sum3A_1183 : i1 to vector<16xi1>
      %reduce_sum3A_1185 = tpu.scan <sum>, %scan3A_1131#5 masked %reduce_sum3A_1184 : vector<16xf32>, vector<16xi1> -> vector<16xf32>
      %reduce_sum3A_1186 = vector.extract %reduce_sum3A_1185[15] : f32 from vector<16xf32>
      %broadcast_in_dim3A_1187 = vector.broadcast %reduce_sum3A_1186 : f32 to vector<16xf32>
      %select_n3A_1188 = arith.select %eq3A_1182, %broadcast_in_dim3A_1187, %select_n3A_1179 : vector<16xi1>, vector<16xf32>
      %eq3A_1189 = arith.constant 6 : i32
      %eq3A_1190 = vector.broadcast %eq3A_1189 : i32 to vector<16xi32>
      %eq3A_1191 = arith.cmpi eq, %iota3A, %eq3A_1190 : vector<16xi32>
      %reduce_sum3A_1192 = arith.constant true
      %reduce_sum3A_1193 = vector.broadcast %reduce_sum3A_1192 : i1 to vector<16xi1>
      %reduce_sum3A_1194 = tpu.scan <sum>, %scan3A_1131#6 masked %reduce_sum3A_1193 : vector<16xf32>, vector<16xi1> -> vector<16xf32>
      %reduce_sum3A_1195 = vector.extract %reduce_sum3A_1194[15] : f32 from vector<16xf32>
      %broadcast_in_dim3A_1196 = vector.broadcast %reduce_sum3A_1195 : f32 to vector<16xf32>
      %select_n3A_1197 = arith.select %eq3A_1191, %broadcast_in_dim3A_1196, %select_n3A_1188 : vector<16xi1>, vector<16xf32>
      %eq3A_1198 = arith.constant 7 : i32
      %eq3A_1199 = vector.broadcast %eq3A_1198 : i32 to vector<16xi32>
      %eq3A_1200 = arith.cmpi eq, %iota3A, %eq3A_1199 : vector<16xi32>
      %reduce_sum3A_1201 = arith.constant true
      %reduce_sum3A_1202 = vector.broadcast %reduce_sum3A_1201 : i1 to vector<16xi1>
      %reduce_sum3A_1203 = tpu.scan <sum>, %scan3A_1131#7 masked %reduce_sum3A_1202 : vector<16xf32>, vector<16xi1> -> vector<16xf32>
      %reduce_sum3A_1204 = vector.extract %reduce_sum3A_1203[15] : f32 from vector<16xf32>
      %broadcast_in_dim3A_1205 = vector.broadcast %reduce_sum3A_1204 : f32 to vector<16xf32>
      %select_n3A_1206 = arith.select %eq3A_1200, %broadcast_in_dim3A_1205, %select_n3A_1197 : vector<16xi1>, vector<16xf32>
      %abs3A_1207 = math.absf %select_n3A_1206 : vector<16xf32>
      %neg3A_1208 = arith.constant 0.000000e+00 : f32
      %neg3A_1209 = vector.broadcast %neg3A_1208 : f32 to vector<16xf32>
      %neg3A_1210 = arith.subf %neg3A_1209, %abs3A_1207 : vector<16xf32>
      %exp3A_1211 = math.exp %neg3A_1210 : vector<16xf32>
      %add3A_1212 = arith.constant 2.000000e+00 : f32
      %add3A_1213 = vector.broadcast %add3A_1212 : f32 to vector<16xf32>
      %add3A_1214 = arith.addf %add3A_1213, %exp3A_1211 : vector<16xf32>
      %div3A_1215 = arith.divf %exp3A_1211, %add3A_1214 : vector<16xf32>
      %mul3A_1216 = arith.mulf %div3A_1215, %div3A_1215 : vector<16xf32>
      %mul3A_1217 = arith.constant 2.000000e+00 : f32
      %mul3A_1218 = vector.broadcast %mul3A_1217 : f32 to vector<16xf32>
      %mul3A_1219 = arith.mulf %mul3A_1218, %div3A_1215 : vector<16xf32>
      %mul3A_1220 = arith.constant 0.142857149 : f32
      %mul3A_1221 = vector.broadcast %mul3A_1220 : f32 to vector<16xf32>
      %mul3A_1222 = arith.mulf %mul3A_1216, %mul3A_1221 : vector<16xf32>
      %add3A_1223 = arith.constant 2.000000e-01 : f32
      %add3A_1224 = vector.broadcast %add3A_1223 : f32 to vector<16xf32>
      %add3A_1225 = arith.addf %add3A_1224, %mul3A_1222 : vector<16xf32>
      %mul3A_1226 = arith.mulf %mul3A_1216, %add3A_1225 : vector<16xf32>
      %add3A_1227 = arith.constant 0.333333343 : f32
      %add3A_1228 = vector.broadcast %add3A_1227 : f32 to vector<16xf32>
      %add3A_1229 = arith.addf %add3A_1228, %mul3A_1226 : vector<16xf32>
      %mul3A_1230 = arith.mulf %mul3A_1216, %add3A_1229 : vector<16xf32>
      %add3A_1231 = arith.constant 1.000000e+00 : f32
      %add3A_1232 = vector.broadcast %add3A_1231 : f32 to vector<16xf32>
      %add3A_1233 = arith.addf %add3A_1232, %mul3A_1230 : vector<16xf32>
      %mul3A_1234 = arith.mulf %mul3A_1219, %add3A_1233 : vector<16xf32>
      %min3A_1235 = arith.constant 0.000000e+00 : f32
      %min3A_1236 = vector.broadcast %min3A_1235 : f32 to vector<16xf32>
      %min3A_1237 = arith.minimumf %select_n3A_1206, %min3A_1236 : vector<16xf32>
      %sub3A_1238 = arith.subf %mul3A_1234, %min3A_1237 : vector<16xf32>
      %lt3A_1239 = arith.constant 8 : i32
      %lt3A_1240 = vector.broadcast %lt3A_1239 : i32 to vector<16xi32>
      %lt3A_1241 = arith.cmpi slt, %iota3A, %lt3A_1240 : vector<16xi32>
      %jit3A_1242 = arith.constant 0.000000e+00 : f32
      %broadcast_in_dim3A_1243 = vector.broadcast %jit3A_1242 : f32 to vector<16xf32>
      %select_n3A_1244 = arith.select %lt3A_1241, %sub3A_1238, %broadcast_in_dim3A_1243 : vector<16xi1>, vector<16xf32>
      %add3A_1245 = arith.addf %add3A_1081, %select_n3A_1244 : vector<16xf32>
      %add3A_1246 = arith.constant 7 : i32
      %add3A_1247 = arith.addi %mul3A_111, %add3A_1246 : i32
      %add3A_1248 = arith.constant 8 : i32
      %add3A_1249 = arith.addi %add3A_1247, %add3A_1248 : i32
      %sub3A_1250 = arith.constant 1 : i32
      %sub3A_1251 = arith.subi %add3A_1249, %sub3A_1250 : i32
      %lt3A_1252 = arith.constant 64 : i32
      %lt3A_1253 = arith.cmpi slt, %sub3A_1251, %lt3A_1252 : i32
      %convert_element_type3A_1254 = arith.extui %lt3A_1253 : i1 to i32
      %cond3A_1255 = arith.constant 0 : i32
      %cond3A_1256 = arith.cmpi ne, %convert_element_type3A_1254, %cond3A_1255 : i32
      scf.if %cond3A_1256 {
        %add3A_1410 = arith.constant 8 : i32
        %add3A_1411 = arith.addi %add3A_1247, %add3A_1410 : i32
        %sub3A_1412 = arith.constant 1 : i32
        %sub3A_1413 = arith.subi %add3A_1411, %sub3A_1412 : i32
        %mul3A_1414 = arith.constant 8 : i32
        %mul3A_1415 = arith.muli %sub3A_1413, %mul3A_1414 : i32
        %multiple_of3A_1416 = tpu.assume_multiple %mul3A_1415, 8 : i32
        %dma_start3A_1417 = tpu.memref_slice %arg8[%multiple_of3A_1416] : memref<512xi32, #tpu.memory_space<vmem>> -> memref<8xi32, #tpu.memory_space<vmem>>
        %dma_start3A_1418 = arith.constant 0 : i32
        %dma_start3A_1419 = arith.constant 0 : i32
        %dma_start3A_1420 = tpu.memref_slice %arg2[%dma_start3A_1418, %dma_start3A_1419] : memref<100000x512xf32, #tpu.memory_space<hbm>> -> memref<100000x512xf32, #tpu.memory_space<hbm>>
        tpu.enqueue_indirect_dma source(%dma_start3A_1420 : memref<100000x512xf32, #tpu.memory_space<hbm>>) target(%arg29 : memref<8x512xf32, #tpu.memory_space<vmem>>) offsets(%dma_start3A_1417 : memref<8xi32, #tpu.memory_space<vmem>>) semaphore(%arg42 : memref<!tpu.dma_semaphore, #tpu.memory_space<semaphore_mem>>)
        %dma_start3A_1421 = tpu.memref_slice %arg9[%multiple_of3A_1416] : memref<512xi32, #tpu.memory_space<vmem>> -> memref<8xi32, #tpu.memory_space<vmem>>
        %dma_start3A_1422 = arith.constant 0 : i32
        %dma_start3A_1423 = arith.constant 0 : i32
        %dma_start3A_1424 = tpu.memref_slice %arg3[%dma_start3A_1422, %dma_start3A_1423] : memref<100000x512xf32, #tpu.memory_space<hbm>> -> memref<100000x512xf32, #tpu.memory_space<hbm>>
        tpu.enqueue_indirect_dma source(%dma_start3A_1424 : memref<100000x512xf32, #tpu.memory_space<hbm>>) target(%arg30 : memref<8x512xf32, #tpu.memory_space<vmem>>) offsets(%dma_start3A_1421 : memref<8xi32, #tpu.memory_space<vmem>>) semaphore(%arg42 : memref<!tpu.dma_semaphore, #tpu.memory_space<semaphore_mem>>)
        %dma_start3A_1425 = tpu.memref_slice %arg10[%multiple_of3A_1416] : memref<512xi32, #tpu.memory_space<vmem>> -> memref<8xi32, #tpu.memory_space<vmem>>
        %dma_start3A_1426 = arith.constant 0 : i32
        %dma_start3A_1427 = arith.constant 0 : i32
        %dma_start3A_1428 = tpu.memref_slice %arg3[%dma_start3A_1426, %dma_start3A_1427] : memref<100000x512xf32, #tpu.memory_space<hbm>> -> memref<100000x512xf32, #tpu.memory_space<hbm>>
        tpu.enqueue_indirect_dma source(%dma_start3A_1428 : memref<100000x512xf32, #tpu.memory_space<hbm>>) target(%arg31 : memref<8x512xf32, #tpu.memory_space<vmem>>) offsets(%dma_start3A_1425 : memref<8xi32, #tpu.memory_space<vmem>>) semaphore(%arg42 : memref<!tpu.dma_semaphore, #tpu.memory_space<semaphore_mem>>)
      } else {
      }
      %dma_wait3A_1257 = arith.constant 0 : i32
      %dma_wait3A_1258 = arith.constant 0 : i32
      %dma_wait3A_1259 = tpu.memref_slice %arg2[%dma_wait3A_1257, %dma_wait3A_1258] : memref<100000x512xf32, #tpu.memory_space<hbm>> -> memref<8x512xf32, #tpu.memory_space<hbm>>
      %dma_wait3A_1260 = arith.constant 0 : i32
      %dma_wait3A_1261 = arith.constant 0 : i32
      %dma_wait3A_1262 = tpu.memref_slice %arg2[%dma_wait3A_1260, %dma_wait3A_1261] : memref<100000x512xf32, #tpu.memory_space<hbm>> -> memref<8x512xf32, #tpu.memory_space<hbm>>
      tpu.wait_dma2 semaphore(%arg43 : memref<!tpu.dma_semaphore, #tpu.memory_space<semaphore_mem>>) src(%dma_wait3A_1262 : memref<8x512xf32, #tpu.memory_space<hbm>>) dst(%arg32 : memref<8x512xf32, #tpu.memory_space<vmem>>)
      %dma_wait3A_1263 = arith.constant 0 : i32
      %dma_wait3A_1264 = arith.constant 0 : i32
      %dma_wait3A_1265 = tpu.memref_slice %arg3[%dma_wait3A_1263, %dma_wait3A_1264] : memref<100000x512xf32, #tpu.memory_space<hbm>> -> memref<8x512xf32, #tpu.memory_space<hbm>>
      %dma_wait3A_1266 = arith.constant 0 : i32
      %dma_wait3A_1267 = arith.constant 0 : i32
      %dma_wait3A_1268 = tpu.memref_slice %arg3[%dma_wait3A_1266, %dma_wait3A_1267] : memref<100000x512xf32, #tpu.memory_space<hbm>> -> memref<8x512xf32, #tpu.memory_space<hbm>>
      tpu.wait_dma2 semaphore(%arg43 : memref<!tpu.dma_semaphore, #tpu.memory_space<semaphore_mem>>) src(%dma_wait3A_1268 : memref<8x512xf32, #tpu.memory_space<hbm>>) dst(%arg33 : memref<8x512xf32, #tpu.memory_space<vmem>>)
      %dma_wait3A_1269 = arith.constant 0 : i32
      %dma_wait3A_1270 = arith.constant 0 : i32
      %dma_wait3A_1271 = tpu.memref_slice %arg3[%dma_wait3A_1269, %dma_wait3A_1270] : memref<100000x512xf32, #tpu.memory_space<hbm>> -> memref<8x512xf32, #tpu.memory_space<hbm>>
      %dma_wait3A_1272 = arith.constant 0 : i32
      %dma_wait3A_1273 = arith.constant 0 : i32
      %dma_wait3A_1274 = tpu.memref_slice %arg3[%dma_wait3A_1272, %dma_wait3A_1273] : memref<100000x512xf32, #tpu.memory_space<hbm>> -> memref<8x512xf32, #tpu.memory_space<hbm>>
      tpu.wait_dma2 semaphore(%arg43 : memref<!tpu.dma_semaphore, #tpu.memory_space<semaphore_mem>>) src(%dma_wait3A_1274 : memref<8x512xf32, #tpu.memory_space<hbm>>) dst(%arg34 : memref<8x512xf32, #tpu.memory_space<vmem>>)
      %broadcast_in_dim3A_1275 = arith.constant 0.000000e+00 : f32
      %broadcast_in_dim3A_1276 = vector.broadcast %broadcast_in_dim3A_1275 : f32 to vector<16xf32>
      %broadcast_in_dim3A_1277 = arith.constant 0.000000e+00 : f32
      %broadcast_in_dim3A_1278 = vector.broadcast %broadcast_in_dim3A_1277 : f32 to vector<16xf32>
      %broadcast_in_dim3A_1279 = arith.constant 0.000000e+00 : f32
      %broadcast_in_dim3A_1280 = vector.broadcast %broadcast_in_dim3A_1279 : f32 to vector<16xf32>
      %broadcast_in_dim3A_1281 = arith.constant 0.000000e+00 : f32
      %broadcast_in_dim3A_1282 = vector.broadcast %broadcast_in_dim3A_1281 : f32 to vector<16xf32>
      %broadcast_in_dim3A_1283 = arith.constant 0.000000e+00 : f32
      %broadcast_in_dim3A_1284 = vector.broadcast %broadcast_in_dim3A_1283 : f32 to vector<16xf32>
      %broadcast_in_dim3A_1285 = arith.constant 0.000000e+00 : f32
      %broadcast_in_dim3A_1286 = vector.broadcast %broadcast_in_dim3A_1285 : f32 to vector<16xf32>
      %broadcast_in_dim3A_1287 = arith.constant 0.000000e+00 : f32
      %broadcast_in_dim3A_1288 = vector.broadcast %broadcast_in_dim3A_1287 : f32 to vector<16xf32>
      %broadcast_in_dim3A_1289 = arith.constant 0.000000e+00 : f32
      %broadcast_in_dim3A_1290 = vector.broadcast %broadcast_in_dim3A_1289 : f32 to vector<16xf32>
      %scan3A_1291 = arith.constant 0 : i32
      %scan3A_1292 = arith.constant 32 : i32
      %scan3A_1293 = arith.addi %scan3A_1291, %scan3A_1292 : i32
      %scan3A_1294 = arith.constant 1 : i32
      %scan3A_1295:8 = scf.for %scan3A_1410 = %scan3A_1291 to %scan3A_1293 step %scan3A_1294 iter_args(%scan3A_1411 = %broadcast_in_dim3A_1276, %scan3A_1412 = %broadcast_in_dim3A_1278, %scan3A_1413 = %broadcast_in_dim3A_1280, %scan3A_1414 = %broadcast_in_dim3A_1282, %scan3A_1415 = %broadcast_in_dim3A_1284, %scan3A_1416 = %broadcast_in_dim3A_1286, %scan3A_1417 = %broadcast_in_dim3A_1288, %scan3A_1418 = %broadcast_in_dim3A_1290) -> (vector<16xf32>, vector<16xf32>, vector<16xf32>, vector<16xf32>, vector<16xf32>, vector<16xf32>, vector<16xf32>, vector<16xf32>)  : i32 {
        %mul3A_1419 = arith.constant 16 : i32
        %mul3A_1420 = arith.muli %scan3A_1410, %mul3A_1419 : i32
        %multiple_of3A_1421 = tpu.assume_multiple %mul3A_1420, 16 : i32
        %get3A = arith.constant 0 : i32
        %get3A_1422 = arith.index_cast %get3A : i32 to index
        %get3A_1423 = arith.index_cast %multiple_of3A_1421 : i32 to index
        %get3A_1424 = tpu.vector_load %arg32[%get3A_1422, %get3A_1423] {strides = array<i32>} : memref<8x512xf32, #tpu.memory_space<vmem>>, vector<16xf32>,
        %get3A_1425 = arith.constant 0 : i32
        %get3A_1426 = arith.index_cast %get3A_1425 : i32 to index
        %get3A_1427 = arith.index_cast %multiple_of3A_1421 : i32 to index
        %get3A_1428 = tpu.vector_load %arg33[%get3A_1426, %get3A_1427] {strides = array<i32>} : memref<8x512xf32, #tpu.memory_space<vmem>>, vector<16xf32>,
        %get3A_1429 = arith.constant 0 : i32
        %get3A_1430 = arith.index_cast %get3A_1429 : i32 to index
        %get3A_1431 = arith.index_cast %multiple_of3A_1421 : i32 to index
        %get3A_1432 = tpu.vector_load %arg34[%get3A_1430, %get3A_1431] {strides = array<i32>} : memref<8x512xf32, #tpu.memory_space<vmem>>, vector<16xf32>,
        %sub3A_1433 = arith.subf %get3A_1428, %get3A_1432 : vector<16xf32>
        %mul3A_1434 = arith.mulf %get3A_1424, %sub3A_1433 : vector<16xf32>
        %add3A_1435 = arith.addf %scan3A_1411, %mul3A_1434 : vector<16xf32>
        %get3A_1436 = arith.constant 1 : i32
        %get3A_1437 = arith.index_cast %get3A_1436 : i32 to index
        %get3A_1438 = arith.index_cast %multiple_of3A_1421 : i32 to index
        %get3A_1439 = tpu.vector_load %arg32[%get3A_1437, %get3A_1438] {strides = array<i32>} : memref<8x512xf32, #tpu.memory_space<vmem>>, vector<16xf32>,
        %get3A_1440 = arith.constant 1 : i32
        %get3A_1441 = arith.index_cast %get3A_1440 : i32 to index
        %get3A_1442 = arith.index_cast %multiple_of3A_1421 : i32 to index
        %get3A_1443 = tpu.vector_load %arg33[%get3A_1441, %get3A_1442] {strides = array<i32>} : memref<8x512xf32, #tpu.memory_space<vmem>>, vector<16xf32>,
        %get3A_1444 = arith.constant 1 : i32
        %get3A_1445 = arith.index_cast %get3A_1444 : i32 to index
        %get3A_1446 = arith.index_cast %multiple_of3A_1421 : i32 to index
        %get3A_1447 = tpu.vector_load %arg34[%get3A_1445, %get3A_1446] {strides = array<i32>} : memref<8x512xf32, #tpu.memory_space<vmem>>, vector<16xf32>,
        %sub3A_1448 = arith.subf %get3A_1443, %get3A_1447 : vector<16xf32>
        %mul3A_1449 = arith.mulf %get3A_1439, %sub3A_1448 : vector<16xf32>
        %add3A_1450 = arith.addf %scan3A_1412, %mul3A_1449 : vector<16xf32>
        %get3A_1451 = arith.constant 2 : i32
        %get3A_1452 = arith.index_cast %get3A_1451 : i32 to index
        %get3A_1453 = arith.index_cast %multiple_of3A_1421 : i32 to index
        %get3A_1454 = tpu.vector_load %arg32[%get3A_1452, %get3A_1453] {strides = array<i32>} : memref<8x512xf32, #tpu.memory_space<vmem>>, vector<16xf32>,
        %get3A_1455 = arith.constant 2 : i32
        %get3A_1456 = arith.index_cast %get3A_1455 : i32 to index
        %get3A_1457 = arith.index_cast %multiple_of3A_1421 : i32 to index
        %get3A_1458 = tpu.vector_load %arg33[%get3A_1456, %get3A_1457] {strides = array<i32>} : memref<8x512xf32, #tpu.memory_space<vmem>>, vector<16xf32>,
        %get3A_1459 = arith.constant 2 : i32
        %get3A_1460 = arith.index_cast %get3A_1459 : i32 to index
        %get3A_1461 = arith.index_cast %multiple_of3A_1421 : i32 to index
        %get3A_1462 = tpu.vector_load %arg34[%get3A_1460, %get3A_1461] {strides = array<i32>} : memref<8x512xf32, #tpu.memory_space<vmem>>, vector<16xf32>,
        %sub3A_1463 = arith.subf %get3A_1458, %get3A_1462 : vector<16xf32>
        %mul3A_1464 = arith.mulf %get3A_1454, %sub3A_1463 : vector<16xf32>
        %add3A_1465 = arith.addf %scan3A_1413, %mul3A_1464 : vector<16xf32>
        %get3A_1466 = arith.constant 3 : i32
        %get3A_1467 = arith.index_cast %get3A_1466 : i32 to index
        %get3A_1468 = arith.index_cast %multiple_of3A_1421 : i32 to index
        %get3A_1469 = tpu.vector_load %arg32[%get3A_1467, %get3A_1468] {strides = array<i32>} : memref<8x512xf32, #tpu.memory_space<vmem>>, vector<16xf32>,
        %get3A_1470 = arith.constant 3 : i32
        %get3A_1471 = arith.index_cast %get3A_1470 : i32 to index
        %get3A_1472 = arith.index_cast %multiple_of3A_1421 : i32 to index
        %get3A_1473 = tpu.vector_load %arg33[%get3A_1471, %get3A_1472] {strides = array<i32>} : memref<8x512xf32, #tpu.memory_space<vmem>>, vector<16xf32>,
        %get3A_1474 = arith.constant 3 : i32
        %get3A_1475 = arith.index_cast %get3A_1474 : i32 to index
        %get3A_1476 = arith.index_cast %multiple_of3A_1421 : i32 to index
        %get3A_1477 = tpu.vector_load %arg34[%get3A_1475, %get3A_1476] {strides = array<i32>} : memref<8x512xf32, #tpu.memory_space<vmem>>, vector<16xf32>,
        %sub3A_1478 = arith.subf %get3A_1473, %get3A_1477 : vector<16xf32>
        %mul3A_1479 = arith.mulf %get3A_1469, %sub3A_1478 : vector<16xf32>
        %add3A_1480 = arith.addf %scan3A_1414, %mul3A_1479 : vector<16xf32>
        %get3A_1481 = arith.constant 4 : i32
        %get3A_1482 = arith.index_cast %get3A_1481 : i32 to index
        %get3A_1483 = arith.index_cast %multiple_of3A_1421 : i32 to index
        %get3A_1484 = tpu.vector_load %arg32[%get3A_1482, %get3A_1483] {strides = array<i32>} : memref<8x512xf32, #tpu.memory_space<vmem>>, vector<16xf32>,
        %get3A_1485 = arith.constant 4 : i32
        %get3A_1486 = arith.index_cast %get3A_1485 : i32 to index
        %get3A_1487 = arith.index_cast %multiple_of3A_1421 : i32 to index
        %get3A_1488 = tpu.vector_load %arg33[%get3A_1486, %get3A_1487] {strides = array<i32>} : memref<8x512xf32, #tpu.memory_space<vmem>>, vector<16xf32>,
        %get3A_1489 = arith.constant 4 : i32
        %get3A_1490 = arith.index_cast %get3A_1489 : i32 to index
        %get3A_1491 = arith.index_cast %multiple_of3A_1421 : i32 to index
        %get3A_1492 = tpu.vector_load %arg34[%get3A_1490, %get3A_1491] {strides = array<i32>} : memref<8x512xf32, #tpu.memory_space<vmem>>, vector<16xf32>,
        %sub3A_1493 = arith.subf %get3A_1488, %get3A_1492 : vector<16xf32>
        %mul3A_1494 = arith.mulf %get3A_1484, %sub3A_1493 : vector<16xf32>
        %add3A_1495 = arith.addf %scan3A_1415, %mul3A_1494 : vector<16xf32>
        %get3A_1496 = arith.constant 5 : i32
        %get3A_1497 = arith.index_cast %get3A_1496 : i32 to index
        %get3A_1498 = arith.index_cast %multiple_of3A_1421 : i32 to index
        %get3A_1499 = tpu.vector_load %arg32[%get3A_1497, %get3A_1498] {strides = array<i32>} : memref<8x512xf32, #tpu.memory_space<vmem>>, vector<16xf32>,
        %get3A_1500 = arith.constant 5 : i32
        %get3A_1501 = arith.index_cast %get3A_1500 : i32 to index
        %get3A_1502 = arith.index_cast %multiple_of3A_1421 : i32 to index
        %get3A_1503 = tpu.vector_load %arg33[%get3A_1501, %get3A_1502] {strides = array<i32>} : memref<8x512xf32, #tpu.memory_space<vmem>>, vector<16xf32>,
        %get3A_1504 = arith.constant 5 : i32
        %get3A_1505 = arith.index_cast %get3A_1504 : i32 to index
        %get3A_1506 = arith.index_cast %multiple_of3A_1421 : i32 to index
        %get3A_1507 = tpu.vector_load %arg34[%get3A_1505, %get3A_1506] {strides = array<i32>} : memref<8x512xf32, #tpu.memory_space<vmem>>, vector<16xf32>,
        %sub3A_1508 = arith.subf %get3A_1503, %get3A_1507 : vector<16xf32>
        %mul3A_1509 = arith.mulf %get3A_1499, %sub3A_1508 : vector<16xf32>
        %add3A_1510 = arith.addf %scan3A_1416, %mul3A_1509 : vector<16xf32>
        %get3A_1511 = arith.constant 6 : i32
        %get3A_1512 = arith.index_cast %get3A_1511 : i32 to index
        %get3A_1513 = arith.index_cast %multiple_of3A_1421 : i32 to index
        %get3A_1514 = tpu.vector_load %arg32[%get3A_1512, %get3A_1513] {strides = array<i32>} : memref<8x512xf32, #tpu.memory_space<vmem>>, vector<16xf32>,
        %get3A_1515 = arith.constant 6 : i32
        %get3A_1516 = arith.index_cast %get3A_1515 : i32 to index
        %get3A_1517 = arith.index_cast %multiple_of3A_1421 : i32 to index
        %get3A_1518 = tpu.vector_load %arg33[%get3A_1516, %get3A_1517] {strides = array<i32>} : memref<8x512xf32, #tpu.memory_space<vmem>>, vector<16xf32>,
        %get3A_1519 = arith.constant 6 : i32
        %get3A_1520 = arith.index_cast %get3A_1519 : i32 to index
        %get3A_1521 = arith.index_cast %multiple_of3A_1421 : i32 to index
        %get3A_1522 = tpu.vector_load %arg34[%get3A_1520, %get3A_1521] {strides = array<i32>} : memref<8x512xf32, #tpu.memory_space<vmem>>, vector<16xf32>,
        %sub3A_1523 = arith.subf %get3A_1518, %get3A_1522 : vector<16xf32>
        %mul3A_1524 = arith.mulf %get3A_1514, %sub3A_1523 : vector<16xf32>
        %add3A_1525 = arith.addf %scan3A_1417, %mul3A_1524 : vector<16xf32>
        %get3A_1526 = arith.constant 7 : i32
        %get3A_1527 = arith.index_cast %get3A_1526 : i32 to index
        %get3A_1528 = arith.index_cast %multiple_of3A_1421 : i32 to index
        %get3A_1529 = tpu.vector_load %arg32[%get3A_1527, %get3A_1528] {strides = array<i32>} : memref<8x512xf32, #tpu.memory_space<vmem>>, vector<16xf32>,
        %get3A_1530 = arith.constant 7 : i32
        %get3A_1531 = arith.index_cast %get3A_1530 : i32 to index
        %get3A_1532 = arith.index_cast %multiple_of3A_1421 : i32 to index
        %get3A_1533 = tpu.vector_load %arg33[%get3A_1531, %get3A_1532] {strides = array<i32>} : memref<8x512xf32, #tpu.memory_space<vmem>>, vector<16xf32>,
        %get3A_1534 = arith.constant 7 : i32
        %get3A_1535 = arith.index_cast %get3A_1534 : i32 to index
        %get3A_1536 = arith.index_cast %multiple_of3A_1421 : i32 to index
        %get3A_1537 = tpu.vector_load %arg34[%get3A_1535, %get3A_1536] {strides = array<i32>} : memref<8x512xf32, #tpu.memory_space<vmem>>, vector<16xf32>,
        %sub3A_1538 = arith.subf %get3A_1533, %get3A_1537 : vector<16xf32>
        %mul3A_1539 = arith.mulf %get3A_1529, %sub3A_1538 : vector<16xf32>
        %add3A_1540 = arith.addf %scan3A_1418, %mul3A_1539 : vector<16xf32>
        scf.yield %add3A_1435, %add3A_1450, %add3A_1465, %add3A_1480, %add3A_1495, %add3A_1510, %add3A_1525, %add3A_1540 : vector<16xf32>, vector<16xf32>, vector<16xf32>, vector<16xf32>, vector<16xf32>, vector<16xf32>, vector<16xf32>, vector<16xf32>
      }
      %scan3A_1296 = arith.constant 32 : i32
      %broadcast_in_dim3A_1297 = arith.constant 0.000000e+00 : f32
      %broadcast_in_dim3A_1298 = vector.broadcast %broadcast_in_dim3A_1297 : f32 to vector<16xf32>
      %eq3A_1299 = arith.constant 0 : i32
      %eq3A_1300 = vector.broadcast %eq3A_1299 : i32 to vector<16xi32>
      %eq3A_1301 = arith.cmpi eq, %iota3A, %eq3A_1300 : vector<16xi32>
      %reduce_sum3A_1302 = arith.constant true
      %reduce_sum3A_1303 = vector.broadcast %reduce_sum3A_1302 : i1 to vector<16xi1>
      %reduce_sum3A_1304 = tpu.scan <sum>, %scan3A_1295#0 masked %reduce_sum3A_1303 : vector<16xf32>, vector<16xi1> -> vector<16xf32>
      %reduce_sum3A_1305 = vector.extract %reduce_sum3A_1304[15] : f32 from vector<16xf32>
      %broadcast_in_dim3A_1306 = vector.broadcast %reduce_sum3A_1305 : f32 to vector<16xf32>
      %select_n3A_1307 = arith.select %eq3A_1301, %broadcast_in_dim3A_1306, %broadcast_in_dim3A_1298 : vector<16xi1>, vector<16xf32>
      %eq3A_1308 = arith.constant 1 : i32
      %eq3A_1309 = vector.broadcast %eq3A_1308 : i32 to vector<16xi32>
      %eq3A_1310 = arith.cmpi eq, %iota3A, %eq3A_1309 : vector<16xi32>
      %reduce_sum3A_1311 = arith.constant true
      %reduce_sum3A_1312 = vector.broadcast %reduce_sum3A_1311 : i1 to vector<16xi1>
      %reduce_sum3A_1313 = tpu.scan <sum>, %scan3A_1295#1 masked %reduce_sum3A_1312 : vector<16xf32>, vector<16xi1> -> vector<16xf32>
      %reduce_sum3A_1314 = vector.extract %reduce_sum3A_1313[15] : f32 from vector<16xf32>
      %broadcast_in_dim3A_1315 = vector.broadcast %reduce_sum3A_1314 : f32 to vector<16xf32>
      %select_n3A_1316 = arith.select %eq3A_1310, %broadcast_in_dim3A_1315, %select_n3A_1307 : vector<16xi1>, vector<16xf32>
      %eq3A_1317 = arith.constant 2 : i32
      %eq3A_1318 = vector.broadcast %eq3A_1317 : i32 to vector<16xi32>
      %eq3A_1319 = arith.cmpi eq, %iota3A, %eq3A_1318 : vector<16xi32>
      %reduce_sum3A_1320 = arith.constant true
      %reduce_sum3A_1321 = vector.broadcast %reduce_sum3A_1320 : i1 to vector<16xi1>
      %reduce_sum3A_1322 = tpu.scan <sum>, %scan3A_1295#2 masked %reduce_sum3A_1321 : vector<16xf32>, vector<16xi1> -> vector<16xf32>
      %reduce_sum3A_1323 = vector.extract %reduce_sum3A_1322[15] : f32 from vector<16xf32>
      %broadcast_in_dim3A_1324 = vector.broadcast %reduce_sum3A_1323 : f32 to vector<16xf32>
      %select_n3A_1325 = arith.select %eq3A_1319, %broadcast_in_dim3A_1324, %select_n3A_1316 : vector<16xi1>, vector<16xf32>
      %eq3A_1326 = arith.constant 3 : i32
      %eq3A_1327 = vector.broadcast %eq3A_1326 : i32 to vector<16xi32>
      %eq3A_1328 = arith.cmpi eq, %iota3A, %eq3A_1327 : vector<16xi32>
      %reduce_sum3A_1329 = arith.constant true
      %reduce_sum3A_1330 = vector.broadcast %reduce_sum3A_1329 : i1 to vector<16xi1>
      %reduce_sum3A_1331 = tpu.scan <sum>, %scan3A_1295#3 masked %reduce_sum3A_1330 : vector<16xf32>, vector<16xi1> -> vector<16xf32>
      %reduce_sum3A_1332 = vector.extract %reduce_sum3A_1331[15] : f32 from vector<16xf32>
      %broadcast_in_dim3A_1333 = vector.broadcast %reduce_sum3A_1332 : f32 to vector<16xf32>
      %select_n3A_1334 = arith.select %eq3A_1328, %broadcast_in_dim3A_1333, %select_n3A_1325 : vector<16xi1>, vector<16xf32>
      %eq3A_1335 = arith.constant 4 : i32
      %eq3A_1336 = vector.broadcast %eq3A_1335 : i32 to vector<16xi32>
      %eq3A_1337 = arith.cmpi eq, %iota3A, %eq3A_1336 : vector<16xi32>
      %reduce_sum3A_1338 = arith.constant true
      %reduce_sum3A_1339 = vector.broadcast %reduce_sum3A_1338 : i1 to vector<16xi1>
      %reduce_sum3A_1340 = tpu.scan <sum>, %scan3A_1295#4 masked %reduce_sum3A_1339 : vector<16xf32>, vector<16xi1> -> vector<16xf32>
      %reduce_sum3A_1341 = vector.extract %reduce_sum3A_1340[15] : f32 from vector<16xf32>
      %broadcast_in_dim3A_1342 = vector.broadcast %reduce_sum3A_1341 : f32 to vector<16xf32>
      %select_n3A_1343 = arith.select %eq3A_1337, %broadcast_in_dim3A_1342, %select_n3A_1334 : vector<16xi1>, vector<16xf32>
      %eq3A_1344 = arith.constant 5 : i32
      %eq3A_1345 = vector.broadcast %eq3A_1344 : i32 to vector<16xi32>
      %eq3A_1346 = arith.cmpi eq, %iota3A, %eq3A_1345 : vector<16xi32>
      %reduce_sum3A_1347 = arith.constant true
      %reduce_sum3A_1348 = vector.broadcast %reduce_sum3A_1347 : i1 to vector<16xi1>
      %reduce_sum3A_1349 = tpu.scan <sum>, %scan3A_1295#5 masked %reduce_sum3A_1348 : vector<16xf32>, vector<16xi1> -> vector<16xf32>
      %reduce_sum3A_1350 = vector.extract %reduce_sum3A_1349[15] : f32 from vector<16xf32>
      %broadcast_in_dim3A_1351 = vector.broadcast %reduce_sum3A_1350 : f32 to vector<16xf32>
      %select_n3A_1352 = arith.select %eq3A_1346, %broadcast_in_dim3A_1351, %select_n3A_1343 : vector<16xi1>, vector<16xf32>
      %eq3A_1353 = arith.constant 6 : i32
      %eq3A_1354 = vector.broadcast %eq3A_1353 : i32 to vector<16xi32>
      %eq3A_1355 = arith.cmpi eq, %iota3A, %eq3A_1354 : vector<16xi32>
      %reduce_sum3A_1356 = arith.constant true
      %reduce_sum3A_1357 = vector.broadcast %reduce_sum3A_1356 : i1 to vector<16xi1>
      %reduce_sum3A_1358 = tpu.scan <sum>, %scan3A_1295#6 masked %reduce_sum3A_1357 : vector<16xf32>, vector<16xi1> -> vector<16xf32>
      %reduce_sum3A_1359 = vector.extract %reduce_sum3A_1358[15] : f32 from vector<16xf32>
      %broadcast_in_dim3A_1360 = vector.broadcast %reduce_sum3A_1359 : f32 to vector<16xf32>
      %select_n3A_1361 = arith.select %eq3A_1355, %broadcast_in_dim3A_1360, %select_n3A_1352 : vector<16xi1>, vector<16xf32>
      %eq3A_1362 = arith.constant 7 : i32
      %eq3A_1363 = vector.broadcast %eq3A_1362 : i32 to vector<16xi32>
      %eq3A_1364 = arith.cmpi eq, %iota3A, %eq3A_1363 : vector<16xi32>
      %reduce_sum3A_1365 = arith.constant true
      %reduce_sum3A_1366 = vector.broadcast %reduce_sum3A_1365 : i1 to vector<16xi1>
      %reduce_sum3A_1367 = tpu.scan <sum>, %scan3A_1295#7 masked %reduce_sum3A_1366 : vector<16xf32>, vector<16xi1> -> vector<16xf32>
      %reduce_sum3A_1368 = vector.extract %reduce_sum3A_1367[15] : f32 from vector<16xf32>
      %broadcast_in_dim3A_1369 = vector.broadcast %reduce_sum3A_1368 : f32 to vector<16xf32>
      %select_n3A_1370 = arith.select %eq3A_1364, %broadcast_in_dim3A_1369, %select_n3A_1361 : vector<16xi1>, vector<16xf32>
      %abs3A_1371 = math.absf %select_n3A_1370 : vector<16xf32>
      %neg3A_1372 = arith.constant 0.000000e+00 : f32
      %neg3A_1373 = vector.broadcast %neg3A_1372 : f32 to vector<16xf32>
      %neg3A_1374 = arith.subf %neg3A_1373, %abs3A_1371 : vector<16xf32>
      %exp3A_1375 = math.exp %neg3A_1374 : vector<16xf32>
      %add3A_1376 = arith.constant 2.000000e+00 : f32
      %add3A_1377 = vector.broadcast %add3A_1376 : f32 to vector<16xf32>
      %add3A_1378 = arith.addf %add3A_1377, %exp3A_1375 : vector<16xf32>
      %div3A_1379 = arith.divf %exp3A_1375, %add3A_1378 : vector<16xf32>
      %mul3A_1380 = arith.mulf %div3A_1379, %div3A_1379 : vector<16xf32>
      %mul3A_1381 = arith.constant 2.000000e+00 : f32
      %mul3A_1382 = vector.broadcast %mul3A_1381 : f32 to vector<16xf32>
      %mul3A_1383 = arith.mulf %mul3A_1382, %div3A_1379 : vector<16xf32>
      %mul3A_1384 = arith.constant 0.142857149 : f32
      %mul3A_1385 = vector.broadcast %mul3A_1384 : f32 to vector<16xf32>
      %mul3A_1386 = arith.mulf %mul3A_1380, %mul3A_1385 : vector<16xf32>
      %add3A_1387 = arith.constant 2.000000e-01 : f32
      %add3A_1388 = vector.broadcast %add3A_1387 : f32 to vector<16xf32>
      %add3A_1389 = arith.addf %add3A_1388, %mul3A_1386 : vector<16xf32>
      %mul3A_1390 = arith.mulf %mul3A_1380, %add3A_1389 : vector<16xf32>
      %add3A_1391 = arith.constant 0.333333343 : f32
      %add3A_1392 = vector.broadcast %add3A_1391 : f32 to vector<16xf32>
      %add3A_1393 = arith.addf %add3A_1392, %mul3A_1390 : vector<16xf32>
      %mul3A_1394 = arith.mulf %mul3A_1380, %add3A_1393 : vector<16xf32>
      %add3A_1395 = arith.constant 1.000000e+00 : f32
      %add3A_1396 = vector.broadcast %add3A_1395 : f32 to vector<16xf32>
      %add3A_1397 = arith.addf %add3A_1396, %mul3A_1394 : vector<16xf32>
      %mul3A_1398 = arith.mulf %mul3A_1383, %add3A_1397 : vector<16xf32>
      %min3A_1399 = arith.constant 0.000000e+00 : f32
      %min3A_1400 = vector.broadcast %min3A_1399 : f32 to vector<16xf32>
      %min3A_1401 = arith.minimumf %select_n3A_1370, %min3A_1400 : vector<16xf32>
      %sub3A_1402 = arith.subf %mul3A_1398, %min3A_1401 : vector<16xf32>
      %lt3A_1403 = arith.constant 8 : i32
      %lt3A_1404 = vector.broadcast %lt3A_1403 : i32 to vector<16xi32>
      %lt3A_1405 = arith.cmpi slt, %iota3A, %lt3A_1404 : vector<16xi32>
      %jit3A_1406 = arith.constant 0.000000e+00 : f32
      %broadcast_in_dim3A_1407 = vector.broadcast %jit3A_1406 : f32 to vector<16xf32>
      %select_n3A_1408 = arith.select %lt3A_1405, %sub3A_1402, %broadcast_in_dim3A_1407 : vector<16xi1>, vector<16xf32>
      %add3A_1409 = arith.addf %add3A_1245, %select_n3A_1408 : vector<16xf32>
      scf.yield %add3A_1409 : vector<16xf32>
    }
    %scan3A_104 = arith.constant 8 : i32
    %swap3A = arith.constant 0 : index
    %swap3A_105 = tpu.vector_load %arg35[%swap3A] {strides = array<i32>} : memref<16xf32, #tpu.memory_space<vmem>>, vector<16xf32>,
    tpu.vector_store %arg35[%swap3A], %scan3A_103 {strides = array<i32>} : memref<16xf32, #tpu.memory_space<vmem>>, vector<16xf32>,
    %mul3A_106 = arith.constant 16 : i32
    %mul3A_107 = arith.muli %add3A, %mul3A_106 : i32
    "tpu.region"() ({
      %run_scoped3A = tpu.sem_alloc : memref<!tpu.dma_semaphore, #tpu.memory_space<semaphore_mem>>
      %dma_start3A_108 = tpu.memref_slice %arg7[%mul3A_107] : memref<512xf32, #tpu.memory_space<hbm>> -> memref<16xf32, #tpu.memory_space<hbm>>
      %dma_start3A_109 = tpu.memref_slice %arg7[%mul3A_107] : memref<512xf32, #tpu.memory_space<hbm>> -> memref<16xf32, #tpu.memory_space<hbm>>
      tpu.enqueue_dma source(%arg35 : memref<16xf32, #tpu.memory_space<vmem>>) target(%dma_start3A_109 : memref<16xf32, #tpu.memory_space<hbm>>) target_semaphore(%run_scoped3A : memref<!tpu.dma_semaphore, #tpu.memory_space<semaphore_mem>>)
      %dma_wait3A = tpu.memref_slice %arg7[%mul3A_107] : memref<512xf32, #tpu.memory_space<hbm>> -> memref<16xf32, #tpu.memory_space<hbm>>
      %dma_wait3A_110 = tpu.memref_slice %arg7[%mul3A_107] : memref<512xf32, #tpu.memory_space<hbm>> -> memref<16xf32, #tpu.memory_space<hbm>>
      tpu.wait_dma2 semaphore(%run_scoped3A : memref<!tpu.dma_semaphore, #tpu.memory_space<semaphore_mem>>) src(%arg35 : memref<16xf32, #tpu.memory_space<vmem>>) dst(%dma_wait3A_110 : memref<16xf32, #tpu.memory_space<hbm>>)
      tpu.yield
    }) : () -> ()
    return
  }
}

module attributes {stable_mosaic.version = 14 : i64} {
  func.func @body(%arg0: memref<512xf32, #tpu.memory_space<vmem>>, %arg1: memref<1x1xf32, #tpu.memory_space<smem>>) attributes {dimension_semantics = [], scalar_prefetch = 0 : i64, scratch_operands = 0 : i64, tpu.core_type = #tpu.core_type<tc>} {
    %get3A = arith.constant 0 : index
    %get3A_0 = vector.load %arg0[%get3A] : memref<512xf32, #tpu.memory_space<vmem>>, vector<512xf32>
    %reduce_sum3A = vector.shape_cast %get3A_0 : vector<512xf32> to vector<1x512xf32>
    %reduce_sum3A_1 = arith.constant dense<0.000000e+00> : vector<1xf32>
    %reduce_sum3A_2 = vector.multi_reduction <add>, %reduce_sum3A, %reduce_sum3A_1 [1] : vector<1x512xf32> to vector<1xf32>
    %reduce_sum3A_3 = vector.shape_cast %reduce_sum3A_2 : vector<1xf32> to vector<1x1xf32>
    %reduce_sum3A_4 = vector.extract %reduce_sum3A_3[0, 0] : f32 from vector<1x1xf32>
    %swap3A = arith.constant 0 : index
    %swap3A_5 = arith.constant 0 : index
    %swap3A_6 = memref.load %arg1[%swap3A, %swap3A_5] : memref<1x1xf32, #tpu.memory_space<smem>>
    memref.store %reduce_sum3A_4, %arg1[%swap3A, %swap3A_5] : memref<1x1xf32, #tpu.memory_space<smem>>
    return
  }
}

</mosaic_0001>

<sc_bundles>
// kernel: kernel.4.cloned.1.call-start
scs
__scs_entry_jumppad:
0x0: {  	(pc) =	sbr.rel $0x88, $3  }
0x1: {  	(tag) =	ssettag $0x0;
	lr =	simm.s32 $0x1  }
0x2: {  	[smem:$0x3F9C] =	sst lr;
	_ =	strace $0xD0000000  }
0x3: {  	_ = 	snop  }
0x4: {  	_ = 	snop  }
0x5: {  	_ = 	snop  }
0x6: {  	_ = 	snop  }
0x7: {  	_ = 	snop  }
__scs_overlays_trampoline_lowered:
0x8: {  	[smem:$0x3FAB] =	sst s0  }
0x9: {  	[smem:$0x3FAC] =	sst s1  }
0xa: {  	[smem:$0x3FAD] =	sst s2  }
0xb: {  	[smem:$0x3FAE] =	sst s3  }
0xc: {  	[smem:$0x3FAF] =	sst s4  }
0xd: {  	[smem:$0x3FB0] =	sst s5  }
0xe: {  	[smem:$0x3FB1] =	sst s6  }
0xf: {  	[smem:$0x3FB2] =	sst s7  }
0x10: {  	[smem:$0x3FB3] =	sst s8  }
0x11: {  	[smem:$0x3FB4] =	sst s9;
	s0 =	simm.s32 @!p0 $0x0  }
0x12: {  	s1 =	sld [smem:$0x3F9A];
	s0 =	simm.s32 @p0 $0x1  }
0x13: {  	[smem:$0x3FB5] =	sst s0;
	s0 =	simm.s32 @!p1 $0x0  }
0x14: {  	s2 =	sld [smem:$0x3F99];
	s0 =	simm.s32 @p1 $0x1  }
0x15: {  	[smem:$0x3FB6] =	sst s0;
	s0 =	simm.s32 @!p2 $0x0  }
0x16: {  	s3 =	sld [smem:$0x3FDB];
	s0 =	simm.s32 @p2 $0x1  }
0x17: {  	s4 =	simm.s32 $0x1BF5;
	[smem:$0x3FB8] =	sst s0  }
0x18: {  	s0 =	sld [smem:$0x3F9B];
	_ =	swait.ge [sflag:s4], $0x0  }
0x19: {  	s7 =	sld [smem:$0x3F9C]  }
0x1a: {  	s8 =	sadd.s32 $0xFFFFE003, lr  }
0x1b: {  	s9 =	sadd.s32 $0xFFFFFEF7, lr;
	s5 =	simm.s32 $0xFFFFFFFF;
	p2 =	slt.u32 s8, $0xFFFFF086  }
0x1c: {  	p1 =	slt.u32 s9, $0xF7A;
	s5 =	simm.s32 @!p2 $0x0  }
0x1d: {  	s5 =	simm.s32 @p1 $0x1;
	p0 =	seq.s32 s7, s2  }
0x1e: {  	s7 =	smul.u32 @!p0 $0xF7A, s2;
	p2 =	seq.s32 @!p0 s5, $0x0  }
0x1f: {  	s9 =	smul.u32 $0xF7A, s1;
	s8 =	simm.s32 @!p0 $0x1BF5;
	p2 =	por !p2, p0  }
0x20: {  	[sflag:s8] =	ssyncset.s32 @!p0 $0xFFFFF086;
	s6 =	sadd.s32 @!p0 s3, s7;
	s7 =	simm.s32 @!p0 $0x108  }
0x21: {  	s3 =	sadd.s32 s3, s9;
	s6 =	sadd.s32 @!p0 $0x88, s6;
	s7 =	simm.s32 @p2 $0x1082  }
0x22: {  	[simem:s7], [sflag:s8] =	dma.local @!p0 [hbm:s6], $0xF7A  }
0x23: {  	s9 =	sor.u32 $0xD0000000, s2;
	s6 =	simm.s32 $0x108;
	_ =	swait.ge @!p0 [sflag:s8], $0x0  }
0x24: {  	s3 =	sadd.s32 $0x88, s3;
	s6 =	simm.s32 @!p1 $0x1082;
	[sflag:s4] =	ssyncset.s32 $0xFFFFF086  }
0x25: {  	[simem:s6], [sflag:s4] =	dma.local [hbm:s3], $0xF7A  }
0x26: {  	[smem:$0x3F9C] =	sst s1;
	(tag) =	ssettag s2;
	_ =	strace s9  }
0x27: {  	s1 =	sld [smem:$0x3FAC]  }
0x28: {  	s2 =	sld [smem:$0x3FAD]  }
0x29: {  	s4 =	sld [smem:$0x3FAF]  }
0x2a: {  	p0 =	seq.s32 s5, $0x0;
	s5 =	sld [smem:$0x3FB0]  }
0x2b: {  	s6 =	sld [smem:$0x3FB1]  }
0x2c: {  	s7 =	sld [smem:$0x3FB2]  }
0x2d: {  	s3 =	simm.s32 $0x108;
	s8 =	sld [smem:$0x3FB3]  }
0x2e: {  	s3 =	simm.s32 @!p0 $0x1082;
	s9 =	sld [smem:$0x3FB4]  }
0x2f: {  	lr =	sadd.s32 s0, s3;
	s0 =	sld [smem:$0x3FAB]  }
0x30: {  	s3 =	sld [smem:$0x3FAE]  }
0x31: {  	[smem:$0x3FB7] =	sst s10  }
0x32: {  	s10 =	sld [smem:$0x3FB5];
	_ =	sdelay $0x3  }
0x33: {  	p0 =	seq.s32 s10, $0x1;
	s10 =	sld [smem:$0x3FB7];
	_ =	sdelay $0x3  }
0x34: {  	[smem:$0x3FB7] =	sst s10  }
0x35: {  	s10 =	sld [smem:$0x3FB6];
	_ =	sdelay $0x3  }
0x36: {  	p1 =	seq.s32 s10, $0x1;
	s10 =	sld [smem:$0x3FB7];
	_ =	sdelay $0x3  }
0x37: {  	[smem:$0x3FB7] =	sst s10  }
0x38: {  	s10 =	sld [smem:$0x3FB8]  }
0x39: {  	_ = 	snop;
	(pc) =	sbr.ind lr, $3  }
0x3a: {  	_ = 	snop  }
0x3b: {  	_ = 	snop  }
0x3c: {  	p2 =	seq.s32 s10, $0x1;
	s10 =	sld [smem:$0x3FB7]  }
0x3d: {  	_ =	shalt  }
0x3e: {  	_ =	shalt  }
0x3f: {  	_ =	shalt  }
0x40: {  	_ =	shalt  }
0x41: {  	_ =	shalt  }
0x42: {  	_ =	shalt  }
0x43: {  	_ =	shalt  }
0x44: {  	_ =	shalt  }
0x45: {  	_ =	shalt  }
0x46: {  	_ =	shalt  }
0x47: {  	_ =	shalt  }
0x48: {  	_ =	shalt  }
0x49: {  	_ =	shalt  }
0x4a: {  	_ =	shalt  }
0x4b: {  	_ =	shalt  }
0x4c: {  	_ =	shalt  }
0x4d: {  	_ =	shalt  }
0x4e: {  	_ =	shalt  }
0x4f: {  	_ =	shalt  }
0x50: {  	_ =	shalt  }
0x51: {  	_ =	shalt  }
0x52: {  	_ =	shalt  }
0x53: {  	_ =	shalt  }
0x54: {  	_ =	shalt  }
0x55: {  	_ =	shalt  }
0x56: {  	_ =	shalt  }
0x57: {  	_ =	shalt  }
0x58: {  	_ =	shalt  }
0x59: {  	_ =	shalt  }
0x5a: {  	_ =	shalt  }
0x5b: {  	_ =	shalt  }
0x5c: {  	_ =	shalt  }
0x5d: {  	_ =	shalt  }
0x5e: {  	_ =	shalt  }
0x5f: {  	_ =	shalt  }
0x60: {  	_ =	shalt  }
0x61: {  	_ =	shalt  }
0x62: {  	_ =	shalt  }
0x63: {  	_ =	shalt  }
0x64: {  	_ =	shalt  }
0x65: {  	_ =	shalt  }
0x66: {  	_ =	shalt  }
0x67: {  	_ =	shalt  }
0x68: {  	_ =	shalt  }
0x69: {  	_ =	shalt  }
0x6a: {  	_ =	shalt  }
0x6b: {  	_ =	shalt  }
0x6c: {  	_ =	shalt  }
0x6d: {  	_ =	shalt  }
0x6e: {  	_ =	shalt  }
0x6f: {  	_ =	shalt  }
0x70: {  	_ =	shalt  }
0x71: {  	_ =	shalt  }
0x72: {  	_ =	shalt  }
0x73: {  	_ =	shalt  }
0x74: {  	_ =	shalt  }
0x75: {  	_ =	shalt  }
0x76: {  	_ =	shalt  }
0x77: {  	_ =	shalt  }
0x78: {  	_ =	shalt  }
0x79: {  	_ =	shalt  }
0x7a: {  	_ =	shalt  }
0x7b: {  	_ =	shalt  }
0x7c: {  	_ =	shalt  }
0x7d: {  	_ =	shalt  }
0x7e: {  	_ =	shalt  }
0x7f: {  	_ =	shalt  }
0x80: {  	_ =	shalt  }
0x81: {  	_ =	shalt  }
0x82: {  	_ =	shalt  }
0x83: {  	_ =	shalt  }
0x84: {  	_ =	shalt  }
0x85: {  	_ =	shalt  }
0x86: {  	_ =	shalt  }
0x87: {  	_ =	shalt  }
.Lfunc_end0:
.L_simem_size_0:
called_computation_lowered:
.L_overlay_start_0:
0x88: {  	s2 =	sld [smem:$0x3FD9]  }
0x89: {  	s3 =	sld [smem:$0x3FFE];
	_ =	sdelay $0x1  }
0x8a: {  	s1 =	srdreg.scid  }
0x8b: {  	s0 =	sand.u32 $0x1, s1  }
0x8c: {  	s17 =	sshll.u32 s0, $0xA;
	s2 =	sadd.s32 s3, s2  }
0x8d: {  	s2 =	sadd.s32 s2, s17  }
0x8e: {  	[smem:$0x3FC3] =	sst s2  }
0x8f: {  	_ = 	snop  }
0x90: {  	s2 =	sld [smem:$0x3FC9]  }
0x91: {  	s18 =	sld [smem:$0x3FC8]  }
0x92: {  	s4 =	sld [smem:$0x3FC7]  }
0x93: {  	s5 =	sld [smem:$0x3FC6]  }
0x94: {  	s6 =	sld [smem:$0x3FC5];
	(tm) =	ssettm $0x1  }
0x95: {  	s7 =	sld [smem:$0x3FFB];
	_ =	sdelay $0x3  }
0x96: {  	_ =	strace s7  }
0x97: {  	s7 =	sld [smem:$0x3FFC];
	_ =	sdelay $0x3  }
0x98: {  	_ =	strace s7  }
0x99: {  	s7 =	sld [smem:$0x3FFD];
	_ =	sdelay $0x3  }
0x9a: {  	_ =	strace s7  }
0x9b: {  	_ =	strace $0x8FFFFFFF  }
0x9c: {  	s19 =	sld [smem:$0x3FDB];
	_ =	sdelay $0x1  }
0x9d: {  	s8 =	simm.s32 $_scs_section_size  }
0x9e: {  	s9 =	simm.s32 $_size__tile_overlayer_lowered;
	s10 =	simm.s32 $_tile_overlayer_lowered  }
0x9f: {  	s22 =	simm.s32 $0x1BFF;
	s21 =	sshll.u32 s10, $0x1;
	s7 =	sadd.s32 s8, s19  }
0xa0: {  	s11 =	simm.s32 $0x0;
	s20 =	sshll.u32 s9, $0x1;
	s9 =	sadd.s32 s21, s7  }
0xa1: {  	[timem:s11], [sflag:s22] =	dma.local [hbm:s9], s20  }
0xa2: {  	_ =	swait.ge [sflag:s22], s20  }
0xa3: {  	s8 =	ssub.s32 $0x0, s20;
	[sflag:s22] =	ssyncset.done $0x0  }
0xa4: {  	[sflag:s22] =	ssyncadd.s32 s8;
	_ =	sdelay $0x1  }
0xa5: {  	s23 =	simm.s32 $0x1B8B  }
0xa6: {  	_ =	swait.ge [sflag:s23], $0x1  }
0xa7: {  	[sflag:s23] =	ssyncset.done $0x0  }
0xa8: {  	s25 =	simm.s32 $0x1B8E;
	s24 =	sld [smem:$0x3FFE];
	[sflag:s23] =	ssyncadd.s32 $0xFFFFFFFF  }
0xa9: {  	s26 =	simm.s32 $execute0_lowered;
	[smem:$0x3FD2] =	sst s25  }
0xaa: {  	s9 =	sshll.u32 s26, $0x1;
	_ =	strace $0x80000046;
	[dreg:$0x1] =	wrdreg $0xFFFFFFFF  }
0xab: {  	s28 =	simm.s32 $_size_execute0_lowered;
	s7 =	sadd.s32 s7, s9;
	[dreg:$0x0] =	wrdreg $0x0  }
0xac: {  	s9 =	sshll.u32 s28, $0x1;
	[dreg:$0x2] =	wrdreg s7  }
0xad: {  	[dreg:$0x3] =	wrdreg s9  }
0xae: {  	[dreg:$0x4] =	wrdreg $0xC0  }
0xaf: {  	_ =	task [dreg:s11], $0x5FFFF  }
0xb0: {  	[dreg:$0x1] =	wrdreg $0xFFFFFFFF  }
0xb1: {  	[dreg:$0x0] =	wrdreg $0x60  }
0xb2: {  	[dreg:$0x2] =	wrdreg s2  }
0xb3: {  	[dreg:$0x3] =	wrdreg s18  }
0xb4: {  	[dreg:$0x4] =	wrdreg s4  }
0xb5: {  	[dreg:$0x5] =	wrdreg s5  }
0xb6: {  	[dreg:$0x6] =	wrdreg s6  }
0xb7: {  	[dreg:$0x7] =	wrdreg s24  }
0xb8: {  	[dreg:$0x8] =	wrdreg $0x9  }
0xb9: {  	_ =	task.clear_ibuf [dreg:s11], $0x9FFFF;
	_ =	strace $0x90000046  }
0xba: {  	s29 =	simm.s32 $0x9;
	_ =	strace $0x80000048  }
0xbb: {  	_ =	swait.ge [sflag:s29], $0x1  }
0xbc: {  	[sflag:s29] =	ssyncadd.s32 $0xFFFFFFFF  }
0xbd: {  	_ =	strace $0x90000048  }
0xbe: {  	_ =	sfence  }
0xbf: {  	s30 =	sld [smem:$0x0];
	_ =	sdelay $0x2  }
0xc0: {  	s31 =	sshll.u32 s1, $0xD;
	s1 =	sshrl.u32 s1, $0x2  }
0xc1: {  	s3 =	sand.u32 $0x4000, s31;
	s1 =	sadd.s32 s1, s30  }
0xc2: {  	s0 =	sor.u32 s3, s0;
	s1 =	sshll.u32 s1, $0x11  }
0xc3: {  	s0 =	sor.u32 s1, s0  }
0xc4: {  	s0 =	sadd.s32 $0x8F2B, s0  }
0xc5: {  	[sflag:s0] =	ssyncadd.remote.s32 $0x1  }
0xc6: {  	_ =	sfence.sel $0xFFFF  }
0xc7: {  	[dreg:$0x0] =	wrdreg $0xFFFFFFFF;
	(pc) =	sbr.abs _section_cstart, $3  }
0xc8: {  	[dreg:$0x1] =	wrdreg $0xFFFFFFFF  }
0xc9: {  	_ =	task.clear_ibuf [dreg:s11], $0x2FFFF;
	_ =	strace $0x9FFFFFFF  }
0xca: {  	(tm) =	ssettm $0x7FFFFFFF  }
0xcb: {  	_ =	shalt  }
tec
execute0_lowered:
.L_overlay_start_1:
0x0: {  	(tag) =	ssettag $0x1  }
0x1: {  	s1 =	rddreg [dreg:$0x0]  }
0x2: {  	s2 =	rddreg [dreg:$0x1]  }
0x3: {  	s0 =	rddreg [dreg:$0x2]  }
0x4: {  	s3 =	rddreg [dreg:$0x3]  }
0x5: {  	s5 =	rddreg [dreg:$0x4]  }
0x6: {  	s6 =	rddreg [dreg:$0x5]  }
0x7: {  	s7 =	srdreg.scid;
	s8 =	stileid.u32;
	s4 =	simm.s32 $0x0  }
0x8: {  	s12 =	simm.s32 $0x9;
	s17 =	simm.s32 $0x15600;
	s18 =	simm.s32 $0x15E00  }
0x9: {  	s19 =	simm.s32 $0x16600;
	s20 =	simm.s32 $0x16E00;
	s21 =	simm.s32 $0x17600  }
0xa: {  	s28 =	simm.s32 $0x5;
	s29 =	simm.s32 $0x6;
	s30 =	simm.s32 $0x7  }
0xb: {  	s31 =	simm.s32 $0x8;
	s7 =	sand.u32 $0x1, s7;
	s8 =	sshll.u32 s8, $0x1  }
0xc: {  	[smem:$0x7FF] =	sst s4;
	s8 =	sor.u32 s7, s8;
	s7 =	ssub.s32 $0x2, s7  }
0xd: {  	_ =	strace $0x80000047;
	s9 =	sshll.u32 s8, $0x1;
	s22 =	sshrl.u32 s7, $0x1  }
0xe: {  	s8 =	sshll.u32 s8, $0x6;
	s6 =	sadd.s32 s9, s6;
	s7 =	ssub.s32 s7, s22  }
0xf: {  	s0 =	sadd.s32 s0, s8;
	s23 =	sadd.s32 s3, s8;
	s24 =	sadd.s32 s5, s8  }
0x10: {  	v0 =	vlaneseq.u32;
	vm0 =	vmmov $0xffff;
	s8 =	sadd.s32 $0x100, s1;
	s9 =	sadd.s32 $0x100, s2;
	[dreg:$0x7] =	wrdreg s0  }
0x11: {  	vm1 =	vmmov $0x1;
	vm2 =	vcmask $0x320;
	vm3 =	vcmask $0x720;
	s22 =	simm.s32 $0x17E00;
	s3 =	simm.s32 $0x0;
	[dreg:$0x8] =	wrdreg s23  }
0x12: {  	vm4 =	vcmask $0xB20;
	vm5 =	vcmask $0xF20;
	vm6 =	vcmask $0x1320;
	[dreg:$0x9] =	wrdreg s24;
	s25 =	sadd.s32 $0x600, s6;
	s26 =	smax.u32 s7, $0x1  }
0x13: {  	vm7 =	vcmask $0x1720;
	vm8 =	vcmask $0x1B20;
	v1 =	vshrl.u32 v0, $0x3;
	s23 =	simm.s32 $0x1;
	s24 =	simm.s32 $0x2;
	[dreg:$0xa] =	wrdreg s25  }
0x14: {  	vm9 =	vmmov $0xff;
	v0 =	vand.u32 $0x7, v0;
	v1 =	vmul.u32 $0x8, v1;
	[dreg:$0xb] =	wrdreg s26;
	s25 =	simm.s32 $0x3;
	s26 =	simm.s32 $0x4  }
.LBB2_1:
0x15: {  	s0 =	rddreg [dreg:$0x7]  }
0x16: {  	[tilespmem:s4], [sflag:$0x9] =	stream.linear.gather [hbm4b:s0+s4], $0x200, $0x38;
	[tilespmem:$0x18680] =	vst v63  }
0x17: {  	_ =	swait.ge [sflag:s12], $0x200  }
0x18: {  	[sflag:s12] =	ssyncset.done $0x0  }
0x19: {  	s5 =	simm.s32 $0x200;
	s16 =	rddreg [dreg:$0x8];
	[sflag:s12] =	ssyncadd.s32 $0xFFFFFE00  }
0x1a: {  	[tilespmem:s5], [sflag:$0x9] =	stream.linear.gather [hbm4b:s16+s4], $0x200, $0x38;
	[tilespmem:$0x18680] =	vst v63  }
0x1b: {  	_ =	swait.ge [sflag:s12], $0x200  }
0x1c: {  	[sflag:s12] =	ssyncset.done $0x0  }
0x1d: {  	s7 =	simm.s32 $0x400;
	s6 =	rddreg [dreg:$0x9];
	[sflag:s12] =	ssyncadd.s32 $0xFFFFFE00  }
0x1e: {  	[tilespmem:s7], [sflag:$0x9] =	stream.linear.gather [hbm4b:s6+s4], $0x200, $0x38;
	[tilespmem:$0x18680] =	vst v63  }
0x1f: {  	_ =	swait.ge [sflag:s12], $0x200  }
0x20: {  	[sflag:s12] =	ssyncset.done $0x0  }
0x21: {  	[sflag:s12] =	ssyncadd.s32 $0xFFFFFE00  }
0x22: {  	v2 =	vld.msk [tilespmem:$0x0], $0xff;
	_ =	sdelay $0x4  }
0x23: {  	v3 =	vshll.u32 v2, $0x2  }
0x24: {  	v2 =	vand.u32 $0x7, v2;
	v3 =	vand.u32 $0xFFFFFFE0, v3  }
0x25: {  	v2 =	vor.u32 v2, v3  }
0x26: {  	v2 =	vperm.xlane v2, v0;
	_ =	sdelay $0x1  }
0x27: {  	v2 =	vadd.s32 v1, v2;
	_ =	sdelay $0x3  }
0x28: {  	s10 =	simm.s32 $0x600  }
0x29: {  	[tilespmem:s10], [sflag:$0x1] =	stream.indirect_vreg.gather [hbm4b:s1+s4], $0x80, v2, vm0, $0xb8;
	[tilespmem:$0x18680] =	vst v63  }
0x2a: {  	s11 =	simm.s32 $0xE00  }
0x2b: {  	[tilespmem:s11], [sflag:$0x1] =	stream.indirect_vreg.gather [hbm4b:s8+s4], $0x80, v2, vm0, $0xb8;
	[tilespmem:$0x18680] =	vst v63  }
0x2c: {  	v2 =	vld.msk [tilespmem:$0x200], $0xff;
	_ =	sdelay $0x4  }
0x2d: {  	v3 =	vshll.u32 v2, $0x2  }
0x2e: {  	v2 =	vand.u32 $0x7, v2;
	v3 =	vand.u32 $0xFFFFFFE0, v3  }
0x2f: {  	v2 =	vor.u32 v2, v3  }
0x30: {  	v2 =	vperm.xlane v2, v0;
	_ =	sdelay $0x1  }
0x31: {  	v2 =	vadd.s32 v1, v2;
	_ =	sdelay $0x3  }
0x32: {  	s13 =	simm.s32 $0x1600  }
0x33: {  	[tilespmem:s13], [sflag:$0x1] =	stream.indirect_vreg.gather [hbm4b:s2+s4], $0x80, v2, vm0, $0xb8;
	[tilespmem:$0x18680] =	vst v63  }
0x34: {  	s14 =	simm.s32 $0x1E00  }
0x35: {  	[tilespmem:s14], [sflag:$0x1] =	stream.indirect_vreg.gather [hbm4b:s9+s4], $0x80, v2, vm0, $0xb8;
	[tilespmem:$0x18680] =	vst v63  }
0x36: {  	v2 =	vld.msk [tilespmem:$0x400], $0xff;
	_ =	sdelay $0x4  }
0x37: {  	v3 =	vshll.u32 v2, $0x2  }
0x38: {  	v2 =	vand.u32 $0x7, v2;
	v3 =	vand.u32 $0xFFFFFFE0, v3  }
0x39: {  	v2 =	vor.u32 v2, v3  }
0x3a: {  	v2 =	vperm.xlane v2, v0;
	_ =	sdelay $0x1  }
0x3b: {  	v2 =	vadd.s32 v1, v2;
	_ =	sdelay $0x3  }
0x3c: {  	s15 =	simm.s32 $0x2600  }
0x3d: {  	[tilespmem:s15], [sflag:$0x1] =	stream.indirect_vreg.gather [hbm4b:s2+s4], $0x80, v2, vm0, $0xb8;
	[tilespmem:$0x18680] =	vst v63  }
0x3e: {  	s16 =	simm.s32 $0x2E00  }
0x3f: {  	[tilespmem:s16], [sflag:$0x1] =	stream.indirect_vreg.gather [hbm4b:s9+s4], $0x80, v2, vm0, $0xb8;
	[tilespmem:$0x18680] =	vst v63  }
0x40: {  	v2 =	vld.msk [tilespmem:$0x8], $0xff;
	_ =	sdelay $0x4  }
0x41: {  	v3 =	vshll.u32 v2, $0x2  }
0x42: {  	v2 =	vand.u32 $0x7, v2;
	v3 =	vand.u32 $0xFFFFFFE0, v3  }
0x43: {  	v2 =	vor.u32 v2, v3  }
0x44: {  	v2 =	vperm.xlane v2, v0;
	_ =	sdelay $0x1  }
0x45: {  	v2 =	vadd.s32 v1, v2;
	_ =	sdelay $0x3  }
0x46: {  	s5 =	simm.s32 $0x3600  }
0x47: {  	[tilespmem:s5], [sflag:$0x2] =	stream.indirect_vreg.gather [hbm4b:s1+s4], $0x80, v2, vm0, $0xb8;
	[tilespmem:$0x18680] =	vst v63  }
0x48: {  	s6 =	simm.s32 $0x3E00  }
0x49: {  	[tilespmem:s6], [sflag:$0x2] =	stream.indirect_vreg.gather [hbm4b:s8+s4], $0x80, v2, vm0, $0xb8;
	[tilespmem:$0x18680] =	vst v63  }
0x4a: {  	v2 =	vld.msk [tilespmem:$0x208], $0xff;
	_ =	sdelay $0x4  }
0x4b: {  	v3 =	vshll.u32 v2, $0x2  }
0x4c: {  	v2 =	vand.u32 $0x7, v2;
	v3 =	vand.u32 $0xFFFFFFE0, v3  }
0x4d: {  	v2 =	vor.u32 v2, v3  }
0x4e: {  	v2 =	vperm.xlane v2, v0;
	_ =	sdelay $0x1  }
0x4f: {  	v2 =	vadd.s32 v1, v2;
	_ =	sdelay $0x3  }
0x50: {  	s7 =	simm.s32 $0x4600  }
0x51: {  	[tilespmem:s7], [sflag:$0x2] =	stream.indirect_vreg.gather [hbm4b:s2+s4], $0x80, v2, vm0, $0xb8;
	[tilespmem:$0x18680] =	vst v63  }
0x52: {  	s10 =	simm.s32 $0x4E00  }
0x53: {  	[tilespmem:s10], [sflag:$0x2] =	stream.indirect_vreg.gather [hbm4b:s9+s4], $0x80, v2, vm0, $0xb8;
	[tilespmem:$0x18680] =	vst v63  }
0x54: {  	v2 =	vld.msk [tilespmem:$0x408], $0xff;
	_ =	sdelay $0x4  }
0x55: {  	v3 =	vshll.u32 v2, $0x2  }
0x56: {  	v2 =	vand.u32 $0x7, v2;
	v3 =	vand.u32 $0xFFFFFFE0, v3  }
0x57: {  	v2 =	vor.u32 v2, v3  }
0x58: {  	v2 =	vperm.xlane v2, v0;
	_ =	sdelay $0x1  }
0x59: {  	v2 =	vadd.s32 v1, v2;
	_ =	sdelay $0x3  }
0x5a: {  	s11 =	simm.s32 $0x5600  }
0x5b: {  	[tilespmem:s11], [sflag:$0x2] =	stream.indirect_vreg.gather [hbm4b:s2+s4], $0x80, v2, vm0, $0xb8;
	[tilespmem:$0x18680] =	vst v63  }
0x5c: {  	s13 =	simm.s32 $0x5E00  }
0x5d: {  	[tilespmem:s13], [sflag:$0x2] =	stream.indirect_vreg.gather [hbm4b:s9+s4], $0x80, v2, vm0, $0xb8;
	[tilespmem:$0x18680] =	vst v63  }
0x5e: {  	v2 =	vld.msk [tilespmem:$0x10], $0xff;
	_ =	sdelay $0x4  }
0x5f: {  	v3 =	vshll.u32 v2, $0x2  }
0x60: {  	v2 =	vand.u32 $0x7, v2;
	v3 =	vand.u32 $0xFFFFFFE0, v3  }
0x61: {  	v2 =	vor.u32 v2, v3  }
0x62: {  	v2 =	vperm.xlane v2, v0;
	_ =	sdelay $0x1  }
0x63: {  	v2 =	vadd.s32 v1, v2;
	_ =	sdelay $0x3  }
0x64: {  	s14 =	simm.s32 $0x6600  }
0x65: {  	[tilespmem:s14], [sflag:$0x3] =	stream.indirect_vreg.gather [hbm4b:s1+s4], $0x80, v2, vm0, $0xb8;
	[tilespmem:$0x18680] =	vst v63  }
0x66: {  	s15 =	simm.s32 $0x6E00  }
0x67: {  	[tilespmem:s15], [sflag:$0x3] =	stream.indirect_vreg.gather [hbm4b:s8+s4], $0x80, v2, vm0, $0xb8;
	[tilespmem:$0x18680] =	vst v63  }
0x68: {  	v2 =	vld.msk [tilespmem:$0x210], $0xff;
	_ =	sdelay $0x4  }
0x69: {  	v3 =	vshll.u32 v2, $0x2  }
0x6a: {  	v2 =	vand.u32 $0x7, v2;
	v3 =	vand.u32 $0xFFFFFFE0, v3  }
0x6b: {  	v2 =	vor.u32 v2, v3  }
0x6c: {  	v2 =	vperm.xlane v2, v0;
	_ =	sdelay $0x1  }
0x6d: {  	v2 =	vadd.s32 v1, v2;
	_ =	sdelay $0x3  }
0x6e: {  	s16 =	simm.s32 $0x7600  }
0x6f: {  	[tilespmem:s16], [sflag:$0x3] =	stream.indirect_vreg.gather [hbm4b:s2+s4], $0x80, v2, vm0, $0xb8;
	[tilespmem:$0x18680] =	vst v63  }
0x70: {  	s5 =	simm.s32 $0x7E00  }
0x71: {  	[tilespmem:s5], [sflag:$0x3] =	stream.indirect_vreg.gather [hbm4b:s9+s4], $0x80, v2, vm0, $0xb8;
	[tilespmem:$0x18680] =	vst v63  }
0x72: {  	v2 =	vld.msk [tilespmem:$0x410], $0xff;
	_ =	sdelay $0x4  }
0x73: {  	v3 =	vshll.u32 v2, $0x2  }
0x74: {  	v2 =	vand.u32 $0x7, v2;
	v3 =	vand.u32 $0xFFFFFFE0, v3  }
0x75: {  	v2 =	vor.u32 v2, v3  }
0x76: {  	v2 =	vperm.xlane v2, v0;
	_ =	sdelay $0x1  }
0x77: {  	v2 =	vadd.s32 v1, v2;
	_ =	sdelay $0x3  }
0x78: {  	s6 =	simm.s32 $0x8600  }
0x79: {  	[tilespmem:s6], [sflag:$0x3] =	stream.indirect_vreg.gather [hbm4b:s2+s4], $0x80, v2, vm0, $0xb8;
	[tilespmem:$0x18680] =	vst v63  }
0x7a: {  	s7 =	simm.s32 $0x8E00  }
0x7b: {  	[tilespmem:s7], [sflag:$0x3] =	stream.indirect_vreg.gather [hbm4b:s9+s4], $0x80, v2, vm0, $0xb8;
	[tilespmem:$0x18680] =	vst v63  }
0x7c: {  	v2 =	vld.msk [tilespmem:$0x18], $0xff;
	_ =	sdelay $0x4  }
0x7d: {  	v3 =	vshll.u32 v2, $0x2  }
0x7e: {  	v2 =	vand.u32 $0x7, v2;
	v3 =	vand.u32 $0xFFFFFFE0, v3  }
0x7f: {  	v2 =	vor.u32 v2, v3  }
0x80: {  	v2 =	vperm.xlane v2, v0;
	_ =	sdelay $0x1  }
0x81: {  	v2 =	vadd.s32 v1, v2;
	_ =	sdelay $0x3  }
0x82: {  	s10 =	simm.s32 $0x9600  }
0x83: {  	[tilespmem:s10], [sflag:$0x4] =	stream.indirect_vreg.gather [hbm4b:s1+s4], $0x80, v2, vm0, $0xb8;
	[tilespmem:$0x18680] =	vst v63  }
0x84: {  	s11 =	simm.s32 $0x9E00  }
0x85: {  	[tilespmem:s11], [sflag:$0x4] =	stream.indirect_vreg.gather [hbm4b:s8+s4], $0x80, v2, vm0, $0xb8;
	[tilespmem:$0x18680] =	vst v63  }
0x86: {  	v2 =	vld.msk [tilespmem:$0x218], $0xff;
	_ =	sdelay $0x4  }
0x87: {  	v3 =	vshll.u32 v2, $0x2  }
0x88: {  	v2 =	vand.u32 $0x7, v2;
	v3 =	vand.u32 $0xFFFFFFE0, v3  }
0x89: {  	v2 =	vor.u32 v2, v3  }
0x8a: {  	v2 =	vperm.xlane v2, v0;
	_ =	sdelay $0x1  }
0x8b: {  	v2 =	vadd.s32 v1, v2;
	_ =	sdelay $0x3  }
0x8c: {  	s13 =	simm.s32 $0xA600  }
0x8d: {  	[tilespmem:s13], [sflag:$0x4] =	stream.indirect_vreg.gather [hbm4b:s2+s4], $0x80, v2, vm0, $0xb8;
	[tilespmem:$0x18680] =	vst v63  }
0x8e: {  	s14 =	simm.s32 $0xAE00  }
0x8f: {  	[tilespmem:s14], [sflag:$0x4] =	stream.indirect_vreg.gather [hbm4b:s9+s4], $0x80, v2, vm0, $0xb8;
	[tilespmem:$0x18680] =	vst v63  }
0x90: {  	v2 =	vld.msk [tilespmem:$0x418], $0xff;
	_ =	sdelay $0x4  }
0x91: {  	v3 =	vshll.u32 v2, $0x2  }
0x92: {  	v2 =	vand.u32 $0x7, v2;
	v3 =	vand.u32 $0xFFFFFFE0, v3  }
0x93: {  	v2 =	vor.u32 v2, v3  }
0x94: {  	v2 =	vperm.xlane v2, v0;
	_ =	sdelay $0x1  }
0x95: {  	v2 =	vadd.s32 v1, v2;
	_ =	sdelay $0x3  }
0x96: {  	s15 =	simm.s32 $0xB600  }
0x97: {  	[tilespmem:s15], [sflag:$0x4] =	stream.indirect_vreg.gather [hbm4b:s2+s4], $0x80, v2, vm0, $0xb8;
	[tilespmem:$0x18680] =	vst v63  }
0x98: {  	s16 =	simm.s32 $0xBE00  }
0x99: {  	[tilespmem:s16], [sflag:$0x4] =	stream.indirect_vreg.gather [hbm4b:s9+s4], $0x80, v2, vm0, $0xb8;
	[tilespmem:$0x18680] =	vst v63  }
0x9a: {  	v2 =	vld.msk [tilespmem:$0x20], $0xff;
	_ =	sdelay $0x4  }
0x9b: {  	v3 =	vshll.u32 v2, $0x2  }
0x9c: {  	v2 =	vand.u32 $0x7, v2;
	v3 =	vand.u32 $0xFFFFFFE0, v3  }
0x9d: {  	v2 =	vor.u32 v2, v3  }
0x9e: {  	v2 =	vperm.xlane v2, v0;
	_ =	sdelay $0x1  }
0x9f: {  	v2 =	vadd.s32 v1, v2;
	_ =	sdelay $0x3  }
0xa0: {  	s5 =	simm.s32 $0xC600  }
0xa1: {  	[tilespmem:s5], [sflag:$0x5] =	stream.indirect_vreg.gather [hbm4b:s1+s4], $0x80, v2, vm0, $0xb8;
	[tilespmem:$0x18680] =	vst v63  }
0xa2: {  	s6 =	simm.s32 $0xCE00  }
0xa3: {  	[tilespmem:s6], [sflag:$0x5] =	stream.indirect_vreg.gather [hbm4b:s8+s4], $0x80, v2, vm0, $0xb8;
	[tilespmem:$0x18680] =	vst v63  }
0xa4: {  	v2 =	vld.msk [tilespmem:$0x220], $0xff;
	_ =	sdelay $0x4  }
0xa5: {  	v3 =	vshll.u32 v2, $0x2  }
0xa6: {  	v2 =	vand.u32 $0x7, v2;
	v3 =	vand.u32 $0xFFFFFFE0, v3  }
0xa7: {  	v2 =	vor.u32 v2, v3  }
0xa8: {  	v2 =	vperm.xlane v2, v0;
	_ =	sdelay $0x1  }
0xa9: {  	v2 =	vadd.s32 v1, v2;
	_ =	sdelay $0x3  }
0xaa: {  	s7 =	simm.s32 $0xD600  }
0xab: {  	[tilespmem:s7], [sflag:$0x5] =	stream.indirect_vreg.gather [hbm4b:s2+s4], $0x80, v2, vm0, $0xb8;
	[tilespmem:$0x18680] =	vst v63  }
0xac: {  	s10 =	simm.s32 $0xDE00  }
0xad: {  	[tilespmem:s10], [sflag:$0x5] =	stream.indirect_vreg.gather [hbm4b:s9+s4], $0x80, v2, vm0, $0xb8;
	[tilespmem:$0x18680] =	vst v63  }
0xae: {  	v2 =	vld.msk [tilespmem:$0x420], $0xff;
	_ =	sdelay $0x4  }
0xaf: {  	v3 =	vshll.u32 v2, $0x2  }
0xb0: {  	v2 =	vand.u32 $0x7, v2;
	v3 =	vand.u32 $0xFFFFFFE0, v3  }
0xb1: {  	v2 =	vor.u32 v2, v3  }
0xb2: {  	v2 =	vperm.xlane v2, v0;
	_ =	sdelay $0x1  }
0xb3: {  	v2 =	vadd.s32 v1, v2;
	_ =	sdelay $0x3  }
0xb4: {  	s11 =	simm.s32 $0xE600  }
0xb5: {  	[tilespmem:s11], [sflag:$0x5] =	stream.indirect_vreg.gather [hbm4b:s2+s4], $0x80, v2, vm0, $0xb8;
	[tilespmem:$0x18680] =	vst v63  }
0xb6: {  	s13 =	simm.s32 $0xEE00  }
0xb7: {  	[tilespmem:s13], [sflag:$0x5] =	stream.indirect_vreg.gather [hbm4b:s9+s4], $0x80, v2, vm0, $0xb8;
	[tilespmem:$0x18680] =	vst v63  }
0xb8: {  	v2 =	vld.msk [tilespmem:$0x28], $0xff;
	_ =	sdelay $0x4  }
0xb9: {  	v3 =	vshll.u32 v2, $0x2  }
0xba: {  	v2 =	vand.u32 $0x7, v2;
	v3 =	vand.u32 $0xFFFFFFE0, v3  }
0xbb: {  	v2 =	vor.u32 v2, v3  }
0xbc: {  	v2 =	vperm.xlane v2, v0;
	_ =	sdelay $0x1  }
0xbd: {  	v2 =	vadd.s32 v1, v2;
	_ =	sdelay $0x3  }
0xbe: {  	s14 =	simm.s32 $0xF600  }
0xbf: {  	[tilespmem:s14], [sflag:$0x6] =	stream.indirect_vreg.gather [hbm4b:s1+s4], $0x80, v2, vm0, $0xb8;
	[tilespmem:$0x18680] =	vst v63  }
0xc0: {  	s15 =	simm.s32 $0xFE00  }
0xc1: {  	[tilespmem:s15], [sflag:$0x6] =	stream.indirect_vreg.gather [hbm4b:s8+s4], $0x80, v2, vm0, $0xb8;
	[tilespmem:$0x18680] =	vst v63  }
0xc2: {  	v2 =	vld.msk [tilespmem:$0x228], $0xff;
	_ =	sdelay $0x4  }
0xc3: {  	v3 =	vshll.u32 v2, $0x2  }
0xc4: {  	v2 =	vand.u32 $0x7, v2;
	v3 =	vand.u32 $0xFFFFFFE0, v3  }
0xc5: {  	v2 =	vor.u32 v2, v3  }
0xc6: {  	v2 =	vperm.xlane v2, v0;
	_ =	sdelay $0x1  }
0xc7: {  	v2 =	vadd.s32 v1, v2;
	_ =	sdelay $0x3  }
0xc8: {  	s16 =	simm.s32 $0x10600  }
0xc9: {  	[tilespmem:s16], [sflag:$0x6] =	stream.indirect_vreg.gather [hbm4b:s2+s4], $0x80, v2, vm0, $0xb8;
	[tilespmem:$0x18680] =	vst v63  }
0xca: {  	s5 =	simm.s32 $0x10E00  }
0xcb: {  	[tilespmem:s5], [sflag:$0x6] =	stream.indirect_vreg.gather [hbm4b:s9+s4], $0x80, v2, vm0, $0xb8;
	[tilespmem:$0x18680] =	vst v63  }
0xcc: {  	v2 =	vld.msk [tilespmem:$0x428], $0xff;
	_ =	sdelay $0x4  }
0xcd: {  	v3 =	vshll.u32 v2, $0x2  }
0xce: {  	v2 =	vand.u32 $0x7, v2;
	v3 =	vand.u32 $0xFFFFFFE0, v3  }
0xcf: {  	v2 =	vor.u32 v2, v3  }
0xd0: {  	v2 =	vperm.xlane v2, v0;
	_ =	sdelay $0x1  }
0xd1: {  	v2 =	vadd.s32 v1, v2;
	_ =	sdelay $0x3  }
0xd2: {  	s6 =	simm.s32 $0x11600  }
0xd3: {  	[tilespmem:s6], [sflag:$0x6] =	stream.indirect_vreg.gather [hbm4b:s2+s4], $0x80, v2, vm0, $0xb8;
	[tilespmem:$0x18680] =	vst v63  }
0xd4: {  	s7 =	simm.s32 $0x11E00  }
0xd5: {  	[tilespmem:s7], [sflag:$0x6] =	stream.indirect_vreg.gather [hbm4b:s9+s4], $0x80, v2, vm0, $0xb8;
	[tilespmem:$0x18680] =	vst v63  }
0xd6: {  	v2 =	vld.msk [tilespmem:$0x30], $0xff;
	_ =	sdelay $0x4  }
0xd7: {  	v3 =	vshll.u32 v2, $0x2  }
0xd8: {  	v2 =	vand.u32 $0x7, v2;
	v3 =	vand.u32 $0xFFFFFFE0, v3  }
0xd9: {  	v2 =	vor.u32 v2, v3  }
0xda: {  	v2 =	vperm.xlane v2, v0;
	_ =	sdelay $0x1  }
0xdb: {  	v2 =	vadd.s32 v1, v2;
	_ =	sdelay $0x3  }
0xdc: {  	s10 =	simm.s32 $0x12600  }
0xdd: {  	[tilespmem:s10], [sflag:$0x7] =	stream.indirect_vreg.gather [hbm4b:s1+s4], $0x80, v2, vm0, $0xb8;
	[tilespmem:$0x18680] =	vst v63  }
0xde: {  	s11 =	simm.s32 $0x12E00  }
0xdf: {  	[tilespmem:s11], [sflag:$0x7] =	stream.indirect_vreg.gather [hbm4b:s8+s4], $0x80, v2, vm0, $0xb8;
	[tilespmem:$0x18680] =	vst v63  }
0xe0: {  	v2 =	vld.msk [tilespmem:$0x230], $0xff;
	_ =	sdelay $0x4  }
0xe1: {  	v3 =	vshll.u32 v2, $0x2  }
0xe2: {  	v2 =	vand.u32 $0x7, v2;
	v3 =	vand.u32 $0xFFFFFFE0, v3  }
0xe3: {  	v2 =	vor.u32 v2, v3  }
0xe4: {  	v2 =	vperm.xlane v2, v0;
	_ =	sdelay $0x1  }
0xe5: {  	v2 =	vadd.s32 v1, v2;
	_ =	sdelay $0x3  }
0xe6: {  	s13 =	simm.s32 $0x13600  }
0xe7: {  	[tilespmem:s13], [sflag:$0x7] =	stream.indirect_vreg.gather [hbm4b:s2+s4], $0x80, v2, vm0, $0xb8;
	[tilespmem:$0x18680] =	vst v63  }
0xe8: {  	s14 =	simm.s32 $0x13E00  }
0xe9: {  	[tilespmem:s14], [sflag:$0x7] =	stream.indirect_vreg.gather [hbm4b:s9+s4], $0x80, v2, vm0, $0xb8;
	[tilespmem:$0x18680] =	vst v63  }
0xea: {  	v2 =	vld.msk [tilespmem:$0x430], $0xff;
	_ =	sdelay $0x4  }
0xeb: {  	v3 =	vshll.u32 v2, $0x2  }
0xec: {  	v2 =	vand.u32 $0x7, v2;
	v3 =	vand.u32 $0xFFFFFFE0, v3  }
0xed: {  	v2 =	vor.u32 v2, v3  }
0xee: {  	v2 =	vperm.xlane v2, v0;
	_ =	sdelay $0x1  }
0xef: {  	v2 =	vadd.s32 v1, v2;
	_ =	sdelay $0x3  }
0xf0: {  	s15 =	simm.s32 $0x14600  }
0xf1: {  	[tilespmem:s15], [sflag:$0x7] =	stream.indirect_vreg.gather [hbm4b:s2+s4], $0x80, v2, vm0, $0xb8;
	[tilespmem:$0x18680] =	vst v63  }
0xf2: {  	s16 =	simm.s32 $0x14E00;
	s13 =	simm.s32 $0x0  }
0xf3: {  	v3 =	vimm.f32 $0.0e+00;
	[tilespmem:s16], [sflag:$0x7] =	stream.indirect_vreg.gather [hbm4b:s9+s4], $0x80, v2, vm0, $0xb8;
	v2 =	vimm.f32 $0.0e+00;
	[tilespmem:$0x18680] =	vst v63  }
.LBB2_2:
0xf4: {  	s14 =	sshll.u32 s13, $0x6  }
0xf5: {  	s0 =	sor.u32 $0x38, s14  }
0xf6: {  	v4 =	vld.msk [tilespmem:s0+$0x0], $0xff;
	_ =	sdelay $0x4  }
0xf7: {  	v5 =	vshll.u32 v4, $0x2  }
0xf8: {  	v4 =	vand.u32 $0x7, v4;
	v5 =	vand.u32 $0xFFFFFFE0, v5  }
0xf9: {  	v4 =	vor.u32 v4, v5  }
0xfa: {  	v4 =	vperm.xlane v4, v0;
	_ =	sdelay $0x1  }
0xfb: {  	v4 =	vadd.s32 v1, v4;
	_ =	sdelay $0x3  }
0xfc: {  	s16 =	simm.s32 $0x0  }
0xfd: {  	[tilespmem:s17], [sflag:$0x8] =	stream.indirect_vreg.gather [hbm4b:s1+s16], $0x80, v4, vm0, $0xb8;
	[tilespmem:$0x18680] =	vst v63  }
0xfe: {  	_ = 	snop  }
0xff: {  	[tilespmem:s18], [sflag:$0x8] =	stream.indirect_vreg.gather [hbm4b:s8+s16], $0x80, v4, vm0, $0xb8;
	[tilespmem:$0x18680] =	vst v63  }
0x100: {  	v4 =	vld.msk [tilespmem:s14+$0x238], $0xff;
	_ =	sdelay $0x4  }
0x101: {  	v5 =	vshll.u32 v4, $0x2  }
0x102: {  	v4 =	vand.u32 $0x7, v4;
	v5 =	vand.u32 $0xFFFFFFE0, v5  }
0x103: {  	v4 =	vor.u32 v4, v5  }
0x104: {  	v4 =	vperm.xlane v4, v0;
	_ =	sdelay $0x1  }
0x105: {  	v4 =	vadd.s32 v1, v4;
	_ =	sdelay $0x4  }
0x106: {  	[tilespmem:s19], [sflag:$0x8] =	stream.indirect_vreg.gather [hbm4b:s2+s16], $0x80, v4, vm0, $0xb8;
	[tilespmem:$0x18680] =	vst v63  }
0x107: {  	_ = 	snop  }
0x108: {  	[tilespmem:s20], [sflag:$0x8] =	stream.indirect_vreg.gather [hbm4b:s9+s16], $0x80, v4, vm0, $0xb8;
	[tilespmem:$0x18680] =	vst v63  }
0x109: {  	v4 =	vld.msk [tilespmem:s14+$0x438], $0xff;
	_ =	sdelay $0x4  }
0x10a: {  	v5 =	vshll.u32 v4, $0x2  }
0x10b: {  	v4 =	vand.u32 $0x7, v4;
	v5 =	vand.u32 $0xFFFFFFE0, v5  }
0x10c: {  	v4 =	vor.u32 v4, v5  }
0x10d: {  	v4 =	vperm.xlane v4, v0;
	_ =	sdelay $0x1  }
0x10e: {  	v4 =	vadd.s32 v1, v4;
	_ =	sdelay $0x4  }
0x10f: {  	[tilespmem:s21], [sflag:$0x8] =	stream.indirect_vreg.gather [hbm4b:s2+s16], $0x80, v4, vm0, $0xb8;
	[tilespmem:$0x18680] =	vst v63  }
0x110: {  	_ = 	snop  }
0x111: {  	[tilespmem:s22], [sflag:$0x8] =	stream.indirect_vreg.gather [hbm4b:s9+s16], $0x80, v4, vm0, $0xb8;
	[tilespmem:$0x18680] =	vst v63  }
0x112: {  	_ =	swait.ge [sflag:s23], $0x1000  }
0x113: {  	[sflag:s23] =	ssyncset.done $0x0  }
0x114: {  	[sflag:s23] =	ssyncadd.s32 $0xFFFFF000  }
0x115: {  	_ =	swait.ge [sflag:s23], $0x1000  }
0x116: {  	[sflag:s23] =	ssyncset.done $0x0  }
0x117: {  	[sflag:s23] =	ssyncadd.s32 $0xFFFFF000  }
0x118: {  	_ =	swait.ge [sflag:s23], $0x1000  }
0x119: {  	s5 =	sand.u32 $0x70, s16;
	s6 =	sand.u32 $0xC00, s16;
	[sflag:s23] =	ssyncset.done $0x0  }
0x11a: {  	s5 =	sor.u32 s5, s6;
	s6 =	sor.u32 s6, s16;
	[sflag:s23] =	ssyncadd.s32 $0xFFFFF000  }
0x11b: {  	s6 =	sor.u32 $0x180, s6;
	v4 =	vld [tilespmem:s5+$0x1600]  }
0x11c: {  	v5 =	vld [tilespmem:s6+$0x1600]  }
0x11d: {  	v6 =	vld [tilespmem:s6+$0x2600]  }
0x11e: {  	v7 =	vld [tilespmem:s5+$0x2600]  }
0x11f: {  	v8 =	vld [tilespmem:s6+$0x600]  }
0x120: {  	v9 =	vld [tilespmem:s5+$0x1680]  }
0x121: {  	v10 =	vld [tilespmem:s5+$0x2680]  }
0x122: {  	v11 =	vld [tilespmem:s5+$0x1700]  }
0x123: {  	v12 =	vld [tilespmem:s5+$0x2700]  }
0x124: {  	v14 =	vld [tilespmem:s5+$0x1800]  }
0x125: {  	v15 =	vld [tilespmem:s5+$0x2800]  }
0x126: {  	v16 =	vld [tilespmem:s5+$0x1880]  }
0x127: {  	v17 =	vld [tilespmem:s5+$0x2880]  }
0x128: {  	s0 =	sor.u32 s16, s16;
	v18 =	vld [tilespmem:s5+$0x1900]  }
0x129: {  	s10 =	sor.u32 $0x380, s0;
	v20 =	vld [tilespmem:s5+$0x2900]  }
0x12a: {  	v21 =	vld [tilespmem:s10+$0x1600]  }
0x12b: {  	v22 =	vld [tilespmem:s5+$0x600];
	v5 =	vsub.f32 v5, v6  }
0x12c: {  	v6 =	vld [tilespmem:s10+$0x2600];
	v4 =	vsub.f32 v4, v7  }
0x12d: {  	v7 =	vsub.f32 v9, v10;
	v13 =	vsub.f32 v11, v12;
	v5 =	vmul.f32 v5, v8;
	v8 =	vld [tilespmem:s5+$0x680]  }
0x12e: {  	v19 =	vld [tilespmem:s5+$0x700];
	v14 =	vsub.f32 v14, v15;
	v15 =	vsub.f32 v16, v17  }
0x12f: {  	s0 =	simm.s32 $0x10;
	s16 =	simm.s32 $0x80;
	v16 =	vsub.f32 v18, v20;
	v18 =	vld [tilespmem:s5+$0x800];
	v10 =	vimm.f32 $0.0e+00;
	v11 =	vimm.f32 $0.0e+00  }
0x130: {  	s7 =	sand.u32 $0x70, s0;
	s11 =	sand.u32 $0xC00, s16;
	v17 =	vld [tilespmem:s5+$0x880];
	v9 =	vimm.f32 $0.0e+00;
	v22 =	vmul.f32 v4, v22;
	v4 =	vimm.f32 $0.0e+00  }
0x131: {  	s15 =	sor.u32 s7, s11;
	v5 =	vadd.f32 v5, v2;
	v12 =	vsub.f32 v21, v6;
	v21 =	vld [tilespmem:s5+$0x900];
	v6 =	vimm.f32 $0.0e+00  }
0x132: {  	s7 =	sor.u32 s11, s0;
	s6 =	sor.u32 s16, s0;
	s0 =	simm.s32 $0x20;
	v20 =	vld [tilespmem:s10+$0x600];
	v23 =	vmul.f32 v7, v8;
	v7 =	vimm.f32 $0.0e+00;
	v8 =	vimm.f32 $0.0e+00  }
.LBB2_3:
0x133: {  	p0 =	sne.s32 s0, $0x1F0;
	v24 =	vld [tilespmem:s15+$0x1600];
	s7 =	sor.u32 $0x180, s7;
	s5 =	sor.u32 $0x380, s6;
	v10 =	vadd.f32 v22, v10;
	v13 =	vmul.f32 v13, v19  }
0x134: {  	v19 =	vld [tilespmem:s7+$0x1600];
	v11 =	vadd.f32 v23, v11;
	v14 =	vmul.f32 v14, v18  }
0x135: {  	v18 =	vld [tilespmem:s7+$0x2600];
	v6 =	vadd.f32 v13, v6;
	v13 =	vmul.f32 v15, v17  }
0x136: {  	v15 =	vld [tilespmem:s15+$0x2600];
	v7 =	vadd.f32 v14, v7;
	v14 =	vmul.f32 v16, v21  }
0x137: {  	v16 =	vld [tilespmem:s7+$0x600];
	v8 =	vadd.f32 v13, v8;
	v12 =	vmul.f32 v12, v20  }
0x138: {  	v13 =	vld [tilespmem:s15+$0x1680];
	v9 =	vadd.f32 v14, v9  }
0x139: {  	v14 =	vld [tilespmem:s15+$0x2680];
	v4 =	vadd.f32 v12, v4  }
0x13a: {  	v12 =	vld [tilespmem:s15+$0x1700];
	v17 =	vsub.f32 v19, v18  }
0x13b: {  	v20 =	vsub.f32 v24, v15;
	v15 =	vld [tilespmem:s15+$0x2700]  }
0x13c: {  	v16 =	vmul.f32 v17, v16;
	v17 =	vld [tilespmem:s15+$0x1800]  }
0x13d: {  	v18 =	vld [tilespmem:s15+$0x2800]  }
0x13e: {  	v23 =	vsub.f32 v13, v14;
	v5 =	vadd.f32 v16, v5;
	v16 =	vld [tilespmem:s15+$0x1880]  }
0x13f: {  	v19 =	vld [tilespmem:s15+$0x2880]  }
0x140: {  	v13 =	vsub.f32 v12, v15;
	v12 =	vld [tilespmem:s15+$0x1900]  }
0x141: {  	v21 =	vld [tilespmem:s15+$0x2900]  }
0x142: {  	v14 =	vsub.f32 v17, v18;
	v22 =	vld [tilespmem:s5+$0x1600]  }
0x143: {  	v24 =	vld [tilespmem:s5+$0x2600]  }
0x144: {  	v25 =	vld [tilespmem:s15+$0x600];
	v15 =	vsub.f32 v16, v19  }
0x145: {  	v26 =	vld [tilespmem:s15+$0x680]  }
.Ltmp0:
0x146: {  	v19 =	vld [tilespmem:s15+$0x700];
	v16 =	vsub.f32 v12, v21;
	(pc) =	sbr.rel @p0 .LBB2_3-.Ltmp0, $4  }
0x147: {  	v18 =	vld [tilespmem:s15+$0x800]  }
0x148: {  	s16 =	sadd.s32 $0x80, s16;
	v17 =	vld [tilespmem:s15+$0x880];
	v12 =	vsub.f32 v22, v24  }
0x149: {  	s10 =	sand.u32 $0xC00, s16;
	s6 =	sor.u32 s16, s0;
	s7 =	sand.u32 $0x70, s0;
	v22 =	vmul.f32 v20, v25;
	v21 =	vld [tilespmem:s15+$0x900]  }
0x14a: {  	s15 =	sor.u32 s7, s10;
	s7 =	sor.u32 s10, s0;
	s0 =	sadd.s32 $0x10, s0;
	v23 =	vmul.f32 v23, v26;
	v20 =	vld [tilespmem:s5+$0x600]  }
0x14b: {  	v24 =	vld [tilespmem:s15+$0x1600]  }
0x14c: {  	v27 =	vld [tilespmem:s15+$0x2600]  }
0x14d: {  	v29 =	vld [tilespmem:s15+$0x1680]  }
0x14e: {  	v30 =	vld [tilespmem:s15+$0x2680]  }
0x14f: {  	v31 =	vld [tilespmem:s15+$0x1700]  }
0x150: {  	v32 =	vld [tilespmem:s15+$0x2700]  }
0x151: {  	v33 =	vld [tilespmem:s15+$0x1800]  }
0x152: {  	v34 =	vld [tilespmem:s15+$0x2800]  }
0x153: {  	v35 =	vld [tilespmem:s15+$0x1880]  }
0x154: {  	v36 =	vld [tilespmem:s15+$0x2880]  }
0x155: {  	v37 =	vld [tilespmem:s15+$0x1900]  }
0x156: {  	s0 =	sor.u32 $0x180, s7;
	v38 =	vld [tilespmem:s15+$0x2900]  }
0x157: {  	v25 =	vld [tilespmem:s0+$0x1600]  }
0x158: {  	v26 =	vld [tilespmem:s0+$0x2600]  }
0x159: {  	v10 =	vadd.f32 v22, v10;
	v22 =	vld [tilespmem:s15+$0x600]  }
0x15a: {  	v13 =	vmul.f32 v13, v19;
	v28 =	vld [tilespmem:s0+$0x600]  }
0x15b: {  	v19 =	vld [tilespmem:s15+$0x700];
	v11 =	vadd.f32 v23, v11;
	v14 =	vmul.f32 v14, v18  }
0x15c: {  	v18 =	vld [tilespmem:s15+$0x680];
	v15 =	vmul.f32 v15, v17;
	v6 =	vadd.f32 v13, v6;
	v16 =	vmul.f32 v16, v21  }
0x15d: {  	s6 =	sor.u32 $0x380, s6;
	v13 =	vld [tilespmem:s15+$0x800];
	v7 =	vadd.f32 v14, v7;
	v17 =	vsub.f32 v25, v26  }
0x15e: {  	v39 =	vld [tilespmem:s6+$0x1600];
	v8 =	vadd.f32 v15, v8;
	v9 =	vadd.f32 v16, v9  }
0x15f: {  	p0 =	seq.s32 s13, $0x7;
	v21 =	vld [tilespmem:s15+$0x900];
	v16 =	vsub.f32 v24, v27;
	v23 =	vsub.f32 v33, v34;
	v14 =	vmul.f32 v17, v28  }
0x160: {  	v12 =	vmul.f32 v12, v20;
	v20 =	vld.msk @!p0 [tilespmem:s14+$0x40], $0xff;
	v62 =	vsub.f32 v35, v36;
	v17 =	vsub.f32 v29, v30  }
0x161: {  	v15 =	vld [tilespmem:s15+$0x880];
	v16 =	vmul.f32 v16, v22;
	v5 =	vadd.f32 v14, v5;
	v14 =	vsub.f32 v31, v32  }
0x162: {  	v40 =	vld [tilespmem:s6+$0x2600];
	v4 =	vadd.f32 v12, v4;
	v13 =	vmul.f32 v23, v13;
	v17 =	vmul.f32 v17, v18  }
0x163: {  	v22 =	vsub.f32 v37, v38;
	v10 =	vadd.f32 v16, v10;
	v14 =	vmul.f32 v14, v19  }
0x164: {  	v16 =	vld [tilespmem:s6+$0x600];
	v7 =	vadd.f32 v13, v7;
	v11 =	vadd.f32 v17, v11  }
0x165: {  	v13 =	vmul.f32 v22, v21;
	(xrf2) =	vadd.scan.msk.f32 $0xffff, v10;
	v10 =	vshll.u32 @!p0 v20, $0x2;
	v6 =	vadd.f32 v14, v6  }
0x166: {  	v10 =	vand.u32 @!p0 $0xFFFFFFE0, v10;
	v14 =	vmul.f32 v62, v15;
	(xrf2) =	vadd.scan.msk.f32 $0xffff, v11;
	v11 =	vand.u32 @!p0 $0x7, v20  }
0x167: {  	v18 =	vsub.f32 v39, v40;
	v15 =	vlaneseq.u32 @!p0;
	(xrf2) =	vadd.scan.msk.f32 $0xffff, v6;
	v6 =	vor.u32 @!p0 v11, v10  }
0x168: {  	v10 =	vand.u32 @!p0 $0x7, v15;
	v11 =	vshrl.u32 @!p0 v15, $0x3;
	v8 =	vadd.f32 v14, v8  }
0x169: {  	(xrf2) =	vadd.scan.msk.f32 $0xffff, v5;
	v5 =	vperm.xlane @!p0 v6, v10;
	v6 =	vmul.u32 @!p0 $0x8, v11;
	v11 =	vmul.f32 v18, v16  }
0x16a: {  	(xrf2) =	vadd.scan.msk.f32 $0xffff, v7  }
0x16b: {  	v7 =	vadd.f32 v13, v9;
	(xrf2) =	vadd.scan.msk.f32 $0xffff, v8;
	v5 =	vadd.s32 @!p0 v6, v5;
	v4 =	vadd.f32 v11, v4;
	_ =	sdelay $0x1  }
0x16c: {  	(xrf2) =	vadd.scan.msk.f32 $0xffff, v7  }
0x16d: {  	(xrf2) =	vadd.scan.msk.f32 $0xffff, v4  }
0x16e: {  	vm10 =	vmmov @!p0 $0xffff;
	s0 =	simm.s32 @!p0 $0x0;
	s5 =	simm.s32 @!p0 $0x600;
	v4, _, _ =	vpop (xrf2)  }
0x16f: {  	[tilespmem:s5], [sflag:$0x1] =	stream.indirect_vreg.gather @!p0 [hbm4b:s1+s0], $0x80, v5, vm10, $0xb8;
	v7, _, _ =	vpop (xrf2);
	[tilespmem:$0x18680] =	vst v63  }
0x170: {  	v4 =	vbroadcast v4, $0xF;
	s5 =	simm.s32 @!p0 $0xE00;
	v7 =	vbroadcast v7, $0xF  }
0x171: {  	v8, _, _ =	vpop (xrf2);
	[tilespmem:s5], [sflag:$0x1] =	stream.indirect_vreg.gather @!p0 [hbm4b:s8+s0], $0x80, v5, vm10, $0xb8;
	[tilespmem:$0x18680] =	vst v63  }
0x172: {  	v4 =	vnsel vm1, $0x0, v4;
	v5, _, _ =	vpop (xrf2);
	v8 =	vbroadcast v8, $0xF;
	v9 =	vld.msk @!p0 [tilespmem:s14+$0x240], $0xff  }
0x173: {  	v4 =	vsel vm2, v4, v7;
	v11, _, _ =	vpop (xrf2);
	v5 =	vbroadcast v5, $0xF  }
0x174: {  	v7, _, _ =	vpop (xrf2);
	v4 =	vsel vm3, v4, v8;
	v8 =	vbroadcast v11, $0xF  }
0x175: {  	v4 =	vsel vm4, v4, v5;
	v5 =	vbroadcast v7, $0xF  }
0x176: {  	v7, _, _ =	vpop (xrf2);
	v4 =	vsel vm5, v4, v8  }
0x177: {  	v4 =	vsel vm6, v4, v5;
	v5 =	vbroadcast v7, $0xF;
	v7, _, _ =	vpop (xrf2);
	v8 =	vshll.u32 @!p0 v9, $0x2  }
0x178: {  	v9 =	vand.u32 @!p0 $0x7, v9;
	v7 =	vbroadcast v7, $0xF;
	v8 =	vand.u32 @!p0 $0xFFFFFFE0, v8  }
0x179: {  	v4 =	vsel vm7, v4, v5;
	v5 =	vor.u32 @!p0 v9, v8  }
0x17a: {  	v4 =	vsel vm8, v4, v7;
	v5 =	vperm.xlane @!p0 v5, v10  }
0x17b: {  	v7 =	vand.u32 $0x7FFFFFFF, v4  }
0x17c: {  	v7 =	vsub.f32 $0.0e+00, v7;
	v5 =	vadd.s32 @!p0 v6, v5;
	_ =	sdelay $0x1  }
0x17d: {  	v7 =	vmul.f32 $1.442695020e+00, v7;
	_ =	sdelay $0x1  }
0x17e: {  	s5 =	simm.s32 @!p0 $0x1600;
	(erf) = vpow2.f32 v7  }
0x17f: {  	[tilespmem:s5], [sflag:$0x1] =	stream.indirect_vreg.gather @!p0 [hbm4b:s2+s0], $0x80, v5, vm10, $0xb8;
	[tilespmem:$0x18680] =	vst v63  }
0x180: {  	s5 =	simm.s32 @!p0 $0x1E00  }
0x181: {  	[tilespmem:s5], [sflag:$0x1] =	stream.indirect_vreg.gather @!p0 [hbm4b:s9+s0], $0x80, v5, vm10, $0xb8;
	[tilespmem:$0x18680] =	vst v63  }
0x182: {  	v5 =	vld.msk @!p0 [tilespmem:s14+$0x440], $0xff;
	_ =	sdelay $0x4  }
0x183: {  	v7 =	vpop (erf);
	v8 =	vshll.u32 @!p0 v5, $0x2  }
0x184: {  	v5 =	vand.u32 @!p0 $0x7, v5;
	v9 =	vadd.f32 $2.000000000e+00, v7;
	v8 =	vand.u32 @!p0 $0xFFFFFFE0, v8  }
0x185: {  	v5 =	vor.u32 @!p0 v5, v8  }
0x186: {  	(erf) = vrcp.f32 v9;
	v5 =	vperm.xlane @!p0 v5, v10;
	_ =	sdelay $0x1  }
0x187: {  	v5 =	vadd.s32 @!p0 v6, v5;
	_ =	sdelay $0x3  }
0x188: {  	s5 =	simm.s32 @!p0 $0x2600  }
0x189: {  	[tilespmem:s5], [sflag:$0x1] =	stream.indirect_vreg.gather @!p0 [hbm4b:s2+s0], $0x80, v5, vm10, $0xb8;
	[tilespmem:$0x18680] =	vst v63  }
0x18a: {  	s5 =	simm.s32 @!p0 $0x2E00  }
0x18b: {  	v6 =	vpop (erf);
	[tilespmem:s5], [sflag:$0x1] =	stream.indirect_vreg.gather @!p0 [hbm4b:s9+s0], $0x80, v5, vm10, $0xb8;
	[tilespmem:$0x18680] =	vst v63  }
0x18c: {  	_ =	swait.ge [sflag:s24], $0x1000  }
0x18d: {  	[sflag:s24] =	ssyncset.done $0x0  }
0x18e: {  	[sflag:s24] =	ssyncadd.s32 $0xFFFFF000  }
0x18f: {  	_ =	swait.ge [sflag:s24], $0x1000  }
0x190: {  	[sflag:s24] =	ssyncset.done $0x0  }
0x191: {  	[sflag:s24] =	ssyncadd.s32 $0xFFFFF000  }
0x192: {  	s7 =	simm.s32 $0x0;
	v5 =	vmul.f32 v6, v7;
	_ =	swait.ge [sflag:s24], $0x1000  }
0x193: {  	s10 =	sand.u32 $0x70, s7;
	s11 =	sand.u32 $0xC00, s7;
	[sflag:s24] =	ssyncset.done $0x0  }
0x194: {  	s6 =	sor.u32 s11, s7;
	s5 =	sor.u32 s10, s11;
	v6 =	vmul.f32 v5, v5;
	[sflag:s24] =	ssyncadd.s32 $0xFFFFF000  }
0x195: {  	s6 =	sor.u32 $0x180, s6;
	v7 =	vld [tilespmem:s5+$0x4600]  }
0x196: {  	v9 =	vmul.f32 $1.428571490e-01, v6;
	v8 =	vld [tilespmem:s6+$0x4600]  }
0x197: {  	v10 =	vld [tilespmem:s6+$0x5600]  }
0x198: {  	v9 =	vadd.f32 $2.000000030e-01, v9;
	v11 =	vld [tilespmem:s5+$0x5600]  }
0x199: {  	v12 =	vld [tilespmem:s6+$0x3600]  }
0x19a: {  	v9 =	vmul.f32 v9, v6;
	v13 =	vld [tilespmem:s5+$0x4680]  }
0x19b: {  	v14 =	vld [tilespmem:s5+$0x5680]  }
0x19c: {  	v15 =	vld [tilespmem:s5+$0x4700];
	v9 =	vadd.f32 $3.333333430e-01, v9  }
0x19d: {  	v16 =	vld [tilespmem:s5+$0x5700]  }
0x19e: {  	v17 =	vld [tilespmem:s5+$0x4800];
	v6 =	vmul.f32 v9, v6  }
0x19f: {  	v19 =	vld [tilespmem:s5+$0x4880]  }
0x1a0: {  	v5 =	vadd.f32 v5, v5;
	v20 =	vld [tilespmem:s5+$0x5880];
	v6 =	vadd.f32 $1.000000000e+00, v6  }
0x1a1: {  	s0 =	sor.u32 s7, s7;
	v21 =	vld [tilespmem:s5+$0x4900]  }
0x1a2: {  	s10 =	sor.u32 $0x380, s0;
	v22 =	vld [tilespmem:s5+$0x5900];
	v5 =	vmul.f32 v6, v5  }
0x1a3: {  	v4 =	vmin.f32 v4, $0.0e+00;
	v23 =	vld [tilespmem:s10+$0x4600]  }
0x1a4: {  	v9 =	vld [tilespmem:s5+$0x5800];
	v4 =	vsub.f32 v5, v4  }
0x1a5: {  	v63 =	vld [tilespmem:s5+$0x3680]  }
0x1a6: {  	v5 =	vsub.f32 v8, v10;
	v8 =	vld [tilespmem:s10+$0x5600];
	v4 =	vnsel vm9, $0x0, v4  }
0x1a7: {  	v10 =	vld [tilespmem:s5+$0x3600];
	v3 =	vadd.f32 v4, v3  }
0x1a8: {  	v6 =	vimm.f32 $0.0e+00;
	v4 =	vsub.f32 v7, v11;
	v7 =	vsub.f32 v13, v14  }
0x1a9: {  	v18 =	vld [tilespmem:s5+$0x3700];
	v5 =	vmul.f32 v5, v12;
	v13 =	vsub.f32 v15, v16;
	v14 =	vsub.f32 v17, v9  }
0x1aa: {  	s16 =	simm.s32 $0x80;
	v15 =	vsub.f32 v19, v20;
	v16 =	vsub.f32 v21, v22;
	v19 =	vld [tilespmem:s5+$0x3800];
	v11 =	vimm.f32 $0.0e+00  }
0x1ab: {  	s11 =	sand.u32 $0xC00, s16;
	s0 =	simm.s32 $0x10;
	v17 =	vld [tilespmem:s5+$0x3880];
	v9 =	vimm.f32 $0.0e+00;
	v5 =	vadd.f32 v5, v6;
	v12 =	vsub.f32 v23, v8  }
0x1ac: {  	s15 =	sand.u32 $0x70, s0;
	s7 =	sor.u32 s11, s0;
	v21 =	vld [tilespmem:s5+$0x3900];
	v22 =	vmul.f32 v4, v10;
	v23 =	vmul.f32 v7, v63;
	v7 =	vimm.f32 $0.0e+00  }
0x1ad: {  	s15 =	sor.u32 s15, s11;
	s6 =	sor.u32 s16, s0;
	s0 =	simm.s32 $0x20;
	v20 =	vld [tilespmem:s10+$0x3600];
	v8 =	vimm.f32 $0.0e+00;
	v10 =	vimm.f32 $0.0e+00;
	v4 =	vimm.f32 $0.0e+00  }
.LBB2_5:
0x1ae: {  	p1 =	sne.s32 s0, $0x1F0;
	v24 =	vld [tilespmem:s15+$0x4600];
	s7 =	sor.u32 $0x180, s7;
	s5 =	sor.u32 $0x380, s6;
	v6 =	vadd.f32 v22, v6;
	v13 =	vmul.f32 v13, v18  }
0x1af: {  	v18 =	vld [tilespmem:s7+$0x4600];
	v11 =	vadd.f32 v23, v11;
	v14 =	vmul.f32 v14, v19  }
0x1b0: {  	v19 =	vld [tilespmem:s7+$0x5600];
	v7 =	vadd.f32 v13, v7;
	v13 =	vmul.f32 v15, v17  }
0x1b1: {  	v15 =	vld [tilespmem:s15+$0x5600];
	v8 =	vadd.f32 v14, v8;
	v14 =	vmul.f32 v16, v21  }
0x1b2: {  	v16 =	vld [tilespmem:s7+$0x3600];
	v9 =	vadd.f32 v13, v9;
	v12 =	vmul.f32 v12, v20  }
0x1b3: {  	v13 =	vld [tilespmem:s15+$0x4680];
	v10 =	vadd.f32 v14, v10  }
0x1b4: {  	v14 =	vld [tilespmem:s15+$0x5680];
	v4 =	vadd.f32 v12, v4  }
0x1b5: {  	v12 =	vld [tilespmem:s15+$0x4700];
	v17 =	vsub.f32 v18, v19  }
0x1b6: {  	v20 =	vsub.f32 v24, v15;
	v15 =	vld [tilespmem:s15+$0x5700]  }
0x1b7: {  	v16 =	vmul.f32 v17, v16;
	v17 =	vld [tilespmem:s15+$0x4800]  }
0x1b8: {  	v18 =	vld [tilespmem:s15+$0x5800]  }
0x1b9: {  	v23 =	vsub.f32 v13, v14;
	v5 =	vadd.f32 v16, v5;
	v16 =	vld [tilespmem:s15+$0x4880]  }
0x1ba: {  	v19 =	vld [tilespmem:s15+$0x5880]  }
0x1bb: {  	v13 =	vsub.f32 v12, v15;
	v12 =	vld [tilespmem:s15+$0x4900]  }
0x1bc: {  	v21 =	vld [tilespmem:s15+$0x5900]  }
0x1bd: {  	v14 =	vsub.f32 v17, v18;
	v22 =	vld [tilespmem:s5+$0x4600]  }
0x1be: {  	v24 =	vld [tilespmem:s5+$0x5600]  }
0x1bf: {  	v25 =	vld [tilespmem:s15+$0x3600];
	v15 =	vsub.f32 v16, v19  }
0x1c0: {  	v26 =	vld [tilespmem:s15+$0x3680]  }
.Ltmp1:
0x1c1: {  	v18 =	vld [tilespmem:s15+$0x3700];
	v16 =	vsub.f32 v12, v21;
	(pc) =	sbr.rel @p1 .LBB2_5-.Ltmp1, $4  }
0x1c2: {  	v19 =	vld [tilespmem:s15+$0x3800]  }
0x1c3: {  	s16 =	sadd.s32 $0x80, s16;
	v17 =	vld [tilespmem:s15+$0x3880];
	v12 =	vsub.f32 v22, v24  }
0x1c4: {  	s10 =	sand.u32 $0xC00, s16;
	s6 =	sor.u32 s16, s0;
	s7 =	sand.u32 $0x70, s0;
	v22 =	vmul.f32 v20, v25;
	v21 =	vld [tilespmem:s15+$0x3900]  }
0x1c5: {  	s15 =	sor.u32 s7, s10;
	s7 =	sor.u32 s10, s0;
	s0 =	sadd.s32 $0x10, s0;
	v23 =	vmul.f32 v23, v26;
	v20 =	vld [tilespmem:s5+$0x3600]  }
0x1c6: {  	v24 =	vld [tilespmem:s15+$0x4600]  }
0x1c7: {  	v27 =	vld [tilespmem:s15+$0x5600]  }
0x1c8: {  	v29 =	vld [tilespmem:s15+$0x4680]  }
0x1c9: {  	v30 =	vld [tilespmem:s15+$0x5680]  }
0x1ca: {  	v31 =	vld [tilespmem:s15+$0x4700]  }
0x1cb: {  	v32 =	vld [tilespmem:s15+$0x5700]  }
0x1cc: {  	v33 =	vld [tilespmem:s15+$0x4800]  }
0x1cd: {  	v34 =	vld [tilespmem:s15+$0x5800]  }
0x1ce: {  	v35 =	vld [tilespmem:s15+$0x4880]  }
0x1cf: {  	v36 =	vld [tilespmem:s15+$0x5880]  }
0x1d0: {  	v37 =	vld [tilespmem:s15+$0x4900]  }
0x1d1: {  	v38 =	vld [tilespmem:s15+$0x5900]  }
0x1d2: {  	s0 =	sor.u32 $0x180, s7;
	v6 =	vadd.f32 v22, v6;
	v22 =	vld [tilespmem:s15+$0x3600]  }
0x1d3: {  	v25 =	vld [tilespmem:s0+$0x4600]  }
0x1d4: {  	v26 =	vld [tilespmem:s0+$0x5600]  }
0x1d5: {  	v13 =	vmul.f32 v13, v18;
	v18 =	vld [tilespmem:s15+$0x3680]  }
0x1d6: {  	s6 =	sor.u32 $0x380, s6;
	v28 =	vld [tilespmem:s0+$0x3600];
	v16 =	vmul.f32 v16, v21  }
0x1d7: {  	v39 =	vld [tilespmem:s6+$0x4600];
	v11 =	vadd.f32 v23, v11;
	v14 =	vmul.f32 v14, v19;
	v7 =	vadd.f32 v13, v7  }
0x1d8: {  	v19 =	vld [tilespmem:s15+$0x3700];
	v15 =	vmul.f32 v15, v17;
	v10 =	vadd.f32 v16, v10;
	v16 =	vsub.f32 v24, v27  }
0x1d9: {  	v13 =	vld [tilespmem:s15+$0x3800];
	v8 =	vadd.f32 v14, v8;
	v17 =	vsub.f32 v25, v26  }
0x1da: {  	v9 =	vadd.f32 v15, v9;
	v12 =	vmul.f32 v12, v20;
	v20 =	vld.msk @!p0 [tilespmem:s14+$0x48], $0xff;
	v16 =	vmul.f32 v16, v22  }
0x1db: {  	v21 =	vld [tilespmem:s15+$0x3900];
	v23 =	vsub.f32 v33, v34;
	v14 =	vmul.f32 v17, v28;
	v17 =	vsub.f32 v29, v30  }
0x1dc: {  	v15 =	vld [tilespmem:s15+$0x3880];
	v62 =	vsub.f32 v35, v36;
	v6 =	vadd.f32 v16, v6  }
0x1dd: {  	v40 =	vld [tilespmem:s6+$0x5600];
	v5 =	vadd.f32 v14, v5;
	v14 =	vsub.f32 v31, v32;
	v17 =	vmul.f32 v17, v18  }
0x1de: {  	v4 =	vadd.f32 v12, v4;
	v22 =	vsub.f32 v37, v38;
	v13 =	vmul.f32 v23, v13  }
0x1df: {  	v16 =	vld [tilespmem:s6+$0x3600];
	(xrf2) =	vadd.scan.msk.f32 $0xffff, v6;
	v6 =	vshll.u32 @!p0 v20, $0x2;
	v14 =	vmul.f32 v14, v19;
	v11 =	vadd.f32 v17, v11  }
0x1e0: {  	v8 =	vadd.f32 v13, v8;
	v13 =	vmul.f32 v22, v21;
	v6 =	vand.u32 @!p0 $0xFFFFFFE0, v6  }
0x1e1: {  	v7 =	vadd.f32 v14, v7;
	v14 =	vmul.f32 v62, v15;
	(xrf2) =	vadd.scan.msk.f32 $0xffff, v11;
	v11 =	vand.u32 @!p0 $0x7, v20  }
0x1e2: {  	v18 =	vsub.f32 v39, v40;
	v15 =	vlaneseq.u32 @!p0;
	v6 =	vor.u32 @!p0 v11, v6  }
0x1e3: {  	v11 =	vshrl.u32 @!p0 v15, $0x3;
	(xrf2) =	vadd.scan.msk.f32 $0xffff, v7;
	v7 =	vand.u32 @!p0 $0x7, v15;
	v9 =	vadd.f32 v14, v9  }
0x1e4: {  	(xrf2) =	vadd.scan.msk.f32 $0xffff, v5;
	v5 =	vperm.xlane @!p0 v6, v7;
	v6 =	vmul.u32 @!p0 $0x8, v11;
	v11 =	vmul.f32 v18, v16  }
0x1e5: {  	(xrf2) =	vadd.scan.msk.f32 $0xffff, v8  }
0x1e6: {  	v8 =	vadd.f32 v13, v10;
	(xrf2) =	vadd.scan.msk.f32 $0xffff, v9;
	v5 =	vadd.s32 @!p0 v6, v5;
	v4 =	vadd.f32 v11, v4;
	_ =	sdelay $0x1  }
0x1e7: {  	(xrf2) =	vadd.scan.msk.f32 $0xffff, v8  }
0x1e8: {  	(xrf2) =	vadd.scan.msk.f32 $0xffff, v4  }
0x1e9: {  	s5 =	simm.s32 @!p0 $0x3600;
	s0 =	simm.s32 @!p0 $0x0;
	v4, _, _ =	vpop (xrf2)  }
0x1ea: {  	[tilespmem:s5], [sflag:$0x2] =	stream.indirect_vreg.gather @!p0 [hbm4b:s1+s0], $0x80, v5, vm10, $0xb8;
	v8, _, _ =	vpop (xrf2);
	[tilespmem:$0x18680] =	vst v63  }
0x1eb: {  	v4 =	vbroadcast v4, $0xF;
	s5 =	simm.s32 @!p0 $0x3E00;
	v8 =	vbroadcast v8, $0xF  }
0x1ec: {  	v9, _, _ =	vpop (xrf2);
	[tilespmem:s5], [sflag:$0x2] =	stream.indirect_vreg.gather @!p0 [hbm4b:s8+s0], $0x80, v5, vm10, $0xb8;
	[tilespmem:$0x18680] =	vst v63  }
0x1ed: {  	v4 =	vnsel vm1, $0x0, v4;
	v5, _, _ =	vpop (xrf2);
	v9 =	vbroadcast v9, $0xF;
	v10 =	vld.msk @!p0 [tilespmem:s14+$0x248], $0xff  }
0x1ee: {  	v4 =	vsel vm2, v4, v8;
	v11, _, _ =	vpop (xrf2);
	v5 =	vbroadcast v5, $0xF  }
0x1ef: {  	v8, _, _ =	vpop (xrf2);
	v4 =	vsel vm3, v4, v9;
	v9 =	vbroadcast v11, $0xF  }
0x1f0: {  	v4 =	vsel vm4, v4, v5;
	v5 =	vbroadcast v8, $0xF  }
0x1f1: {  	v8, _, _ =	vpop (xrf2);
	v4 =	vsel vm5, v4, v9  }
0x1f2: {  	v4 =	vsel vm6, v4, v5;
	v5 =	vbroadcast v8, $0xF;
	v8, _, _ =	vpop (xrf2);
	v9 =	vshll.u32 @!p0 v10, $0x2  }
0x1f3: {  	v10 =	vand.u32 @!p0 $0x7, v10;
	v8 =	vbroadcast v8, $0xF;
	v9 =	vand.u32 @!p0 $0xFFFFFFE0, v9  }
0x1f4: {  	v4 =	vsel vm7, v4, v5;
	v5 =	vor.u32 @!p0 v10, v9  }
0x1f5: {  	v4 =	vsel vm8, v4, v8;
	v5 =	vperm.xlane @!p0 v5, v7  }
0x1f6: {  	v8 =	vand.u32 $0x7FFFFFFF, v4  }
0x1f7: {  	v8 =	vsub.f32 $0.0e+00, v8;
	v5 =	vadd.s32 @!p0 v6, v5;
	_ =	sdelay $0x1  }
0x1f8: {  	v8 =	vmul.f32 $1.442695020e+00, v8;
	_ =	sdelay $0x1  }
0x1f9: {  	s5 =	simm.s32 @!p0 $0x4600;
	(erf) = vpow2.f32 v8  }
0x1fa: {  	[tilespmem:s5], [sflag:$0x2] =	stream.indirect_vreg.gather @!p0 [hbm4b:s2+s0], $0x80, v5, vm10, $0xb8;
	[tilespmem:$0x18680] =	vst v63  }
0x1fb: {  	s5 =	simm.s32 @!p0 $0x4E00  }
0x1fc: {  	[tilespmem:s5], [sflag:$0x2] =	stream.indirect_vreg.gather @!p0 [hbm4b:s9+s0], $0x80, v5, vm10, $0xb8;
	[tilespmem:$0x18680] =	vst v63  }
0x1fd: {  	v5 =	vld.msk @!p0 [tilespmem:s14+$0x448], $0xff;
	_ =	sdelay $0x4  }
0x1fe: {  	v8 =	vpop (erf);
	v9 =	vshll.u32 @!p0 v5, $0x2  }
0x1ff: {  	v5 =	vand.u32 @!p0 $0x7, v5;
	v10 =	vadd.f32 $2.000000000e+00, v8;
	v9 =	vand.u32 @!p0 $0xFFFFFFE0, v9  }
0x200: {  	v5 =	vor.u32 @!p0 v5, v9  }
0x201: {  	(erf) = vrcp.f32 v10;
	v5 =	vperm.xlane @!p0 v5, v7;
	_ =	sdelay $0x1  }
0x202: {  	v5 =	vadd.s32 @!p0 v6, v5;
	_ =	sdelay $0x3  }
0x203: {  	s5 =	simm.s32 @!p0 $0x5600  }
0x204: {  	[tilespmem:s5], [sflag:$0x2] =	stream.indirect_vreg.gather @!p0 [hbm4b:s2+s0], $0x80, v5, vm10, $0xb8;
	[tilespmem:$0x18680] =	vst v63  }
0x205: {  	s5 =	simm.s32 @!p0 $0x5E00  }
0x206: {  	v6 =	vpop (erf);
	[tilespmem:s5], [sflag:$0x2] =	stream.indirect_vreg.gather @!p0 [hbm4b:s9+s0], $0x80, v5, vm10, $0xb8;
	[tilespmem:$0x18680] =	vst v63  }
0x207: {  	_ =	swait.ge [sflag:s25], $0x1000  }
0x208: {  	[sflag:s25] =	ssyncset.done $0x0  }
0x209: {  	[sflag:s25] =	ssyncadd.s32 $0xFFFFF000  }
0x20a: {  	_ =	swait.ge [sflag:s25], $0x1000  }
0x20b: {  	[sflag:s25] =	ssyncset.done $0x0  }
0x20c: {  	[sflag:s25] =	ssyncadd.s32 $0xFFFFF000  }
0x20d: {  	s7 =	simm.s32 $0x0;
	v5 =	vmul.f32 v6, v8;
	_ =	swait.ge [sflag:s25], $0x1000  }
0x20e: {  	s10 =	sand.u32 $0x70, s7;
	s11 =	sand.u32 $0xC00, s7;
	[sflag:s25] =	ssyncset.done $0x0  }
0x20f: {  	s6 =	sor.u32 s11, s7;
	s5 =	sor.u32 s10, s11;
	v6 =	vmul.f32 v5, v5;
	[sflag:s25] =	ssyncadd.s32 $0xFFFFF000  }
0x210: {  	s6 =	sor.u32 $0x180, s6;
	v7 =	vld [tilespmem:s5+$0x7600]  }
0x211: {  	v9 =	vmul.f32 $1.428571490e-01, v6;
	v8 =	vld [tilespmem:s6+$0x7600]  }
0x212: {  	v10 =	vld [tilespmem:s6+$0x8600]  }
0x213: {  	v9 =	vadd.f32 $2.000000030e-01, v9;
	v11 =	vld [tilespmem:s5+$0x8600]  }
0x214: {  	v12 =	vld [tilespmem:s6+$0x6600]  }
0x215: {  	v9 =	vmul.f32 v9, v6;
	v13 =	vld [tilespmem:s5+$0x7680]  }
0x216: {  	v14 =	vld [tilespmem:s5+$0x8680]  }
0x217: {  	v15 =	vld [tilespmem:s5+$0x7700];
	v9 =	vadd.f32 $3.333333430e-01, v9  }
0x218: {  	v16 =	vld [tilespmem:s5+$0x8700]  }
0x219: {  	v17 =	vld [tilespmem:s5+$0x7800];
	v6 =	vmul.f32 v9, v6  }
0x21a: {  	v19 =	vld [tilespmem:s5+$0x7880]  }
0x21b: {  	v5 =	vadd.f32 v5, v5;
	v20 =	vld [tilespmem:s5+$0x8880];
	v6 =	vadd.f32 $1.000000000e+00, v6  }
0x21c: {  	s0 =	sor.u32 s7, s7;
	v21 =	vld [tilespmem:s5+$0x7900]  }
0x21d: {  	s10 =	sor.u32 $0x380, s0;
	v22 =	vld [tilespmem:s5+$0x8900];
	v5 =	vmul.f32 v6, v5  }
0x21e: {  	v4 =	vmin.f32 v4, $0.0e+00;
	v23 =	vld [tilespmem:s10+$0x7600]  }
0x21f: {  	v9 =	vld [tilespmem:s5+$0x8800];
	v4 =	vsub.f32 v5, v4  }
0x220: {  	v63 =	vld [tilespmem:s5+$0x6680]  }
0x221: {  	v5 =	vsub.f32 v8, v10;
	v8 =	vld [tilespmem:s10+$0x8600];
	v4 =	vnsel vm9, $0x0, v4  }
0x222: {  	v10 =	vld [tilespmem:s5+$0x6600];
	v3 =	vadd.f32 v4, v3  }
0x223: {  	v6 =	vimm.f32 $0.0e+00;
	v4 =	vsub.f32 v7, v11;
	v7 =	vsub.f32 v13, v14  }
0x224: {  	v18 =	vld [tilespmem:s5+$0x6700];
	v5 =	vmul.f32 v5, v12;
	v13 =	vsub.f32 v15, v16;
	v14 =	vsub.f32 v17, v9  }
0x225: {  	s16 =	simm.s32 $0x80;
	v15 =	vsub.f32 v19, v20;
	v16 =	vsub.f32 v21, v22;
	v19 =	vld [tilespmem:s5+$0x6800];
	v11 =	vimm.f32 $0.0e+00  }
0x226: {  	s11 =	sand.u32 $0xC00, s16;
	s0 =	simm.s32 $0x10;
	v17 =	vld [tilespmem:s5+$0x6880];
	v9 =	vimm.f32 $0.0e+00;
	v5 =	vadd.f32 v5, v6;
	v12 =	vsub.f32 v23, v8  }
0x227: {  	s15 =	sand.u32 $0x70, s0;
	s7 =	sor.u32 s11, s0;
	v21 =	vld [tilespmem:s5+$0x6900];
	v22 =	vmul.f32 v4, v10;
	v23 =	vmul.f32 v7, v63;
	v7 =	vimm.f32 $0.0e+00  }
0x228: {  	s15 =	sor.u32 s15, s11;
	s6 =	sor.u32 s16, s0;
	s0 =	simm.s32 $0x20;
	v20 =	vld [tilespmem:s10+$0x6600];
	v8 =	vimm.f32 $0.0e+00;
	v10 =	vimm.f32 $0.0e+00;
	v4 =	vimm.f32 $0.0e+00  }
.LBB2_7:
0x229: {  	p1 =	sne.s32 s0, $0x1F0;
	v24 =	vld [tilespmem:s15+$0x7600];
	s7 =	sor.u32 $0x180, s7;
	s5 =	sor.u32 $0x380, s6;
	v6 =	vadd.f32 v22, v6;
	v13 =	vmul.f32 v13, v18  }
0x22a: {  	v18 =	vld [tilespmem:s7+$0x7600];
	v11 =	vadd.f32 v23, v11;
	v14 =	vmul.f32 v14, v19  }
0x22b: {  	v19 =	vld [tilespmem:s7+$0x8600];
	v7 =	vadd.f32 v13, v7;
	v13 =	vmul.f32 v15, v17  }
0x22c: {  	v15 =	vld [tilespmem:s15+$0x8600];
	v8 =	vadd.f32 v14, v8;
	v14 =	vmul.f32 v16, v21  }
0x22d: {  	v16 =	vld [tilespmem:s7+$0x6600];
	v9 =	vadd.f32 v13, v9;
	v12 =	vmul.f32 v12, v20  }
0x22e: {  	v13 =	vld [tilespmem:s15+$0x7680];
	v10 =	vadd.f32 v14, v10  }
0x22f: {  	v14 =	vld [tilespmem:s15+$0x8680];
	v4 =	vadd.f32 v12, v4  }
0x230: {  	v12 =	vld [tilespmem:s15+$0x7700];
	v17 =	vsub.f32 v18, v19  }
0x231: {  	v20 =	vsub.f32 v24, v15;
	v15 =	vld [tilespmem:s15+$0x8700]  }
0x232: {  	v16 =	vmul.f32 v17, v16;
	v17 =	vld [tilespmem:s15+$0x7800]  }
0x233: {  	v18 =	vld [tilespmem:s15+$0x8800]  }
0x234: {  	v23 =	vsub.f32 v13, v14;
	v5 =	vadd.f32 v16, v5;
	v16 =	vld [tilespmem:s15+$0x7880]  }
0x235: {  	v19 =	vld [tilespmem:s15+$0x8880]  }
0x236: {  	v13 =	vsub.f32 v12, v15;
	v12 =	vld [tilespmem:s15+$0x7900]  }
0x237: {  	v21 =	vld [tilespmem:s15+$0x8900]  }
0x238: {  	v14 =	vsub.f32 v17, v18;
	v22 =	vld [tilespmem:s5+$0x7600]  }
0x239: {  	v24 =	vld [tilespmem:s5+$0x8600]  }
0x23a: {  	v25 =	vld [tilespmem:s15+$0x6600];
	v15 =	vsub.f32 v16, v19  }
0x23b: {  	v26 =	vld [tilespmem:s15+$0x6680]  }
.Ltmp2:
0x23c: {  	v18 =	vld [tilespmem:s15+$0x6700];
	v16 =	vsub.f32 v12, v21;
	(pc) =	sbr.rel @p1 .LBB2_7-.Ltmp2, $4  }
0x23d: {  	v19 =	vld [tilespmem:s15+$0x6800]  }
0x23e: {  	s16 =	sadd.s32 $0x80, s16;
	v17 =	vld [tilespmem:s15+$0x6880];
	v12 =	vsub.f32 v22, v24  }
0x23f: {  	s10 =	sand.u32 $0xC00, s16;
	s6 =	sor.u32 s16, s0;
	s7 =	sand.u32 $0x70, s0;
	v22 =	vmul.f32 v20, v25;
	v21 =	vld [tilespmem:s15+$0x6900]  }
0x240: {  	s15 =	sor.u32 s7, s10;
	s7 =	sor.u32 s10, s0;
	s0 =	sadd.s32 $0x10, s0;
	v23 =	vmul.f32 v23, v26;
	v20 =	vld [tilespmem:s5+$0x6600]  }
0x241: {  	v24 =	vld [tilespmem:s15+$0x7600]  }
0x242: {  	v27 =	vld [tilespmem:s15+$0x8600]  }
0x243: {  	v29 =	vld [tilespmem:s15+$0x7680]  }
0x244: {  	v30 =	vld [tilespmem:s15+$0x8680]  }
0x245: {  	v31 =	vld [tilespmem:s15+$0x7700]  }
0x246: {  	v32 =	vld [tilespmem:s15+$0x8700]  }
0x247: {  	v33 =	vld [tilespmem:s15+$0x7800]  }
0x248: {  	v34 =	vld [tilespmem:s15+$0x8800]  }
0x249: {  	v35 =	vld [tilespmem:s15+$0x7880]  }
0x24a: {  	v36 =	vld [tilespmem:s15+$0x8880]  }
0x24b: {  	v37 =	vld [tilespmem:s15+$0x7900]  }
0x24c: {  	v38 =	vld [tilespmem:s15+$0x8900]  }
0x24d: {  	s0 =	sor.u32 $0x180, s7;
	v6 =	vadd.f32 v22, v6;
	v22 =	vld [tilespmem:s15+$0x6600]  }
0x24e: {  	v25 =	vld [tilespmem:s0+$0x7600]  }
0x24f: {  	v26 =	vld [tilespmem:s0+$0x8600]  }
0x250: {  	v13 =	vmul.f32 v13, v18;
	v18 =	vld [tilespmem:s15+$0x6680]  }
0x251: {  	s6 =	sor.u32 $0x380, s6;
	v28 =	vld [tilespmem:s0+$0x6600];
	v16 =	vmul.f32 v16, v21  }
0x252: {  	v39 =	vld [tilespmem:s6+$0x7600];
	v11 =	vadd.f32 v23, v11;
	v14 =	vmul.f32 v14, v19;
	v7 =	vadd.f32 v13, v7  }
0x253: {  	v19 =	vld [tilespmem:s15+$0x6700];
	v15 =	vmul.f32 v15, v17;
	v10 =	vadd.f32 v16, v10;
	v16 =	vsub.f32 v24, v27  }
0x254: {  	v13 =	vld [tilespmem:s15+$0x6800];
	v8 =	vadd.f32 v14, v8;
	v17 =	vsub.f32 v25, v26  }
0x255: {  	v9 =	vadd.f32 v15, v9;
	v12 =	vmul.f32 v12, v20;
	v20 =	vld.msk @!p0 [tilespmem:s14+$0x50], $0xff;
	v16 =	vmul.f32 v16, v22  }
0x256: {  	v21 =	vld [tilespmem:s15+$0x6900];
	v23 =	vsub.f32 v33, v34;
	v14 =	vmul.f32 v17, v28;
	v17 =	vsub.f32 v29, v30  }
0x257: {  	v15 =	vld [tilespmem:s15+$0x6880];
	v62 =	vsub.f32 v35, v36;
	v6 =	vadd.f32 v16, v6  }
0x258: {  	v40 =	vld [tilespmem:s6+$0x8600];
	v5 =	vadd.f32 v14, v5;
	v14 =	vsub.f32 v31, v32;
	v17 =	vmul.f32 v17, v18  }
0x259: {  	v4 =	vadd.f32 v12, v4;
	v22 =	vsub.f32 v37, v38;
	v13 =	vmul.f32 v23, v13  }
0x25a: {  	v16 =	vld [tilespmem:s6+$0x6600];
	(xrf2) =	vadd.scan.msk.f32 $0xffff, v6;
	v6 =	vshll.u32 @!p0 v20, $0x2;
	v14 =	vmul.f32 v14, v19;
	v11 =	vadd.f32 v17, v11  }
0x25b: {  	v8 =	vadd.f32 v13, v8;
	v13 =	vmul.f32 v22, v21;
	v6 =	vand.u32 @!p0 $0xFFFFFFE0, v6  }
0x25c: {  	v7 =	vadd.f32 v14, v7;
	v14 =	vmul.f32 v62, v15;
	(xrf2) =	vadd.scan.msk.f32 $0xffff, v11;
	v11 =	vand.u32 @!p0 $0x7, v20  }
0x25d: {  	v18 =	vsub.f32 v39, v40;
	v15 =	vlaneseq.u32 @!p0;
	v6 =	vor.u32 @!p0 v11, v6  }
0x25e: {  	v11 =	vshrl.u32 @!p0 v15, $0x3;
	(xrf2) =	vadd.scan.msk.f32 $0xffff, v7;
	v7 =	vand.u32 @!p0 $0x7, v15;
	v9 =	vadd.f32 v14, v9  }
0x25f: {  	(xrf2) =	vadd.scan.msk.f32 $0xffff, v5;
	v5 =	vperm.xlane @!p0 v6, v7;
	v6 =	vmul.u32 @!p0 $0x8, v11;
	v11 =	vmul.f32 v18, v16  }
0x260: {  	(xrf2) =	vadd.scan.msk.f32 $0xffff, v8  }
0x261: {  	v8 =	vadd.f32 v13, v10;
	(xrf2) =	vadd.scan.msk.f32 $0xffff, v9;
	v5 =	vadd.s32 @!p0 v6, v5;
	v4 =	vadd.f32 v11, v4;
	_ =	sdelay $0x1  }
0x262: {  	(xrf2) =	vadd.scan.msk.f32 $0xffff, v8  }
0x263: {  	(xrf2) =	vadd.scan.msk.f32 $0xffff, v4  }
0x264: {  	s5 =	simm.s32 @!p0 $0x6600;
	s0 =	simm.s32 @!p0 $0x0;
	v4, _, _ =	vpop (xrf2)  }
0x265: {  	[tilespmem:s5], [sflag:$0x3] =	stream.indirect_vreg.gather @!p0 [hbm4b:s1+s0], $0x80, v5, vm10, $0xb8;
	v8, _, _ =	vpop (xrf2);
	[tilespmem:$0x18680] =	vst v63  }
0x266: {  	v4 =	vbroadcast v4, $0xF;
	s5 =	simm.s32 @!p0 $0x6E00;
	v8 =	vbroadcast v8, $0xF  }
0x267: {  	v9, _, _ =	vpop (xrf2);
	[tilespmem:s5], [sflag:$0x3] =	stream.indirect_vreg.gather @!p0 [hbm4b:s8+s0], $0x80, v5, vm10, $0xb8;
	[tilespmem:$0x18680] =	vst v63  }
0x268: {  	v4 =	vnsel vm1, $0x0, v4;
	v5, _, _ =	vpop (xrf2);
	v9 =	vbroadcast v9, $0xF;
	v10 =	vld.msk @!p0 [tilespmem:s14+$0x250], $0xff  }
0x269: {  	v4 =	vsel vm2, v4, v8;
	v11, _, _ =	vpop (xrf2);
	v5 =	vbroadcast v5, $0xF  }
0x26a: {  	v8, _, _ =	vpop (xrf2);
	v4 =	vsel vm3, v4, v9;
	v9 =	vbroadcast v11, $0xF  }
0x26b: {  	v4 =	vsel vm4, v4, v5;
	v5 =	vbroadcast v8, $0xF  }
0x26c: {  	v8, _, _ =	vpop (xrf2);
	v4 =	vsel vm5, v4, v9  }
0x26d: {  	v4 =	vsel vm6, v4, v5;
	v5 =	vbroadcast v8, $0xF;
	v8, _, _ =	vpop (xrf2);
	v9 =	vshll.u32 @!p0 v10, $0x2  }
0x26e: {  	v10 =	vand.u32 @!p0 $0x7, v10;
	v8 =	vbroadcast v8, $0xF;
	v9 =	vand.u32 @!p0 $0xFFFFFFE0, v9  }
0x26f: {  	v4 =	vsel vm7, v4, v5;
	v5 =	vor.u32 @!p0 v10, v9  }
0x270: {  	v4 =	vsel vm8, v4, v8;
	v5 =	vperm.xlane @!p0 v5, v7  }
0x271: {  	v8 =	vand.u32 $0x7FFFFFFF, v4  }
0x272: {  	v8 =	vsub.f32 $0.0e+00, v8;
	v5 =	vadd.s32 @!p0 v6, v5;
	_ =	sdelay $0x1  }
0x273: {  	v8 =	vmul.f32 $1.442695020e+00, v8;
	_ =	sdelay $0x1  }
0x274: {  	s5 =	simm.s32 @!p0 $0x7600;
	(erf) = vpow2.f32 v8  }
0x275: {  	[tilespmem:s5], [sflag:$0x3] =	stream.indirect_vreg.gather @!p0 [hbm4b:s2+s0], $0x80, v5, vm10, $0xb8;
	[tilespmem:$0x18680] =	vst v63  }
0x276: {  	s5 =	simm.s32 @!p0 $0x7E00  }
0x277: {  	[tilespmem:s5], [sflag:$0x3] =	stream.indirect_vreg.gather @!p0 [hbm4b:s9+s0], $0x80, v5, vm10, $0xb8;
	[tilespmem:$0x18680] =	vst v63  }
0x278: {  	v5 =	vld.msk @!p0 [tilespmem:s14+$0x450], $0xff;
	_ =	sdelay $0x4  }
0x279: {  	v8 =	vpop (erf);
	v9 =	vshll.u32 @!p0 v5, $0x2  }
0x27a: {  	v5 =	vand.u32 @!p0 $0x7, v5;
	v10 =	vadd.f32 $2.000000000e+00, v8;
	v9 =	vand.u32 @!p0 $0xFFFFFFE0, v9  }
0x27b: {  	v5 =	vor.u32 @!p0 v5, v9  }
0x27c: {  	(erf) = vrcp.f32 v10;
	v5 =	vperm.xlane @!p0 v5, v7;
	_ =	sdelay $0x1  }
0x27d: {  	v5 =	vadd.s32 @!p0 v6, v5;
	_ =	sdelay $0x3  }
0x27e: {  	s5 =	simm.s32 @!p0 $0x8600  }
0x27f: {  	[tilespmem:s5], [sflag:$0x3] =	stream.indirect_vreg.gather @!p0 [hbm4b:s2+s0], $0x80, v5, vm10, $0xb8;
	[tilespmem:$0x18680] =	vst v63  }
0x280: {  	s5 =	simm.s32 @!p0 $0x8E00  }
0x281: {  	v6 =	vpop (erf);
	[tilespmem:s5], [sflag:$0x3] =	stream.indirect_vreg.gather @!p0 [hbm4b:s9+s0], $0x80, v5, vm10, $0xb8;
	[tilespmem:$0x18680] =	vst v63  }
0x282: {  	_ =	swait.ge [sflag:s26], $0x1000  }
0x283: {  	[sflag:s26] =	ssyncset.done $0x0  }
0x284: {  	[sflag:s26] =	ssyncadd.s32 $0xFFFFF000  }
0x285: {  	_ =	swait.ge [sflag:s26], $0x1000  }
0x286: {  	[sflag:s26] =	ssyncset.done $0x0  }
0x287: {  	[sflag:s26] =	ssyncadd.s32 $0xFFFFF000  }
0x288: {  	s7 =	simm.s32 $0x0;
	v5 =	vmul.f32 v6, v8;
	_ =	swait.ge [sflag:s26], $0x1000  }
0x289: {  	s10 =	sand.u32 $0x70, s7;
	s11 =	sand.u32 $0xC00, s7;
	[sflag:s26] =	ssyncset.done $0x0  }
0x28a: {  	s6 =	sor.u32 s11, s7;
	s5 =	sor.u32 s10, s11;
	v6 =	vmul.f32 v5, v5;
	[sflag:s26] =	ssyncadd.s32 $0xFFFFF000  }
0x28b: {  	s6 =	sor.u32 $0x180, s6;
	v7 =	vld [tilespmem:s5+$0xA600]  }
0x28c: {  	v9 =	vmul.f32 $1.428571490e-01, v6;
	v8 =	vld [tilespmem:s6+$0xA600]  }
0x28d: {  	v10 =	vld [tilespmem:s6+$0xB600]  }
0x28e: {  	v9 =	vadd.f32 $2.000000030e-01, v9;
	v11 =	vld [tilespmem:s5+$0xB600]  }
0x28f: {  	v12 =	vld [tilespmem:s6+$0x9600]  }
0x290: {  	v9 =	vmul.f32 v9, v6;
	v13 =	vld [tilespmem:s5+$0xA680]  }
0x291: {  	v14 =	vld [tilespmem:s5+$0xB680]  }
0x292: {  	v15 =	vld [tilespmem:s5+$0xA700];
	v9 =	vadd.f32 $3.333333430e-01, v9  }
0x293: {  	v16 =	vld [tilespmem:s5+$0xB700]  }
0x294: {  	v17 =	vld [tilespmem:s5+$0xA800];
	v6 =	vmul.f32 v9, v6  }
0x295: {  	v19 =	vld [tilespmem:s5+$0xA880]  }
0x296: {  	v5 =	vadd.f32 v5, v5;
	v20 =	vld [tilespmem:s5+$0xB880];
	v6 =	vadd.f32 $1.000000000e+00, v6  }
0x297: {  	s0 =	sor.u32 s7, s7;
	v21 =	vld [tilespmem:s5+$0xA900]  }
0x298: {  	s10 =	sor.u32 $0x380, s0;
	v22 =	vld [tilespmem:s5+$0xB900];
	v5 =	vmul.f32 v6, v5  }
0x299: {  	v4 =	vmin.f32 v4, $0.0e+00;
	v23 =	vld [tilespmem:s10+$0xA600]  }
0x29a: {  	v9 =	vld [tilespmem:s5+$0xB800];
	v4 =	vsub.f32 v5, v4  }
0x29b: {  	v63 =	vld [tilespmem:s5+$0x9680]  }
0x29c: {  	v5 =	vsub.f32 v8, v10;
	v8 =	vld [tilespmem:s10+$0xB600];
	v4 =	vnsel vm9, $0x0, v4  }
0x29d: {  	v10 =	vld [tilespmem:s5+$0x9600];
	v3 =	vadd.f32 v4, v3  }
0x29e: {  	v6 =	vimm.f32 $0.0e+00;
	v4 =	vsub.f32 v7, v11;
	v7 =	vsub.f32 v13, v14  }
0x29f: {  	v18 =	vld [tilespmem:s5+$0x9700];
	v5 =	vmul.f32 v5, v12;
	v13 =	vsub.f32 v15, v16;
	v14 =	vsub.f32 v17, v9  }
0x2a0: {  	s16 =	simm.s32 $0x80;
	v15 =	vsub.f32 v19, v20;
	v16 =	vsub.f32 v21, v22;
	v19 =	vld [tilespmem:s5+$0x9800];
	v11 =	vimm.f32 $0.0e+00  }
0x2a1: {  	s11 =	sand.u32 $0xC00, s16;
	s0 =	simm.s32 $0x10;
	v17 =	vld [tilespmem:s5+$0x9880];
	v9 =	vimm.f32 $0.0e+00;
	v5 =	vadd.f32 v5, v6;
	v12 =	vsub.f32 v23, v8  }
0x2a2: {  	s15 =	sand.u32 $0x70, s0;
	s7 =	sor.u32 s11, s0;
	v21 =	vld [tilespmem:s5+$0x9900];
	v22 =	vmul.f32 v4, v10;
	v23 =	vmul.f32 v7, v63;
	v7 =	vimm.f32 $0.0e+00  }
0x2a3: {  	s15 =	sor.u32 s15, s11;
	s6 =	sor.u32 s16, s0;
	s0 =	simm.s32 $0x20;
	v20 =	vld [tilespmem:s10+$0x9600];
	v8 =	vimm.f32 $0.0e+00;
	v10 =	vimm.f32 $0.0e+00;
	v4 =	vimm.f32 $0.0e+00  }
.LBB2_9:
0x2a4: {  	p1 =	sne.s32 s0, $0x1F0;
	v24 =	vld [tilespmem:s15+$0xA600];
	s7 =	sor.u32 $0x180, s7;
	s5 =	sor.u32 $0x380, s6;
	v6 =	vadd.f32 v22, v6;
	v13 =	vmul.f32 v13, v18  }
0x2a5: {  	v18 =	vld [tilespmem:s7+$0xA600];
	v11 =	vadd.f32 v23, v11;
	v14 =	vmul.f32 v14, v19  }
0x2a6: {  	v19 =	vld [tilespmem:s7+$0xB600];
	v7 =	vadd.f32 v13, v7;
	v13 =	vmul.f32 v15, v17  }
0x2a7: {  	v15 =	vld [tilespmem:s15+$0xB600];
	v8 =	vadd.f32 v14, v8;
	v14 =	vmul.f32 v16, v21  }
0x2a8: {  	v16 =	vld [tilespmem:s7+$0x9600];
	v9 =	vadd.f32 v13, v9;
	v12 =	vmul.f32 v12, v20  }
0x2a9: {  	v13 =	vld [tilespmem:s15+$0xA680];
	v10 =	vadd.f32 v14, v10  }
0x2aa: {  	v14 =	vld [tilespmem:s15+$0xB680];
	v4 =	vadd.f32 v12, v4  }
0x2ab: {  	v12 =	vld [tilespmem:s15+$0xA700];
	v17 =	vsub.f32 v18, v19  }
0x2ac: {  	v20 =	vsub.f32 v24, v15;
	v15 =	vld [tilespmem:s15+$0xB700]  }
0x2ad: {  	v16 =	vmul.f32 v17, v16;
	v17 =	vld [tilespmem:s15+$0xA800]  }
0x2ae: {  	v18 =	vld [tilespmem:s15+$0xB800]  }
0x2af: {  	v23 =	vsub.f32 v13, v14;
	v5 =	vadd.f32 v16, v5;
	v16 =	vld [tilespmem:s15+$0xA880]  }
0x2b0: {  	v19 =	vld [tilespmem:s15+$0xB880]  }
0x2b1: {  	v13 =	vsub.f32 v12, v15;
	v12 =	vld [tilespmem:s15+$0xA900]  }
0x2b2: {  	v21 =	vld [tilespmem:s15+$0xB900]  }
0x2b3: {  	v14 =	vsub.f32 v17, v18;
	v22 =	vld [tilespmem:s5+$0xA600]  }
0x2b4: {  	v24 =	vld [tilespmem:s5+$0xB600]  }
0x2b5: {  	v25 =	vld [tilespmem:s15+$0x9600];
	v15 =	vsub.f32 v16, v19  }
0x2b6: {  	v26 =	vld [tilespmem:s15+$0x9680]  }
.Ltmp3:
0x2b7: {  	v18 =	vld [tilespmem:s15+$0x9700];
	v16 =	vsub.f32 v12, v21;
	(pc) =	sbr.rel @p1 .LBB2_9-.Ltmp3, $4  }
0x2b8: {  	v19 =	vld [tilespmem:s15+$0x9800]  }
0x2b9: {  	s16 =	sadd.s32 $0x80, s16;
	v17 =	vld [tilespmem:s15+$0x9880];
	v12 =	vsub.f32 v22, v24  }
0x2ba: {  	s10 =	sand.u32 $0xC00, s16;
	s6 =	sor.u32 s16, s0;
	s7 =	sand.u32 $0x70, s0;
	v22 =	vmul.f32 v20, v25;
	v21 =	vld [tilespmem:s15+$0x9900]  }
0x2bb: {  	s15 =	sor.u32 s7, s10;
	s7 =	sor.u32 s10, s0;
	s0 =	sadd.s32 $0x10, s0;
	v23 =	vmul.f32 v23, v26;
	v20 =	vld [tilespmem:s5+$0x9600]  }
0x2bc: {  	v24 =	vld [tilespmem:s15+$0xA600]  }
0x2bd: {  	v27 =	vld [tilespmem:s15+$0xB600]  }
0x2be: {  	v29 =	vld [tilespmem:s15+$0xA680]  }
0x2bf: {  	v30 =	vld [tilespmem:s15+$0xB680]  }
0x2c0: {  	v31 =	vld [tilespmem:s15+$0xA700]  }
0x2c1: {  	v32 =	vld [tilespmem:s15+$0xB700]  }
0x2c2: {  	v33 =	vld [tilespmem:s15+$0xA800]  }
0x2c3: {  	v34 =	vld [tilespmem:s15+$0xB800]  }
0x2c4: {  	v35 =	vld [tilespmem:s15+$0xA880]  }
0x2c5: {  	v36 =	vld [tilespmem:s15+$0xB880]  }
0x2c6: {  	v37 =	vld [tilespmem:s15+$0xA900]  }
0x2c7: {  	v38 =	vld [tilespmem:s15+$0xB900]  }
0x2c8: {  	s0 =	sor.u32 $0x180, s7;
	v6 =	vadd.f32 v22, v6;
	v22 =	vld [tilespmem:s15+$0x9600]  }
0x2c9: {  	v25 =	vld [tilespmem:s0+$0xA600]  }
0x2ca: {  	v26 =	vld [tilespmem:s0+$0xB600]  }
0x2cb: {  	v13 =	vmul.f32 v13, v18;
	v18 =	vld [tilespmem:s15+$0x9680]  }
0x2cc: {  	s6 =	sor.u32 $0x380, s6;
	v28 =	vld [tilespmem:s0+$0x9600];
	v16 =	vmul.f32 v16, v21  }
0x2cd: {  	v39 =	vld [tilespmem:s6+$0xA600];
	v11 =	vadd.f32 v23, v11;
	v14 =	vmul.f32 v14, v19;
	v7 =	vadd.f32 v13, v7  }
0x2ce: {  	v19 =	vld [tilespmem:s15+$0x9700];
	v15 =	vmul.f32 v15, v17;
	v10 =	vadd.f32 v16, v10;
	v16 =	vsub.f32 v24, v27  }
0x2cf: {  	v13 =	vld [tilespmem:s15+$0x9800];
	v8 =	vadd.f32 v14, v8;
	v17 =	vsub.f32 v25, v26  }
0x2d0: {  	v9 =	vadd.f32 v15, v9;
	v12 =	vmul.f32 v12, v20;
	v20 =	vld.msk @!p0 [tilespmem:s14+$0x58], $0xff;
	v16 =	vmul.f32 v16, v22  }
0x2d1: {  	v21 =	vld [tilespmem:s15+$0x9900];
	v23 =	vsub.f32 v33, v34;
	v14 =	vmul.f32 v17, v28;
	v17 =	vsub.f32 v29, v30  }
0x2d2: {  	v15 =	vld [tilespmem:s15+$0x9880];
	v62 =	vsub.f32 v35, v36;
	v6 =	vadd.f32 v16, v6  }
0x2d3: {  	v40 =	vld [tilespmem:s6+$0xB600];
	v5 =	vadd.f32 v14, v5;
	v14 =	vsub.f32 v31, v32;
	v17 =	vmul.f32 v17, v18  }
0x2d4: {  	v4 =	vadd.f32 v12, v4;
	v22 =	vsub.f32 v37, v38;
	v13 =	vmul.f32 v23, v13  }
0x2d5: {  	v16 =	vld [tilespmem:s6+$0x9600];
	(xrf2) =	vadd.scan.msk.f32 $0xffff, v6;
	v6 =	vshll.u32 @!p0 v20, $0x2;
	v14 =	vmul.f32 v14, v19;
	v11 =	vadd.f32 v17, v11  }
0x2d6: {  	v8 =	vadd.f32 v13, v8;
	v13 =	vmul.f32 v22, v21;
	v6 =	vand.u32 @!p0 $0xFFFFFFE0, v6  }
0x2d7: {  	v7 =	vadd.f32 v14, v7;
	v14 =	vmul.f32 v62, v15;
	(xrf2) =	vadd.scan.msk.f32 $0xffff, v11;
	v11 =	vand.u32 @!p0 $0x7, v20  }
0x2d8: {  	v18 =	vsub.f32 v39, v40;
	v15 =	vlaneseq.u32 @!p0;
	v6 =	vor.u32 @!p0 v11, v6  }
0x2d9: {  	v11 =	vshrl.u32 @!p0 v15, $0x3;
	(xrf2) =	vadd.scan.msk.f32 $0xffff, v7;
	v7 =	vand.u32 @!p0 $0x7, v15;
	v9 =	vadd.f32 v14, v9  }
0x2da: {  	(xrf2) =	vadd.scan.msk.f32 $0xffff, v5;
	v5 =	vperm.xlane @!p0 v6, v7;
	v6 =	vmul.u32 @!p0 $0x8, v11;
	v11 =	vmul.f32 v18, v16  }
0x2db: {  	(xrf2) =	vadd.scan.msk.f32 $0xffff, v8  }
0x2dc: {  	v8 =	vadd.f32 v13, v10;
	(xrf2) =	vadd.scan.msk.f32 $0xffff, v9;
	v5 =	vadd.s32 @!p0 v6, v5;
	v4 =	vadd.f32 v11, v4;
	_ =	sdelay $0x1  }
0x2dd: {  	(xrf2) =	vadd.scan.msk.f32 $0xffff, v8  }
0x2de: {  	(xrf2) =	vadd.scan.msk.f32 $0xffff, v4  }
0x2df: {  	s5 =	simm.s32 @!p0 $0x9600;
	s0 =	simm.s32 @!p0 $0x0;
	v4, _, _ =	vpop (xrf2)  }
0x2e0: {  	[tilespmem:s5], [sflag:$0x4] =	stream.indirect_vreg.gather @!p0 [hbm4b:s1+s0], $0x80, v5, vm10, $0xb8;
	v8, _, _ =	vpop (xrf2);
	[tilespmem:$0x18680] =	vst v63  }
0x2e1: {  	v4 =	vbroadcast v4, $0xF;
	s5 =	simm.s32 @!p0 $0x9E00;
	v8 =	vbroadcast v8, $0xF  }
0x2e2: {  	v9, _, _ =	vpop (xrf2);
	[tilespmem:s5], [sflag:$0x4] =	stream.indirect_vreg.gather @!p0 [hbm4b:s8+s0], $0x80, v5, vm10, $0xb8;
	[tilespmem:$0x18680] =	vst v63  }
0x2e3: {  	v4 =	vnsel vm1, $0x0, v4;
	v5, _, _ =	vpop (xrf2);
	v9 =	vbroadcast v9, $0xF;
	v10 =	vld.msk @!p0 [tilespmem:s14+$0x258], $0xff  }
0x2e4: {  	v4 =	vsel vm2, v4, v8;
	v11, _, _ =	vpop (xrf2);
	v5 =	vbroadcast v5, $0xF  }
0x2e5: {  	v8, _, _ =	vpop (xrf2);
	v4 =	vsel vm3, v4, v9;
	v9 =	vbroadcast v11, $0xF  }
0x2e6: {  	v4 =	vsel vm4, v4, v5;
	v5 =	vbroadcast v8, $0xF  }
0x2e7: {  	v8, _, _ =	vpop (xrf2);
	v4 =	vsel vm5, v4, v9  }
0x2e8: {  	v4 =	vsel vm6, v4, v5;
	v5 =	vbroadcast v8, $0xF;
	v8, _, _ =	vpop (xrf2);
	v9 =	vshll.u32 @!p0 v10, $0x2  }
0x2e9: {  	v10 =	vand.u32 @!p0 $0x7, v10;
	v8 =	vbroadcast v8, $0xF;
	v9 =	vand.u32 @!p0 $0xFFFFFFE0, v9  }
0x2ea: {  	v4 =	vsel vm7, v4, v5;
	v5 =	vor.u32 @!p0 v10, v9  }
0x2eb: {  	v4 =	vsel vm8, v4, v8;
	v5 =	vperm.xlane @!p0 v5, v7  }
0x2ec: {  	v8 =	vand.u32 $0x7FFFFFFF, v4  }
0x2ed: {  	v8 =	vsub.f32 $0.0e+00, v8;
	v5 =	vadd.s32 @!p0 v6, v5;
	_ =	sdelay $0x1  }
0x2ee: {  	v8 =	vmul.f32 $1.442695020e+00, v8;
	_ =	sdelay $0x1  }
0x2ef: {  	s5 =	simm.s32 @!p0 $0xA600;
	(erf) = vpow2.f32 v8  }
0x2f0: {  	[tilespmem:s5], [sflag:$0x4] =	stream.indirect_vreg.gather @!p0 [hbm4b:s2+s0], $0x80, v5, vm10, $0xb8;
	[tilespmem:$0x18680] =	vst v63  }
0x2f1: {  	s5 =	simm.s32 @!p0 $0xAE00  }
0x2f2: {  	[tilespmem:s5], [sflag:$0x4] =	stream.indirect_vreg.gather @!p0 [hbm4b:s9+s0], $0x80, v5, vm10, $0xb8;
	[tilespmem:$0x18680] =	vst v63  }
0x2f3: {  	v5 =	vld.msk @!p0 [tilespmem:s14+$0x458], $0xff;
	_ =	sdelay $0x4  }
0x2f4: {  	v8 =	vpop (erf);
	v9 =	vshll.u32 @!p0 v5, $0x2  }
0x2f5: {  	v5 =	vand.u32 @!p0 $0x7, v5;
	v10 =	vadd.f32 $2.000000000e+00, v8;
	v9 =	vand.u32 @!p0 $0xFFFFFFE0, v9  }
0x2f6: {  	v5 =	vor.u32 @!p0 v5, v9  }
0x2f7: {  	(erf) = vrcp.f32 v10;
	v5 =	vperm.xlane @!p0 v5, v7;
	_ =	sdelay $0x1  }
0x2f8: {  	v5 =	vadd.s32 @!p0 v6, v5;
	_ =	sdelay $0x3  }
0x2f9: {  	s5 =	simm.s32 @!p0 $0xB600  }
0x2fa: {  	[tilespmem:s5], [sflag:$0x4] =	stream.indirect_vreg.gather @!p0 [hbm4b:s2+s0], $0x80, v5, vm10, $0xb8;
	[tilespmem:$0x18680] =	vst v63  }
0x2fb: {  	s5 =	simm.s32 @!p0 $0xBE00  }
0x2fc: {  	v6 =	vpop (erf);
	[tilespmem:s5], [sflag:$0x4] =	stream.indirect_vreg.gather @!p0 [hbm4b:s9+s0], $0x80, v5, vm10, $0xb8;
	[tilespmem:$0x18680] =	vst v63  }
0x2fd: {  	_ =	swait.ge [sflag:s28], $0x1000  }
0x2fe: {  	[sflag:s28] =	ssyncset.done $0x0  }
0x2ff: {  	[sflag:s28] =	ssyncadd.s32 $0xFFFFF000  }
0x300: {  	_ =	swait.ge [sflag:s28], $0x1000  }
0x301: {  	[sflag:s28] =	ssyncset.done $0x0  }
0x302: {  	[sflag:s28] =	ssyncadd.s32 $0xFFFFF000  }
0x303: {  	s7 =	simm.s32 $0x0;
	v5 =	vmul.f32 v6, v8;
	_ =	swait.ge [sflag:s28], $0x1000  }
0x304: {  	s10 =	sand.u32 $0x70, s7;
	s11 =	sand.u32 $0xC00, s7;
	[sflag:s28] =	ssyncset.done $0x0  }
0x305: {  	s6 =	sor.u32 s11, s7;
	s5 =	sor.u32 s10, s11;
	v6 =	vmul.f32 v5, v5;
	[sflag:s28] =	ssyncadd.s32 $0xFFFFF000  }
0x306: {  	s6 =	sor.u32 $0x180, s6;
	v7 =	vld [tilespmem:s5+$0xD600]  }
0x307: {  	v9 =	vmul.f32 $1.428571490e-01, v6;
	v8 =	vld [tilespmem:s6+$0xD600]  }
0x308: {  	v10 =	vld [tilespmem:s6+$0xE600]  }
0x309: {  	v9 =	vadd.f32 $2.000000030e-01, v9;
	v11 =	vld [tilespmem:s5+$0xE600]  }
0x30a: {  	v12 =	vld [tilespmem:s6+$0xC600]  }
0x30b: {  	v9 =	vmul.f32 v9, v6;
	v13 =	vld [tilespmem:s5+$0xD680]  }
0x30c: {  	v14 =	vld [tilespmem:s5+$0xE680]  }
0x30d: {  	v15 =	vld [tilespmem:s5+$0xD700];
	v9 =	vadd.f32 $3.333333430e-01, v9  }
0x30e: {  	v16 =	vld [tilespmem:s5+$0xE700]  }
0x30f: {  	v17 =	vld [tilespmem:s5+$0xD800];
	v6 =	vmul.f32 v9, v6  }
0x310: {  	v19 =	vld [tilespmem:s5+$0xD880]  }
0x311: {  	v5 =	vadd.f32 v5, v5;
	v20 =	vld [tilespmem:s5+$0xE880];
	v6 =	vadd.f32 $1.000000000e+00, v6  }
0x312: {  	s0 =	sor.u32 s7, s7;
	v21 =	vld [tilespmem:s5+$0xD900]  }
0x313: {  	s10 =	sor.u32 $0x380, s0;
	v22 =	vld [tilespmem:s5+$0xE900];
	v5 =	vmul.f32 v6, v5  }
0x314: {  	v4 =	vmin.f32 v4, $0.0e+00;
	v23 =	vld [tilespmem:s10+$0xD600]  }
0x315: {  	v9 =	vld [tilespmem:s5+$0xE800];
	v4 =	vsub.f32 v5, v4  }
0x316: {  	v63 =	vld [tilespmem:s5+$0xC680]  }
0x317: {  	v5 =	vsub.f32 v8, v10;
	v8 =	vld [tilespmem:s10+$0xE600];
	v4 =	vnsel vm9, $0x0, v4  }
0x318: {  	v10 =	vld [tilespmem:s5+$0xC600];
	v3 =	vadd.f32 v4, v3  }
0x319: {  	v6 =	vimm.f32 $0.0e+00;
	v4 =	vsub.f32 v7, v11;
	v7 =	vsub.f32 v13, v14  }
0x31a: {  	v18 =	vld [tilespmem:s5+$0xC700];
	v5 =	vmul.f32 v5, v12;
	v13 =	vsub.f32 v15, v16;
	v14 =	vsub.f32 v17, v9  }
0x31b: {  	s16 =	simm.s32 $0x80;
	v15 =	vsub.f32 v19, v20;
	v16 =	vsub.f32 v21, v22;
	v19 =	vld [tilespmem:s5+$0xC800];
	v11 =	vimm.f32 $0.0e+00  }
0x31c: {  	s11 =	sand.u32 $0xC00, s16;
	s0 =	simm.s32 $0x10;
	v17 =	vld [tilespmem:s5+$0xC880];
	v9 =	vimm.f32 $0.0e+00;
	v5 =	vadd.f32 v5, v6;
	v12 =	vsub.f32 v23, v8  }
0x31d: {  	s15 =	sand.u32 $0x70, s0;
	s7 =	sor.u32 s11, s0;
	v21 =	vld [tilespmem:s5+$0xC900];
	v22 =	vmul.f32 v4, v10;
	v23 =	vmul.f32 v7, v63;
	v7 =	vimm.f32 $0.0e+00  }
0x31e: {  	s15 =	sor.u32 s15, s11;
	s6 =	sor.u32 s16, s0;
	s0 =	simm.s32 $0x20;
	v20 =	vld [tilespmem:s10+$0xC600];
	v8 =	vimm.f32 $0.0e+00;
	v10 =	vimm.f32 $0.0e+00;
	v4 =	vimm.f32 $0.0e+00  }
.LBB2_11:
0x31f: {  	p1 =	sne.s32 s0, $0x1F0;
	v24 =	vld [tilespmem:s15+$0xD600];
	s7 =	sor.u32 $0x180, s7;
	s5 =	sor.u32 $0x380, s6;
	v6 =	vadd.f32 v22, v6;
	v13 =	vmul.f32 v13, v18  }
0x320: {  	v18 =	vld [tilespmem:s7+$0xD600];
	v11 =	vadd.f32 v23, v11;
	v14 =	vmul.f32 v14, v19  }
0x321: {  	v19 =	vld [tilespmem:s7+$0xE600];
	v7 =	vadd.f32 v13, v7;
	v13 =	vmul.f32 v15, v17  }
0x322: {  	v15 =	vld [tilespmem:s15+$0xE600];
	v8 =	vadd.f32 v14, v8;
	v14 =	vmul.f32 v16, v21  }
0x323: {  	v16 =	vld [tilespmem:s7+$0xC600];
	v9 =	vadd.f32 v13, v9;
	v12 =	vmul.f32 v12, v20  }
0x324: {  	v13 =	vld [tilespmem:s15+$0xD680];
	v10 =	vadd.f32 v14, v10  }
0x325: {  	v14 =	vld [tilespmem:s15+$0xE680];
	v4 =	vadd.f32 v12, v4  }
0x326: {  	v12 =	vld [tilespmem:s15+$0xD700];
	v17 =	vsub.f32 v18, v19  }
0x327: {  	v20 =	vsub.f32 v24, v15;
	v15 =	vld [tilespmem:s15+$0xE700]  }
0x328: {  	v16 =	vmul.f32 v17, v16;
	v17 =	vld [tilespmem:s15+$0xD800]  }
0x329: {  	v18 =	vld [tilespmem:s15+$0xE800]  }
0x32a: {  	v23 =	vsub.f32 v13, v14;
	v5 =	vadd.f32 v16, v5;
	v16 =	vld [tilespmem:s15+$0xD880]  }
0x32b: {  	v19 =	vld [tilespmem:s15+$0xE880]  }
0x32c: {  	v13 =	vsub.f32 v12, v15;
	v12 =	vld [tilespmem:s15+$0xD900]  }
0x32d: {  	v21 =	vld [tilespmem:s15+$0xE900]  }
0x32e: {  	v14 =	vsub.f32 v17, v18;
	v22 =	vld [tilespmem:s5+$0xD600]  }
0x32f: {  	v24 =	vld [tilespmem:s5+$0xE600]  }
0x330: {  	v25 =	vld [tilespmem:s15+$0xC600];
	v15 =	vsub.f32 v16, v19  }
0x331: {  	v26 =	vld [tilespmem:s15+$0xC680]  }
.Ltmp4:
0x332: {  	v18 =	vld [tilespmem:s15+$0xC700];
	v16 =	vsub.f32 v12, v21;
	(pc) =	sbr.rel @p1 .LBB2_11-.Ltmp4, $4  }
0x333: {  	v19 =	vld [tilespmem:s15+$0xC800]  }
0x334: {  	s16 =	sadd.s32 $0x80, s16;
	v17 =	vld [tilespmem:s15+$0xC880];
	v12 =	vsub.f32 v22, v24  }
0x335: {  	s10 =	sand.u32 $0xC00, s16;
	s6 =	sor.u32 s16, s0;
	s7 =	sand.u32 $0x70, s0;
	v22 =	vmul.f32 v20, v25;
	v21 =	vld [tilespmem:s15+$0xC900]  }
0x336: {  	s15 =	sor.u32 s7, s10;
	s7 =	sor.u32 s10, s0;
	s0 =	sadd.s32 $0x10, s0;
	v23 =	vmul.f32 v23, v26;
	v20 =	vld [tilespmem:s5+$0xC600]  }
0x337: {  	v24 =	vld [tilespmem:s15+$0xD600]  }
0x338: {  	v27 =	vld [tilespmem:s15+$0xE600]  }
0x339: {  	v29 =	vld [tilespmem:s15+$0xD680]  }
0x33a: {  	v30 =	vld [tilespmem:s15+$0xE680]  }
0x33b: {  	v31 =	vld [tilespmem:s15+$0xD700]  }
0x33c: {  	v32 =	vld [tilespmem:s15+$0xE700]  }
0x33d: {  	v33 =	vld [tilespmem:s15+$0xD800]  }
0x33e: {  	v34 =	vld [tilespmem:s15+$0xE800]  }
0x33f: {  	v35 =	vld [tilespmem:s15+$0xD880]  }
0x340: {  	v36 =	vld [tilespmem:s15+$0xE880]  }
0x341: {  	v37 =	vld [tilespmem:s15+$0xD900]  }
0x342: {  	v38 =	vld [tilespmem:s15+$0xE900]  }
0x343: {  	s0 =	sor.u32 $0x180, s7;
	v6 =	vadd.f32 v22, v6;
	v22 =	vld [tilespmem:s15+$0xC600]  }
0x344: {  	v25 =	vld [tilespmem:s0+$0xD600]  }
0x345: {  	v26 =	vld [tilespmem:s0+$0xE600]  }
0x346: {  	v13 =	vmul.f32 v13, v18;
	v18 =	vld [tilespmem:s15+$0xC680]  }
0x347: {  	s6 =	sor.u32 $0x380, s6;
	v28 =	vld [tilespmem:s0+$0xC600];
	v16 =	vmul.f32 v16, v21  }
0x348: {  	v39 =	vld [tilespmem:s6+$0xD600];
	v11 =	vadd.f32 v23, v11;
	v14 =	vmul.f32 v14, v19;
	v7 =	vadd.f32 v13, v7  }
0x349: {  	v19 =	vld [tilespmem:s15+$0xC700];
	v15 =	vmul.f32 v15, v17;
	v10 =	vadd.f32 v16, v10;
	v16 =	vsub.f32 v24, v27  }
0x34a: {  	v13 =	vld [tilespmem:s15+$0xC800];
	v8 =	vadd.f32 v14, v8;
	v17 =	vsub.f32 v25, v26  }
0x34b: {  	v9 =	vadd.f32 v15, v9;
	v12 =	vmul.f32 v12, v20;
	v20 =	vld.msk @!p0 [tilespmem:s14+$0x60], $0xff;
	v16 =	vmul.f32 v16, v22  }
0x34c: {  	v21 =	vld [tilespmem:s15+$0xC900];
	v23 =	vsub.f32 v33, v34;
	v14 =	vmul.f32 v17, v28;
	v17 =	vsub.f32 v29, v30  }
0x34d: {  	v15 =	vld [tilespmem:s15+$0xC880];
	v62 =	vsub.f32 v35, v36;
	v6 =	vadd.f32 v16, v6  }
0x34e: {  	v40 =	vld [tilespmem:s6+$0xE600];
	v5 =	vadd.f32 v14, v5;
	v14 =	vsub.f32 v31, v32;
	v17 =	vmul.f32 v17, v18  }
0x34f: {  	v4 =	vadd.f32 v12, v4;
	v22 =	vsub.f32 v37, v38;
	v13 =	vmul.f32 v23, v13  }
0x350: {  	v16 =	vld [tilespmem:s6+$0xC600];
	(xrf2) =	vadd.scan.msk.f32 $0xffff, v6;
	v6 =	vshll.u32 @!p0 v20, $0x2;
	v14 =	vmul.f32 v14, v19;
	v11 =	vadd.f32 v17, v11  }
0x351: {  	v8 =	vadd.f32 v13, v8;
	v13 =	vmul.f32 v22, v21;
	v6 =	vand.u32 @!p0 $0xFFFFFFE0, v6  }
0x352: {  	v7 =	vadd.f32 v14, v7;
	v14 =	vmul.f32 v62, v15;
	(xrf2) =	vadd.scan.msk.f32 $0xffff, v11;
	v11 =	vand.u32 @!p0 $0x7, v20  }
0x353: {  	v18 =	vsub.f32 v39, v40;
	v15 =	vlaneseq.u32 @!p0;
	v6 =	vor.u32 @!p0 v11, v6  }
0x354: {  	v11 =	vshrl.u32 @!p0 v15, $0x3;
	(xrf2) =	vadd.scan.msk.f32 $0xffff, v7;
	v7 =	vand.u32 @!p0 $0x7, v15;
	v9 =	vadd.f32 v14, v9  }
0x355: {  	(xrf2) =	vadd.scan.msk.f32 $0xffff, v5;
	v5 =	vperm.xlane @!p0 v6, v7;
	v6 =	vmul.u32 @!p0 $0x8, v11;
	v11 =	vmul.f32 v18, v16  }
0x356: {  	(xrf2) =	vadd.scan.msk.f32 $0xffff, v8  }
0x357: {  	v8 =	vadd.f32 v13, v10;
	(xrf2) =	vadd.scan.msk.f32 $0xffff, v9;
	v5 =	vadd.s32 @!p0 v6, v5;
	v4 =	vadd.f32 v11, v4;
	_ =	sdelay $0x1  }
0x358: {  	(xrf2) =	vadd.scan.msk.f32 $0xffff, v8  }
0x359: {  	(xrf2) =	vadd.scan.msk.f32 $0xffff, v4  }
0x35a: {  	s5 =	simm.s32 @!p0 $0xC600;
	s0 =	simm.s32 @!p0 $0x0;
	v4, _, _ =	vpop (xrf2)  }
0x35b: {  	[tilespmem:s5], [sflag:$0x5] =	stream.indirect_vreg.gather @!p0 [hbm4b:s1+s0], $0x80, v5, vm10, $0xb8;
	v8, _, _ =	vpop (xrf2);
	[tilespmem:$0x18680] =	vst v63  }
0x35c: {  	v4 =	vbroadcast v4, $0xF;
	s5 =	simm.s32 @!p0 $0xCE00;
	v8 =	vbroadcast v8, $0xF  }
0x35d: {  	v9, _, _ =	vpop (xrf2);
	[tilespmem:s5], [sflag:$0x5] =	stream.indirect_vreg.gather @!p0 [hbm4b:s8+s0], $0x80, v5, vm10, $0xb8;
	[tilespmem:$0x18680] =	vst v63  }
0x35e: {  	v4 =	vnsel vm1, $0x0, v4;
	v5, _, _ =	vpop (xrf2);
	v9 =	vbroadcast v9, $0xF;
	v10 =	vld.msk @!p0 [tilespmem:s14+$0x260], $0xff  }
0x35f: {  	v4 =	vsel vm2, v4, v8;
	v11, _, _ =	vpop (xrf2);
	v5 =	vbroadcast v5, $0xF  }
0x360: {  	v8, _, _ =	vpop (xrf2);
	v4 =	vsel vm3, v4, v9;
	v9 =	vbroadcast v11, $0xF  }
0x361: {  	v4 =	vsel vm4, v4, v5;
	v5 =	vbroadcast v8, $0xF  }
0x362: {  	v8, _, _ =	vpop (xrf2);
	v4 =	vsel vm5, v4, v9  }
0x363: {  	v4 =	vsel vm6, v4, v5;
	v5 =	vbroadcast v8, $0xF;
	v8, _, _ =	vpop (xrf2);
	v9 =	vshll.u32 @!p0 v10, $0x2  }
0x364: {  	v10 =	vand.u32 @!p0 $0x7, v10;
	v8 =	vbroadcast v8, $0xF;
	v9 =	vand.u32 @!p0 $0xFFFFFFE0, v9  }
0x365: {  	v4 =	vsel vm7, v4, v5;
	v5 =	vor.u32 @!p0 v10, v9  }
0x366: {  	v4 =	vsel vm8, v4, v8;
	v5 =	vperm.xlane @!p0 v5, v7  }
0x367: {  	v8 =	vand.u32 $0x7FFFFFFF, v4  }
0x368: {  	v8 =	vsub.f32 $0.0e+00, v8;
	v5 =	vadd.s32 @!p0 v6, v5;
	_ =	sdelay $0x1  }
0x369: {  	v8 =	vmul.f32 $1.442695020e+00, v8;
	_ =	sdelay $0x1  }
0x36a: {  	s5 =	simm.s32 @!p0 $0xD600;
	(erf) = vpow2.f32 v8  }
0x36b: {  	[tilespmem:s5], [sflag:$0x5] =	stream.indirect_vreg.gather @!p0 [hbm4b:s2+s0], $0x80, v5, vm10, $0xb8;
	[tilespmem:$0x18680] =	vst v63  }
0x36c: {  	s5 =	simm.s32 @!p0 $0xDE00  }
0x36d: {  	[tilespmem:s5], [sflag:$0x5] =	stream.indirect_vreg.gather @!p0 [hbm4b:s9+s0], $0x80, v5, vm10, $0xb8;
	[tilespmem:$0x18680] =	vst v63  }
0x36e: {  	v5 =	vld.msk @!p0 [tilespmem:s14+$0x460], $0xff;
	_ =	sdelay $0x4  }
0x36f: {  	v8 =	vpop (erf);
	v9 =	vshll.u32 @!p0 v5, $0x2  }
0x370: {  	v5 =	vand.u32 @!p0 $0x7, v5;
	v10 =	vadd.f32 $2.000000000e+00, v8;
	v9 =	vand.u32 @!p0 $0xFFFFFFE0, v9  }
0x371: {  	v5 =	vor.u32 @!p0 v5, v9  }
0x372: {  	(erf) = vrcp.f32 v10;
	v5 =	vperm.xlane @!p0 v5, v7;
	_ =	sdelay $0x1  }
0x373: {  	v5 =	vadd.s32 @!p0 v6, v5;
	_ =	sdelay $0x3  }
0x374: {  	s5 =	simm.s32 @!p0 $0xE600  }
0x375: {  	[tilespmem:s5], [sflag:$0x5] =	stream.indirect_vreg.gather @!p0 [hbm4b:s2+s0], $0x80, v5, vm10, $0xb8;
	[tilespmem:$0x18680] =	vst v63  }
0x376: {  	s5 =	simm.s32 @!p0 $0xEE00  }
0x377: {  	v6 =	vpop (erf);
	[tilespmem:s5], [sflag:$0x5] =	stream.indirect_vreg.gather @!p0 [hbm4b:s9+s0], $0x80, v5, vm10, $0xb8;
	[tilespmem:$0x18680] =	vst v63  }
0x378: {  	_ =	swait.ge [sflag:s29], $0x1000  }
0x379: {  	[sflag:s29] =	ssyncset.done $0x0  }
0x37a: {  	[sflag:s29] =	ssyncadd.s32 $0xFFFFF000  }
0x37b: {  	_ =	swait.ge [sflag:s29], $0x1000  }
0x37c: {  	[sflag:s29] =	ssyncset.done $0x0  }
0x37d: {  	[sflag:s29] =	ssyncadd.s32 $0xFFFFF000  }
0x37e: {  	s7 =	simm.s32 $0x0;
	v5 =	vmul.f32 v6, v8;
	_ =	swait.ge [sflag:s29], $0x1000  }
0x37f: {  	s10 =	sand.u32 $0x70, s7;
	s11 =	sand.u32 $0xC00, s7;
	[sflag:s29] =	ssyncset.done $0x0  }
0x380: {  	s6 =	sor.u32 s11, s7;
	s5 =	sor.u32 s10, s11;
	v6 =	vmul.f32 v5, v5;
	[sflag:s29] =	ssyncadd.s32 $0xFFFFF000  }
0x381: {  	s6 =	sor.u32 $0x180, s6;
	v7 =	vld [tilespmem:s5+$0x10600]  }
0x382: {  	v9 =	vmul.f32 $1.428571490e-01, v6;
	v8 =	vld [tilespmem:s6+$0x10600]  }
0x383: {  	v10 =	vld [tilespmem:s6+$0x11600]  }
0x384: {  	v9 =	vadd.f32 $2.000000030e-01, v9;
	v11 =	vld [tilespmem:s5+$0x11600]  }
0x385: {  	v12 =	vld [tilespmem:s6+$0xF600]  }
0x386: {  	v9 =	vmul.f32 v9, v6;
	v13 =	vld [tilespmem:s5+$0x10680]  }
0x387: {  	v14 =	vld [tilespmem:s5+$0x11680]  }
0x388: {  	v15 =	vld [tilespmem:s5+$0x10700];
	v9 =	vadd.f32 $3.333333430e-01, v9  }
0x389: {  	v16 =	vld [tilespmem:s5+$0x11700]  }
0x38a: {  	v17 =	vld [tilespmem:s5+$0x10800];
	v6 =	vmul.f32 v9, v6  }
0x38b: {  	v19 =	vld [tilespmem:s5+$0x10880]  }
0x38c: {  	v5 =	vadd.f32 v5, v5;
	v20 =	vld [tilespmem:s5+$0x11880];
	v6 =	vadd.f32 $1.000000000e+00, v6  }
0x38d: {  	s0 =	sor.u32 s7, s7;
	v21 =	vld [tilespmem:s5+$0x10900]  }
0x38e: {  	s10 =	sor.u32 $0x380, s0;
	v22 =	vld [tilespmem:s5+$0x11900];
	v5 =	vmul.f32 v6, v5  }
0x38f: {  	v4 =	vmin.f32 v4, $0.0e+00;
	v23 =	vld [tilespmem:s10+$0x10600]  }
0x390: {  	v9 =	vld [tilespmem:s5+$0x11800];
	v4 =	vsub.f32 v5, v4  }
0x391: {  	v63 =	vld [tilespmem:s5+$0xF680]  }
0x392: {  	v5 =	vsub.f32 v8, v10;
	v8 =	vld [tilespmem:s10+$0x11600];
	v4 =	vnsel vm9, $0x0, v4  }
0x393: {  	v10 =	vld [tilespmem:s5+$0xF600];
	v3 =	vadd.f32 v4, v3  }
0x394: {  	v6 =	vimm.f32 $0.0e+00;
	v4 =	vsub.f32 v7, v11;
	v7 =	vsub.f32 v13, v14  }
0x395: {  	v18 =	vld [tilespmem:s5+$0xF700];
	v5 =	vmul.f32 v5, v12;
	v13 =	vsub.f32 v15, v16;
	v14 =	vsub.f32 v17, v9  }
0x396: {  	s16 =	simm.s32 $0x80;
	v15 =	vsub.f32 v19, v20;
	v16 =	vsub.f32 v21, v22;
	v19 =	vld [tilespmem:s5+$0xF800];
	v11 =	vimm.f32 $0.0e+00  }
0x397: {  	s11 =	sand.u32 $0xC00, s16;
	s0 =	simm.s32 $0x10;
	v17 =	vld [tilespmem:s5+$0xF880];
	v9 =	vimm.f32 $0.0e+00;
	v5 =	vadd.f32 v5, v6;
	v12 =	vsub.f32 v23, v8  }
0x398: {  	s15 =	sand.u32 $0x70, s0;
	s7 =	sor.u32 s11, s0;
	v21 =	vld [tilespmem:s5+$0xF900];
	v22 =	vmul.f32 v4, v10;
	v23 =	vmul.f32 v7, v63;
	v7 =	vimm.f32 $0.0e+00  }
0x399: {  	s15 =	sor.u32 s15, s11;
	s6 =	sor.u32 s16, s0;
	s0 =	simm.s32 $0x20;
	v20 =	vld [tilespmem:s10+$0xF600];
	v8 =	vimm.f32 $0.0e+00;
	v10 =	vimm.f32 $0.0e+00;
	v4 =	vimm.f32 $0.0e+00  }
.LBB2_13:
0x39a: {  	p1 =	sne.s32 s0, $0x1F0;
	v24 =	vld [tilespmem:s15+$0x10600];
	s7 =	sor.u32 $0x180, s7;
	s5 =	sor.u32 $0x380, s6;
	v6 =	vadd.f32 v22, v6;
	v13 =	vmul.f32 v13, v18  }
0x39b: {  	v18 =	vld [tilespmem:s7+$0x10600];
	v11 =	vadd.f32 v23, v11;
	v14 =	vmul.f32 v14, v19  }
0x39c: {  	v19 =	vld [tilespmem:s7+$0x11600];
	v7 =	vadd.f32 v13, v7;
	v13 =	vmul.f32 v15, v17  }
0x39d: {  	v15 =	vld [tilespmem:s15+$0x11600];
	v8 =	vadd.f32 v14, v8;
	v14 =	vmul.f32 v16, v21  }
0x39e: {  	v16 =	vld [tilespmem:s7+$0xF600];
	v9 =	vadd.f32 v13, v9;
	v12 =	vmul.f32 v12, v20  }
0x39f: {  	v13 =	vld [tilespmem:s15+$0x10680];
	v10 =	vadd.f32 v14, v10  }
0x3a0: {  	v14 =	vld [tilespmem:s15+$0x11680];
	v4 =	vadd.f32 v12, v4  }
0x3a1: {  	v12 =	vld [tilespmem:s15+$0x10700];
	v17 =	vsub.f32 v18, v19  }
0x3a2: {  	v20 =	vsub.f32 v24, v15;
	v15 =	vld [tilespmem:s15+$0x11700]  }
0x3a3: {  	v16 =	vmul.f32 v17, v16;
	v17 =	vld [tilespmem:s15+$0x10800]  }
0x3a4: {  	v18 =	vld [tilespmem:s15+$0x11800]  }
0x3a5: {  	v23 =	vsub.f32 v13, v14;
	v5 =	vadd.f32 v16, v5;
	v16 =	vld [tilespmem:s15+$0x10880]  }
0x3a6: {  	v19 =	vld [tilespmem:s15+$0x11880]  }
0x3a7: {  	v13 =	vsub.f32 v12, v15;
	v12 =	vld [tilespmem:s15+$0x10900]  }
0x3a8: {  	v21 =	vld [tilespmem:s15+$0x11900]  }
0x3a9: {  	v14 =	vsub.f32 v17, v18;
	v22 =	vld [tilespmem:s5+$0x10600]  }
0x3aa: {  	v24 =	vld [tilespmem:s5+$0x11600]  }
0x3ab: {  	v25 =	vld [tilespmem:s15+$0xF600];
	v15 =	vsub.f32 v16, v19  }
0x3ac: {  	v26 =	vld [tilespmem:s15+$0xF680]  }
.Ltmp5:
0x3ad: {  	v18 =	vld [tilespmem:s15+$0xF700];
	v16 =	vsub.f32 v12, v21;
	(pc) =	sbr.rel @p1 .LBB2_13-.Ltmp5, $4  }
0x3ae: {  	v19 =	vld [tilespmem:s15+$0xF800]  }
0x3af: {  	s16 =	sadd.s32 $0x80, s16;
	v17 =	vld [tilespmem:s15+$0xF880];
	v12 =	vsub.f32 v22, v24  }
0x3b0: {  	s10 =	sand.u32 $0xC00, s16;
	s6 =	sor.u32 s16, s0;
	s7 =	sand.u32 $0x70, s0;
	v22 =	vmul.f32 v20, v25;
	v21 =	vld [tilespmem:s15+$0xF900]  }
0x3b1: {  	s15 =	sor.u32 s7, s10;
	s7 =	sor.u32 s10, s0;
	s0 =	sadd.s32 $0x10, s0;
	v23 =	vmul.f32 v23, v26;
	v20 =	vld [tilespmem:s5+$0xF600]  }
0x3b2: {  	v24 =	vld [tilespmem:s15+$0x10600]  }
0x3b3: {  	v27 =	vld [tilespmem:s15+$0x11600]  }
0x3b4: {  	v29 =	vld [tilespmem:s15+$0x10680]  }
0x3b5: {  	v30 =	vld [tilespmem:s15+$0x11680]  }
0x3b6: {  	v31 =	vld [tilespmem:s15+$0x10700]  }
0x3b7: {  	v32 =	vld [tilespmem:s15+$0x11700]  }
0x3b8: {  	v33 =	vld [tilespmem:s15+$0x10800]  }
0x3b9: {  	v34 =	vld [tilespmem:s15+$0x11800]  }
0x3ba: {  	v35 =	vld [tilespmem:s15+$0x10880]  }
0x3bb: {  	v36 =	vld [tilespmem:s15+$0x11880]  }
0x3bc: {  	v37 =	vld [tilespmem:s15+$0x10900]  }
0x3bd: {  	v38 =	vld [tilespmem:s15+$0x11900]  }
0x3be: {  	s0 =	sor.u32 $0x180, s7;
	v6 =	vadd.f32 v22, v6;
	v22 =	vld [tilespmem:s15+$0xF600]  }
0x3bf: {  	v25 =	vld [tilespmem:s0+$0x10600]  }
0x3c0: {  	v26 =	vld [tilespmem:s0+$0x11600]  }
0x3c1: {  	v13 =	vmul.f32 v13, v18;
	v18 =	vld [tilespmem:s15+$0xF680]  }
0x3c2: {  	s6 =	sor.u32 $0x380, s6;
	v28 =	vld [tilespmem:s0+$0xF600];
	v16 =	vmul.f32 v16, v21  }
0x3c3: {  	v39 =	vld [tilespmem:s6+$0x10600];
	v11 =	vadd.f32 v23, v11;
	v14 =	vmul.f32 v14, v19;
	v7 =	vadd.f32 v13, v7  }
0x3c4: {  	v19 =	vld [tilespmem:s15+$0xF700];
	v15 =	vmul.f32 v15, v17;
	v10 =	vadd.f32 v16, v10;
	v16 =	vsub.f32 v24, v27  }
0x3c5: {  	v13 =	vld [tilespmem:s15+$0xF800];
	v8 =	vadd.f32 v14, v8;
	v17 =	vsub.f32 v25, v26  }
0x3c6: {  	v9 =	vadd.f32 v15, v9;
	v12 =	vmul.f32 v12, v20;
	v20 =	vld.msk @!p0 [tilespmem:s14+$0x68], $0xff;
	v16 =	vmul.f32 v16, v22  }
0x3c7: {  	v21 =	vld [tilespmem:s15+$0xF900];
	v23 =	vsub.f32 v33, v34;
	v14 =	vmul.f32 v17, v28;
	v17 =	vsub.f32 v29, v30  }
0x3c8: {  	v15 =	vld [tilespmem:s15+$0xF880];
	v62 =	vsub.f32 v35, v36;
	v6 =	vadd.f32 v16, v6  }
0x3c9: {  	v40 =	vld [tilespmem:s6+$0x11600];
	v5 =	vadd.f32 v14, v5;
	v14 =	vsub.f32 v31, v32;
	v17 =	vmul.f32 v17, v18  }
0x3ca: {  	v4 =	vadd.f32 v12, v4;
	v22 =	vsub.f32 v37, v38;
	v13 =	vmul.f32 v23, v13  }
0x3cb: {  	v16 =	vld [tilespmem:s6+$0xF600];
	(xrf2) =	vadd.scan.msk.f32 $0xffff, v6;
	v6 =	vshll.u32 @!p0 v20, $0x2;
	v14 =	vmul.f32 v14, v19;
	v11 =	vadd.f32 v17, v11  }
0x3cc: {  	v8 =	vadd.f32 v13, v8;
	v13 =	vmul.f32 v22, v21;
	v6 =	vand.u32 @!p0 $0xFFFFFFE0, v6  }
0x3cd: {  	v7 =	vadd.f32 v14, v7;
	v14 =	vmul.f32 v62, v15;
	(xrf2) =	vadd.scan.msk.f32 $0xffff, v11;
	v11 =	vand.u32 @!p0 $0x7, v20  }
0x3ce: {  	v18 =	vsub.f32 v39, v40;
	v15 =	vlaneseq.u32 @!p0;
	v6 =	vor.u32 @!p0 v11, v6  }
0x3cf: {  	v11 =	vshrl.u32 @!p0 v15, $0x3;
	(xrf2) =	vadd.scan.msk.f32 $0xffff, v7;
	v7 =	vand.u32 @!p0 $0x7, v15;
	v9 =	vadd.f32 v14, v9  }
0x3d0: {  	(xrf2) =	vadd.scan.msk.f32 $0xffff, v5;
	v5 =	vperm.xlane @!p0 v6, v7;
	v6 =	vmul.u32 @!p0 $0x8, v11;
	v11 =	vmul.f32 v18, v16  }
0x3d1: {  	(xrf2) =	vadd.scan.msk.f32 $0xffff, v8  }
0x3d2: {  	v8 =	vadd.f32 v13, v10;
	(xrf2) =	vadd.scan.msk.f32 $0xffff, v9;
	v5 =	vadd.s32 @!p0 v6, v5;
	v4 =	vadd.f32 v11, v4;
	_ =	sdelay $0x1  }
0x3d3: {  	(xrf2) =	vadd.scan.msk.f32 $0xffff, v8  }
0x3d4: {  	(xrf2) =	vadd.scan.msk.f32 $0xffff, v4  }
0x3d5: {  	s5 =	simm.s32 @!p0 $0xF600;
	s0 =	simm.s32 @!p0 $0x0;
	v4, _, _ =	vpop (xrf2)  }
0x3d6: {  	[tilespmem:s5], [sflag:$0x6] =	stream.indirect_vreg.gather @!p0 [hbm4b:s1+s0], $0x80, v5, vm10, $0xb8;
	v8, _, _ =	vpop (xrf2);
	[tilespmem:$0x18680] =	vst v63  }
0x3d7: {  	v4 =	vbroadcast v4, $0xF;
	s5 =	simm.s32 @!p0 $0xFE00;
	v8 =	vbroadcast v8, $0xF  }
0x3d8: {  	v9, _, _ =	vpop (xrf2);
	[tilespmem:s5], [sflag:$0x6] =	stream.indirect_vreg.gather @!p0 [hbm4b:s8+s0], $0x80, v5, vm10, $0xb8;
	[tilespmem:$0x18680] =	vst v63  }
0x3d9: {  	v4 =	vnsel vm1, $0x0, v4;
	v5, _, _ =	vpop (xrf2);
	v9 =	vbroadcast v9, $0xF;
	v10 =	vld.msk @!p0 [tilespmem:s14+$0x268], $0xff  }
0x3da: {  	v4 =	vsel vm2, v4, v8;
	v11, _, _ =	vpop (xrf2);
	v5 =	vbroadcast v5, $0xF  }
0x3db: {  	v8, _, _ =	vpop (xrf2);
	v4 =	vsel vm3, v4, v9;
	v9 =	vbroadcast v11, $0xF  }
0x3dc: {  	v4 =	vsel vm4, v4, v5;
	v5 =	vbroadcast v8, $0xF  }
0x3dd: {  	v8, _, _ =	vpop (xrf2);
	v4 =	vsel vm5, v4, v9  }
0x3de: {  	v4 =	vsel vm6, v4, v5;
	v5 =	vbroadcast v8, $0xF;
	v8, _, _ =	vpop (xrf2);
	v9 =	vshll.u32 @!p0 v10, $0x2  }
0x3df: {  	v10 =	vand.u32 @!p0 $0x7, v10;
	v8 =	vbroadcast v8, $0xF;
	v9 =	vand.u32 @!p0 $0xFFFFFFE0, v9  }
0x3e0: {  	v4 =	vsel vm7, v4, v5;
	v5 =	vor.u32 @!p0 v10, v9  }
0x3e1: {  	v4 =	vsel vm8, v4, v8;
	v5 =	vperm.xlane @!p0 v5, v7  }
0x3e2: {  	v8 =	vand.u32 $0x7FFFFFFF, v4  }
0x3e3: {  	v8 =	vsub.f32 $0.0e+00, v8;
	v5 =	vadd.s32 @!p0 v6, v5;
	_ =	sdelay $0x1  }
0x3e4: {  	v8 =	vmul.f32 $1.442695020e+00, v8;
	_ =	sdelay $0x1  }
0x3e5: {  	s5 =	simm.s32 @!p0 $0x10600;
	(erf) = vpow2.f32 v8  }
0x3e6: {  	[tilespmem:s5], [sflag:$0x6] =	stream.indirect_vreg.gather @!p0 [hbm4b:s2+s0], $0x80, v5, vm10, $0xb8;
	[tilespmem:$0x18680] =	vst v63  }
0x3e7: {  	s5 =	simm.s32 @!p0 $0x10E00  }
0x3e8: {  	[tilespmem:s5], [sflag:$0x6] =	stream.indirect_vreg.gather @!p0 [hbm4b:s9+s0], $0x80, v5, vm10, $0xb8;
	[tilespmem:$0x18680] =	vst v63  }
0x3e9: {  	v5 =	vld.msk @!p0 [tilespmem:s14+$0x468], $0xff;
	_ =	sdelay $0x4  }
0x3ea: {  	v8 =	vpop (erf);
	v9 =	vshll.u32 @!p0 v5, $0x2  }
0x3eb: {  	v5 =	vand.u32 @!p0 $0x7, v5;
	v10 =	vadd.f32 $2.000000000e+00, v8;
	v9 =	vand.u32 @!p0 $0xFFFFFFE0, v9  }
0x3ec: {  	v5 =	vor.u32 @!p0 v5, v9  }
0x3ed: {  	(erf) = vrcp.f32 v10;
	v5 =	vperm.xlane @!p0 v5, v7;
	_ =	sdelay $0x1  }
0x3ee: {  	v5 =	vadd.s32 @!p0 v6, v5;
	_ =	sdelay $0x3  }
0x3ef: {  	s5 =	simm.s32 @!p0 $0x11600  }
0x3f0: {  	[tilespmem:s5], [sflag:$0x6] =	stream.indirect_vreg.gather @!p0 [hbm4b:s2+s0], $0x80, v5, vm10, $0xb8;
	[tilespmem:$0x18680] =	vst v63  }
0x3f1: {  	s5 =	simm.s32 @!p0 $0x11E00  }
0x3f2: {  	v6 =	vpop (erf);
	[tilespmem:s5], [sflag:$0x6] =	stream.indirect_vreg.gather @!p0 [hbm4b:s9+s0], $0x80, v5, vm10, $0xb8;
	[tilespmem:$0x18680] =	vst v63  }
0x3f3: {  	_ =	swait.ge [sflag:s30], $0x1000  }
0x3f4: {  	[sflag:s30] =	ssyncset.done $0x0  }
0x3f5: {  	[sflag:s30] =	ssyncadd.s32 $0xFFFFF000  }
0x3f6: {  	_ =	swait.ge [sflag:s30], $0x1000  }
0x3f7: {  	[sflag:s30] =	ssyncset.done $0x0  }
0x3f8: {  	[sflag:s30] =	ssyncadd.s32 $0xFFFFF000  }
0x3f9: {  	s7 =	simm.s32 $0x0;
	v5 =	vmul.f32 v6, v8;
	_ =	swait.ge [sflag:s30], $0x1000  }
0x3fa: {  	s10 =	sand.u32 $0x70, s7;
	s11 =	sand.u32 $0xC00, s7;
	[sflag:s30] =	ssyncset.done $0x0  }
0x3fb: {  	s6 =	sor.u32 s11, s7;
	s5 =	sor.u32 s10, s11;
	v6 =	vmul.f32 v5, v5;
	[sflag:s30] =	ssyncadd.s32 $0xFFFFF000  }
0x3fc: {  	s6 =	sor.u32 $0x180, s6;
	v7 =	vld [tilespmem:s5+$0x13600]  }
0x3fd: {  	v9 =	vmul.f32 $1.428571490e-01, v6;
	v8 =	vld [tilespmem:s6+$0x13600]  }
0x3fe: {  	v10 =	vld [tilespmem:s6+$0x14600]  }
0x3ff: {  	v9 =	vadd.f32 $2.000000030e-01, v9;
	v11 =	vld [tilespmem:s5+$0x14600]  }
0x400: {  	v12 =	vld [tilespmem:s6+$0x12600]  }
0x401: {  	v9 =	vmul.f32 v9, v6;
	v13 =	vld [tilespmem:s5+$0x13680]  }
0x402: {  	v14 =	vld [tilespmem:s5+$0x14680]  }
0x403: {  	v15 =	vld [tilespmem:s5+$0x13700];
	v9 =	vadd.f32 $3.333333430e-01, v9  }
0x404: {  	v16 =	vld [tilespmem:s5+$0x14700]  }
0x405: {  	v17 =	vld [tilespmem:s5+$0x13800];
	v6 =	vmul.f32 v9, v6  }
0x406: {  	v19 =	vld [tilespmem:s5+$0x13880]  }
0x407: {  	v5 =	vadd.f32 v5, v5;
	v20 =	vld [tilespmem:s5+$0x14880];
	v6 =	vadd.f32 $1.000000000e+00, v6  }
0x408: {  	s0 =	sor.u32 s7, s7;
	v21 =	vld [tilespmem:s5+$0x13900]  }
0x409: {  	s10 =	sor.u32 $0x380, s0;
	v22 =	vld [tilespmem:s5+$0x14900];
	v5 =	vmul.f32 v6, v5  }
0x40a: {  	v4 =	vmin.f32 v4, $0.0e+00;
	v23 =	vld [tilespmem:s10+$0x13600]  }
0x40b: {  	v9 =	vld [tilespmem:s5+$0x14800];
	v4 =	vsub.f32 v5, v4  }
0x40c: {  	v63 =	vld [tilespmem:s5+$0x12680]  }
0x40d: {  	v5 =	vsub.f32 v8, v10;
	v8 =	vld [tilespmem:s10+$0x14600];
	v4 =	vnsel vm9, $0x0, v4  }
0x40e: {  	v10 =	vld [tilespmem:s5+$0x12600];
	v3 =	vadd.f32 v4, v3  }
0x40f: {  	v6 =	vimm.f32 $0.0e+00;
	v4 =	vsub.f32 v7, v11;
	v7 =	vsub.f32 v13, v14  }
0x410: {  	v18 =	vld [tilespmem:s5+$0x12700];
	v5 =	vmul.f32 v5, v12;
	v13 =	vsub.f32 v15, v16;
	v14 =	vsub.f32 v17, v9  }
0x411: {  	s16 =	simm.s32 $0x80;
	v15 =	vsub.f32 v19, v20;
	v16 =	vsub.f32 v21, v22;
	v19 =	vld [tilespmem:s5+$0x12800];
	v11 =	vimm.f32 $0.0e+00  }
0x412: {  	s11 =	sand.u32 $0xC00, s16;
	s0 =	simm.s32 $0x10;
	v17 =	vld [tilespmem:s5+$0x12880];
	v9 =	vimm.f32 $0.0e+00;
	v5 =	vadd.f32 v5, v6;
	v12 =	vsub.f32 v23, v8  }
0x413: {  	s15 =	sand.u32 $0x70, s0;
	s7 =	sor.u32 s11, s0;
	v21 =	vld [tilespmem:s5+$0x12900];
	v22 =	vmul.f32 v4, v10;
	v23 =	vmul.f32 v7, v63;
	v7 =	vimm.f32 $0.0e+00  }
0x414: {  	s15 =	sor.u32 s15, s11;
	s6 =	sor.u32 s16, s0;
	s0 =	simm.s32 $0x20;
	v20 =	vld [tilespmem:s10+$0x12600];
	v8 =	vimm.f32 $0.0e+00;
	v10 =	vimm.f32 $0.0e+00;
	v4 =	vimm.f32 $0.0e+00  }
.LBB2_15:
0x415: {  	p1 =	sne.s32 s0, $0x1F0;
	v24 =	vld [tilespmem:s15+$0x13600];
	s7 =	sor.u32 $0x180, s7;
	s5 =	sor.u32 $0x380, s6;
	v6 =	vadd.f32 v22, v6;
	v13 =	vmul.f32 v13, v18  }
0x416: {  	v18 =	vld [tilespmem:s7+$0x13600];
	v11 =	vadd.f32 v23, v11;
	v14 =	vmul.f32 v14, v19  }
0x417: {  	v19 =	vld [tilespmem:s7+$0x14600];
	v7 =	vadd.f32 v13, v7;
	v13 =	vmul.f32 v15, v17  }
0x418: {  	v15 =	vld [tilespmem:s15+$0x14600];
	v8 =	vadd.f32 v14, v8;
	v14 =	vmul.f32 v16, v21  }
0x419: {  	v16 =	vld [tilespmem:s7+$0x12600];
	v9 =	vadd.f32 v13, v9;
	v12 =	vmul.f32 v12, v20  }
0x41a: {  	v13 =	vld [tilespmem:s15+$0x13680];
	v10 =	vadd.f32 v14, v10  }
0x41b: {  	v14 =	vld [tilespmem:s15+$0x14680];
	v4 =	vadd.f32 v12, v4  }
0x41c: {  	v12 =	vld [tilespmem:s15+$0x13700];
	v17 =	vsub.f32 v18, v19  }
0x41d: {  	v20 =	vsub.f32 v24, v15;
	v15 =	vld [tilespmem:s15+$0x14700]  }
0x41e: {  	v16 =	vmul.f32 v17, v16;
	v17 =	vld [tilespmem:s15+$0x13800]  }
0x41f: {  	v18 =	vld [tilespmem:s15+$0x14800]  }
0x420: {  	v23 =	vsub.f32 v13, v14;
	v5 =	vadd.f32 v16, v5;
	v16 =	vld [tilespmem:s15+$0x13880]  }
0x421: {  	v19 =	vld [tilespmem:s15+$0x14880]  }
0x422: {  	v13 =	vsub.f32 v12, v15;
	v12 =	vld [tilespmem:s15+$0x13900]  }
0x423: {  	v21 =	vld [tilespmem:s15+$0x14900]  }
0x424: {  	v14 =	vsub.f32 v17, v18;
	v22 =	vld [tilespmem:s5+$0x13600]  }
0x425: {  	v24 =	vld [tilespmem:s5+$0x14600]  }
0x426: {  	v25 =	vld [tilespmem:s15+$0x12600];
	v15 =	vsub.f32 v16, v19  }
0x427: {  	v26 =	vld [tilespmem:s15+$0x12680]  }
.Ltmp6:
0x428: {  	v18 =	vld [tilespmem:s15+$0x12700];
	v16 =	vsub.f32 v12, v21;
	(pc) =	sbr.rel @p1 .LBB2_15-.Ltmp6, $4  }
0x429: {  	v19 =	vld [tilespmem:s15+$0x12800]  }
0x42a: {  	s16 =	sadd.s32 $0x80, s16;
	v17 =	vld [tilespmem:s15+$0x12880];
	v12 =	vsub.f32 v22, v24  }
0x42b: {  	s10 =	sand.u32 $0xC00, s16;
	s6 =	sor.u32 s16, s0;
	s7 =	sand.u32 $0x70, s0;
	v22 =	vmul.f32 v20, v25;
	v21 =	vld [tilespmem:s15+$0x12900]  }
0x42c: {  	s15 =	sor.u32 s7, s10;
	s7 =	sor.u32 s10, s0;
	s0 =	sadd.s32 $0x10, s0;
	v23 =	vmul.f32 v23, v26;
	v20 =	vld [tilespmem:s5+$0x12600]  }
0x42d: {  	v24 =	vld [tilespmem:s15+$0x13600]  }
0x42e: {  	v27 =	vld [tilespmem:s15+$0x14600]  }
0x42f: {  	v29 =	vld [tilespmem:s15+$0x13680]  }
0x430: {  	v30 =	vld [tilespmem:s15+$0x14680]  }
0x431: {  	v31 =	vld [tilespmem:s15+$0x13700]  }
0x432: {  	v32 =	vld [tilespmem:s15+$0x14700]  }
0x433: {  	v33 =	vld [tilespmem:s15+$0x13800]  }
0x434: {  	v34 =	vld [tilespmem:s15+$0x14800]  }
0x435: {  	v35 =	vld [tilespmem:s15+$0x13880]  }
0x436: {  	v36 =	vld [tilespmem:s15+$0x14880]  }
0x437: {  	v37 =	vld [tilespmem:s15+$0x13900]  }
0x438: {  	v38 =	vld [tilespmem:s15+$0x14900]  }
0x439: {  	s0 =	sor.u32 $0x180, s7;
	v6 =	vadd.f32 v22, v6;
	v22 =	vld [tilespmem:s15+$0x12600]  }
0x43a: {  	v25 =	vld [tilespmem:s0+$0x13600]  }
0x43b: {  	v26 =	vld [tilespmem:s0+$0x14600]  }
0x43c: {  	v13 =	vmul.f32 v13, v18;
	v18 =	vld [tilespmem:s15+$0x12680]  }
0x43d: {  	s10 =	sor.u32 $0x380, s6;
	v28 =	vld [tilespmem:s0+$0x12600];
	v16 =	vmul.f32 v16, v21  }
0x43e: {  	v39 =	vld [tilespmem:s10+$0x13600];
	v11 =	vadd.f32 v23, v11;
	v14 =	vmul.f32 v14, v19;
	v7 =	vadd.f32 v13, v7  }
0x43f: {  	v19 =	vld [tilespmem:s15+$0x12700];
	v15 =	vmul.f32 v15, v17;
	v10 =	vadd.f32 v16, v10;
	v16 =	vsub.f32 v24, v27  }
0x440: {  	v13 =	vld [tilespmem:s15+$0x12800];
	v8 =	vadd.f32 v14, v8;
	v17 =	vsub.f32 v25, v26  }
0x441: {  	v9 =	vadd.f32 v15, v9;
	v12 =	vmul.f32 v12, v20;
	v20 =	vld.msk @!p0 [tilespmem:s14+$0x70], $0xff;
	v16 =	vmul.f32 v16, v22  }
0x442: {  	v21 =	vld [tilespmem:s15+$0x12900];
	v23 =	vsub.f32 v33, v34;
	v14 =	vmul.f32 v17, v28;
	v17 =	vsub.f32 v29, v30  }
0x443: {  	v15 =	vld [tilespmem:s15+$0x12880];
	v62 =	vsub.f32 v35, v36;
	v6 =	vadd.f32 v16, v6  }
0x444: {  	v40 =	vld [tilespmem:s10+$0x14600];
	v5 =	vadd.f32 v14, v5;
	v14 =	vsub.f32 v31, v32;
	v17 =	vmul.f32 v17, v18  }
0x445: {  	v4 =	vadd.f32 v12, v4;
	v22 =	vsub.f32 v37, v38;
	v13 =	vmul.f32 v23, v13  }
0x446: {  	v16 =	vld [tilespmem:s10+$0x12600];
	(xrf2) =	vadd.scan.msk.f32 $0xffff, v6;
	v6 =	vshll.u32 @!p0 v20, $0x2;
	v14 =	vmul.f32 v14, v19;
	v11 =	vadd.f32 v17, v11  }
0x447: {  	v8 =	vadd.f32 v13, v8;
	v13 =	vmul.f32 v22, v21;
	v6 =	vand.u32 @!p0 $0xFFFFFFE0, v6  }
0x448: {  	v7 =	vadd.f32 v14, v7;
	v14 =	vmul.f32 v62, v15;
	(xrf2) =	vadd.scan.msk.f32 $0xffff, v11;
	v11 =	vand.u32 @!p0 $0x7, v20  }
0x449: {  	v18 =	vsub.f32 v39, v40;
	v15 =	vlaneseq.u32 @!p0;
	v6 =	vor.u32 @!p0 v11, v6  }
0x44a: {  	v11 =	vshrl.u32 @!p0 v15, $0x3;
	(xrf2) =	vadd.scan.msk.f32 $0xffff, v7;
	v7 =	vand.u32 @!p0 $0x7, v15;
	v9 =	vadd.f32 v14, v9  }
0x44b: {  	(xrf2) =	vadd.scan.msk.f32 $0xffff, v5;
	v5 =	vperm.xlane @!p0 v6, v7;
	v6 =	vmul.u32 @!p0 $0x8, v11;
	v11 =	vmul.f32 v18, v16  }
0x44c: {  	(xrf2) =	vadd.scan.msk.f32 $0xffff, v8  }
0x44d: {  	v8 =	vadd.f32 v13, v10;
	(xrf2) =	vadd.scan.msk.f32 $0xffff, v9;
	v5 =	vadd.s32 @!p0 v6, v5;
	v4 =	vadd.f32 v11, v4;
	_ =	sdelay $0x1  }
0x44e: {  	(xrf2) =	vadd.scan.msk.f32 $0xffff, v8  }
0x44f: {  	(xrf2) =	vadd.scan.msk.f32 $0xffff, v4  }
0x450: {  	s5 =	simm.s32 @!p0 $0x12600;
	s0 =	simm.s32 @!p0 $0x0;
	v4, _, _ =	vpop (xrf2)  }
0x451: {  	[tilespmem:s5], [sflag:$0x7] =	stream.indirect_vreg.gather @!p0 [hbm4b:s1+s0], $0x80, v5, vm10, $0xb8;
	v8, _, _ =	vpop (xrf2);
	[tilespmem:$0x18680] =	vst v63  }
0x452: {  	v4 =	vbroadcast v4, $0xF;
	s5 =	simm.s32 @!p0 $0x12E00;
	v8 =	vbroadcast v8, $0xF  }
0x453: {  	v9, _, _ =	vpop (xrf2);
	[tilespmem:s5], [sflag:$0x7] =	stream.indirect_vreg.gather @!p0 [hbm4b:s8+s0], $0x80, v5, vm10, $0xb8;
	[tilespmem:$0x18680] =	vst v63  }
0x454: {  	v4 =	vnsel vm1, $0x0, v4;
	v5, _, _ =	vpop (xrf2);
	v9 =	vbroadcast v9, $0xF;
	v10 =	vld.msk @!p0 [tilespmem:s14+$0x270], $0xff  }
0x455: {  	v4 =	vsel vm2, v4, v8;
	v11, _, _ =	vpop (xrf2);
	v5 =	vbroadcast v5, $0xF  }
0x456: {  	v8, _, _ =	vpop (xrf2);
	v4 =	vsel vm3, v4, v9;
	v9 =	vbroadcast v11, $0xF  }
0x457: {  	v4 =	vsel vm4, v4, v5;
	v5 =	vbroadcast v8, $0xF  }
0x458: {  	v8, _, _ =	vpop (xrf2);
	v4 =	vsel vm5, v4, v9  }
0x459: {  	v4 =	vsel vm6, v4, v5;
	v5 =	vbroadcast v8, $0xF;
	v8, _, _ =	vpop (xrf2);
	v9 =	vshll.u32 @!p0 v10, $0x2  }
0x45a: {  	v10 =	vand.u32 @!p0 $0x7, v10;
	v8 =	vbroadcast v8, $0xF;
	v9 =	vand.u32 @!p0 $0xFFFFFFE0, v9  }
0x45b: {  	v4 =	vsel vm7, v4, v5;
	v5 =	vor.u32 @!p0 v10, v9  }
0x45c: {  	v4 =	vsel vm8, v4, v8;
	v5 =	vperm.xlane @!p0 v5, v7  }
0x45d: {  	v8 =	vand.u32 $0x7FFFFFFF, v4  }
0x45e: {  	v8 =	vsub.f32 $0.0e+00, v8;
	v5 =	vadd.s32 @!p0 v6, v5;
	_ =	sdelay $0x1  }
0x45f: {  	v8 =	vmul.f32 $1.442695020e+00, v8;
	_ =	sdelay $0x1  }
0x460: {  	s5 =	simm.s32 @!p0 $0x13600;
	(erf) = vpow2.f32 v8  }
0x461: {  	[tilespmem:s5], [sflag:$0x7] =	stream.indirect_vreg.gather @!p0 [hbm4b:s2+s0], $0x80, v5, vm10, $0xb8;
	[tilespmem:$0x18680] =	vst v63  }
0x462: {  	s5 =	simm.s32 @!p0 $0x13E00  }
0x463: {  	[tilespmem:s5], [sflag:$0x7] =	stream.indirect_vreg.gather @!p0 [hbm4b:s9+s0], $0x80, v5, vm10, $0xb8;
	[tilespmem:$0x18680] =	vst v63  }
0x464: {  	v5 =	vld.msk @!p0 [tilespmem:s14+$0x470], $0xff;
	_ =	sdelay $0x4  }
0x465: {  	v8 =	vpop (erf);
	v9 =	vshll.u32 @!p0 v5, $0x2  }
0x466: {  	v5 =	vand.u32 @!p0 $0x7, v5;
	v10 =	vadd.f32 $2.000000000e+00, v8;
	v9 =	vand.u32 @!p0 $0xFFFFFFE0, v9  }
0x467: {  	v5 =	vor.u32 @!p0 v5, v9  }
0x468: {  	(erf) = vrcp.f32 v10;
	v5 =	vperm.xlane @!p0 v5, v7;
	_ =	sdelay $0x1  }
0x469: {  	v5 =	vadd.s32 @!p0 v6, v5;
	_ =	sdelay $0x3  }
0x46a: {  	s5 =	simm.s32 @!p0 $0x14600  }
0x46b: {  	[tilespmem:s5], [sflag:$0x7] =	stream.indirect_vreg.gather @!p0 [hbm4b:s2+s0], $0x80, v5, vm10, $0xb8;
	[tilespmem:$0x18680] =	vst v63  }
0x46c: {  	s5 =	simm.s32 @!p0 $0x14E00  }
0x46d: {  	v6 =	vpop (erf);
	[tilespmem:s5], [sflag:$0x7] =	stream.indirect_vreg.gather @!p0 [hbm4b:s9+s0], $0x80, v5, vm10, $0xb8;
	[tilespmem:$0x18680] =	vst v63  }
0x46e: {  	_ =	swait.ge [sflag:s31], $0x1000  }
0x46f: {  	[sflag:s31] =	ssyncset.done $0x0  }
0x470: {  	[sflag:s31] =	ssyncadd.s32 $0xFFFFF000  }
0x471: {  	_ =	swait.ge [sflag:s31], $0x1000  }
0x472: {  	[sflag:s31] =	ssyncset.done $0x0  }
0x473: {  	[sflag:s31] =	ssyncadd.s32 $0xFFFFF000  }
0x474: {  	s11 =	simm.s32 $0x0;
	_ =	swait.ge [sflag:s31], $0x1000  }
0x475: {  	s15 =	sand.u32 $0xC00, s11;
	s14 =	sand.u32 $0x70, s11;
	[sflag:s31] =	ssyncset.done $0x0  }
0x476: {  	s6 =	sor.u32 s15, s11;
	s5 =	sor.u32 s14, s15;
	[sflag:s31] =	ssyncadd.s32 $0xFFFFF000  }
0x477: {  	s6 =	sor.u32 $0x180, s6;
	v5 =	vmul.f32 v6, v8;
	v8 =	vld [tilespmem:s5+$0x16600]  }
0x478: {  	v7 =	vld [tilespmem:s6+$0x16600]  }
0x479: {  	v6 =	vmul.f32 v5, v5;
	v10 =	vld [tilespmem:s6+$0x17600]  }
0x47a: {  	v11 =	vld [tilespmem:s5+$0x17600]  }
0x47b: {  	v9 =	vmul.f32 $1.428571490e-01, v6;
	v12 =	vld [tilespmem:s6+$0x15600]  }
0x47c: {  	v13 =	vld [tilespmem:s5+$0x16680]  }
0x47d: {  	v9 =	vadd.f32 $2.000000030e-01, v9;
	v14 =	vld [tilespmem:s5+$0x17680]  }
0x47e: {  	v15 =	vld [tilespmem:s5+$0x16700]  }
0x47f: {  	v9 =	vmul.f32 v9, v6;
	v16 =	vld [tilespmem:s5+$0x17700]  }
0x480: {  	v17 =	vld [tilespmem:s5+$0x16800]  }
0x481: {  	v18 =	vld [tilespmem:s5+$0x16880];
	v9 =	vadd.f32 $3.333333430e-01, v9  }
0x482: {  	s0 =	sor.u32 s11, s11;
	v20 =	vld [tilespmem:s5+$0x17880]  }
0x483: {  	s10 =	sor.u32 $0x380, s0;
	v21 =	vld [tilespmem:s5+$0x16900];
	v6 =	vmul.f32 v9, v6  }
0x484: {  	v22 =	vld [tilespmem:s10+$0x16600]  }
0x485: {  	v5 =	vadd.f32 v5, v5;
	v9 =	vld [tilespmem:s5+$0x17800];
	v6 =	vadd.f32 $1.000000000e+00, v6  }
0x486: {  	v23 =	vld [tilespmem:s5+$0x15600]  }
0x487: {  	v8 =	vsub.f32 v8, v11;
	v5 =	vmul.f32 v6, v5;
	v6 =	vld [tilespmem:s5+$0x17900]  }
0x488: {  	v4 =	vmin.f32 v4, $0.0e+00;
	v63 =	vld [tilespmem:s5+$0x15680];
	v11 =	vsub.f32 v13, v14;
	v16 =	vsub.f32 v15, v16  }
0x489: {  	v4 =	vsub.f32 v5, v4;
	v5 =	vsub.f32 v7, v10;
	v10 =	vld [tilespmem:s10+$0x17600]  }
0x48a: {  	v15 =	vsub.f32 v18, v20;
	v14 =	vsub.f32 v17, v9  }
0x48b: {  	v19 =	vld [tilespmem:s5+$0x15700];
	v9 =	vimm.f32 $0.0e+00;
	v4 =	vnsel vm9, $0x0, v4;
	v5 =	vmul.f32 v5, v12  }
0x48c: {  	s15 =	simm.s32 $0x80;
	v18 =	vld [tilespmem:s5+$0x15800];
	v7 =	vimm.f32 $0.0e+00;
	v3 =	vadd.f32 v4, v3;
	v13 =	vsub.f32 v21, v6  }
0x48d: {  	s0 =	simm.s32 $0x10;
	s11 =	sand.u32 $0xC00, s15;
	v17 =	vld [tilespmem:s5+$0x15880];
	v6 =	vimm.f32 $0.0e+00;
	v4 =	vadd.f32 v5, v7;
	v5 =	vimm.f32 $0.0e+00  }
0x48e: {  	s16 =	sand.u32 $0x70, s0;
	s7 =	sor.u32 s11, s0;
	v20 =	vld [tilespmem:s5+$0x15900];
	v12 =	vsub.f32 v22, v10;
	v22 =	vmul.f32 v8, v23;
	v23 =	vmul.f32 v11, v63  }
0x48f: {  	s14 =	sor.u32 s16, s11;
	s6 =	sor.u32 s15, s0;
	s0 =	simm.s32 $0x20;
	v21 =	vld [tilespmem:s10+$0x15600];
	v11 =	vimm.f32 $0.0e+00;
	v10 =	vimm.f32 $0.0e+00;
	v8 =	vimm.f32 $0.0e+00  }
.LBB2_17:
0x490: {  	p0 =	sne.s32 s0, $0x1F0;
	v24 =	vld [tilespmem:s14+$0x16600];
	s7 =	sor.u32 $0x180, s7;
	s5 =	sor.u32 $0x380, s6;
	v7 =	vadd.f32 v22, v7;
	v16 =	vmul.f32 v16, v19  }
0x491: {  	v19 =	vld [tilespmem:s7+$0x16600];
	v11 =	vadd.f32 v23, v11;
	v14 =	vmul.f32 v14, v18  }
0x492: {  	v18 =	vld [tilespmem:s7+$0x17600];
	v10 =	vadd.f32 v16, v10;
	v15 =	vmul.f32 v15, v17  }
0x493: {  	v16 =	vld [tilespmem:s14+$0x17600];
	v8 =	vadd.f32 v14, v8;
	v13 =	vmul.f32 v13, v20  }
0x494: {  	v14 =	vld [tilespmem:s7+$0x15600];
	v9 =	vadd.f32 v15, v9;
	v12 =	vmul.f32 v12, v21  }
0x495: {  	v15 =	vld [tilespmem:s14+$0x16680];
	v6 =	vadd.f32 v13, v6  }
0x496: {  	v13 =	vld [tilespmem:s14+$0x17680];
	v5 =	vadd.f32 v12, v5  }
0x497: {  	v12 =	vld [tilespmem:s14+$0x16700];
	v17 =	vsub.f32 v19, v18  }
0x498: {  	v20 =	vsub.f32 v24, v16;
	v16 =	vld [tilespmem:s14+$0x17700]  }
0x499: {  	v14 =	vmul.f32 v17, v14;
	v17 =	vld [tilespmem:s14+$0x16800]  }
0x49a: {  	v18 =	vld [tilespmem:s14+$0x17800]  }
0x49b: {  	v21 =	vsub.f32 v15, v13;
	v4 =	vadd.f32 v14, v4;
	v13 =	vld [tilespmem:s14+$0x16880]  }
0x49c: {  	v15 =	vld [tilespmem:s14+$0x17880]  }
0x49d: {  	v16 =	vsub.f32 v12, v16;
	v12 =	vld [tilespmem:s14+$0x16900]  }
0x49e: {  	v22 =	vld [tilespmem:s14+$0x17900]  }
0x49f: {  	v14 =	vsub.f32 v17, v18;
	v23 =	vld [tilespmem:s5+$0x16600]  }
0x4a0: {  	v24 =	vld [tilespmem:s5+$0x17600]  }
0x4a1: {  	v25 =	vld [tilespmem:s14+$0x15600];
	v15 =	vsub.f32 v13, v15  }
0x4a2: {  	v26 =	vld [tilespmem:s14+$0x15680]  }
.Ltmp7:
0x4a3: {  	v19 =	vld [tilespmem:s14+$0x15700];
	v13 =	vsub.f32 v12, v22;
	(pc) =	sbr.rel @p0 .LBB2_17-.Ltmp7, $4  }
0x4a4: {  	v18 =	vld [tilespmem:s14+$0x15800]  }
0x4a5: {  	s15 =	sadd.s32 $0x80, s15;
	v17 =	vld [tilespmem:s14+$0x15880];
	v12 =	vsub.f32 v23, v24  }
0x4a6: {  	s10 =	sand.u32 $0xC00, s15;
	s6 =	sor.u32 s15, s0;
	s7 =	sand.u32 $0x70, s0;
	v22 =	vmul.f32 v20, v25;
	v20 =	vld [tilespmem:s14+$0x15900]  }
0x4a7: {  	s14 =	sor.u32 s7, s10;
	s7 =	sor.u32 s10, s0;
	s0 =	sadd.s32 $0x10, s0;
	v23 =	vmul.f32 v21, v26;
	v21 =	vld [tilespmem:s5+$0x15600]  }
0x4a8: {  	v24 =	vld [tilespmem:s14+$0x16600]  }
0x4a9: {  	v27 =	vld [tilespmem:s14+$0x17600]  }
0x4aa: {  	v29 =	vld [tilespmem:s14+$0x16680]  }
0x4ab: {  	v30 =	vld [tilespmem:s14+$0x17680]  }
0x4ac: {  	v31 =	vld [tilespmem:s14+$0x16700]  }
0x4ad: {  	v32 =	vld [tilespmem:s14+$0x17700]  }
0x4ae: {  	v33 =	vld [tilespmem:s14+$0x16800]  }
0x4af: {  	v34 =	vld [tilespmem:s14+$0x17800]  }
0x4b0: {  	v35 =	vld [tilespmem:s14+$0x16880]  }
0x4b1: {  	v36 =	vld [tilespmem:s14+$0x17880]  }
0x4b2: {  	v37 =	vld [tilespmem:s14+$0x16900]  }
0x4b3: {  	v38 =	vld [tilespmem:s14+$0x17900]  }
0x4b4: {  	v40 =	vld [tilespmem:s14+$0x15600]  }
0x4b5: {  	v62 =	vld [tilespmem:s14+$0x15680]  }
0x4b6: {  	v63 =	vld [tilespmem:s14+$0x15700]  }
0x4b7: {  	s0 =	sor.u32 $0x180, s7;
	v42 =	vld [tilespmem:s14+$0x15800]  }
0x4b8: {  	v25 =	vld [tilespmem:s0+$0x16600]  }
0x4b9: {  	v16 =	vmul.f32 v16, v19;
	v26 =	vld [tilespmem:s0+$0x17600]  }
0x4ba: {  	v7 =	vadd.f32 v22, v7;
	v44 =	vld [tilespmem:s14+$0x15880];
	v11 =	vadd.f32 v23, v11;
	v14 =	vmul.f32 v14, v18  }
0x4bb: {  	s16 =	sor.u32 $0x380, s6;
	v28 =	vld [tilespmem:s0+$0x15600];
	v10 =	vadd.f32 v16, v10;
	v15 =	vmul.f32 v15, v17;
	v24 =	vsub.f32 v24, v27  }
0x4bc: {  	v39 =	vld [tilespmem:s16+$0x16600];
	v8 =	vadd.f32 v14, v8;
	v13 =	vmul.f32 v13, v20;
	v41 =	vsub.f32 v29, v30  }
0x4bd: {  	v9 =	vadd.f32 v15, v9;
	v27 =	vld [tilespmem:s16+$0x17600];
	v43 =	vsub.f32 v31, v32;
	v16 =	vmul.f32 v24, v40  }
0x4be: {  	v46 =	vld [tilespmem:s14+$0x15900];
	v12 =	vmul.f32 v12, v21;
	v45 =	vsub.f32 v25, v26;
	v14 =	vmul.f32 v41, v62  }
0x4bf: {  	v48 =	vld [tilespmem:s16+$0x15600];
	v47 =	vsub.f32 v33, v34;
	v15 =	vmul.f32 v43, v63;
	v7 =	vadd.f32 v16, v7  }
0x4c0: {  	v50 =	vsub.f32 v35, v36;
	v49 =	vmul.f32 v45, v28;
	v11 =	vadd.f32 v14, v11  }
0x4c1: {  	v51 =	vsub.f32 v37, v38;
	v20 =	vmul.f32 v47, v42;
	v10 =	vadd.f32 v15, v10;
	(xrf2) =	vadd.scan.msk.f32 $0xffff, v7  }
0x4c2: {  	v53 =	vmul.f32 v50, v44;
	v4 =	vadd.f32 v49, v4;
	v52 =	vsub.f32 v39, v27;
	(xrf2) =	vadd.scan.msk.f32 $0xffff, v11  }
0x4c3: {  	v6 =	vadd.f32 v13, v6;
	v54 =	vmul.f32 v51, v46;
	v8 =	vadd.f32 v20, v8;
	(xrf2) =	vadd.scan.msk.f32 $0xffff, v10  }
0x4c4: {  	v5 =	vadd.f32 v12, v5;
	v9 =	vadd.f32 v53, v9;
	v7 =	vmul.f32 v52, v48;
	(xrf2) =	vadd.scan.msk.f32 $0xffff, v4  }
0x4c5: {  	v4 =	vadd.f32 v54, v6;
	(xrf2) =	vadd.scan.msk.f32 $0xffff, v8  }
0x4c6: {  	v5 =	vadd.f32 v7, v5;
	(xrf2) =	vadd.scan.msk.f32 $0xffff, v9  }
0x4c7: {  	(xrf2) =	vadd.scan.msk.f32 $0xffff, v4  }
0x4c8: {  	(xrf2) =	vadd.scan.msk.f32 $0xffff, v5;
	_ =	sdelay $0x2  }
0x4c9: {  	v4, _, _ =	vpop (xrf2)  }
0x4ca: {  	v5, _, _ =	vpop (xrf2);
	v4 =	vbroadcast v4, $0xF  }
0x4cb: {  	v55, _, _ =	vpop (xrf2);
	v5 =	vbroadcast v5, $0xF  }
0x4cc: {  	v56, _, _ =	vpop (xrf2);
	v4 =	vnsel vm1, $0x0, v4;
	v6 =	vbroadcast v55, $0xF  }
0x4cd: {  	v8, _, _ =	vpop (xrf2);
	v4 =	vsel vm2, v4, v5;
	v5 =	vbroadcast v56, $0xF  }
0x4ce: {  	v57, _, _ =	vpop (xrf2);
	v4 =	vsel vm3, v4, v6;
	v58 =	vbroadcast v8, $0xF  }
0x4cf: {  	v59, _, _ =	vpop (xrf2);
	v4 =	vsel vm4, v4, v5;
	v5 =	vbroadcast v57, $0xF  }
0x4d0: {  	v4 =	vsel vm5, v4, v58;
	v60 =	vbroadcast v59, $0xF;
	v61, _, _ =	vpop (xrf2)  }
0x4d1: {  	v4 =	vsel vm6, v4, v5;
	v5 =	vbroadcast v61, $0xF  }
0x4d2: {  	v4 =	vsel vm7, v4, v60  }
0x4d3: {  	v4 =	vsel vm8, v4, v5  }
0x4d4: {  	v5 =	vand.u32 $0x7FFFFFFF, v4  }
0x4d5: {  	v5 =	vsub.f32 $0.0e+00, v5;
	_ =	sdelay $0x1  }
0x4d6: {  	v5 =	vmul.f32 $1.442695020e+00, v5;
	_ =	sdelay $0x1  }
0x4d7: {  	(erf) = vpow2.f32 v5;
	_ =	sdelay $0x8  }
0x4d8: {  	v5 =	vpop (erf)  }
0x4d9: {  	v62 =	vadd.f32 $2.000000000e+00, v5;
	_ =	sdelay $0x1  }
0x4da: {  	(erf) = vrcp.f32 v62;
	_ =	sdelay $0x8  }
0x4db: {  	v6 =	vpop (erf)  }
0x4dc: {  	v5 =	vmul.f32 v6, v5;
	_ =	sdelay $0x1  }
0x4dd: {  	v6 =	vmul.f32 v5, v5;
	_ =	sdelay $0x1  }
0x4de: {  	v63 =	vmul.f32 $1.428571490e-01, v6;
	_ =	sdelay $0x1  }
0x4df: {  	v7 =	vadd.f32 $2.000000030e-01, v63;
	_ =	sdelay $0x1  }
0x4e0: {  	v7 =	vmul.f32 v7, v6;
	_ =	sdelay $0x1  }
0x4e1: {  	v7 =	vadd.f32 $3.333333430e-01, v7;
	_ =	sdelay $0x1  }
0x4e2: {  	v6 =	vmul.f32 v7, v6;
	_ =	sdelay $0x1  }
0x4e3: {  	v5 =	vadd.f32 v5, v5;
	v6 =	vadd.f32 $1.000000000e+00, v6  }
0x4e4: {  	s13 =	sadd.s32 $0x1, s13  }
0x4e5: {  	p0 =	sne.s32 s13, $0x8;
	v5 =	vmul.f32 v6, v5  }
.Ltmp8:
0x4e6: {  	v4 =	vmin.f32 v4, $0.0e+00;
	(pc) =	sbr.rel @p0 .LBB2_2-.Ltmp8, $3  }
0x4e7: {  	v4 =	vsub.f32 v5, v4;
	_ =	sdelay $0x1  }
0x4e8: {  	v4 =	vnsel vm9, $0x0, v4  }
0x4e9: {  	v3 =	vadd.f32 v4, v3  }
0x4ea: {  	_ = 	snop  }
0x4eb: {  	s0 =	rddreg [dreg:$0xa];
	s5 =	simm.s32 $0x18600;
	[tilespmem:$0x18600] =	vst v3  }
0x4ec: {  	[hbm4b:s0+s4] =	stream.linear.scatter [tilespmem:s5], [sflag:$0x9], $0x10, $0x38;
	[tilespmem:$0x18680] =	vst v63  }
0x4ed: {  	_ =	swait.ge [sflag:s12], $0x10  }
0x4ee: {  	s3 =	sadd.s32 $0x1, s3;
	s16 =	rddreg [dreg:$0xb]  }
0x4ef: {  	p0 =	sne.s32 s3, s16  }
.Ltmp9:
0x4f0: {  	_ = 	snop;
	(pc) =	sbr.rel @p0 .LBB2_1-.Ltmp9, $3  }
0x4f1: {  	_ =	sdelay $0x1  }
0x4f2: {  	[sflag:s12] =	ssyncset.done $0x0  }
0x4f3: {  	[sflag:s12] =	ssyncadd.s32 $0xFFFFFFF0  }
0x4f4: {  	_ =	sfence.sel $0x180000  }
0x4f5: {  	[bflag:$0x0] =	sbarrier.arrive $0xFFFF  }
0x4f6: {  	_ =	strace $0x90000047  }
0x4f7: {  	s0 =	stileid.u32;
	[bflag:$0x2] =	sbarrier.arrive $0xFFFF  }
0x4f8: {  	p0 =	sne.s32 s0, $0x0;
	s0 =	rddreg [dreg:$0x6]  }
0x4f9: {  	s0 =	sadd.s32 @!p0 $0x100000, s0  }
0x4fa: {  	[sflag:s0] =	ssyncadd.tile.s32 @!p0 $0x1;
	_ =	shalt  }
.Lfunc_end2:
_tile_overlayer_lowered:
.L_overlay_start_2:
0x4fb: {  	(tag) =	ssettag $0x2  }
0x4fc: {  	s0 =	rddreg [dreg:$0x0];
	s2 =	stileid.u32  }
0x4fd: {  	s1 =	rddreg [dreg:$0x1];
	p0 =	sne.s32 s2, $0x0  }
0x4fe: {  	s3 =	rddreg [dreg:$0x2];
	[bflag:$0x3] =	sbarrier.arrive $0xFFFF;
	s2 =	simm.s32 @!p0 $0x1C09  }
0x4ff: {  	[timem:s3], [sflag:s2] =	dma.local @!p0 [hbm:s0], s1  }
0x500: {  	s0 =	simm.s32 @!p0 $0x9  }
0x501: {  	_ =	swait.ge @!p0 [sflag:s0], s1  }
0x502: {  	s1 =	ssub.s32 @!p0 $0x0, s1;
	[sflag:s0] =	ssyncset.done @!p0 $0x0  }
0x503: {  	[sflag:s0] =	ssyncadd.s32 @!p0 s1  }
0x504: {  	[bflag:$0x3] =	sbarrier.arrive $0xFFFF  }
0x505: {  	_ =	shalt  }

</sc_bundles>
